<compile_context>
chip_gen: v7x
topology: tpu7x:2x2x1
jax: 0.10.2.dev20260603
libtpu: 0.0.44.dev20260713+nightly
codegen_flags: <defaults>
</compile_context>

<pallas_src>
import functools

import jax
import jax.numpy as jnp
import numpy as np
from jax import lax
from jax.experimental import pallas as pl
from jax.experimental.pallas import tpu as pltpu
from jax.experimental.pallas import tpu_sc as plsc

GX, GY, GZ = 70, 80, 8
NCOL = GY * GX
HALF = NCOL // 2
L = GZ * NCOL
B, N = 2, 16384
EPS = 1e-5

_PREC = None


def _dot(w, x):
    return lax.dot_general(w, x, (((1,), (0,)), ((), ())),
                           preferred_element_type=jnp.float32,
                           precision=_PREC)


def _shift_r(x):
    return jnp.concatenate([jnp.zeros((x.shape[0], 1), x.dtype), x[:, :-1]], axis=1)


def _shift_l(x):
    return jnp.concatenate([x[:, 1:], jnp.zeros((x.shape[0], 1), x.dtype)], axis=1)



def _fe_b0_body(v_ref, w1_ref, b1_ref, w2a_ref, w2b_ref, b2_ref, wc_ref,
                bc_ref, out_ref, h1_ref, h_ref):
    h1_ref[...] = jnp.maximum(_dot(w1_ref[...], v_ref[0]) + b1_ref[...], 0.0)
    h1 = h1_ref[...]
    b2 = b2_ref[...]
    h_ref[0:256, :] = jnp.maximum(_dot(w2a_ref[...], h1) + b2[0:256], 0.0)
    h_ref[256:512, :] = jnp.maximum(_dot(w2b_ref[...], h1) + b2[256:512], 0.0)
    bc = bc_ref[...]
    for r in range(4):
        for q in range(4):
            acc = jnp.broadcast_to(bc, (64, 700))
            for dh in range(3):
                row = 2 * r + dh - 1
                if 0 <= row < GZ:
                    S = [h_ref[64 * row:64 * row + 64, i * 700:(i + 1) * 700]
                         for i in range(8)]
                    taps = ([_shift_r(S[7]), S[0], S[1]] if q == 0 else
                            [S[2 * q - 1], S[2 * q], S[2 * q + 1]])
                    acc = acc + _dot(wc_ref[dh], jnp.concatenate(taps, axis=0))
            out_ref[0, :, r, q * 700:(q + 1) * 700] = jnp.maximum(acc, 0.0)


def _fe_b0(v, w1bd, b1bd, w2a, w2b, b2bd, wcat, bcat):
    return pl.pallas_call(
        _fe_b0_body,
        grid=(B,),
        in_specs=[
            pl.BlockSpec((1, 24, NCOL), lambda b: (b, 0, 0)),
            pl.BlockSpec((256, 24), lambda b: (0, 0)),
            pl.BlockSpec((256, 1), lambda b: (0, 0)),
            pl.BlockSpec((256, 256), lambda b: (0, 0)),
            pl.BlockSpec((256, 256), lambda b: (0, 0)),
            pl.BlockSpec((512, 1), lambda b: (0, 0)),
            pl.BlockSpec((3, 64, 192), lambda b: (0, 0, 0)),
            pl.BlockSpec((64, 1), lambda b: (0, 0)),
        ],
        out_specs=pl.BlockSpec((1, 64, 4, HALF), lambda b: (b, 0, 0, 0)),
        out_shape=jax.ShapeDtypeStruct((B, 64, 4, HALF), jnp.float32),
        scratch_shapes=[pltpu.VMEM((256, NCOL), jnp.float32),
                        pltpu.VMEM((512, NCOL), jnp.float32)],
    )(v, w1bd, b1bd, w2a, w2b, b2bd, wcat, bcat)



def _res_pool_body(cin, cout, h, w2, xe_ref, xo_ref, w1_ref, b1_ref,
                   w2c_ref, b2_ref, wsc_ref, bsc_ref, out_ref,
                   c1e_ref, c1o_ref):
    def conv3x3(geteven, getodd, wc_ref, bias, cdim):
        ev, od = [], []
        for r in range(h):
            acce = jnp.broadcast_to(bias, (cout if cdim is None else cdim, w2))
            acco = acce
            for dh in range(3):
                row = r + dh - 1
                if 0 <= row < h:
                    e = geteven(row)
                    o = getodd(row)
                    xcat_e = jnp.concatenate([_shift_r(o), e, o], axis=0)
                    xcat_o = jnp.concatenate([e, o, _shift_l(e)], axis=0)
                    wtap = wc_ref[dh]
                    acce = acce + _dot(wtap, xcat_e)
                    acco = acco + _dot(wtap, xcat_o)
            ev.append(acce)
            od.append(acco)
        return ev, od

    b1 = b1_ref[...]
    c1e, c1o = conv3x3(lambda r: xe_ref[0, :, r, :], lambda r: xo_ref[0, :, r, :],
                       w1_ref, b1, cout)
    for r in range(h):
        c1e_ref[:, r, :] = jnp.maximum(c1e[r], 0.0)
        c1o_ref[:, r, :] = jnp.maximum(c1o[r], 0.0)

    b2 = b2_ref[...]
    c2e, c2o = conv3x3(lambda r: c1e_ref[:, r, :], lambda r: c1o_ref[:, r, :],
                       w2c_ref, b2, cout)

    wsc = wsc_ref[...]
    bsc = bsc_ref[...]
    for rp in range(h // 2):
        vals = []
        for r in (2 * rp, 2 * rp + 1):
            ye = jnp.maximum(c2e[r] + _dot(wsc, xe_ref[0, :, r, :]) + bsc, 0.0)
            yo = jnp.maximum(c2o[r] + _dot(wsc, xo_ref[0, :, r, :]) + bsc, 0.0)
            vals.append(jnp.maximum(ye, yo))
        out_ref[0, :, rp, :] = jnp.maximum(vals[0], vals[1])


def _res_pool(xe, xo, w1cat, b1, w2cat, b2, wsc, bsc, cin, cout, h, w2):
    body = functools.partial(_res_pool_body, cin, cout, h, w2)
    return pl.pallas_call(
        body,
        grid=(B,),
        in_specs=[
            pl.BlockSpec((1, cin, h, w2), lambda b: (b, 0, 0, 0)),
            pl.BlockSpec((1, cin, h, w2), lambda b: (b, 0, 0, 0)),
            pl.BlockSpec((3, cout, 3 * cin), lambda b: (0, 0, 0)),
            pl.BlockSpec((cout, 1), lambda b: (0, 0)),
            pl.BlockSpec((3, cout, 3 * cout), lambda b: (0, 0, 0)),
            pl.BlockSpec((cout, 1), lambda b: (0, 0)),
            pl.BlockSpec((cout, cin), lambda b: (0, 0)),
            pl.BlockSpec((cout, 1), lambda b: (0, 0)),
        ],
        out_specs=pl.BlockSpec((1, cout, h // 2, w2), lambda b: (b, 0, 0, 0)),
        out_shape=jax.ShapeDtypeStruct((B, cout, h // 2, w2), jnp.float32),
        scratch_shapes=[pltpu.VMEM((cout, h, w2), jnp.float32),
                        pltpu.VMEM((cout, h, w2), jnp.float32)],
    )(xe, xo, w1cat, b1, w2cat, b2, wsc, bsc)



def _res_pool4_body(cin, cout, h, xq_ref, w1_ref, b1_ref, w2c_ref, b2_ref,
                    wsc_ref, bsc_ref, out_ref, c1_ref):
    W = 700

    def conv(get, wc_ref, bias):
        outs = []
        for r in range(h):
            row_out = []
            for q in range(4):
                acc = jnp.broadcast_to(bias, (cout, W))
                for dh in range(3):
                    row = r + dh - 1
                    if 0 <= row < h:
                        if q == 0:
                            taps = [_shift_r(get(row, 3)), get(row, 0),
                                    get(row, 1)]
                        elif q == 3:
                            taps = [get(row, 2), get(row, 3),
                                    _shift_l(get(row, 0))]
                        else:
                            taps = [get(row, q - 1), get(row, q),
                                    get(row, q + 1)]
                        acc = acc + _dot(wc_ref[dh],
                                         jnp.concatenate(taps, axis=0))
                row_out.append(acc)
            outs.append(row_out)
        return outs

    def getx(r, q):
        return xq_ref[0, :, r, q * W:(q + 1) * W]

    c1 = conv(getx, w1_ref, b1_ref[...])
    for r in range(h):
        for q in range(4):
            c1_ref[:, r, q * W:(q + 1) * W] = jnp.maximum(c1[r][q], 0.0)

    def getc(r, q):
        return c1_ref[:, r, q * W:(q + 1) * W]

    c2 = conv(getc, w2c_ref, b2_ref[...])
    wsc = wsc_ref[...]
    bsc = bsc_ref[...]
    for rp in range(h // 2):
        for half in range(2):
            vals = []
            for r in (2 * rp, 2 * rp + 1):
                for q in (2 * half, 2 * half + 1):
                    vals.append(jnp.maximum(
                        c2[r][q] + _dot(wsc, getx(r, q)) + bsc, 0.0))
            m = jnp.maximum(jnp.maximum(vals[0], vals[1]),
                            jnp.maximum(vals[2], vals[3]))
            out_ref[0, :, rp, half * W:(half + 1) * W] = m


def _res_pool4(x, w1cat, b1, w2cat, b2, wsc, bsc, cin, cout, h):
    body = functools.partial(_res_pool4_body, cin, cout, h)
    return pl.pallas_call(
        body,
        grid=(B,),
        in_specs=[
            pl.BlockSpec((1, cin, h, 2800), lambda b: (b, 0, 0, 0)),
            pl.BlockSpec((3, cout, 3 * cin), lambda b: (0, 0, 0)),
            pl.BlockSpec((cout, 1), lambda b: (0, 0)),
            pl.BlockSpec((3, cout, 3 * cout), lambda b: (0, 0, 0)),
            pl.BlockSpec((cout, 1), lambda b: (0, 0)),
            pl.BlockSpec((cout, cin), lambda b: (0, 0)),
            pl.BlockSpec((cout, 1), lambda b: (0, 0)),
        ],
        out_specs=pl.BlockSpec((1, cout, h // 2, 1400), lambda b: (b, 0, 0, 0)),
        out_shape=jax.ShapeDtypeStruct((B, cout, h // 2, 1400), jnp.float32),
        scratch_shapes=[pltpu.VMEM((cout, h, 2800), jnp.float32)],
    )(x, w1cat, b1, w2cat, b2, wsc, bsc)



def _sc_voxelize(points):
    mesh = plsc.VectorSubcoreMesh(core_axis_name="c", subcore_axis_name="s")
    n_groups = N // 16

    @functools.partial(
        pl.kernel, mesh=mesh,
        out_type=jax.ShapeDtypeStruct((B * GZ * 3 * 2 * HALF,), jnp.float32),
        compiler_params=pltpu.CompilerParams(needs_layout_passes=False),
        scratch_types=[
            pltpu.VMEM((N * 3,), jnp.float32),
            pltpu.VMEM((L,), jnp.int32),
            pltpu.VMEM((32,), jnp.int32),
            pltpu.VMEM((HALF,), jnp.int32),
            pltpu.VMEM((3 * HALF,), jnp.float32),
            pltpu.VMEM_SHARED((L,), jnp.int32),
        ],
    )
    def k(points_hbm, neg1_hbm, out_hbm, pts_ref, win_ref, sh_ref, ws_ref,
          ob_ref, win_sh):
        b = lax.axis_index("c")
        s = lax.axis_index("s")
        iota = lax.iota(jnp.int32, 16)
        c0 = jnp.zeros((16,), jnp.int32)
        pltpu.sync_copy(points_hbm.at[b], pts_ref)

        @pl.when(s == 0)
        def _phase_a():
            pltpu.sync_copy(neg1_hbm, win_ref)
            sh_ref[pl.ds(16, 16)] = jnp.full((16,), -1, jnp.int32)

            @pl.loop(0, n_groups)
            def _group(g):
                rows = g * 16 + iota
                r3 = rows * 3
                x = plsc.load_gather(pts_ref, [r3])
                y = plsc.load_gather(pts_ref, [r3 + 1])
                z = plsc.load_gather(pts_ref, [r3 + 2])
                ix = jnp.clip(x.astype(jnp.int32), 0, GX - 1)
                iy = jnp.clip((y + 40.0).astype(jnp.int32), 0, GY - 1)
                iz = jnp.clip(((z + 3.0) * 2.0).astype(jnp.int32), 0, GZ - 1)
                col = iy * GX + ix
                lp = iz * NCOL + (col & 7) * 700 + (col >> 3)
                key = (lp << 14) | rows
                skey = lax.sort(key)
                l_s = skey >> 14
                i_s = skey & (N - 1)
                sh_ref[pl.ds(0, 16)] = l_s
                l_next = sh_ref[pl.ds(1, 16)]
                plsc.store_scatter(win_ref, [l_s], i_s, mask=l_s != l_next)
            pltpu.sync_copy(win_ref, win_sh)

        plsc.subcore_barrier()

        pltpu.sync_copy(win_sh.at[pl.ds(s * HALF, HALF)], ws_ref)

        @pl.loop(0, HALF // 16)
        def _render(g):
            w = ws_ref[pl.ds(g * 16, 16)]
            r3 = jnp.maximum(w, 0) * 3
            keep = w >= 0
            for c in range(3):
                vals = plsc.load_gather(pts_ref, [r3 + c])
                ob_ref[pl.ds(c * HALF + g * 16, 16)] = jnp.where(keep, vals, 0.0)
        z_slab = s >> 1
        par = s & 1
        for c in range(3):
            off = (((b * GZ + z_slab) * 3 + c) * 2 + par) * HALF
            pltpu.sync_copy(ob_ref.at[pl.ds(c * HALF, HALF)],
                            out_hbm.at[pl.ds(off, HALF)])

    return k(points.reshape(B, N * 3), jnp.full((L,), -1, jnp.int32))



def _fold(w_conv, b_conv, g, b):
    s = g / jnp.sqrt(1.0 + EPS)
    return w_conv * s[:, None], (b_conv * s + b)


def _cat3(w):
    return jnp.stack([jnp.concatenate([w[:, :, dh, 0], w[:, :, dh, 1],
                                       w[:, :, dh, 2]], axis=1)
                      for dh in range(3)], axis=0)


def kernel(points, params):
    p = params
    w1, c1 = _fold(p['fe1_w'][:, :, 0], p['fe1_b'], p['fe1_bn_g'], p['fe1_bn_b'])
    w2, c2 = _fold(p['fe2_w'][:, :, 0], p['fe2_b'], p['fe2_bn_g'], p['fe2_bn_b'])
    s0 = p['b0_bn_g'] / jnp.sqrt(1.0 + EPS)
    wb0 = p['b0_w'] * s0[:, None, None, None]
    bb0 = p['b0_b'] * s0 + p['b0_bn_b']
    def fold_block(pre, cout):
        s1 = p[pre + 'bn1_g'] / jnp.sqrt(1.0 + EPS)
        wa = p[pre + 'c1_w'] * s1[:, None, None, None]
        ba = p[pre + 'c1_b'] * s1 + p[pre + 'bn1_b']
        s2 = p[pre + 'bn2_g'] / jnp.sqrt(1.0 + EPS)
        wb = p[pre + 'c2_w'] * s2[:, None, None, None]
        bb = p[pre + 'c2_b'] * s2 + p[pre + 'bn2_b']
        wsc, bsc = _fold(p[pre + 'sc_w'][:, :, 0, 0], p[pre + 'sc_b'],
                         p[pre + 'scbn_g'], p[pre + 'scbn_b'])
        return (_cat3(wa), ba[:, None], _cat3(wb), bb[:, None], wsc, bsc[:, None])
    r1 = fold_block('r1_', 128)
    r2 = fold_block('r2_', 256)

    w1bd = jax.scipy.linalg.block_diag(*([w1] * GZ))
    b1bd = jnp.tile(c1, GZ)[:, None]
    w2bd = jax.scipy.linalg.block_diag(*([w2] * GZ))
    b2bd = jnp.tile(c2, GZ)[:, None]

    v = _sc_voxelize(points).reshape(B, 24, NCOL)
    x0 = _fe_b0(v, w1bd, b1bd, w2bd[:256], w2bd[256:], b2bd,
                _cat3(wb0), bb0[:, None])
    y1 = _res_pool4(x0, *r1, cin=64, cout=128, h=4)
    out = _res_pool(y1[..., :700], y1[..., 700:], *r2,
                    cin=128, cout=256, h=2, w2=700)
    return out

# --- scband reference (transcript-rebuilt; emitter-appended) ---
"""Pipeline reference for scband-point-pillars-encoder-86947317940413 (READ-ONLY COPY).

The authoritative reference and input builder live on the scoring server;
editing this copy changes nothing except your own understanding.
"""

import jax, jax.numpy as jnp
import numpy as np

VOXEL_SIZE = (1.0, 1.0, 0.5)
PC_RANGE = (0.0, -40.0, -3.0, 70.4, 40.0, 1.0)
EPS = 1e-5
_pr = np.array(PC_RANGE, dtype=np.float32)
_vs = np.array(VOXEL_SIZE, dtype=np.float32)
GRID = ((_pr[3:6] - _pr[0:3]) / _vs).astype(np.int64)  # (gx, gy, gz) = (70, 80, 8)
GX, GY, GZ = int(GRID[0]), int(GRID[1]), int(GRID[2])


def conv2d(x, W, b, stride=1, pad=1):
    out = jax.lax.conv_general_dilated(x, W, (stride, stride), [(pad, pad), (pad, pad)],
                                       dimension_numbers=('NCHW', 'OIHW', 'NCHW'))
    return out + b[None, :, None, None]


def bn2d(x, g, b):
    # eval-mode BatchNorm2d with running_mean=0, running_var=1
    return x / jnp.sqrt(1.0 + EPS) * g[None, :, None, None] + b[None, :, None, None]


def bn1d(x, g, b):
    return x / jnp.sqrt(1.0 + EPS) * g[None, :, None] + b[None, :, None]


def maxpool2(x):
    return jax.lax.reduce_window(x, -jnp.inf, jax.lax.max, (1, 1, 2, 2), (1, 1, 2, 2), 'VALID')


def residual_block(x, p, pre):
    out = jax.nn.relu(bn2d(conv2d(x, p[pre + 'c1_w'], p[pre + 'c1_b']), p[pre + 'bn1_g'], p[pre + 'bn1_b']))
    out = bn2d(conv2d(out, p[pre + 'c2_w'], p[pre + 'c2_b']), p[pre + 'bn2_g'], p[pre + 'bn2_b'])
    sc = bn2d(conv2d(x, p[pre + 'sc_w'], p[pre + 'sc_b'], stride=1, pad=0), p[pre + 'scbn_g'], p[pre + 'scbn_b'])
    return jax.nn.relu(out + sc)


def _forward(points, params):
    B, N, C = points.shape
    pr3 = jnp.asarray(_pr[0:3])
    vs3 = jnp.asarray(_vs)
    # torch .long() truncates toward zero; jax float->int astype does too
    idx = ((points - pr3[None, None, :]) / vs3[None, None, :]).astype(jnp.int32)
    idx = jnp.clip(idx, 0, jnp.array([GX - 1, GY - 1, GZ - 1], dtype=jnp.int32)[None, None, :])
    bb = jnp.broadcast_to(jnp.arange(B)[:, None], (B, N)).ravel()
    voxels = jnp.zeros((B, GZ, GY, GX, C), dtype=points.dtype)
    voxels = voxels.at[bb, idx[..., 2].ravel(), idx[..., 1].ravel(), idx[..., 0].ravel()].set(points.reshape(B * N, C))
    v = voxels.transpose(0, 4, 1, 2, 3).reshape(B, C, -1)
    h = jnp.einsum('bcl,oc->bol', v, params['fe1_w'][:, :, 0]) + params['fe1_b'][None, :, None]
    h = jax.nn.relu(bn1d(h, params['fe1_bn_g'], params['fe1_bn_b']))
    h = jnp.einsum('bcl,oc->bol', h, params['fe2_w'][:, :, 0]) + params['fe2_b'][None, :, None]
    h = jax.nn.relu(bn1d(h, params['fe2_bn_g'], params['fe2_bn_b']))
    pi = h.reshape(B, 64, GZ, GY * GX)
    x = jax.nn.relu(bn2d(conv2d(pi, params['b0_w'], params['b0_b'], stride=2, pad=1),
                         params['b0_bn_g'], params['b0_bn_b']))
    x = residual_block(x, params, 'r1_')
    x = maxpool2(x)
    x = residual_block(x, params, 'r2_')
    x = maxpool2(x)
    return x


def setup_inputs(seed: int = 0):
    key = jax.random.key(seed)
    ks = jax.random.split(key, 12)
    B, N = 2, 16384
    points = jax.random.normal(ks[0], (B, N, 3), dtype=jnp.float32)

    def w(k, shape, fan_in):
        return jax.random.normal(k, shape, dtype=jnp.float32) * (1.0 / np.sqrt(fan_in))

    params = {
        'fe1_w': w(ks[1], (32, 3, 1), 3), 'fe1_b': jnp.zeros(32), 'fe1_bn_g': jnp.ones(32), 'fe1_bn_b': jnp.zeros(32),
        'fe2_w': w(ks[2], (64, 32, 1), 32), 'fe2_b': jnp.zeros(64), 'fe2_bn_g': jnp.ones(64), 'fe2_bn_b': jnp.zeros(64),
        'b0_w': w(ks[3], (64, 64, 3, 3), 64 * 9), 'b0_b': jnp.zeros(64), 'b0_bn_g': jnp.ones(64), 'b0_bn_b': jnp.zeros(64),
        'r1_c1_w': w(ks[4], (128, 64, 3, 3), 64 * 9), 'r1_c1_b': jnp.zeros(128), 'r1_bn1_g': jnp.ones(128), 'r1_bn1_b': jnp.zeros(128),
        'r1_c2_w': w(ks[5], (128, 128, 3, 3), 128 * 9), 'r1_c2_b': jnp.zeros(128), 'r1_bn2_g': jnp.ones(128), 'r1_bn2_b': jnp.zeros(128),
        'r1_sc_w': w(ks[6], (128, 64, 1, 1), 64), 'r1_sc_b': jnp.zeros(128), 'r1_scbn_g': jnp.ones(128), 'r1_scbn_b': jnp.zeros(128),
        'r2_c1_w': w(ks[7], (256, 128, 3, 3), 128 * 9), 'r2_c1_b': jnp.zeros(256), 'r2_bn1_g': jnp.ones(256), 'r2_bn1_b': jnp.zeros(256),
        'r2_c2_w': w(ks[8], (256, 256, 3, 3), 256 * 9), 'r2_c2_b': jnp.zeros(256), 'r2_bn2_g': jnp.ones(256), 'r2_bn2_b': jnp.zeros(256),
        'r2_sc_w': w(ks[9], (256, 128, 1, 1), 128), 'r2_sc_b': jnp.zeros(256), 'r2_scbn_g': jnp.ones(256), 'r2_scbn_b': jnp.zeros(256),
    }
    return {'points': points, 'params': params}


def reference(points, params):
    return _forward(points, params)

if __name__ == "__main__":
    import jax
    _d = setup_inputs()
    print(jax.jit(kernel)(*tuple(_d.values())))

</pallas_src>

<mosaic_0001>
#map = affine_map<(d0, d1) -> (0, 0)>
#map1 = affine_map<(d0, d1) -> (0)>
module attributes {stable_mosaic.version = 14 : i64} {
  func.func @k(%arg0: i32, %arg1: i32, %arg2: memref<2x49152xf32, #tpu.memory_space<hbm>>, %arg3: memref<44800xi32, #tpu.memory_space<hbm>>, %arg4: memref<268800xf32, #tpu.memory_space<hbm>>, %arg5: memref<49152xf32, #tpu.memory_space<vmem>>, %arg6: memref<44800xi32, #tpu.memory_space<vmem>>, %arg7: memref<32xi32, #tpu.memory_space<vmem>>, %arg8: memref<2800xi32, #tpu.memory_space<vmem>>, %arg9: memref<8400xf32, #tpu.memory_space<vmem>>, %arg10: memref<44800xi32, #tpu.memory_space<vmem_shared>>) attributes {dimension_semantics = [#tpu.dimension_semantics<core_parallel>, #tpu.dimension_semantics<subcore_parallel>], iteration_bounds = array<i64: 2, 16>, scalar_prefetch = 0 : i64, scratch_operands = 6 : i64, tpu.core_type = #tpu.core_type<sc_vector_subcore>, window_params = [{transform_indices = #map}, {transform_indices = #map1}, {transform_indices = #map1}]} {
    %iota3A = tpu.iota {dimensions = array<i32: 0>} : vector<16xi32>
    %broadcast_in_dim3A = arith.constant 0 : i32
    %broadcast_in_dim3A_0 = vector.broadcast %broadcast_in_dim3A : i32 to vector<16xi32>
    "tpu.region"() ({
      %run_scoped3A = tpu.sem_alloc : memref<!tpu.dma_semaphore, #tpu.memory_space<semaphore_mem>>
      %dma_start3A = arith.constant 0 : i32
      %dma_start3A_45 = tpu.memref_slice %arg2[%arg0, %dma_start3A] : memref<2x49152xf32, #tpu.memory_space<hbm>> -> memref<1x49152xf32, #tpu.memory_space<hbm>>
      %dma_start3A_46 = tpu.memref_squeeze %dma_start3A_45 : memref<1x49152xf32, #tpu.memory_space<hbm>> -> memref<49152xf32, #tpu.memory_space<hbm>>
      %dma_start3A_47 = arith.constant 0 : i32
      %dma_start3A_48 = tpu.memref_slice %arg2[%arg0, %dma_start3A_47] : memref<2x49152xf32, #tpu.memory_space<hbm>> -> memref<1x49152xf32, #tpu.memory_space<hbm>>
      %dma_start3A_49 = tpu.memref_squeeze %dma_start3A_48 : memref<1x49152xf32, #tpu.memory_space<hbm>> -> memref<49152xf32, #tpu.memory_space<hbm>>
      tpu.enqueue_dma source(%dma_start3A_49 : memref<49152xf32, #tpu.memory_space<hbm>>) target(%arg5 : memref<49152xf32, #tpu.memory_space<vmem>>) target_semaphore(%run_scoped3A : memref<!tpu.dma_semaphore, #tpu.memory_space<semaphore_mem>>)
      %dma_wait3A = arith.constant 0 : i32
      %dma_wait3A_50 = tpu.memref_slice %arg2[%arg0, %dma_wait3A] : memref<2x49152xf32, #tpu.memory_space<hbm>> -> memref<1x49152xf32, #tpu.memory_space<hbm>>
      %dma_wait3A_51 = tpu.memref_squeeze %dma_wait3A_50 : memref<1x49152xf32, #tpu.memory_space<hbm>> -> memref<49152xf32, #tpu.memory_space<hbm>>
      %dma_wait3A_52 = arith.constant 0 : i32
      %dma_wait3A_53 = tpu.memref_slice %arg2[%arg0, %dma_wait3A_52] : memref<2x49152xf32, #tpu.memory_space<hbm>> -> memref<1x49152xf32, #tpu.memory_space<hbm>>
      %dma_wait3A_54 = tpu.memref_squeeze %dma_wait3A_53 : memref<1x49152xf32, #tpu.memory_space<hbm>> -> memref<49152xf32, #tpu.memory_space<hbm>>
      tpu.wait_dma2 semaphore(%run_scoped3A : memref<!tpu.dma_semaphore, #tpu.memory_space<semaphore_mem>>) src(%dma_wait3A_54 : memref<49152xf32, #tpu.memory_space<hbm>>) dst(%arg5 : memref<49152xf32, #tpu.memory_space<vmem>>)
      tpu.yield
    }) : () -> ()
    %eq3A = arith.constant 0 : i32
    %eq3A_1 = arith.cmpi eq, %arg1, %eq3A : i32
    %convert_element_type3A = arith.extui %eq3A_1 : i1 to i32
    %cond3A = arith.constant 0 : i32
    %cond3A_2 = arith.cmpi ne, %convert_element_type3A, %cond3A : i32
    scf.if %cond3A_2 {
      "tpu.region"() ({
        %run_scoped3A = tpu.sem_alloc : memref<!tpu.dma_semaphore, #tpu.memory_space<semaphore_mem>>
        tpu.enqueue_dma source(%arg3 : memref<44800xi32, #tpu.memory_space<hbm>>) target(%arg6 : memref<44800xi32, #tpu.memory_space<vmem>>) target_semaphore(%run_scoped3A : memref<!tpu.dma_semaphore, #tpu.memory_space<semaphore_mem>>)
        tpu.wait_dma2 semaphore(%run_scoped3A : memref<!tpu.dma_semaphore, #tpu.memory_space<semaphore_mem>>) src(%arg3 : memref<44800xi32, #tpu.memory_space<hbm>>) dst(%arg6 : memref<44800xi32, #tpu.memory_space<vmem>>)
        tpu.yield
      }) : () -> ()
      %broadcast_in_dim3A_45 = arith.constant -1 : i32
      %broadcast_in_dim3A_46 = vector.broadcast %broadcast_in_dim3A_45 : i32 to vector<16xi32>
      %swap3A = arith.constant 16 : index
      %swap3A_47 = tpu.vector_load %arg7[%swap3A] {strides = array<i32>} : memref<32xi32, #tpu.memory_space<vmem>>, vector<16xi32>,
      tpu.vector_store %arg7[%swap3A], %broadcast_in_dim3A_46 {strides = array<i32>} : memref<32xi32, #tpu.memory_space<vmem>>, vector<16xi32>,
      %scan3A_48 = arith.constant 0 : i32
      %scan3A_49 = arith.constant 1024 : i32
      %scan3A_50 = arith.addi %scan3A_48, %scan3A_49 : i32
      %scan3A_51 = arith.constant 1 : i32
      scf.for %scan3A_53 = %scan3A_48 to %scan3A_50 step %scan3A_51  : i32 {
        %mul3A_54 = arith.constant 1 : i32
        %mul3A_55 = arith.muli %scan3A_53, %mul3A_54 : i32
        %add3A_56 = arith.constant 0 : i32
        %add3A_57 = arith.addi %add3A_56, %mul3A_55 : i32
        %mul3A_58 = arith.constant 16 : i32
        %mul3A_59 = arith.muli %add3A_57, %mul3A_58 : i32
        %add3A_60 = vector.broadcast %mul3A_59 : i32 to vector<16xi32>
        %add3A_61 = arith.addi %add3A_60, %iota3A : vector<16xi32>
        %mul3A_62 = arith.constant 3 : i32
        %mul3A_63 = vector.broadcast %mul3A_62 : i32 to vector<16xi32>
        %mul3A_64 = arith.muli %add3A_61, %mul3A_63 : vector<16xi32>
        %gather3A = tpu.vector_load_idx %arg5[%mul3A_64] : memref<49152xf32, #tpu.memory_space<vmem>>[vector<16xi32>], vector<16xf32>,
        %add3A_65 = arith.constant 1 : i32
        %add3A_66 = vector.broadcast %add3A_65 : i32 to vector<16xi32>
        %add3A_67 = arith.addi %mul3A_64, %add3A_66 : vector<16xi32>
        %gather3A_68 = tpu.vector_load_idx %arg5[%add3A_67] : memref<49152xf32, #tpu.memory_space<vmem>>[vector<16xi32>], vector<16xf32>,
        %add3A_69 = arith.constant 2 : i32
        %add3A_70 = vector.broadcast %add3A_69 : i32 to vector<16xi32>
        %add3A_71 = arith.addi %mul3A_64, %add3A_70 : vector<16xi32>
        %gather3A_72 = tpu.vector_load_idx %arg5[%add3A_71] : memref<49152xf32, #tpu.memory_space<vmem>>[vector<16xi32>], vector<16xf32>,
        %convert_element_type3A_73 = arith.fptosi %gather3A : vector<16xf32> to vector<16xi32>
        %jit3A = arith.constant 0 : i32
        %jit3A_74 = arith.constant 69 : i32
        %max3A = vector.broadcast %jit3A : i32 to vector<16xi32>
        %max3A_75 = arith.maxsi %max3A, %convert_element_type3A_73 : vector<16xi32>
        %min3A = vector.broadcast %jit3A_74 : i32 to vector<16xi32>
        %min3A_76 = arith.minsi %min3A, %max3A_75 : vector<16xi32>
        %add3A_77 = arith.constant 4.000000e+01 : f32
        %add3A_78 = vector.broadcast %add3A_77 : f32 to vector<16xf32>
        %add3A_79 = arith.addf %gather3A_68, %add3A_78 : vector<16xf32>
        %convert_element_type3A_80 = arith.fptosi %add3A_79 : vector<16xf32> to vector<16xi32>
        %jit3A_81 = arith.constant 0 : i32
        %jit3A_82 = arith.constant 79 : i32
        %max3A_83 = vector.broadcast %jit3A_81 : i32 to vector<16xi32>
        %max3A_84 = arith.maxsi %max3A_83, %convert_element_type3A_80 : vector<16xi32>
        %min3A_85 = vector.broadcast %jit3A_82 : i32 to vector<16xi32>
        %min3A_86 = arith.minsi %min3A_85, %max3A_84 : vector<16xi32>
        %add3A_87 = arith.constant 3.000000e+00 : f32
        %add3A_88 = vector.broadcast %add3A_87 : f32 to vector<16xf32>
        %add3A_89 = arith.addf %gather3A_72, %add3A_88 : vector<16xf32>
        %mul3A_90 = arith.constant 2.000000e+00 : f32
        %mul3A_91 = vector.broadcast %mul3A_90 : f32 to vector<16xf32>
        %mul3A_92 = arith.mulf %add3A_89, %mul3A_91 : vector<16xf32>
        %convert_element_type3A_93 = arith.fptosi %mul3A_92 : vector<16xf32> to vector<16xi32>
        %jit3A_94 = arith.constant 0 : i32
        %jit3A_95 = arith.constant 7 : i32
        %max3A_96 = vector.broadcast %jit3A_94 : i32 to vector<16xi32>
        %max3A_97 = arith.maxsi %max3A_96, %convert_element_type3A_93 : vector<16xi32>
        %min3A_98 = vector.broadcast %jit3A_95 : i32 to vector<16xi32>
        %min3A_99 = arith.minsi %min3A_98, %max3A_97 : vector<16xi32>
        %mul3A_100 = arith.constant 70 : i32
        %mul3A_101 = vector.broadcast %mul3A_100 : i32 to vector<16xi32>
        %mul3A_102 = arith.muli %min3A_86, %mul3A_101 : vector<16xi32>
        %add3A_103 = arith.addi %mul3A_102, %min3A_76 : vector<16xi32>
        %mul3A_104 = arith.constant 5600 : i32
        %mul3A_105 = vector.broadcast %mul3A_104 : i32 to vector<16xi32>
        %mul3A_106 = arith.muli %min3A_99, %mul3A_105 : vector<16xi32>
        %and3A_107 = arith.constant 7 : i32
        %and3A_108 = vector.broadcast %and3A_107 : i32 to vector<16xi32>
        %and3A_109 = arith.andi %add3A_103, %and3A_108 : vector<16xi32>
        %mul3A_110 = arith.constant 700 : i32
        %mul3A_111 = vector.broadcast %mul3A_110 : i32 to vector<16xi32>
        %mul3A_112 = arith.muli %and3A_109, %mul3A_111 : vector<16xi32>
        %add3A_113 = arith.addi %mul3A_106, %mul3A_112 : vector<16xi32>
        %shift_right_arithmetic3A_114 = arith.constant 3 : i32
        %shift_right_arithmetic3A_115 = vector.broadcast %shift_right_arithmetic3A_114 : i32 to vector<16xi32>
        %shift_right_arithmetic3A_116 = arith.shrsi %add3A_103, %shift_right_arithmetic3A_115 : vector<16xi32>
        %add3A_117 = arith.addi %add3A_113, %shift_right_arithmetic3A_116 : vector<16xi32>
        %shift_left3A = arith.constant 14 : i32
        %shift_left3A_118 = vector.broadcast %shift_left3A : i32 to vector<16xi32>
        %shift_left3A_119 = arith.shli %add3A_117, %shift_left3A_118 : vector<16xi32>
        %or3A = arith.ori %shift_left3A_119, %add3A_61 : vector<16xi32>
        %sort3A = arith.constant dense<true> : vector<16xi1>
        %sort3A_120, %sort3A_121, %sort3A_122 = tpu.sort %or3A, %or3A masked %sort3A : (vector<16xi32>, vector<16xi32>, vector<16xi1>) -> (vector<16xi1>, vector<16xi32>, vector<16xi32>)
        %shift_right_arithmetic3A_123 = arith.constant 14 : i32
        %shift_right_arithmetic3A_124 = vector.broadcast %shift_right_arithmetic3A_123 : i32 to vector<16xi32>
        %shift_right_arithmetic3A_125 = arith.shrsi %sort3A_121, %shift_right_arithmetic3A_124 : vector<16xi32>
        %and3A_126 = arith.constant 16383 : i32
        %and3A_127 = vector.broadcast %and3A_126 : i32 to vector<16xi32>
        %and3A_128 = arith.andi %sort3A_121, %and3A_127 : vector<16xi32>
        %swap3A_129 = arith.constant 0 : index
        %swap3A_130 = tpu.vector_load %arg7[%swap3A_129] {strides = array<i32>} : memref<32xi32, #tpu.memory_space<vmem>>, vector<16xi32>,
        tpu.vector_store %arg7[%swap3A_129], %shift_right_arithmetic3A_125 {strides = array<i32>} : memref<32xi32, #tpu.memory_space<vmem>>, vector<16xi32>,
        %get3A = arith.constant 1 : index
        %get3A_131 = tpu.vector_load %arg7[%get3A] {strides = array<i32>} : memref<32xi32, #tpu.memory_space<vmem>>, vector<16xi32>,
        %ne3A = arith.cmpi ne, %shift_right_arithmetic3A_125, %get3A_131 : vector<16xi32>
        tpu.vector_store_idx %arg6[%shift_right_arithmetic3A_125], %and3A_128 masked %ne3A : memref<44800xi32, #tpu.memory_space<vmem>>[vector<16xi32>], vector<16xi32>, vector<16xi1>
      }
      %scan3A_52 = arith.constant 1024 : i32
      "tpu.region"() ({
        %run_scoped3A = tpu.sem_alloc : memref<!tpu.dma_semaphore, #tpu.memory_space<semaphore_mem>>
        tpu.enqueue_dma source(%arg6 : memref<44800xi32, #tpu.memory_space<vmem>>) target(%arg10 : memref<44800xi32, #tpu.memory_space<vmem_shared>>) target_semaphore(%run_scoped3A : memref<!tpu.dma_semaphore, #tpu.memory_space<semaphore_mem>>)
        tpu.wait_dma2 semaphore(%run_scoped3A : memref<!tpu.dma_semaphore, #tpu.memory_space<semaphore_mem>>) src(%arg6 : memref<44800xi32, #tpu.memory_space<vmem>>) dst(%arg10 : memref<44800xi32, #tpu.memory_space<vmem_shared>>)
        tpu.yield
      }) : () -> ()
    } else {
    }
    %barrier3A = arith.constant 0 : index
    tpu.barrier barrier_id(%barrier3A)
    %mul3A = arith.constant 2800 : i32
    %mul3A_3 = arith.muli %arg1, %mul3A : i32
    "tpu.region"() ({
      %run_scoped3A = tpu.sem_alloc : memref<!tpu.dma_semaphore, #tpu.memory_space<semaphore_mem>>
      %dma_start3A = tpu.memref_slice %arg10[%mul3A_3] : memref<44800xi32, #tpu.memory_space<vmem_shared>> -> memref<2800xi32, #tpu.memory_space<vmem_shared>>
      %dma_start3A_45 = tpu.memref_slice %arg10[%mul3A_3] : memref<44800xi32, #tpu.memory_space<vmem_shared>> -> memref<2800xi32, #tpu.memory_space<vmem_shared>>
      tpu.enqueue_dma source(%dma_start3A_45 : memref<2800xi32, #tpu.memory_space<vmem_shared>>) target(%arg8 : memref<2800xi32, #tpu.memory_space<vmem>>) target_semaphore(%run_scoped3A : memref<!tpu.dma_semaphore, #tpu.memory_space<semaphore_mem>>)
      %dma_wait3A = tpu.memref_slice %arg10[%mul3A_3] : memref<44800xi32, #tpu.memory_space<vmem_shared>> -> memref<2800xi32, #tpu.memory_space<vmem_shared>>
      %dma_wait3A_46 = tpu.memref_slice %arg10[%mul3A_3] : memref<44800xi32, #tpu.memory_space<vmem_shared>> -> memref<2800xi32, #tpu.memory_space<vmem_shared>>
      tpu.wait_dma2 semaphore(%run_scoped3A : memref<!tpu.dma_semaphore, #tpu.memory_space<semaphore_mem>>) src(%dma_wait3A_46 : memref<2800xi32, #tpu.memory_space<vmem_shared>>) dst(%arg8 : memref<2800xi32, #tpu.memory_space<vmem>>)
      tpu.yield
    }) : () -> ()
    %scan3A = arith.constant 0 : i32
    %scan3A_4 = arith.constant 175 : i32
    %scan3A_5 = arith.addi %scan3A, %scan3A_4 : i32
    %scan3A_6 = arith.constant 1 : i32
    scf.for %scan3A_45 = %scan3A to %scan3A_5 step %scan3A_6  : i32 {
      %mul3A_46 = arith.constant 1 : i32
      %mul3A_47 = arith.muli %scan3A_45, %mul3A_46 : i32
      %add3A_48 = arith.constant 0 : i32
      %add3A_49 = arith.addi %add3A_48, %mul3A_47 : i32
      %mul3A_50 = arith.constant 16 : i32
      %mul3A_51 = arith.muli %add3A_49, %mul3A_50 : i32
      %get3A = arith.index_cast %mul3A_51 : i32 to index
      %get3A_52 = tpu.vector_load %arg8[%get3A] {strides = array<i32>} : memref<2800xi32, #tpu.memory_space<vmem>>, vector<16xi32>,
      %max3A = arith.constant 0 : i32
      %max3A_53 = vector.broadcast %max3A : i32 to vector<16xi32>
      %max3A_54 = arith.maxsi %get3A_52, %max3A_53 : vector<16xi32>
      %mul3A_55 = arith.constant 3 : i32
      %mul3A_56 = vector.broadcast %mul3A_55 : i32 to vector<16xi32>
      %mul3A_57 = arith.muli %max3A_54, %mul3A_56 : vector<16xi32>
      %ge3A = arith.constant 0 : i32
      %ge3A_58 = vector.broadcast %ge3A : i32 to vector<16xi32>
      %ge3A_59 = arith.cmpi sge, %get3A_52, %ge3A_58 : vector<16xi32>
      %add3A_60 = arith.constant 0 : i32
      %add3A_61 = vector.broadcast %add3A_60 : i32 to vector<16xi32>
      %add3A_62 = arith.addi %mul3A_57, %add3A_61 : vector<16xi32>
      %gather3A = tpu.vector_load_idx %arg5[%add3A_62] : memref<49152xf32, #tpu.memory_space<vmem>>[vector<16xi32>], vector<16xf32>,
      %jit3A = arith.constant 0.000000e+00 : f32
      %broadcast_in_dim3A_63 = vector.broadcast %jit3A : f32 to vector<16xf32>
      %select_n3A = arith.select %ge3A_59, %gather3A, %broadcast_in_dim3A_63 : vector<16xi1>, vector<16xf32>
      %mul3A_64 = arith.constant 16 : i32
      %mul3A_65 = arith.muli %add3A_49, %mul3A_64 : i32
      %add3A_66 = arith.constant 0 : i32
      %add3A_67 = arith.addi %add3A_66, %mul3A_65 : i32
      %swap3A = arith.index_cast %add3A_67 : i32 to index
      %swap3A_68 = tpu.vector_load %arg9[%swap3A] {strides = array<i32>} : memref<8400xf32, #tpu.memory_space<vmem>>, vector<16xf32>,
      tpu.vector_store %arg9[%swap3A], %select_n3A {strides = array<i32>} : memref<8400xf32, #tpu.memory_space<vmem>>, vector<16xf32>,
      %add3A_69 = arith.constant 1 : i32
      %add3A_70 = vector.broadcast %add3A_69 : i32 to vector<16xi32>
      %add3A_71 = arith.addi %mul3A_57, %add3A_70 : vector<16xi32>
      %gather3A_72 = tpu.vector_load_idx %arg5[%add3A_71] : memref<49152xf32, #tpu.memory_space<vmem>>[vector<16xi32>], vector<16xf32>,
      %jit3A_73 = arith.constant 0.000000e+00 : f32
      %broadcast_in_dim3A_74 = vector.broadcast %jit3A_73 : f32 to vector<16xf32>
      %select_n3A_75 = arith.select %ge3A_59, %gather3A_72, %broadcast_in_dim3A_74 : vector<16xi1>, vector<16xf32>
      %mul3A_76 = arith.constant 16 : i32
      %mul3A_77 = arith.muli %add3A_49, %mul3A_76 : i32
      %add3A_78 = arith.constant 2800 : i32
      %add3A_79 = arith.addi %add3A_78, %mul3A_77 : i32
      %swap3A_80 = arith.index_cast %add3A_79 : i32 to index
      %swap3A_81 = tpu.vector_load %arg9[%swap3A_80] {strides = array<i32>} : memref<8400xf32, #tpu.memory_space<vmem>>, vector<16xf32>,
      tpu.vector_store %arg9[%swap3A_80], %select_n3A_75 {strides = array<i32>} : memref<8400xf32, #tpu.memory_space<vmem>>, vector<16xf32>,
      %add3A_82 = arith.constant 2 : i32
      %add3A_83 = vector.broadcast %add3A_82 : i32 to vector<16xi32>
      %add3A_84 = arith.addi %mul3A_57, %add3A_83 : vector<16xi32>
      %gather3A_85 = tpu.vector_load_idx %arg5[%add3A_84] : memref<49152xf32, #tpu.memory_space<vmem>>[vector<16xi32>], vector<16xf32>,
      %jit3A_86 = arith.constant 0.000000e+00 : f32
      %broadcast_in_dim3A_87 = vector.broadcast %jit3A_86 : f32 to vector<16xf32>
      %select_n3A_88 = arith.select %ge3A_59, %gather3A_85, %broadcast_in_dim3A_87 : vector<16xi1>, vector<16xf32>
      %mul3A_89 = arith.constant 16 : i32
      %mul3A_90 = arith.muli %add3A_49, %mul3A_89 : i32
      %add3A_91 = arith.constant 5600 : i32
      %add3A_92 = arith.addi %add3A_91, %mul3A_90 : i32
      %swap3A_93 = arith.index_cast %add3A_92 : i32 to index
      %swap3A_94 = tpu.vector_load %arg9[%swap3A_93] {strides = array<i32>} : memref<8400xf32, #tpu.memory_space<vmem>>, vector<16xf32>,
      tpu.vector_store %arg9[%swap3A_93], %select_n3A_88 {strides = array<i32>} : memref<8400xf32, #tpu.memory_space<vmem>>, vector<16xf32>,
    }
    %scan3A_7 = arith.constant 175 : i32
    %shift_right_arithmetic3A = arith.constant 1 : i32
    %shift_right_arithmetic3A_8 = arith.shrsi %arg1, %shift_right_arithmetic3A : i32
    %and3A = arith.constant 1 : i32
    %and3A_9 = arith.andi %arg1, %and3A : i32
    %mul3A_10 = arith.constant 8 : i32
    %mul3A_11 = arith.muli %arg0, %mul3A_10 : i32
    %add3A = arith.addi %mul3A_11, %shift_right_arithmetic3A_8 : i32
    %mul3A_12 = arith.constant 3 : i32
    %mul3A_13 = arith.muli %add3A, %mul3A_12 : i32
    %add3A_14 = arith.constant 0 : i32
    %add3A_15 = arith.addi %mul3A_13, %add3A_14 : i32
    %mul3A_16 = arith.constant 2 : i32
    %mul3A_17 = arith.muli %add3A_15, %mul3A_16 : i32
    %add3A_18 = arith.addi %mul3A_17, %and3A_9 : i32
    %mul3A_19 = arith.constant 2800 : i32
    %mul3A_20 = arith.muli %add3A_18, %mul3A_19 : i32
    "tpu.region"() ({
      %run_scoped3A = tpu.sem_alloc : memref<!tpu.dma_semaphore, #tpu.memory_space<semaphore_mem>>
      %dma_start3A = arith.constant 0 : i32
      %dma_start3A_45 = tpu.memref_slice %arg9[%dma_start3A] : memref<8400xf32, #tpu.memory_space<vmem>> -> memref<2800xf32, #tpu.memory_space<vmem>>
      %dma_start3A_46 = tpu.memref_slice %arg4[%mul3A_20] : memref<268800xf32, #tpu.memory_space<hbm>> -> memref<2800xf32, #tpu.memory_space<hbm>>
      %dma_start3A_47 = tpu.memref_slice %arg4[%mul3A_20] : memref<268800xf32, #tpu.memory_space<hbm>> -> memref<2800xf32, #tpu.memory_space<hbm>>
      %dma_start3A_48 = arith.constant 0 : i32
      %dma_start3A_49 = tpu.memref_slice %arg9[%dma_start3A_48] : memref<8400xf32, #tpu.memory_space<vmem>> -> memref<2800xf32, #tpu.memory_space<vmem>>
      tpu.enqueue_dma source(%dma_start3A_49 : memref<2800xf32, #tpu.memory_space<vmem>>) target(%dma_start3A_47 : memref<2800xf32, #tpu.memory_space<hbm>>) target_semaphore(%run_scoped3A : memref<!tpu.dma_semaphore, #tpu.memory_space<semaphore_mem>>)
      %dma_wait3A = arith.constant 0 : i32
      %dma_wait3A_50 = tpu.memref_slice %arg9[%dma_wait3A] : memref<8400xf32, #tpu.memory_space<vmem>> -> memref<2800xf32, #tpu.memory_space<vmem>>
      %dma_wait3A_51 = tpu.memref_slice %arg4[%mul3A_20] : memref<268800xf32, #tpu.memory_space<hbm>> -> memref<2800xf32, #tpu.memory_space<hbm>>
      %dma_wait3A_52 = tpu.memref_slice %arg4[%mul3A_20] : memref<268800xf32, #tpu.memory_space<hbm>> -> memref<2800xf32, #tpu.memory_space<hbm>>
      %dma_wait3A_53 = arith.constant 0 : i32
      %dma_wait3A_54 = tpu.memref_slice %arg9[%dma_wait3A_53] : memref<8400xf32, #tpu.memory_space<vmem>> -> memref<2800xf32, #tpu.memory_space<vmem>>
      tpu.wait_dma2 semaphore(%run_scoped3A : memref<!tpu.dma_semaphore, #tpu.memory_space<semaphore_mem>>) src(%dma_wait3A_54 : memref<2800xf32, #tpu.memory_space<vmem>>) dst(%dma_wait3A_52 : memref<2800xf32, #tpu.memory_space<hbm>>)
      tpu.yield
    }) : () -> ()
    %mul3A_21 = arith.constant 8 : i32
    %mul3A_22 = arith.muli %arg0, %mul3A_21 : i32
    %add3A_23 = arith.addi %mul3A_22, %shift_right_arithmetic3A_8 : i32
    %mul3A_24 = arith.constant 3 : i32
    %mul3A_25 = arith.muli %add3A_23, %mul3A_24 : i32
    %add3A_26 = arith.constant 1 : i32
    %add3A_27 = arith.addi %mul3A_25, %add3A_26 : i32
    %mul3A_28 = arith.constant 2 : i32
    %mul3A_29 = arith.muli %add3A_27, %mul3A_28 : i32
    %add3A_30 = arith.addi %mul3A_29, %and3A_9 : i32
    %mul3A_31 = arith.constant 2800 : i32
    %mul3A_32 = arith.muli %add3A_30, %mul3A_31 : i32
    "tpu.region"() ({
      %run_scoped3A = tpu.sem_alloc : memref<!tpu.dma_semaphore, #tpu.memory_space<semaphore_mem>>
      %dma_start3A = arith.constant 2800 : i32
      %dma_start3A_45 = tpu.memref_slice %arg9[%dma_start3A] : memref<8400xf32, #tpu.memory_space<vmem>> -> memref<2800xf32, #tpu.memory_space<vmem>>
      %dma_start3A_46 = tpu.memref_slice %arg4[%mul3A_32] : memref<268800xf32, #tpu.memory_space<hbm>> -> memref<2800xf32, #tpu.memory_space<hbm>>
      %dma_start3A_47 = tpu.memref_slice %arg4[%mul3A_32] : memref<268800xf32, #tpu.memory_space<hbm>> -> memref<2800xf32, #tpu.memory_space<hbm>>
      %dma_start3A_48 = arith.constant 2800 : i32
      %dma_start3A_49 = tpu.memref_slice %arg9[%dma_start3A_48] : memref<8400xf32, #tpu.memory_space<vmem>> -> memref<2800xf32, #tpu.memory_space<vmem>>
      tpu.enqueue_dma source(%dma_start3A_49 : memref<2800xf32, #tpu.memory_space<vmem>>) target(%dma_start3A_47 : memref<2800xf32, #tpu.memory_space<hbm>>) target_semaphore(%run_scoped3A : memref<!tpu.dma_semaphore, #tpu.memory_space<semaphore_mem>>)
      %dma_wait3A = arith.constant 2800 : i32
      %dma_wait3A_50 = tpu.memref_slice %arg9[%dma_wait3A] : memref<8400xf32, #tpu.memory_space<vmem>> -> memref<2800xf32, #tpu.memory_space<vmem>>
      %dma_wait3A_51 = tpu.memref_slice %arg4[%mul3A_32] : memref<268800xf32, #tpu.memory_space<hbm>> -> memref<2800xf32, #tpu.memory_space<hbm>>
      %dma_wait3A_52 = tpu.memref_slice %arg4[%mul3A_32] : memref<268800xf32, #tpu.memory_space<hbm>> -> memref<2800xf32, #tpu.memory_space<hbm>>
      %dma_wait3A_53 = arith.constant 2800 : i32
      %dma_wait3A_54 = tpu.memref_slice %arg9[%dma_wait3A_53] : memref<8400xf32, #tpu.memory_space<vmem>> -> memref<2800xf32, #tpu.memory_space<vmem>>
      tpu.wait_dma2 semaphore(%run_scoped3A : memref<!tpu.dma_semaphore, #tpu.memory_space<semaphore_mem>>) src(%dma_wait3A_54 : memref<2800xf32, #tpu.memory_space<vmem>>) dst(%dma_wait3A_52 : memref<2800xf32, #tpu.memory_space<hbm>>)
      tpu.yield
    }) : () -> ()
    %mul3A_33 = arith.constant 8 : i32
    %mul3A_34 = arith.muli %arg0, %mul3A_33 : i32
    %add3A_35 = arith.addi %mul3A_34, %shift_right_arithmetic3A_8 : i32
    %mul3A_36 = arith.constant 3 : i32
    %mul3A_37 = arith.muli %add3A_35, %mul3A_36 : i32
    %add3A_38 = arith.constant 2 : i32
    %add3A_39 = arith.addi %mul3A_37, %add3A_38 : i32
    %mul3A_40 = arith.constant 2 : i32
    %mul3A_41 = arith.muli %add3A_39, %mul3A_40 : i32
    %add3A_42 = arith.addi %mul3A_41, %and3A_9 : i32
    %mul3A_43 = arith.constant 2800 : i32
    %mul3A_44 = arith.muli %add3A_42, %mul3A_43 : i32
    "tpu.region"() ({
      %run_scoped3A = tpu.sem_alloc : memref<!tpu.dma_semaphore, #tpu.memory_space<semaphore_mem>>
      %dma_start3A = arith.constant 5600 : i32
      %dma_start3A_45 = tpu.memref_slice %arg9[%dma_start3A] : memref<8400xf32, #tpu.memory_space<vmem>> -> memref<2800xf32, #tpu.memory_space<vmem>>
      %dma_start3A_46 = tpu.memref_slice %arg4[%mul3A_44] : memref<268800xf32, #tpu.memory_space<hbm>> -> memref<2800xf32, #tpu.memory_space<hbm>>
      %dma_start3A_47 = tpu.memref_slice %arg4[%mul3A_44] : memref<268800xf32, #tpu.memory_space<hbm>> -> memref<2800xf32, #tpu.memory_space<hbm>>
      %dma_start3A_48 = arith.constant 5600 : i32
      %dma_start3A_49 = tpu.memref_slice %arg9[%dma_start3A_48] : memref<8400xf32, #tpu.memory_space<vmem>> -> memref<2800xf32, #tpu.memory_space<vmem>>
      tpu.enqueue_dma source(%dma_start3A_49 : memref<2800xf32, #tpu.memory_space<vmem>>) target(%dma_start3A_47 : memref<2800xf32, #tpu.memory_space<hbm>>) target_semaphore(%run_scoped3A : memref<!tpu.dma_semaphore, #tpu.memory_space<semaphore_mem>>)
      %dma_wait3A = arith.constant 5600 : i32
      %dma_wait3A_50 = tpu.memref_slice %arg9[%dma_wait3A] : memref<8400xf32, #tpu.memory_space<vmem>> -> memref<2800xf32, #tpu.memory_space<vmem>>
      %dma_wait3A_51 = tpu.memref_slice %arg4[%mul3A_44] : memref<268800xf32, #tpu.memory_space<hbm>> -> memref<2800xf32, #tpu.memory_space<hbm>>
      %dma_wait3A_52 = tpu.memref_slice %arg4[%mul3A_44] : memref<268800xf32, #tpu.memory_space<hbm>> -> memref<2800xf32, #tpu.memory_space<hbm>>
      %dma_wait3A_53 = arith.constant 5600 : i32
      %dma_wait3A_54 = tpu.memref_slice %arg9[%dma_wait3A_53] : memref<8400xf32, #tpu.memory_space<vmem>> -> memref<2800xf32, #tpu.memory_space<vmem>>
      tpu.wait_dma2 semaphore(%run_scoped3A : memref<!tpu.dma_semaphore, #tpu.memory_space<semaphore_mem>>) src(%dma_wait3A_54 : memref<2800xf32, #tpu.memory_space<vmem>>) dst(%dma_wait3A_52 : memref<2800xf32, #tpu.memory_space<hbm>>)
      tpu.yield
    }) : () -> ()
    return
  }
}

module attributes {stable_mosaic.version = 14 : i64} {
  func.func @_fe_b0_body(%arg0: i32, %arg1: memref<1x24x5600xf32, #tpu.memory_space<vmem>>, %arg2: memref<256x24xf32, #tpu.memory_space<vmem>>, %arg3: memref<256x1xf32, #tpu.memory_space<vmem>>, %arg4: memref<256x256xf32, #tpu.memory_space<vmem>>, %arg5: memref<256x256xf32, #tpu.memory_space<vmem>>, %arg6: memref<512x1xf32, #tpu.memory_space<vmem>>, %arg7: memref<3x64x192xf32, #tpu.memory_space<vmem>>, %arg8: memref<64x1xf32, #tpu.memory_space<vmem>>, %arg9: memref<1x64x4x2800xf32, #tpu.memory_space<vmem>>, %arg10: memref<256x5600xf32, #tpu.memory_space<vmem>>, %arg11: memref<512x5600xf32, #tpu.memory_space<vmem>>) attributes {dimension_semantics = [#tpu.dimension_semantics<arbitrary>], iteration_bounds = array<i64: 2>, scalar_prefetch = 0 : i64, scratch_operands = 2 : i64, tpu.core_type = #tpu.core_type<tc>, window_params = [{transform_indices = @transform_0, window_bounds = array<i64: 1, 24, 5600>}, {pipeline_mode = #tpu.pipeline_mode<synchronous>, transform_indices = @transform_1, window_bounds = array<i64: 256, 24>}, {pipeline_mode = #tpu.pipeline_mode<synchronous>, transform_indices = @transform_2, window_bounds = array<i64: 256, 1>}, {pipeline_mode = #tpu.pipeline_mode<synchronous>, transform_indices = @transform_3, window_bounds = array<i64: 256, 256>}, {pipeline_mode = #tpu.pipeline_mode<synchronous>, transform_indices = @transform_4, window_bounds = array<i64: 256, 256>}, {pipeline_mode = #tpu.pipeline_mode<synchronous>, transform_indices = @transform_5, window_bounds = array<i64: 512, 1>}, {pipeline_mode = #tpu.pipeline_mode<synchronous>, transform_indices = @transform_6, window_bounds = array<i64: 3, 64, 192>}, {pipeline_mode = #tpu.pipeline_mode<synchronous>, transform_indices = @transform_7, window_bounds = array<i64: 64, 1>}, {transform_indices = @transform_8, window_bounds = array<i64: 1, 64, 4, 2800>}]} {
    %get3A = arith.constant 0 : index
    %get3A_0 = arith.constant 0 : index
    %get3A_1 = vector.load %arg2[%get3A, %get3A_0] : memref<256x24xf32, #tpu.memory_space<vmem>>, vector<256x24xf32>
    %get3A_2 = arith.constant 0 : index
    %get3A_3 = arith.constant 0 : index
    %get3A_4 = arith.constant 0 : index
    %get3A_5 = vector.load %arg1[%get3A_2, %get3A_3, %get3A_4] : memref<1x24x5600xf32, #tpu.memory_space<vmem>>, vector<1x24x5600xf32>
    %get3A_6 = vector.shape_cast %get3A_5 : vector<1x24x5600xf32> to vector<24x5600xf32>
    %dot_general3A = arith.constant dense<0.000000e+00> : vector<256x5600xf32>
    %dot_general3A_7 = tpu.matmul %get3A_1, %get3A_6, %dot_general3A {dimension_numbers = #tpu.dot_dimension_numbers<[1], [0], [0], [1], [0, 0, 1, 1], [], []>, transpose_lhs_hint = false} : vector<256x24xf32>, vector<24x5600xf32>, vector<256x5600xf32> -> vector<256x5600xf32>
    %get3A_8 = arith.constant 0 : index
    %get3A_9 = arith.constant 0 : index
    %get3A_10 = vector.load %arg3[%get3A_8, %get3A_9] : memref<256x1xf32, #tpu.memory_space<vmem>>, vector<256x1xf32>
    %add3A = vector.broadcast %get3A_10 : vector<256x1xf32> to vector<256x5600xf32>
    %add3A_11 = arith.addf %dot_general3A_7, %add3A : vector<256x5600xf32>
    %max3A = arith.constant 0.000000e+00 : f32
    %max3A_12 = vector.broadcast %max3A : f32 to vector<256x5600xf32>
    %max3A_13 = arith.maximumf %add3A_11, %max3A_12 : vector<256x5600xf32>
    %swap3A = arith.constant 0 : index
    %swap3A_14 = arith.constant 0 : index
    %swap3A_15 = vector.load %arg10[%swap3A, %swap3A_14] : memref<256x5600xf32, #tpu.memory_space<vmem>>, vector<256x5600xf32>
    tpu.vector_store %arg10[%swap3A, %swap3A_14], %max3A_13 {strides = array<i32>} : memref<256x5600xf32, #tpu.memory_space<vmem>>, vector<256x5600xf32>,
    %get3A_16 = arith.constant 0 : index
    %get3A_17 = arith.constant 0 : index
    %get3A_18 = vector.load %arg10[%get3A_16, %get3A_17] : memref<256x5600xf32, #tpu.memory_space<vmem>>, vector<256x5600xf32>
    %get3A_19 = arith.constant 0 : index
    %get3A_20 = arith.constant 0 : index
    %get3A_21 = vector.load %arg6[%get3A_19, %get3A_20] : memref<512x1xf32, #tpu.memory_space<vmem>>, vector<512x1xf32>
    %get3A_22 = arith.constant 0 : index
    %get3A_23 = arith.constant 0 : index
    %get3A_24 = vector.load %arg4[%get3A_22, %get3A_23] : memref<256x256xf32, #tpu.memory_space<vmem>>, vector<256x256xf32>
    %dot_general3A_25 = arith.constant dense<0.000000e+00> : vector<256x5600xf32>
    %dot_general3A_26 = tpu.matmul %get3A_24, %get3A_18, %dot_general3A_25 {dimension_numbers = #tpu.dot_dimension_numbers<[1], [0], [0], [1], [0, 0, 1, 1], [], []>, transpose_lhs_hint = false} : vector<256x256xf32>, vector<256x5600xf32>, vector<256x5600xf32> -> vector<256x5600xf32>
    %slice3A = vector.extract_strided_slice %get3A_21 {offsets = [0, 0], sizes = [256, 1], strides = [1, 1]} : vector<512x1xf32> to vector<256x1xf32>
    %add3A_27 = vector.broadcast %slice3A : vector<256x1xf32> to vector<256x5600xf32>
    %add3A_28 = arith.addf %dot_general3A_26, %add3A_27 : vector<256x5600xf32>
    %max3A_29 = arith.constant 0.000000e+00 : f32
    %max3A_30 = vector.broadcast %max3A_29 : f32 to vector<256x5600xf32>
    %max3A_31 = arith.maximumf %add3A_28, %max3A_30 : vector<256x5600xf32>
    %swap3A_32 = arith.constant 0 : index
    %swap3A_33 = arith.constant 0 : index
    %swap3A_34 = vector.load %arg11[%swap3A_32, %swap3A_33] : memref<512x5600xf32, #tpu.memory_space<vmem>>, vector<256x5600xf32>
    tpu.vector_store %arg11[%swap3A_32, %swap3A_33], %max3A_31 {strides = array<i32>} : memref<512x5600xf32, #tpu.memory_space<vmem>>, vector<256x5600xf32>,
    %get3A_35 = arith.constant 0 : index
    %get3A_36 = arith.constant 0 : index
    %get3A_37 = vector.load %arg5[%get3A_35, %get3A_36] : memref<256x256xf32, #tpu.memory_space<vmem>>, vector<256x256xf32>
    %dot_general3A_38 = arith.constant dense<0.000000e+00> : vector<256x5600xf32>
    %dot_general3A_39 = tpu.matmul %get3A_37, %get3A_18, %dot_general3A_38 {dimension_numbers = #tpu.dot_dimension_numbers<[1], [0], [0], [1], [0, 0, 1, 1], [], []>, transpose_lhs_hint = false} : vector<256x256xf32>, vector<256x5600xf32>, vector<256x5600xf32> -> vector<256x5600xf32>
    %slice3A_40 = vector.extract_strided_slice %get3A_21 {offsets = [256, 0], sizes = [256, 1], strides = [1, 1]} : vector<512x1xf32> to vector<256x1xf32>
    %add3A_41 = vector.broadcast %slice3A_40 : vector<256x1xf32> to vector<256x5600xf32>
    %add3A_42 = arith.addf %dot_general3A_39, %add3A_41 : vector<256x5600xf32>
    %max3A_43 = arith.constant 0.000000e+00 : f32
    %max3A_44 = vector.broadcast %max3A_43 : f32 to vector<256x5600xf32>
    %max3A_45 = arith.maximumf %add3A_42, %max3A_44 : vector<256x5600xf32>
    %swap3A_46 = arith.constant 256 : index
    %swap3A_47 = arith.constant 0 : index
    %swap3A_48 = vector.load %arg11[%swap3A_46, %swap3A_47] : memref<512x5600xf32, #tpu.memory_space<vmem>>, vector<256x5600xf32>
    tpu.vector_store %arg11[%swap3A_46, %swap3A_47], %max3A_45 {strides = array<i32>} : memref<512x5600xf32, #tpu.memory_space<vmem>>, vector<256x5600xf32>,
    %get3A_49 = arith.constant 0 : index
    %get3A_50 = arith.constant 0 : index
    %get3A_51 = vector.load %arg8[%get3A_49, %get3A_50] : memref<64x1xf32, #tpu.memory_space<vmem>>, vector<64x1xf32>
    %broadcast_in_dim3A = vector.shape_cast %get3A_51 : vector<64x1xf32> to vector<64x1xf32>
    %broadcast_in_dim3A_52 = vector.broadcast %broadcast_in_dim3A : vector<64x1xf32> to vector<64x700xf32>
    %get3A_53 = arith.constant 0 : index
    %get3A_54 = arith.constant 0 : index
    %get3A_55 = vector.load %arg11[%get3A_53, %get3A_54] : memref<512x5600xf32, #tpu.memory_space<vmem>>, vector<64x700xf32>
    %get3A_56 = arith.constant 0 : index
    %get3A_57 = arith.constant 700 : index
    %get3A_58 = vector.load %arg11[%get3A_56, %get3A_57] : memref<512x5600xf32, #tpu.memory_space<vmem>>, vector<64x700xf32>
    %get3A_59 = arith.constant 0 : index
    %get3A_60 = arith.constant 4900 : index
    %get3A_61 = vector.load %arg11[%get3A_59, %get3A_60] : memref<512x5600xf32, #tpu.memory_space<vmem>>, vector<64x700xf32>
    %broadcast_in_dim3A_62 = arith.constant 0.000000e+00 : f32
    %broadcast_in_dim3A_63 = vector.broadcast %broadcast_in_dim3A_62 : f32 to vector<64x1xf32>
    %slice3A_64 = vector.extract_strided_slice %get3A_61 {offsets = [0, 0], sizes = [64, 699], strides = [1, 1]} : vector<64x700xf32> to vector<64x699xf32>
    %concatenate3A = tpu.concatenate %broadcast_in_dim3A_63, %slice3A_64 in 1 : vector<64x1xf32>, vector<64x699xf32> -> vector<64x700xf32>
    %get3A_65 = arith.constant 1 : index
    %get3A_66 = arith.constant 0 : index
    %get3A_67 = arith.constant 0 : index
    %get3A_68 = vector.load %arg7[%get3A_65, %get3A_66, %get3A_67] : memref<3x64x192xf32, #tpu.memory_space<vmem>>, vector<1x64x192xf32>
    %get3A_69 = vector.shape_cast %get3A_68 : vector<1x64x192xf32> to vector<64x192xf32>
    %concatenate3A_70 = tpu.concatenate %concatenate3A, %get3A_55, %get3A_58 in 0 : vector<64x700xf32>, vector<64x700xf32>, vector<64x700xf32> -> vector<192x700xf32>
    %dot_general3A_71 = arith.constant dense<0.000000e+00> : vector<64x700xf32>
    %dot_general3A_72 = tpu.matmul %get3A_69, %concatenate3A_70, %dot_general3A_71 {dimension_numbers = #tpu.dot_dimension_numbers<[1], [0], [0], [1], [0, 0, 1, 1], [], []>, transpose_lhs_hint = false} : vector<64x192xf32>, vector<192x700xf32>, vector<64x700xf32> -> vector<64x700xf32>
    %add3A_73 = arith.addf %broadcast_in_dim3A_52, %dot_general3A_72 : vector<64x700xf32>
    %get3A_74 = arith.constant 64 : index
    %get3A_75 = arith.constant 0 : index
    %get3A_76 = vector.load %arg11[%get3A_74, %get3A_75] : memref<512x5600xf32, #tpu.memory_space<vmem>>, vector<64x700xf32>
    %get3A_77 = arith.constant 64 : index
    %get3A_78 = arith.constant 700 : index
    %get3A_79 = vector.load %arg11[%get3A_77, %get3A_78] : memref<512x5600xf32, #tpu.memory_space<vmem>>, vector<64x700xf32>
    %get3A_80 = arith.constant 64 : index
    %get3A_81 = arith.constant 4900 : index
    %get3A_82 = vector.load %arg11[%get3A_80, %get3A_81] : memref<512x5600xf32, #tpu.memory_space<vmem>>, vector<64x700xf32>
    %broadcast_in_dim3A_83 = arith.constant 0.000000e+00 : f32
    %broadcast_in_dim3A_84 = vector.broadcast %broadcast_in_dim3A_83 : f32 to vector<64x1xf32>
    %slice3A_85 = vector.extract_strided_slice %get3A_82 {offsets = [0, 0], sizes = [64, 699], strides = [1, 1]} : vector<64x700xf32> to vector<64x699xf32>
    %concatenate3A_86 = tpu.concatenate %broadcast_in_dim3A_84, %slice3A_85 in 1 : vector<64x1xf32>, vector<64x699xf32> -> vector<64x700xf32>
    %get3A_87 = arith.constant 2 : index
    %get3A_88 = arith.constant 0 : index
    %get3A_89 = arith.constant 0 : index
    %get3A_90 = vector.load %arg7[%get3A_87, %get3A_88, %get3A_89] : memref<3x64x192xf32, #tpu.memory_space<vmem>>, vector<1x64x192xf32>
    %get3A_91 = vector.shape_cast %get3A_90 : vector<1x64x192xf32> to vector<64x192xf32>
    %concatenate3A_92 = tpu.concatenate %concatenate3A_86, %get3A_76, %get3A_79 in 0 : vector<64x700xf32>, vector<64x700xf32>, vector<64x700xf32> -> vector<192x700xf32>
    %dot_general3A_93 = arith.constant dense<0.000000e+00> : vector<64x700xf32>
    %dot_general3A_94 = tpu.matmul %get3A_91, %concatenate3A_92, %dot_general3A_93 {dimension_numbers = #tpu.dot_dimension_numbers<[1], [0], [0], [1], [0, 0, 1, 1], [], []>, transpose_lhs_hint = false} : vector<64x192xf32>, vector<192x700xf32>, vector<64x700xf32> -> vector<64x700xf32>
    %add3A_95 = arith.addf %add3A_73, %dot_general3A_94 : vector<64x700xf32>
    %max3A_96 = arith.constant 0.000000e+00 : f32
    %max3A_97 = vector.broadcast %max3A_96 : f32 to vector<64x700xf32>
    %max3A_98 = arith.maximumf %add3A_95, %max3A_97 : vector<64x700xf32>
    %swap3A_99 = arith.constant 0 : index
    %swap3A_100 = arith.constant 0 : index
    %swap3A_101 = arith.constant 0 : index
    %swap3A_102 = arith.constant 0 : index
    %swap3A_103 = vector.load %arg9[%swap3A_99, %swap3A_100, %swap3A_101, %swap3A_102] : memref<1x64x4x2800xf32, #tpu.memory_space<vmem>>, vector<1x64x1x700xf32>
    %swap3A_104 = vector.shape_cast %swap3A_103 : vector<1x64x1x700xf32> to vector<64x700xf32>
    %swap3A_105 = vector.shape_cast %max3A_98 : vector<64x700xf32> to vector<1x64x1x700xf32>
    tpu.vector_store %arg9[%swap3A_99, %swap3A_100, %swap3A_101, %swap3A_102], %swap3A_105 {strides = array<i32>} : memref<1x64x4x2800xf32, #tpu.memory_space<vmem>>, vector<1x64x1x700xf32>,
    %broadcast_in_dim3A_106 = vector.shape_cast %get3A_51 : vector<64x1xf32> to vector<64x1xf32>
    %broadcast_in_dim3A_107 = vector.broadcast %broadcast_in_dim3A_106 : vector<64x1xf32> to vector<64x700xf32>
    %get3A_108 = arith.constant 0 : index
    %get3A_109 = arith.constant 700 : index
    %get3A_110 = vector.load %arg11[%get3A_108, %get3A_109] : memref<512x5600xf32, #tpu.memory_space<vmem>>, vector<64x700xf32>
    %get3A_111 = arith.constant 0 : index
    %get3A_112 = arith.constant 1400 : index
    %get3A_113 = vector.load %arg11[%get3A_111, %get3A_112] : memref<512x5600xf32, #tpu.memory_space<vmem>>, vector<64x700xf32>
    %get3A_114 = arith.constant 0 : index
    %get3A_115 = arith.constant 2100 : index
    %get3A_116 = vector.load %arg11[%get3A_114, %get3A_115] : memref<512x5600xf32, #tpu.memory_space<vmem>>, vector<64x700xf32>
    %get3A_117 = arith.constant 1 : index
    %get3A_118 = arith.constant 0 : index
    %get3A_119 = arith.constant 0 : index
    %get3A_120 = vector.load %arg7[%get3A_117, %get3A_118, %get3A_119] : memref<3x64x192xf32, #tpu.memory_space<vmem>>, vector<1x64x192xf32>
    %get3A_121 = vector.shape_cast %get3A_120 : vector<1x64x192xf32> to vector<64x192xf32>
    %concatenate3A_122 = tpu.concatenate %get3A_110, %get3A_113, %get3A_116 in 0 : vector<64x700xf32>, vector<64x700xf32>, vector<64x700xf32> -> vector<192x700xf32>
    %dot_general3A_123 = arith.constant dense<0.000000e+00> : vector<64x700xf32>
    %dot_general3A_124 = tpu.matmul %get3A_121, %concatenate3A_122, %dot_general3A_123 {dimension_numbers = #tpu.dot_dimension_numbers<[1], [0], [0], [1], [0, 0, 1, 1], [], []>, transpose_lhs_hint = false} : vector<64x192xf32>, vector<192x700xf32>, vector<64x700xf32> -> vector<64x700xf32>
    %add3A_125 = arith.addf %broadcast_in_dim3A_107, %dot_general3A_124 : vector<64x700xf32>
    %get3A_126 = arith.constant 64 : index
    %get3A_127 = arith.constant 700 : index
    %get3A_128 = vector.load %arg11[%get3A_126, %get3A_127] : memref<512x5600xf32, #tpu.memory_space<vmem>>, vector<64x700xf32>
    %get3A_129 = arith.constant 64 : index
    %get3A_130 = arith.constant 1400 : index
    %get3A_131 = vector.load %arg11[%get3A_129, %get3A_130] : memref<512x5600xf32, #tpu.memory_space<vmem>>, vector<64x700xf32>
    %get3A_132 = arith.constant 64 : index
    %get3A_133 = arith.constant 2100 : index
    %get3A_134 = vector.load %arg11[%get3A_132, %get3A_133] : memref<512x5600xf32, #tpu.memory_space<vmem>>, vector<64x700xf32>
    %get3A_135 = arith.constant 2 : index
    %get3A_136 = arith.constant 0 : index
    %get3A_137 = arith.constant 0 : index
    %get3A_138 = vector.load %arg7[%get3A_135, %get3A_136, %get3A_137] : memref<3x64x192xf32, #tpu.memory_space<vmem>>, vector<1x64x192xf32>
    %get3A_139 = vector.shape_cast %get3A_138 : vector<1x64x192xf32> to vector<64x192xf32>
    %concatenate3A_140 = tpu.concatenate %get3A_128, %get3A_131, %get3A_134 in 0 : vector<64x700xf32>, vector<64x700xf32>, vector<64x700xf32> -> vector<192x700xf32>
    %dot_general3A_141 = arith.constant dense<0.000000e+00> : vector<64x700xf32>
    %dot_general3A_142 = tpu.matmul %get3A_139, %concatenate3A_140, %dot_general3A_141 {dimension_numbers = #tpu.dot_dimension_numbers<[1], [0], [0], [1], [0, 0, 1, 1], [], []>, transpose_lhs_hint = false} : vector<64x192xf32>, vector<192x700xf32>, vector<64x700xf32> -> vector<64x700xf32>
    %add3A_143 = arith.addf %add3A_125, %dot_general3A_142 : vector<64x700xf32>
    %max3A_144 = arith.constant 0.000000e+00 : f32
    %max3A_145 = vector.broadcast %max3A_144 : f32 to vector<64x700xf32>
    %max3A_146 = arith.maximumf %add3A_143, %max3A_145 : vector<64x700xf32>
    %swap3A_147 = arith.constant 0 : index
    %swap3A_148 = arith.constant 0 : index
    %swap3A_149 = arith.constant 0 : index
    %swap3A_150 = arith.constant 700 : index
    %swap3A_151 = vector.load %arg9[%swap3A_147, %swap3A_148, %swap3A_149, %swap3A_150] : memref<1x64x4x2800xf32, #tpu.memory_space<vmem>>, vector<1x64x1x700xf32>
    %swap3A_152 = vector.shape_cast %swap3A_151 : vector<1x64x1x700xf32> to vector<64x700xf32>
    %swap3A_153 = vector.shape_cast %max3A_146 : vector<64x700xf32> to vector<1x64x1x700xf32>
    tpu.vector_store %arg9[%swap3A_147, %swap3A_148, %swap3A_149, %swap3A_150], %swap3A_153 {strides = array<i32>} : memref<1x64x4x2800xf32, #tpu.memory_space<vmem>>, vector<1x64x1x700xf32>,
    %broadcast_in_dim3A_154 = vector.shape_cast %get3A_51 : vector<64x1xf32> to vector<64x1xf32>
    %broadcast_in_dim3A_155 = vector.broadcast %broadcast_in_dim3A_154 : vector<64x1xf32> to vector<64x700xf32>
    %get3A_156 = arith.constant 0 : index
    %get3A_157 = arith.constant 2100 : index
    %get3A_158 = vector.load %arg11[%get3A_156, %get3A_157] : memref<512x5600xf32, #tpu.memory_space<vmem>>, vector<64x700xf32>
    %get3A_159 = arith.constant 0 : index
    %get3A_160 = arith.constant 2800 : index
    %get3A_161 = vector.load %arg11[%get3A_159, %get3A_160] : memref<512x5600xf32, #tpu.memory_space<vmem>>, vector<64x700xf32>
    %get3A_162 = arith.constant 0 : index
    %get3A_163 = arith.constant 3500 : index
    %get3A_164 = vector.load %arg11[%get3A_162, %get3A_163] : memref<512x5600xf32, #tpu.memory_space<vmem>>, vector<64x700xf32>
    %get3A_165 = arith.constant 1 : index
    %get3A_166 = arith.constant 0 : index
    %get3A_167 = arith.constant 0 : index
    %get3A_168 = vector.load %arg7[%get3A_165, %get3A_166, %get3A_167] : memref<3x64x192xf32, #tpu.memory_space<vmem>>, vector<1x64x192xf32>
    %get3A_169 = vector.shape_cast %get3A_168 : vector<1x64x192xf32> to vector<64x192xf32>
    %concatenate3A_170 = tpu.concatenate %get3A_158, %get3A_161, %get3A_164 in 0 : vector<64x700xf32>, vector<64x700xf32>, vector<64x700xf32> -> vector<192x700xf32>
    %dot_general3A_171 = arith.constant dense<0.000000e+00> : vector<64x700xf32>
    %dot_general3A_172 = tpu.matmul %get3A_169, %concatenate3A_170, %dot_general3A_171 {dimension_numbers = #tpu.dot_dimension_numbers<[1], [0], [0], [1], [0, 0, 1, 1], [], []>, transpose_lhs_hint = false} : vector<64x192xf32>, vector<192x700xf32>, vector<64x700xf32> -> vector<64x700xf32>
    %add3A_173 = arith.addf %broadcast_in_dim3A_155, %dot_general3A_172 : vector<64x700xf32>
    %get3A_174 = arith.constant 64 : index
    %get3A_175 = arith.constant 2100 : index
    %get3A_176 = vector.load %arg11[%get3A_174, %get3A_175] : memref<512x5600xf32, #tpu.memory_space<vmem>>, vector<64x700xf32>
    %get3A_177 = arith.constant 64 : index
    %get3A_178 = arith.constant 2800 : index
    %get3A_179 = vector.load %arg11[%get3A_177, %get3A_178] : memref<512x5600xf32, #tpu.memory_space<vmem>>, vector<64x700xf32>
    %get3A_180 = arith.constant 64 : index
    %get3A_181 = arith.constant 3500 : index
    %get3A_182 = vector.load %arg11[%get3A_180, %get3A_181] : memref<512x5600xf32, #tpu.memory_space<vmem>>, vector<64x700xf32>
    %get3A_183 = arith.constant 2 : index
    %get3A_184 = arith.constant 0 : index
    %get3A_185 = arith.constant 0 : index
    %get3A_186 = vector.load %arg7[%get3A_183, %get3A_184, %get3A_185] : memref<3x64x192xf32, #tpu.memory_space<vmem>>, vector<1x64x192xf32>
    %get3A_187 = vector.shape_cast %get3A_186 : vector<1x64x192xf32> to vector<64x192xf32>
    %concatenate3A_188 = tpu.concatenate %get3A_176, %get3A_179, %get3A_182 in 0 : vector<64x700xf32>, vector<64x700xf32>, vector<64x700xf32> -> vector<192x700xf32>
    %dot_general3A_189 = arith.constant dense<0.000000e+00> : vector<64x700xf32>
    %dot_general3A_190 = tpu.matmul %get3A_187, %concatenate3A_188, %dot_general3A_189 {dimension_numbers = #tpu.dot_dimension_numbers<[1], [0], [0], [1], [0, 0, 1, 1], [], []>, transpose_lhs_hint = false} : vector<64x192xf32>, vector<192x700xf32>, vector<64x700xf32> -> vector<64x700xf32>
    %add3A_191 = arith.addf %add3A_173, %dot_general3A_190 : vector<64x700xf32>
    %max3A_192 = arith.constant 0.000000e+00 : f32
    %max3A_193 = vector.broadcast %max3A_192 : f32 to vector<64x700xf32>
    %max3A_194 = arith.maximumf %add3A_191, %max3A_193 : vector<64x700xf32>
    %swap3A_195 = arith.constant 0 : index
    %swap3A_196 = arith.constant 0 : index
    %swap3A_197 = arith.constant 0 : index
    %swap3A_198 = arith.constant 1400 : index
    %swap3A_199 = vector.load %arg9[%swap3A_195, %swap3A_196, %swap3A_197, %swap3A_198] : memref<1x64x4x2800xf32, #tpu.memory_space<vmem>>, vector<1x64x1x700xf32>
    %swap3A_200 = vector.shape_cast %swap3A_199 : vector<1x64x1x700xf32> to vector<64x700xf32>
    %swap3A_201 = vector.shape_cast %max3A_194 : vector<64x700xf32> to vector<1x64x1x700xf32>
    tpu.vector_store %arg9[%swap3A_195, %swap3A_196, %swap3A_197, %swap3A_198], %swap3A_201 {strides = array<i32>} : memref<1x64x4x2800xf32, #tpu.memory_space<vmem>>, vector<1x64x1x700xf32>,
    %broadcast_in_dim3A_202 = vector.shape_cast %get3A_51 : vector<64x1xf32> to vector<64x1xf32>
    %broadcast_in_dim3A_203 = vector.broadcast %broadcast_in_dim3A_202 : vector<64x1xf32> to vector<64x700xf32>
    %get3A_204 = arith.constant 0 : index
    %get3A_205 = arith.constant 3500 : index
    %get3A_206 = vector.load %arg11[%get3A_204, %get3A_205] : memref<512x5600xf32, #tpu.memory_space<vmem>>, vector<64x700xf32>
    %get3A_207 = arith.constant 0 : index
    %get3A_208 = arith.constant 4200 : index
    %get3A_209 = vector.load %arg11[%get3A_207, %get3A_208] : memref<512x5600xf32, #tpu.memory_space<vmem>>, vector<64x700xf32>
    %get3A_210 = arith.constant 0 : index
    %get3A_211 = arith.constant 4900 : index
    %get3A_212 = vector.load %arg11[%get3A_210, %get3A_211] : memref<512x5600xf32, #tpu.memory_space<vmem>>, vector<64x700xf32>
    %get3A_213 = arith.constant 1 : index
    %get3A_214 = arith.constant 0 : index
    %get3A_215 = arith.constant 0 : index
    %get3A_216 = vector.load %arg7[%get3A_213, %get3A_214, %get3A_215] : memref<3x64x192xf32, #tpu.memory_space<vmem>>, vector<1x64x192xf32>
    %get3A_217 = vector.shape_cast %get3A_216 : vector<1x64x192xf32> to vector<64x192xf32>
    %concatenate3A_218 = tpu.concatenate %get3A_206, %get3A_209, %get3A_212 in 0 : vector<64x700xf32>, vector<64x700xf32>, vector<64x700xf32> -> vector<192x700xf32>
    %dot_general3A_219 = arith.constant dense<0.000000e+00> : vector<64x700xf32>
    %dot_general3A_220 = tpu.matmul %get3A_217, %concatenate3A_218, %dot_general3A_219 {dimension_numbers = #tpu.dot_dimension_numbers<[1], [0], [0], [1], [0, 0, 1, 1], [], []>, transpose_lhs_hint = false} : vector<64x192xf32>, vector<192x700xf32>, vector<64x700xf32> -> vector<64x700xf32>
    %add3A_221 = arith.addf %broadcast_in_dim3A_203, %dot_general3A_220 : vector<64x700xf32>
    %get3A_222 = arith.constant 64 : index
    %get3A_223 = arith.constant 3500 : index
    %get3A_224 = vector.load %arg11[%get3A_222, %get3A_223] : memref<512x5600xf32, #tpu.memory_space<vmem>>, vector<64x700xf32>
    %get3A_225 = arith.constant 64 : index
    %get3A_226 = arith.constant 4200 : index
    %get3A_227 = vector.load %arg11[%get3A_225, %get3A_226] : memref<512x5600xf32, #tpu.memory_space<vmem>>, vector<64x700xf32>
    %get3A_228 = arith.constant 64 : index
    %get3A_229 = arith.constant 4900 : index
    %get3A_230 = vector.load %arg11[%get3A_228, %get3A_229] : memref<512x5600xf32, #tpu.memory_space<vmem>>, vector<64x700xf32>
    %get3A_231 = arith.constant 2 : index
    %get3A_232 = arith.constant 0 : index
    %get3A_233 = arith.constant 0 : index
    %get3A_234 = vector.load %arg7[%get3A_231, %get3A_232, %get3A_233] : memref<3x64x192xf32, #tpu.memory_space<vmem>>, vector<1x64x192xf32>
    %get3A_235 = vector.shape_cast %get3A_234 : vector<1x64x192xf32> to vector<64x192xf32>
    %concatenate3A_236 = tpu.concatenate %get3A_224, %get3A_227, %get3A_230 in 0 : vector<64x700xf32>, vector<64x700xf32>, vector<64x700xf32> -> vector<192x700xf32>
    %dot_general3A_237 = arith.constant dense<0.000000e+00> : vector<64x700xf32>
    %dot_general3A_238 = tpu.matmul %get3A_235, %concatenate3A_236, %dot_general3A_237 {dimension_numbers = #tpu.dot_dimension_numbers<[1], [0], [0], [1], [0, 0, 1, 1], [], []>, transpose_lhs_hint = false} : vector<64x192xf32>, vector<192x700xf32>, vector<64x700xf32> -> vector<64x700xf32>
    %add3A_239 = arith.addf %add3A_221, %dot_general3A_238 : vector<64x700xf32>
    %max3A_240 = arith.constant 0.000000e+00 : f32
    %max3A_241 = vector.broadcast %max3A_240 : f32 to vector<64x700xf32>
    %max3A_242 = arith.maximumf %add3A_239, %max3A_241 : vector<64x700xf32>
    %swap3A_243 = arith.constant 0 : index
    %swap3A_244 = arith.constant 0 : index
    %swap3A_245 = arith.constant 0 : index
    %swap3A_246 = arith.constant 2100 : index
    %swap3A_247 = vector.load %arg9[%swap3A_243, %swap3A_244, %swap3A_245, %swap3A_246] : memref<1x64x4x2800xf32, #tpu.memory_space<vmem>>, vector<1x64x1x700xf32>
    %swap3A_248 = vector.shape_cast %swap3A_247 : vector<1x64x1x700xf32> to vector<64x700xf32>
    %swap3A_249 = vector.shape_cast %max3A_242 : vector<64x700xf32> to vector<1x64x1x700xf32>
    tpu.vector_store %arg9[%swap3A_243, %swap3A_244, %swap3A_245, %swap3A_246], %swap3A_249 {strides = array<i32>} : memref<1x64x4x2800xf32, #tpu.memory_space<vmem>>, vector<1x64x1x700xf32>,
    %broadcast_in_dim3A_250 = vector.shape_cast %get3A_51 : vector<64x1xf32> to vector<64x1xf32>
    %broadcast_in_dim3A_251 = vector.broadcast %broadcast_in_dim3A_250 : vector<64x1xf32> to vector<64x700xf32>
    %get3A_252 = arith.constant 64 : index
    %get3A_253 = arith.constant 0 : index
    %get3A_254 = vector.load %arg11[%get3A_252, %get3A_253] : memref<512x5600xf32, #tpu.memory_space<vmem>>, vector<64x700xf32>
    %get3A_255 = arith.constant 64 : index
    %get3A_256 = arith.constant 700 : index
    %get3A_257 = vector.load %arg11[%get3A_255, %get3A_256] : memref<512x5600xf32, #tpu.memory_space<vmem>>, vector<64x700xf32>
    %get3A_258 = arith.constant 64 : index
    %get3A_259 = arith.constant 4900 : index
    %get3A_260 = vector.load %arg11[%get3A_258, %get3A_259] : memref<512x5600xf32, #tpu.memory_space<vmem>>, vector<64x700xf32>
    %broadcast_in_dim3A_261 = arith.constant 0.000000e+00 : f32
    %broadcast_in_dim3A_262 = vector.broadcast %broadcast_in_dim3A_261 : f32 to vector<64x1xf32>
    %slice3A_263 = vector.extract_strided_slice %get3A_260 {offsets = [0, 0], sizes = [64, 699], strides = [1, 1]} : vector<64x700xf32> to vector<64x699xf32>
    %concatenate3A_264 = tpu.concatenate %broadcast_in_dim3A_262, %slice3A_263 in 1 : vector<64x1xf32>, vector<64x699xf32> -> vector<64x700xf32>
    %get3A_265 = arith.constant 0 : index
    %get3A_266 = arith.constant 0 : index
    %get3A_267 = arith.constant 0 : index
    %get3A_268 = vector.load %arg7[%get3A_265, %get3A_266, %get3A_267] : memref<3x64x192xf32, #tpu.memory_space<vmem>>, vector<1x64x192xf32>
    %get3A_269 = vector.shape_cast %get3A_268 : vector<1x64x192xf32> to vector<64x192xf32>
    %concatenate3A_270 = tpu.concatenate %concatenate3A_264, %get3A_254, %get3A_257 in 0 : vector<64x700xf32>, vector<64x700xf32>, vector<64x700xf32> -> vector<192x700xf32>
    %dot_general3A_271 = arith.constant dense<0.000000e+00> : vector<64x700xf32>
    %dot_general3A_272 = tpu.matmul %get3A_269, %concatenate3A_270, %dot_general3A_271 {dimension_numbers = #tpu.dot_dimension_numbers<[1], [0], [0], [1], [0, 0, 1, 1], [], []>, transpose_lhs_hint = false} : vector<64x192xf32>, vector<192x700xf32>, vector<64x700xf32> -> vector<64x700xf32>
    %add3A_273 = arith.addf %broadcast_in_dim3A_251, %dot_general3A_272 : vector<64x700xf32>
    %get3A_274 = arith.constant 128 : index
    %get3A_275 = arith.constant 0 : index
    %get3A_276 = vector.load %arg11[%get3A_274, %get3A_275] : memref<512x5600xf32, #tpu.memory_space<vmem>>, vector<64x700xf32>
    %get3A_277 = arith.constant 128 : index
    %get3A_278 = arith.constant 700 : index
    %get3A_279 = vector.load %arg11[%get3A_277, %get3A_278] : memref<512x5600xf32, #tpu.memory_space<vmem>>, vector<64x700xf32>
    %get3A_280 = arith.constant 128 : index
    %get3A_281 = arith.constant 4900 : index
    %get3A_282 = vector.load %arg11[%get3A_280, %get3A_281] : memref<512x5600xf32, #tpu.memory_space<vmem>>, vector<64x700xf32>
    %broadcast_in_dim3A_283 = arith.constant 0.000000e+00 : f32
    %broadcast_in_dim3A_284 = vector.broadcast %broadcast_in_dim3A_283 : f32 to vector<64x1xf32>
    %slice3A_285 = vector.extract_strided_slice %get3A_282 {offsets = [0, 0], sizes = [64, 699], strides = [1, 1]} : vector<64x700xf32> to vector<64x699xf32>
    %concatenate3A_286 = tpu.concatenate %broadcast_in_dim3A_284, %slice3A_285 in 1 : vector<64x1xf32>, vector<64x699xf32> -> vector<64x700xf32>
    %get3A_287 = arith.constant 1 : index
    %get3A_288 = arith.constant 0 : index
    %get3A_289 = arith.constant 0 : index
    %get3A_290 = vector.load %arg7[%get3A_287, %get3A_288, %get3A_289] : memref<3x64x192xf32, #tpu.memory_space<vmem>>, vector<1x64x192xf32>
    %get3A_291 = vector.shape_cast %get3A_290 : vector<1x64x192xf32> to vector<64x192xf32>
    %concatenate3A_292 = tpu.concatenate %concatenate3A_286, %get3A_276, %get3A_279 in 0 : vector<64x700xf32>, vector<64x700xf32>, vector<64x700xf32> -> vector<192x700xf32>
    %dot_general3A_293 = arith.constant dense<0.000000e+00> : vector<64x700xf32>
    %dot_general3A_294 = tpu.matmul %get3A_291, %concatenate3A_292, %dot_general3A_293 {dimension_numbers = #tpu.dot_dimension_numbers<[1], [0], [0], [1], [0, 0, 1, 1], [], []>, transpose_lhs_hint = false} : vector<64x192xf32>, vector<192x700xf32>, vector<64x700xf32> -> vector<64x700xf32>
    %add3A_295 = arith.addf %add3A_273, %dot_general3A_294 : vector<64x700xf32>
    %get3A_296 = arith.constant 192 : index
    %get3A_297 = arith.constant 0 : index
    %get3A_298 = vector.load %arg11[%get3A_296, %get3A_297] : memref<512x5600xf32, #tpu.memory_space<vmem>>, vector<64x700xf32>
    %get3A_299 = arith.constant 192 : index
    %get3A_300 = arith.constant 700 : index
    %get3A_301 = vector.load %arg11[%get3A_299, %get3A_300] : memref<512x5600xf32, #tpu.memory_space<vmem>>, vector<64x700xf32>
    %get3A_302 = arith.constant 192 : index
    %get3A_303 = arith.constant 4900 : index
    %get3A_304 = vector.load %arg11[%get3A_302, %get3A_303] : memref<512x5600xf32, #tpu.memory_space<vmem>>, vector<64x700xf32>
    %broadcast_in_dim3A_305 = arith.constant 0.000000e+00 : f32
    %broadcast_in_dim3A_306 = vector.broadcast %broadcast_in_dim3A_305 : f32 to vector<64x1xf32>
    %slice3A_307 = vector.extract_strided_slice %get3A_304 {offsets = [0, 0], sizes = [64, 699], strides = [1, 1]} : vector<64x700xf32> to vector<64x699xf32>
    %concatenate3A_308 = tpu.concatenate %broadcast_in_dim3A_306, %slice3A_307 in 1 : vector<64x1xf32>, vector<64x699xf32> -> vector<64x700xf32>
    %get3A_309 = arith.constant 2 : index
    %get3A_310 = arith.constant 0 : index
    %get3A_311 = arith.constant 0 : index
    %get3A_312 = vector.load %arg7[%get3A_309, %get3A_310, %get3A_311] : memref<3x64x192xf32, #tpu.memory_space<vmem>>, vector<1x64x192xf32>
    %get3A_313 = vector.shape_cast %get3A_312 : vector<1x64x192xf32> to vector<64x192xf32>
    %concatenate3A_314 = tpu.concatenate %concatenate3A_308, %get3A_298, %get3A_301 in 0 : vector<64x700xf32>, vector<64x700xf32>, vector<64x700xf32> -> vector<192x700xf32>
    %dot_general3A_315 = arith.constant dense<0.000000e+00> : vector<64x700xf32>
    %dot_general3A_316 = tpu.matmul %get3A_313, %concatenate3A_314, %dot_general3A_315 {dimension_numbers = #tpu.dot_dimension_numbers<[1], [0], [0], [1], [0, 0, 1, 1], [], []>, transpose_lhs_hint = false} : vector<64x192xf32>, vector<192x700xf32>, vector<64x700xf32> -> vector<64x700xf32>
    %add3A_317 = arith.addf %add3A_295, %dot_general3A_316 : vector<64x700xf32>
    %max3A_318 = arith.constant 0.000000e+00 : f32
    %max3A_319 = vector.broadcast %max3A_318 : f32 to vector<64x700xf32>
    %max3A_320 = arith.maximumf %add3A_317, %max3A_319 : vector<64x700xf32>
    %swap3A_321 = arith.constant 0 : index
    %swap3A_322 = arith.constant 0 : index
    %swap3A_323 = arith.constant 1 : index
    %swap3A_324 = arith.constant 0 : index
    %swap3A_325 = vector.load %arg9[%swap3A_321, %swap3A_322, %swap3A_323, %swap3A_324] : memref<1x64x4x2800xf32, #tpu.memory_space<vmem>>, vector<1x64x1x700xf32>
    %swap3A_326 = vector.shape_cast %swap3A_325 : vector<1x64x1x700xf32> to vector<64x700xf32>
    %swap3A_327 = vector.shape_cast %max3A_320 : vector<64x700xf32> to vector<1x64x1x700xf32>
    tpu.vector_store %arg9[%swap3A_321, %swap3A_322, %swap3A_323, %swap3A_324], %swap3A_327 {strides = array<i32>} : memref<1x64x4x2800xf32, #tpu.memory_space<vmem>>, vector<1x64x1x700xf32>,
    %broadcast_in_dim3A_328 = vector.shape_cast %get3A_51 : vector<64x1xf32> to vector<64x1xf32>
    %broadcast_in_dim3A_329 = vector.broadcast %broadcast_in_dim3A_328 : vector<64x1xf32> to vector<64x700xf32>
    %get3A_330 = arith.constant 64 : index
    %get3A_331 = arith.constant 700 : index
    %get3A_332 = vector.load %arg11[%get3A_330, %get3A_331] : memref<512x5600xf32, #tpu.memory_space<vmem>>, vector<64x700xf32>
    %get3A_333 = arith.constant 64 : index
    %get3A_334 = arith.constant 1400 : index
    %get3A_335 = vector.load %arg11[%get3A_333, %get3A_334] : memref<512x5600xf32, #tpu.memory_space<vmem>>, vector<64x700xf32>
    %get3A_336 = arith.constant 64 : index
    %get3A_337 = arith.constant 2100 : index
    %get3A_338 = vector.load %arg11[%get3A_336, %get3A_337] : memref<512x5600xf32, #tpu.memory_space<vmem>>, vector<64x700xf32>
    %get3A_339 = arith.constant 0 : index
    %get3A_340 = arith.constant 0 : index
    %get3A_341 = arith.constant 0 : index
    %get3A_342 = vector.load %arg7[%get3A_339, %get3A_340, %get3A_341] : memref<3x64x192xf32, #tpu.memory_space<vmem>>, vector<1x64x192xf32>
    %get3A_343 = vector.shape_cast %get3A_342 : vector<1x64x192xf32> to vector<64x192xf32>
    %concatenate3A_344 = tpu.concatenate %get3A_332, %get3A_335, %get3A_338 in 0 : vector<64x700xf32>, vector<64x700xf32>, vector<64x700xf32> -> vector<192x700xf32>
    %dot_general3A_345 = arith.constant dense<0.000000e+00> : vector<64x700xf32>
    %dot_general3A_346 = tpu.matmul %get3A_343, %concatenate3A_344, %dot_general3A_345 {dimension_numbers = #tpu.dot_dimension_numbers<[1], [0], [0], [1], [0, 0, 1, 1], [], []>, transpose_lhs_hint = false} : vector<64x192xf32>, vector<192x700xf32>, vector<64x700xf32> -> vector<64x700xf32>
    %add3A_347 = arith.addf %broadcast_in_dim3A_329, %dot_general3A_346 : vector<64x700xf32>
    %get3A_348 = arith.constant 128 : index
    %get3A_349 = arith.constant 700 : index
    %get3A_350 = vector.load %arg11[%get3A_348, %get3A_349] : memref<512x5600xf32, #tpu.memory_space<vmem>>, vector<64x700xf32>
    %get3A_351 = arith.constant 128 : index
    %get3A_352 = arith.constant 1400 : index
    %get3A_353 = vector.load %arg11[%get3A_351, %get3A_352] : memref<512x5600xf32, #tpu.memory_space<vmem>>, vector<64x700xf32>
    %get3A_354 = arith.constant 128 : index
    %get3A_355 = arith.constant 2100 : index
    %get3A_356 = vector.load %arg11[%get3A_354, %get3A_355] : memref<512x5600xf32, #tpu.memory_space<vmem>>, vector<64x700xf32>
    %get3A_357 = arith.constant 1 : index
    %get3A_358 = arith.constant 0 : index
    %get3A_359 = arith.constant 0 : index
    %get3A_360 = vector.load %arg7[%get3A_357, %get3A_358, %get3A_359] : memref<3x64x192xf32, #tpu.memory_space<vmem>>, vector<1x64x192xf32>
    %get3A_361 = vector.shape_cast %get3A_360 : vector<1x64x192xf32> to vector<64x192xf32>
    %concatenate3A_362 = tpu.concatenate %get3A_350, %get3A_353, %get3A_356 in 0 : vector<64x700xf32>, vector<64x700xf32>, vector<64x700xf32> -> vector<192x700xf32>
    %dot_general3A_363 = arith.constant dense<0.000000e+00> : vector<64x700xf32>
    %dot_general3A_364 = tpu.matmul %get3A_361, %concatenate3A_362, %dot_general3A_363 {dimension_numbers = #tpu.dot_dimension_numbers<[1], [0], [0], [1], [0, 0, 1, 1], [], []>, transpose_lhs_hint = false} : vector<64x192xf32>, vector<192x700xf32>, vector<64x700xf32> -> vector<64x700xf32>
    %add3A_365 = arith.addf %add3A_347, %dot_general3A_364 : vector<64x700xf32>
    %get3A_366 = arith.constant 192 : index
    %get3A_367 = arith.constant 700 : index
    %get3A_368 = vector.load %arg11[%get3A_366, %get3A_367] : memref<512x5600xf32, #tpu.memory_space<vmem>>, vector<64x700xf32>
    %get3A_369 = arith.constant 192 : index
    %get3A_370 = arith.constant 1400 : index
    %get3A_371 = vector.load %arg11[%get3A_369, %get3A_370] : memref<512x5600xf32, #tpu.memory_space<vmem>>, vector<64x700xf32>
    %get3A_372 = arith.constant 192 : index
    %get3A_373 = arith.constant 2100 : index
    %get3A_374 = vector.load %arg11[%get3A_372, %get3A_373] : memref<512x5600xf32, #tpu.memory_space<vmem>>, vector<64x700xf32>
    %get3A_375 = arith.constant 2 : index
    %get3A_376 = arith.constant 0 : index
    %get3A_377 = arith.constant 0 : index
    %get3A_378 = vector.load %arg7[%get3A_375, %get3A_376, %get3A_377] : memref<3x64x192xf32, #tpu.memory_space<vmem>>, vector<1x64x192xf32>
    %get3A_379 = vector.shape_cast %get3A_378 : vector<1x64x192xf32> to vector<64x192xf32>
    %concatenate3A_380 = tpu.concatenate %get3A_368, %get3A_371, %get3A_374 in 0 : vector<64x700xf32>, vector<64x700xf32>, vector<64x700xf32> -> vector<192x700xf32>
    %dot_general3A_381 = arith.constant dense<0.000000e+00> : vector<64x700xf32>
    %dot_general3A_382 = tpu.matmul %get3A_379, %concatenate3A_380, %dot_general3A_381 {dimension_numbers = #tpu.dot_dimension_numbers<[1], [0], [0], [1], [0, 0, 1, 1], [], []>, transpose_lhs_hint = false} : vector<64x192xf32>, vector<192x700xf32>, vector<64x700xf32> -> vector<64x700xf32>
    %add3A_383 = arith.addf %add3A_365, %dot_general3A_382 : vector<64x700xf32>
    %max3A_384 = arith.constant 0.000000e+00 : f32
    %max3A_385 = vector.broadcast %max3A_384 : f32 to vector<64x700xf32>
    %max3A_386 = arith.maximumf %add3A_383, %max3A_385 : vector<64x700xf32>
    %swap3A_387 = arith.constant 0 : index
    %swap3A_388 = arith.constant 0 : index
    %swap3A_389 = arith.constant 1 : index
    %swap3A_390 = arith.constant 700 : index
    %swap3A_391 = vector.load %arg9[%swap3A_387, %swap3A_388, %swap3A_389, %swap3A_390] : memref<1x64x4x2800xf32, #tpu.memory_space<vmem>>, vector<1x64x1x700xf32>
    %swap3A_392 = vector.shape_cast %swap3A_391 : vector<1x64x1x700xf32> to vector<64x700xf32>
    %swap3A_393 = vector.shape_cast %max3A_386 : vector<64x700xf32> to vector<1x64x1x700xf32>
    tpu.vector_store %arg9[%swap3A_387, %swap3A_388, %swap3A_389, %swap3A_390], %swap3A_393 {strides = array<i32>} : memref<1x64x4x2800xf32, #tpu.memory_space<vmem>>, vector<1x64x1x700xf32>,
    %broadcast_in_dim3A_394 = vector.shape_cast %get3A_51 : vector<64x1xf32> to vector<64x1xf32>
    %broadcast_in_dim3A_395 = vector.broadcast %broadcast_in_dim3A_394 : vector<64x1xf32> to vector<64x700xf32>
    %get3A_396 = arith.constant 64 : index
    %get3A_397 = arith.constant 2100 : index
    %get3A_398 = vector.load %arg11[%get3A_396, %get3A_397] : memref<512x5600xf32, #tpu.memory_space<vmem>>, vector<64x700xf32>
    %get3A_399 = arith.constant 64 : index
    %get3A_400 = arith.constant 2800 : index
    %get3A_401 = vector.load %arg11[%get3A_399, %get3A_400] : memref<512x5600xf32, #tpu.memory_space<vmem>>, vector<64x700xf32>
    %get3A_402 = arith.constant 64 : index
    %get3A_403 = arith.constant 3500 : index
    %get3A_404 = vector.load %arg11[%get3A_402, %get3A_403] : memref<512x5600xf32, #tpu.memory_space<vmem>>, vector<64x700xf32>
    %get3A_405 = arith.constant 0 : index
    %get3A_406 = arith.constant 0 : index
    %get3A_407 = arith.constant 0 : index
    %get3A_408 = vector.load %arg7[%get3A_405, %get3A_406, %get3A_407] : memref<3x64x192xf32, #tpu.memory_space<vmem>>, vector<1x64x192xf32>
    %get3A_409 = vector.shape_cast %get3A_408 : vector<1x64x192xf32> to vector<64x192xf32>
    %concatenate3A_410 = tpu.concatenate %get3A_398, %get3A_401, %get3A_404 in 0 : vector<64x700xf32>, vector<64x700xf32>, vector<64x700xf32> -> vector<192x700xf32>
    %dot_general3A_411 = arith.constant dense<0.000000e+00> : vector<64x700xf32>
    %dot_general3A_412 = tpu.matmul %get3A_409, %concatenate3A_410, %dot_general3A_411 {dimension_numbers = #tpu.dot_dimension_numbers<[1], [0], [0], [1], [0, 0, 1, 1], [], []>, transpose_lhs_hint = false} : vector<64x192xf32>, vector<192x700xf32>, vector<64x700xf32> -> vector<64x700xf32>
    %add3A_413 = arith.addf %broadcast_in_dim3A_395, %dot_general3A_412 : vector<64x700xf32>
    %get3A_414 = arith.constant 128 : index
    %get3A_415 = arith.constant 2100 : index
    %get3A_416 = vector.load %arg11[%get3A_414, %get3A_415] : memref<512x5600xf32, #tpu.memory_space<vmem>>, vector<64x700xf32>
    %get3A_417 = arith.constant 128 : index
    %get3A_418 = arith.constant 2800 : index
    %get3A_419 = vector.load %arg11[%get3A_417, %get3A_418] : memref<512x5600xf32, #tpu.memory_space<vmem>>, vector<64x700xf32>
    %get3A_420 = arith.constant 128 : index
    %get3A_421 = arith.constant 3500 : index
    %get3A_422 = vector.load %arg11[%get3A_420, %get3A_421] : memref<512x5600xf32, #tpu.memory_space<vmem>>, vector<64x700xf32>
    %get3A_423 = arith.constant 1 : index
    %get3A_424 = arith.constant 0 : index
    %get3A_425 = arith.constant 0 : index
    %get3A_426 = vector.load %arg7[%get3A_423, %get3A_424, %get3A_425] : memref<3x64x192xf32, #tpu.memory_space<vmem>>, vector<1x64x192xf32>
    %get3A_427 = vector.shape_cast %get3A_426 : vector<1x64x192xf32> to vector<64x192xf32>
    %concatenate3A_428 = tpu.concatenate %get3A_416, %get3A_419, %get3A_422 in 0 : vector<64x700xf32>, vector<64x700xf32>, vector<64x700xf32> -> vector<192x700xf32>
    %dot_general3A_429 = arith.constant dense<0.000000e+00> : vector<64x700xf32>
    %dot_general3A_430 = tpu.matmul %get3A_427, %concatenate3A_428, %dot_general3A_429 {dimension_numbers = #tpu.dot_dimension_numbers<[1], [0], [0], [1], [0, 0, 1, 1], [], []>, transpose_lhs_hint = false} : vector<64x192xf32>, vector<192x700xf32>, vector<64x700xf32> -> vector<64x700xf32>
    %add3A_431 = arith.addf %add3A_413, %dot_general3A_430 : vector<64x700xf32>
    %get3A_432 = arith.constant 192 : index
    %get3A_433 = arith.constant 2100 : index
    %get3A_434 = vector.load %arg11[%get3A_432, %get3A_433] : memref<512x5600xf32, #tpu.memory_space<vmem>>, vector<64x700xf32>
    %get3A_435 = arith.constant 192 : index
    %get3A_436 = arith.constant 2800 : index
    %get3A_437 = vector.load %arg11[%get3A_435, %get3A_436] : memref<512x5600xf32, #tpu.memory_space<vmem>>, vector<64x700xf32>
    %get3A_438 = arith.constant 192 : index
    %get3A_439 = arith.constant 3500 : index
    %get3A_440 = vector.load %arg11[%get3A_438, %get3A_439] : memref<512x5600xf32, #tpu.memory_space<vmem>>, vector<64x700xf32>
    %get3A_441 = arith.constant 2 : index
    %get3A_442 = arith.constant 0 : index
    %get3A_443 = arith.constant 0 : index
    %get3A_444 = vector.load %arg7[%get3A_441, %get3A_442, %get3A_443] : memref<3x64x192xf32, #tpu.memory_space<vmem>>, vector<1x64x192xf32>
    %get3A_445 = vector.shape_cast %get3A_444 : vector<1x64x192xf32> to vector<64x192xf32>
    %concatenate3A_446 = tpu.concatenate %get3A_434, %get3A_437, %get3A_440 in 0 : vector<64x700xf32>, vector<64x700xf32>, vector<64x700xf32> -> vector<192x700xf32>
    %dot_general3A_447 = arith.constant dense<0.000000e+00> : vector<64x700xf32>
    %dot_general3A_448 = tpu.matmul %get3A_445, %concatenate3A_446, %dot_general3A_447 {dimension_numbers = #tpu.dot_dimension_numbers<[1], [0], [0], [1], [0, 0, 1, 1], [], []>, transpose_lhs_hint = false} : vector<64x192xf32>, vector<192x700xf32>, vector<64x700xf32> -> vector<64x700xf32>
    %add3A_449 = arith.addf %add3A_431, %dot_general3A_448 : vector<64x700xf32>
    %max3A_450 = arith.constant 0.000000e+00 : f32
    %max3A_451 = vector.broadcast %max3A_450 : f32 to vector<64x700xf32>
    %max3A_452 = arith.maximumf %add3A_449, %max3A_451 : vector<64x700xf32>
    %swap3A_453 = arith.constant 0 : index
    %swap3A_454 = arith.constant 0 : index
    %swap3A_455 = arith.constant 1 : index
    %swap3A_456 = arith.constant 1400 : index
    %swap3A_457 = vector.load %arg9[%swap3A_453, %swap3A_454, %swap3A_455, %swap3A_456] : memref<1x64x4x2800xf32, #tpu.memory_space<vmem>>, vector<1x64x1x700xf32>
    %swap3A_458 = vector.shape_cast %swap3A_457 : vector<1x64x1x700xf32> to vector<64x700xf32>
    %swap3A_459 = vector.shape_cast %max3A_452 : vector<64x700xf32> to vector<1x64x1x700xf32>
    tpu.vector_store %arg9[%swap3A_453, %swap3A_454, %swap3A_455, %swap3A_456], %swap3A_459 {strides = array<i32>} : memref<1x64x4x2800xf32, #tpu.memory_space<vmem>>, vector<1x64x1x700xf32>,
    %broadcast_in_dim3A_460 = vector.shape_cast %get3A_51 : vector<64x1xf32> to vector<64x1xf32>
    %broadcast_in_dim3A_461 = vector.broadcast %broadcast_in_dim3A_460 : vector<64x1xf32> to vector<64x700xf32>
    %get3A_462 = arith.constant 64 : index
    %get3A_463 = arith.constant 3500 : index
    %get3A_464 = vector.load %arg11[%get3A_462, %get3A_463] : memref<512x5600xf32, #tpu.memory_space<vmem>>, vector<64x700xf32>
    %get3A_465 = arith.constant 64 : index
    %get3A_466 = arith.constant 4200 : index
    %get3A_467 = vector.load %arg11[%get3A_465, %get3A_466] : memref<512x5600xf32, #tpu.memory_space<vmem>>, vector<64x700xf32>
    %get3A_468 = arith.constant 64 : index
    %get3A_469 = arith.constant 4900 : index
    %get3A_470 = vector.load %arg11[%get3A_468, %get3A_469] : memref<512x5600xf32, #tpu.memory_space<vmem>>, vector<64x700xf32>
    %get3A_471 = arith.constant 0 : index
    %get3A_472 = arith.constant 0 : index
    %get3A_473 = arith.constant 0 : index
    %get3A_474 = vector.load %arg7[%get3A_471, %get3A_472, %get3A_473] : memref<3x64x192xf32, #tpu.memory_space<vmem>>, vector<1x64x192xf32>
    %get3A_475 = vector.shape_cast %get3A_474 : vector<1x64x192xf32> to vector<64x192xf32>
    %concatenate3A_476 = tpu.concatenate %get3A_464, %get3A_467, %get3A_470 in 0 : vector<64x700xf32>, vector<64x700xf32>, vector<64x700xf32> -> vector<192x700xf32>
    %dot_general3A_477 = arith.constant dense<0.000000e+00> : vector<64x700xf32>
    %dot_general3A_478 = tpu.matmul %get3A_475, %concatenate3A_476, %dot_general3A_477 {dimension_numbers = #tpu.dot_dimension_numbers<[1], [0], [0], [1], [0, 0, 1, 1], [], []>, transpose_lhs_hint = false} : vector<64x192xf32>, vector<192x700xf32>, vector<64x700xf32> -> vector<64x700xf32>
    %add3A_479 = arith.addf %broadcast_in_dim3A_461, %dot_general3A_478 : vector<64x700xf32>
    %get3A_480 = arith.constant 128 : index
    %get3A_481 = arith.constant 3500 : index
    %get3A_482 = vector.load %arg11[%get3A_480, %get3A_481] : memref<512x5600xf32, #tpu.memory_space<vmem>>, vector<64x700xf32>
    %get3A_483 = arith.constant 128 : index
    %get3A_484 = arith.constant 4200 : index
    %get3A_485 = vector.load %arg11[%get3A_483, %get3A_484] : memref<512x5600xf32, #tpu.memory_space<vmem>>, vector<64x700xf32>
    %get3A_486 = arith.constant 128 : index
    %get3A_487 = arith.constant 4900 : index
    %get3A_488 = vector.load %arg11[%get3A_486, %get3A_487] : memref<512x5600xf32, #tpu.memory_space<vmem>>, vector<64x700xf32>
    %get3A_489 = arith.constant 1 : index
    %get3A_490 = arith.constant 0 : index
    %get3A_491 = arith.constant 0 : index
    %get3A_492 = vector.load %arg7[%get3A_489, %get3A_490, %get3A_491] : memref<3x64x192xf32, #tpu.memory_space<vmem>>, vector<1x64x192xf32>
    %get3A_493 = vector.shape_cast %get3A_492 : vector<1x64x192xf32> to vector<64x192xf32>
    %concatenate3A_494 = tpu.concatenate %get3A_482, %get3A_485, %get3A_488 in 0 : vector<64x700xf32>, vector<64x700xf32>, vector<64x700xf32> -> vector<192x700xf32>
    %dot_general3A_495 = arith.constant dense<0.000000e+00> : vector<64x700xf32>
    %dot_general3A_496 = tpu.matmul %get3A_493, %concatenate3A_494, %dot_general3A_495 {dimension_numbers = #tpu.dot_dimension_numbers<[1], [0], [0], [1], [0, 0, 1, 1], [], []>, transpose_lhs_hint = false} : vector<64x192xf32>, vector<192x700xf32>, vector<64x700xf32> -> vector<64x700xf32>
    %add3A_497 = arith.addf %add3A_479, %dot_general3A_496 : vector<64x700xf32>
    %get3A_498 = arith.constant 192 : index
    %get3A_499 = arith.constant 3500 : index
    %get3A_500 = vector.load %arg11[%get3A_498, %get3A_499] : memref<512x5600xf32, #tpu.memory_space<vmem>>, vector<64x700xf32>
    %get3A_501 = arith.constant 192 : index
    %get3A_502 = arith.constant 4200 : index
    %get3A_503 = vector.load %arg11[%get3A_501, %get3A_502] : memref<512x5600xf32, #tpu.memory_space<vmem>>, vector<64x700xf32>
    %get3A_504 = arith.constant 192 : index
    %get3A_505 = arith.constant 4900 : index
    %get3A_506 = vector.load %arg11[%get3A_504, %get3A_505] : memref<512x5600xf32, #tpu.memory_space<vmem>>, vector<64x700xf32>
    %get3A_507 = arith.constant 2 : index
    %get3A_508 = arith.constant 0 : index
    %get3A_509 = arith.constant 0 : index
    %get3A_510 = vector.load %arg7[%get3A_507, %get3A_508, %get3A_509] : memref<3x64x192xf32, #tpu.memory_space<vmem>>, vector<1x64x192xf32>
    %get3A_511 = vector.shape_cast %get3A_510 : vector<1x64x192xf32> to vector<64x192xf32>
    %concatenate3A_512 = tpu.concatenate %get3A_500, %get3A_503, %get3A_506 in 0 : vector<64x700xf32>, vector<64x700xf32>, vector<64x700xf32> -> vector<192x700xf32>
    %dot_general3A_513 = arith.constant dense<0.000000e+00> : vector<64x700xf32>
    %dot_general3A_514 = tpu.matmul %get3A_511, %concatenate3A_512, %dot_general3A_513 {dimension_numbers = #tpu.dot_dimension_numbers<[1], [0], [0], [1], [0, 0, 1, 1], [], []>, transpose_lhs_hint = false} : vector<64x192xf32>, vector<192x700xf32>, vector<64x700xf32> -> vector<64x700xf32>
    %add3A_515 = arith.addf %add3A_497, %dot_general3A_514 : vector<64x700xf32>
    %max3A_516 = arith.constant 0.000000e+00 : f32
    %max3A_517 = vector.broadcast %max3A_516 : f32 to vector<64x700xf32>
    %max3A_518 = arith.maximumf %add3A_515, %max3A_517 : vector<64x700xf32>
    %swap3A_519 = arith.constant 0 : index
    %swap3A_520 = arith.constant 0 : index
    %swap3A_521 = arith.constant 1 : index
    %swap3A_522 = arith.constant 2100 : index
    %swap3A_523 = vector.load %arg9[%swap3A_519, %swap3A_520, %swap3A_521, %swap3A_522] : memref<1x64x4x2800xf32, #tpu.memory_space<vmem>>, vector<1x64x1x700xf32>
    %swap3A_524 = vector.shape_cast %swap3A_523 : vector<1x64x1x700xf32> to vector<64x700xf32>
    %swap3A_525 = vector.shape_cast %max3A_518 : vector<64x700xf32> to vector<1x64x1x700xf32>
    tpu.vector_store %arg9[%swap3A_519, %swap3A_520, %swap3A_521, %swap3A_522], %swap3A_525 {strides = array<i32>} : memref<1x64x4x2800xf32, #tpu.memory_space<vmem>>, vector<1x64x1x700xf32>,
    %broadcast_in_dim3A_526 = vector.shape_cast %get3A_51 : vector<64x1xf32> to vector<64x1xf32>
    %broadcast_in_dim3A_527 = vector.broadcast %broadcast_in_dim3A_526 : vector<64x1xf32> to vector<64x700xf32>
    %get3A_528 = arith.constant 192 : index
    %get3A_529 = arith.constant 0 : index
    %get3A_530 = vector.load %arg11[%get3A_528, %get3A_529] : memref<512x5600xf32, #tpu.memory_space<vmem>>, vector<64x700xf32>
    %get3A_531 = arith.constant 192 : index
    %get3A_532 = arith.constant 700 : index
    %get3A_533 = vector.load %arg11[%get3A_531, %get3A_532] : memref<512x5600xf32, #tpu.memory_space<vmem>>, vector<64x700xf32>
    %get3A_534 = arith.constant 192 : index
    %get3A_535 = arith.constant 4900 : index
    %get3A_536 = vector.load %arg11[%get3A_534, %get3A_535] : memref<512x5600xf32, #tpu.memory_space<vmem>>, vector<64x700xf32>
    %broadcast_in_dim3A_537 = arith.constant 0.000000e+00 : f32
    %broadcast_in_dim3A_538 = vector.broadcast %broadcast_in_dim3A_537 : f32 to vector<64x1xf32>
    %slice3A_539 = vector.extract_strided_slice %get3A_536 {offsets = [0, 0], sizes = [64, 699], strides = [1, 1]} : vector<64x700xf32> to vector<64x699xf32>
    %concatenate3A_540 = tpu.concatenate %broadcast_in_dim3A_538, %slice3A_539 in 1 : vector<64x1xf32>, vector<64x699xf32> -> vector<64x700xf32>
    %get3A_541 = arith.constant 0 : index
    %get3A_542 = arith.constant 0 : index
    %get3A_543 = arith.constant 0 : index
    %get3A_544 = vector.load %arg7[%get3A_541, %get3A_542, %get3A_543] : memref<3x64x192xf32, #tpu.memory_space<vmem>>, vector<1x64x192xf32>
    %get3A_545 = vector.shape_cast %get3A_544 : vector<1x64x192xf32> to vector<64x192xf32>
    %concatenate3A_546 = tpu.concatenate %concatenate3A_540, %get3A_530, %get3A_533 in 0 : vector<64x700xf32>, vector<64x700xf32>, vector<64x700xf32> -> vector<192x700xf32>
    %dot_general3A_547 = arith.constant dense<0.000000e+00> : vector<64x700xf32>
    %dot_general3A_548 = tpu.matmul %get3A_545, %concatenate3A_546, %dot_general3A_547 {dimension_numbers = #tpu.dot_dimension_numbers<[1], [0], [0], [1], [0, 0, 1, 1], [], []>, transpose_lhs_hint = false} : vector<64x192xf32>, vector<192x700xf32>, vector<64x700xf32> -> vector<64x700xf32>
    %add3A_549 = arith.addf %broadcast_in_dim3A_527, %dot_general3A_548 : vector<64x700xf32>
    %get3A_550 = arith.constant 256 : index
    %get3A_551 = arith.constant 0 : index
    %get3A_552 = vector.load %arg11[%get3A_550, %get3A_551] : memref<512x5600xf32, #tpu.memory_space<vmem>>, vector<64x700xf32>
    %get3A_553 = arith.constant 256 : index
    %get3A_554 = arith.constant 700 : index
    %get3A_555 = vector.load %arg11[%get3A_553, %get3A_554] : memref<512x5600xf32, #tpu.memory_space<vmem>>, vector<64x700xf32>
    %get3A_556 = arith.constant 256 : index
    %get3A_557 = arith.constant 4900 : index
    %get3A_558 = vector.load %arg11[%get3A_556, %get3A_557] : memref<512x5600xf32, #tpu.memory_space<vmem>>, vector<64x700xf32>
    %broadcast_in_dim3A_559 = arith.constant 0.000000e+00 : f32
    %broadcast_in_dim3A_560 = vector.broadcast %broadcast_in_dim3A_559 : f32 to vector<64x1xf32>
    %slice3A_561 = vector.extract_strided_slice %get3A_558 {offsets = [0, 0], sizes = [64, 699], strides = [1, 1]} : vector<64x700xf32> to vector<64x699xf32>
    %concatenate3A_562 = tpu.concatenate %broadcast_in_dim3A_560, %slice3A_561 in 1 : vector<64x1xf32>, vector<64x699xf32> -> vector<64x700xf32>
    %get3A_563 = arith.constant 1 : index
    %get3A_564 = arith.constant 0 : index
    %get3A_565 = arith.constant 0 : index
    %get3A_566 = vector.load %arg7[%get3A_563, %get3A_564, %get3A_565] : memref<3x64x192xf32, #tpu.memory_space<vmem>>, vector<1x64x192xf32>
    %get3A_567 = vector.shape_cast %get3A_566 : vector<1x64x192xf32> to vector<64x192xf32>
    %concatenate3A_568 = tpu.concatenate %concatenate3A_562, %get3A_552, %get3A_555 in 0 : vector<64x700xf32>, vector<64x700xf32>, vector<64x700xf32> -> vector<192x700xf32>
    %dot_general3A_569 = arith.constant dense<0.000000e+00> : vector<64x700xf32>
    %dot_general3A_570 = tpu.matmul %get3A_567, %concatenate3A_568, %dot_general3A_569 {dimension_numbers = #tpu.dot_dimension_numbers<[1], [0], [0], [1], [0, 0, 1, 1], [], []>, transpose_lhs_hint = false} : vector<64x192xf32>, vector<192x700xf32>, vector<64x700xf32> -> vector<64x700xf32>
    %add3A_571 = arith.addf %add3A_549, %dot_general3A_570 : vector<64x700xf32>
    %get3A_572 = arith.constant 320 : index
    %get3A_573 = arith.constant 0 : index
    %get3A_574 = vector.load %arg11[%get3A_572, %get3A_573] : memref<512x5600xf32, #tpu.memory_space<vmem>>, vector<64x700xf32>
    %get3A_575 = arith.constant 320 : index
    %get3A_576 = arith.constant 700 : index
    %get3A_577 = vector.load %arg11[%get3A_575, %get3A_576] : memref<512x5600xf32, #tpu.memory_space<vmem>>, vector<64x700xf32>
    %get3A_578 = arith.constant 320 : index
    %get3A_579 = arith.constant 4900 : index
    %get3A_580 = vector.load %arg11[%get3A_578, %get3A_579] : memref<512x5600xf32, #tpu.memory_space<vmem>>, vector<64x700xf32>
    %broadcast_in_dim3A_581 = arith.constant 0.000000e+00 : f32
    %broadcast_in_dim3A_582 = vector.broadcast %broadcast_in_dim3A_581 : f32 to vector<64x1xf32>
    %slice3A_583 = vector.extract_strided_slice %get3A_580 {offsets = [0, 0], sizes = [64, 699], strides = [1, 1]} : vector<64x700xf32> to vector<64x699xf32>
    %concatenate3A_584 = tpu.concatenate %broadcast_in_dim3A_582, %slice3A_583 in 1 : vector<64x1xf32>, vector<64x699xf32> -> vector<64x700xf32>
    %get3A_585 = arith.constant 2 : index
    %get3A_586 = arith.constant 0 : index
    %get3A_587 = arith.constant 0 : index
    %get3A_588 = vector.load %arg7[%get3A_585, %get3A_586, %get3A_587] : memref<3x64x192xf32, #tpu.memory_space<vmem>>, vector<1x64x192xf32>
    %get3A_589 = vector.shape_cast %get3A_588 : vector<1x64x192xf32> to vector<64x192xf32>
    %concatenate3A_590 = tpu.concatenate %concatenate3A_584, %get3A_574, %get3A_577 in 0 : vector<64x700xf32>, vector<64x700xf32>, vector<64x700xf32> -> vector<192x700xf32>
    %dot_general3A_591 = arith.constant dense<0.000000e+00> : vector<64x700xf32>
    %dot_general3A_592 = tpu.matmul %get3A_589, %concatenate3A_590, %dot_general3A_591 {dimension_numbers = #tpu.dot_dimension_numbers<[1], [0], [0], [1], [0, 0, 1, 1], [], []>, transpose_lhs_hint = false} : vector<64x192xf32>, vector<192x700xf32>, vector<64x700xf32> -> vector<64x700xf32>
    %add3A_593 = arith.addf %add3A_571, %dot_general3A_592 : vector<64x700xf32>
    %max3A_594 = arith.constant 0.000000e+00 : f32
    %max3A_595 = vector.broadcast %max3A_594 : f32 to vector<64x700xf32>
    %max3A_596 = arith.maximumf %add3A_593, %max3A_595 : vector<64x700xf32>
    %swap3A_597 = arith.constant 0 : index
    %swap3A_598 = arith.constant 0 : index
    %swap3A_599 = arith.constant 2 : index
    %swap3A_600 = arith.constant 0 : index
    %swap3A_601 = vector.load %arg9[%swap3A_597, %swap3A_598, %swap3A_599, %swap3A_600] : memref<1x64x4x2800xf32, #tpu.memory_space<vmem>>, vector<1x64x1x700xf32>
    %swap3A_602 = vector.shape_cast %swap3A_601 : vector<1x64x1x700xf32> to vector<64x700xf32>
    %swap3A_603 = vector.shape_cast %max3A_596 : vector<64x700xf32> to vector<1x64x1x700xf32>
    tpu.vector_store %arg9[%swap3A_597, %swap3A_598, %swap3A_599, %swap3A_600], %swap3A_603 {strides = array<i32>} : memref<1x64x4x2800xf32, #tpu.memory_space<vmem>>, vector<1x64x1x700xf32>,
    %broadcast_in_dim3A_604 = vector.shape_cast %get3A_51 : vector<64x1xf32> to vector<64x1xf32>
    %broadcast_in_dim3A_605 = vector.broadcast %broadcast_in_dim3A_604 : vector<64x1xf32> to vector<64x700xf32>
    %get3A_606 = arith.constant 192 : index
    %get3A_607 = arith.constant 700 : index
    %get3A_608 = vector.load %arg11[%get3A_606, %get3A_607] : memref<512x5600xf32, #tpu.memory_space<vmem>>, vector<64x700xf32>
    %get3A_609 = arith.constant 192 : index
    %get3A_610 = arith.constant 1400 : index
    %get3A_611 = vector.load %arg11[%get3A_609, %get3A_610] : memref<512x5600xf32, #tpu.memory_space<vmem>>, vector<64x700xf32>
    %get3A_612 = arith.constant 192 : index
    %get3A_613 = arith.constant 2100 : index
    %get3A_614 = vector.load %arg11[%get3A_612, %get3A_613] : memref<512x5600xf32, #tpu.memory_space<vmem>>, vector<64x700xf32>
    %get3A_615 = arith.constant 0 : index
    %get3A_616 = arith.constant 0 : index
    %get3A_617 = arith.constant 0 : index
    %get3A_618 = vector.load %arg7[%get3A_615, %get3A_616, %get3A_617] : memref<3x64x192xf32, #tpu.memory_space<vmem>>, vector<1x64x192xf32>
    %get3A_619 = vector.shape_cast %get3A_618 : vector<1x64x192xf32> to vector<64x192xf32>
    %concatenate3A_620 = tpu.concatenate %get3A_608, %get3A_611, %get3A_614 in 0 : vector<64x700xf32>, vector<64x700xf32>, vector<64x700xf32> -> vector<192x700xf32>
    %dot_general3A_621 = arith.constant dense<0.000000e+00> : vector<64x700xf32>
    %dot_general3A_622 = tpu.matmul %get3A_619, %concatenate3A_620, %dot_general3A_621 {dimension_numbers = #tpu.dot_dimension_numbers<[1], [0], [0], [1], [0, 0, 1, 1], [], []>, transpose_lhs_hint = false} : vector<64x192xf32>, vector<192x700xf32>, vector<64x700xf32> -> vector<64x700xf32>
    %add3A_623 = arith.addf %broadcast_in_dim3A_605, %dot_general3A_622 : vector<64x700xf32>
    %get3A_624 = arith.constant 256 : index
    %get3A_625 = arith.constant 700 : index
    %get3A_626 = vector.load %arg11[%get3A_624, %get3A_625] : memref<512x5600xf32, #tpu.memory_space<vmem>>, vector<64x700xf32>
    %get3A_627 = arith.constant 256 : index
    %get3A_628 = arith.constant 1400 : index
    %get3A_629 = vector.load %arg11[%get3A_627, %get3A_628] : memref<512x5600xf32, #tpu.memory_space<vmem>>, vector<64x700xf32>
    %get3A_630 = arith.constant 256 : index
    %get3A_631 = arith.constant 2100 : index
    %get3A_632 = vector.load %arg11[%get3A_630, %get3A_631] : memref<512x5600xf32, #tpu.memory_space<vmem>>, vector<64x700xf32>
    %get3A_633 = arith.constant 1 : index
    %get3A_634 = arith.constant 0 : index
    %get3A_635 = arith.constant 0 : index
    %get3A_636 = vector.load %arg7[%get3A_633, %get3A_634, %get3A_635] : memref<3x64x192xf32, #tpu.memory_space<vmem>>, vector<1x64x192xf32>
    %get3A_637 = vector.shape_cast %get3A_636 : vector<1x64x192xf32> to vector<64x192xf32>
    %concatenate3A_638 = tpu.concatenate %get3A_626, %get3A_629, %get3A_632 in 0 : vector<64x700xf32>, vector<64x700xf32>, vector<64x700xf32> -> vector<192x700xf32>
    %dot_general3A_639 = arith.constant dense<0.000000e+00> : vector<64x700xf32>
    %dot_general3A_640 = tpu.matmul %get3A_637, %concatenate3A_638, %dot_general3A_639 {dimension_numbers = #tpu.dot_dimension_numbers<[1], [0], [0], [1], [0, 0, 1, 1], [], []>, transpose_lhs_hint = false} : vector<64x192xf32>, vector<192x700xf32>, vector<64x700xf32> -> vector<64x700xf32>
    %add3A_641 = arith.addf %add3A_623, %dot_general3A_640 : vector<64x700xf32>
    %get3A_642 = arith.constant 320 : index
    %get3A_643 = arith.constant 700 : index
    %get3A_644 = vector.load %arg11[%get3A_642, %get3A_643] : memref<512x5600xf32, #tpu.memory_space<vmem>>, vector<64x700xf32>
    %get3A_645 = arith.constant 320 : index
    %get3A_646 = arith.constant 1400 : index
    %get3A_647 = vector.load %arg11[%get3A_645, %get3A_646] : memref<512x5600xf32, #tpu.memory_space<vmem>>, vector<64x700xf32>
    %get3A_648 = arith.constant 320 : index
    %get3A_649 = arith.constant 2100 : index
    %get3A_650 = vector.load %arg11[%get3A_648, %get3A_649] : memref<512x5600xf32, #tpu.memory_space<vmem>>, vector<64x700xf32>
    %get3A_651 = arith.constant 2 : index
    %get3A_652 = arith.constant 0 : index
    %get3A_653 = arith.constant 0 : index
    %get3A_654 = vector.load %arg7[%get3A_651, %get3A_652, %get3A_653] : memref<3x64x192xf32, #tpu.memory_space<vmem>>, vector<1x64x192xf32>
    %get3A_655 = vector.shape_cast %get3A_654 : vector<1x64x192xf32> to vector<64x192xf32>
    %concatenate3A_656 = tpu.concatenate %get3A_644, %get3A_647, %get3A_650 in 0 : vector<64x700xf32>, vector<64x700xf32>, vector<64x700xf32> -> vector<192x700xf32>
    %dot_general3A_657 = arith.constant dense<0.000000e+00> : vector<64x700xf32>
    %dot_general3A_658 = tpu.matmul %get3A_655, %concatenate3A_656, %dot_general3A_657 {dimension_numbers = #tpu.dot_dimension_numbers<[1], [0], [0], [1], [0, 0, 1, 1], [], []>, transpose_lhs_hint = false} : vector<64x192xf32>, vector<192x700xf32>, vector<64x700xf32> -> vector<64x700xf32>
    %add3A_659 = arith.addf %add3A_641, %dot_general3A_658 : vector<64x700xf32>
    %max3A_660 = arith.constant 0.000000e+00 : f32
    %max3A_661 = vector.broadcast %max3A_660 : f32 to vector<64x700xf32>
    %max3A_662 = arith.maximumf %add3A_659, %max3A_661 : vector<64x700xf32>
    %swap3A_663 = arith.constant 0 : index
    %swap3A_664 = arith.constant 0 : index
    %swap3A_665 = arith.constant 2 : index
    %swap3A_666 = arith.constant 700 : index
    %swap3A_667 = vector.load %arg9[%swap3A_663, %swap3A_664, %swap3A_665, %swap3A_666] : memref<1x64x4x2800xf32, #tpu.memory_space<vmem>>, vector<1x64x1x700xf32>
    %swap3A_668 = vector.shape_cast %swap3A_667 : vector<1x64x1x700xf32> to vector<64x700xf32>
    %swap3A_669 = vector.shape_cast %max3A_662 : vector<64x700xf32> to vector<1x64x1x700xf32>
    tpu.vector_store %arg9[%swap3A_663, %swap3A_664, %swap3A_665, %swap3A_666], %swap3A_669 {strides = array<i32>} : memref<1x64x4x2800xf32, #tpu.memory_space<vmem>>, vector<1x64x1x700xf32>,
    %broadcast_in_dim3A_670 = vector.shape_cast %get3A_51 : vector<64x1xf32> to vector<64x1xf32>
    %broadcast_in_dim3A_671 = vector.broadcast %broadcast_in_dim3A_670 : vector<64x1xf32> to vector<64x700xf32>
    %get3A_672 = arith.constant 192 : index
    %get3A_673 = arith.constant 2100 : index
    %get3A_674 = vector.load %arg11[%get3A_672, %get3A_673] : memref<512x5600xf32, #tpu.memory_space<vmem>>, vector<64x700xf32>
    %get3A_675 = arith.constant 192 : index
    %get3A_676 = arith.constant 2800 : index
    %get3A_677 = vector.load %arg11[%get3A_675, %get3A_676] : memref<512x5600xf32, #tpu.memory_space<vmem>>, vector<64x700xf32>
    %get3A_678 = arith.constant 192 : index
    %get3A_679 = arith.constant 3500 : index
    %get3A_680 = vector.load %arg11[%get3A_678, %get3A_679] : memref<512x5600xf32, #tpu.memory_space<vmem>>, vector<64x700xf32>
    %get3A_681 = arith.constant 0 : index
    %get3A_682 = arith.constant 0 : index
    %get3A_683 = arith.constant 0 : index
    %get3A_684 = vector.load %arg7[%get3A_681, %get3A_682, %get3A_683] : memref<3x64x192xf32, #tpu.memory_space<vmem>>, vector<1x64x192xf32>
    %get3A_685 = vector.shape_cast %get3A_684 : vector<1x64x192xf32> to vector<64x192xf32>
    %concatenate3A_686 = tpu.concatenate %get3A_674, %get3A_677, %get3A_680 in 0 : vector<64x700xf32>, vector<64x700xf32>, vector<64x700xf32> -> vector<192x700xf32>
    %dot_general3A_687 = arith.constant dense<0.000000e+00> : vector<64x700xf32>
    %dot_general3A_688 = tpu.matmul %get3A_685, %concatenate3A_686, %dot_general3A_687 {dimension_numbers = #tpu.dot_dimension_numbers<[1], [0], [0], [1], [0, 0, 1, 1], [], []>, transpose_lhs_hint = false} : vector<64x192xf32>, vector<192x700xf32>, vector<64x700xf32> -> vector<64x700xf32>
    %add3A_689 = arith.addf %broadcast_in_dim3A_671, %dot_general3A_688 : vector<64x700xf32>
    %get3A_690 = arith.constant 256 : index
    %get3A_691 = arith.constant 2100 : index
    %get3A_692 = vector.load %arg11[%get3A_690, %get3A_691] : memref<512x5600xf32, #tpu.memory_space<vmem>>, vector<64x700xf32>
    %get3A_693 = arith.constant 256 : index
    %get3A_694 = arith.constant 2800 : index
    %get3A_695 = vector.load %arg11[%get3A_693, %get3A_694] : memref<512x5600xf32, #tpu.memory_space<vmem>>, vector<64x700xf32>
    %get3A_696 = arith.constant 256 : index
    %get3A_697 = arith.constant 3500 : index
    %get3A_698 = vector.load %arg11[%get3A_696, %get3A_697] : memref<512x5600xf32, #tpu.memory_space<vmem>>, vector<64x700xf32>
    %get3A_699 = arith.constant 1 : index
    %get3A_700 = arith.constant 0 : index
    %get3A_701 = arith.constant 0 : index
    %get3A_702 = vector.load %arg7[%get3A_699, %get3A_700, %get3A_701] : memref<3x64x192xf32, #tpu.memory_space<vmem>>, vector<1x64x192xf32>
    %get3A_703 = vector.shape_cast %get3A_702 : vector<1x64x192xf32> to vector<64x192xf32>
    %concatenate3A_704 = tpu.concatenate %get3A_692, %get3A_695, %get3A_698 in 0 : vector<64x700xf32>, vector<64x700xf32>, vector<64x700xf32> -> vector<192x700xf32>
    %dot_general3A_705 = arith.constant dense<0.000000e+00> : vector<64x700xf32>
    %dot_general3A_706 = tpu.matmul %get3A_703, %concatenate3A_704, %dot_general3A_705 {dimension_numbers = #tpu.dot_dimension_numbers<[1], [0], [0], [1], [0, 0, 1, 1], [], []>, transpose_lhs_hint = false} : vector<64x192xf32>, vector<192x700xf32>, vector<64x700xf32> -> vector<64x700xf32>
    %add3A_707 = arith.addf %add3A_689, %dot_general3A_706 : vector<64x700xf32>
    %get3A_708 = arith.constant 320 : index
    %get3A_709 = arith.constant 2100 : index
    %get3A_710 = vector.load %arg11[%get3A_708, %get3A_709] : memref<512x5600xf32, #tpu.memory_space<vmem>>, vector<64x700xf32>
    %get3A_711 = arith.constant 320 : index
    %get3A_712 = arith.constant 2800 : index
    %get3A_713 = vector.load %arg11[%get3A_711, %get3A_712] : memref<512x5600xf32, #tpu.memory_space<vmem>>, vector<64x700xf32>
    %get3A_714 = arith.constant 320 : index
    %get3A_715 = arith.constant 3500 : index
    %get3A_716 = vector.load %arg11[%get3A_714, %get3A_715] : memref<512x5600xf32, #tpu.memory_space<vmem>>, vector<64x700xf32>
    %get3A_717 = arith.constant 2 : index
    %get3A_718 = arith.constant 0 : index
    %get3A_719 = arith.constant 0 : index
    %get3A_720 = vector.load %arg7[%get3A_717, %get3A_718, %get3A_719] : memref<3x64x192xf32, #tpu.memory_space<vmem>>, vector<1x64x192xf32>
    %get3A_721 = vector.shape_cast %get3A_720 : vector<1x64x192xf32> to vector<64x192xf32>
    %concatenate3A_722 = tpu.concatenate %get3A_710, %get3A_713, %get3A_716 in 0 : vector<64x700xf32>, vector<64x700xf32>, vector<64x700xf32> -> vector<192x700xf32>
    %dot_general3A_723 = arith.constant dense<0.000000e+00> : vector<64x700xf32>
    %dot_general3A_724 = tpu.matmul %get3A_721, %concatenate3A_722, %dot_general3A_723 {dimension_numbers = #tpu.dot_dimension_numbers<[1], [0], [0], [1], [0, 0, 1, 1], [], []>, transpose_lhs_hint = false} : vector<64x192xf32>, vector<192x700xf32>, vector<64x700xf32> -> vector<64x700xf32>
    %add3A_725 = arith.addf %add3A_707, %dot_general3A_724 : vector<64x700xf32>
    %max3A_726 = arith.constant 0.000000e+00 : f32
    %max3A_727 = vector.broadcast %max3A_726 : f32 to vector<64x700xf32>
    %max3A_728 = arith.maximumf %add3A_725, %max3A_727 : vector<64x700xf32>
    %swap3A_729 = arith.constant 0 : index
    %swap3A_730 = arith.constant 0 : index
    %swap3A_731 = arith.constant 2 : index
    %swap3A_732 = arith.constant 1400 : index
    %swap3A_733 = vector.load %arg9[%swap3A_729, %swap3A_730, %swap3A_731, %swap3A_732] : memref<1x64x4x2800xf32, #tpu.memory_space<vmem>>, vector<1x64x1x700xf32>
    %swap3A_734 = vector.shape_cast %swap3A_733 : vector<1x64x1x700xf32> to vector<64x700xf32>
    %swap3A_735 = vector.shape_cast %max3A_728 : vector<64x700xf32> to vector<1x64x1x700xf32>
    tpu.vector_store %arg9[%swap3A_729, %swap3A_730, %swap3A_731, %swap3A_732], %swap3A_735 {strides = array<i32>} : memref<1x64x4x2800xf32, #tpu.memory_space<vmem>>, vector<1x64x1x700xf32>,
    %broadcast_in_dim3A_736 = vector.shape_cast %get3A_51 : vector<64x1xf32> to vector<64x1xf32>
    %broadcast_in_dim3A_737 = vector.broadcast %broadcast_in_dim3A_736 : vector<64x1xf32> to vector<64x700xf32>
    %get3A_738 = arith.constant 192 : index
    %get3A_739 = arith.constant 3500 : index
    %get3A_740 = vector.load %arg11[%get3A_738, %get3A_739] : memref<512x5600xf32, #tpu.memory_space<vmem>>, vector<64x700xf32>
    %get3A_741 = arith.constant 192 : index
    %get3A_742 = arith.constant 4200 : index
    %get3A_743 = vector.load %arg11[%get3A_741, %get3A_742] : memref<512x5600xf32, #tpu.memory_space<vmem>>, vector<64x700xf32>
    %get3A_744 = arith.constant 192 : index
    %get3A_745 = arith.constant 4900 : index
    %get3A_746 = vector.load %arg11[%get3A_744, %get3A_745] : memref<512x5600xf32, #tpu.memory_space<vmem>>, vector<64x700xf32>
    %get3A_747 = arith.constant 0 : index
    %get3A_748 = arith.constant 0 : index
    %get3A_749 = arith.constant 0 : index
    %get3A_750 = vector.load %arg7[%get3A_747, %get3A_748, %get3A_749] : memref<3x64x192xf32, #tpu.memory_space<vmem>>, vector<1x64x192xf32>
    %get3A_751 = vector.shape_cast %get3A_750 : vector<1x64x192xf32> to vector<64x192xf32>
    %concatenate3A_752 = tpu.concatenate %get3A_740, %get3A_743, %get3A_746 in 0 : vector<64x700xf32>, vector<64x700xf32>, vector<64x700xf32> -> vector<192x700xf32>
    %dot_general3A_753 = arith.constant dense<0.000000e+00> : vector<64x700xf32>
    %dot_general3A_754 = tpu.matmul %get3A_751, %concatenate3A_752, %dot_general3A_753 {dimension_numbers = #tpu.dot_dimension_numbers<[1], [0], [0], [1], [0, 0, 1, 1], [], []>, transpose_lhs_hint = false} : vector<64x192xf32>, vector<192x700xf32>, vector<64x700xf32> -> vector<64x700xf32>
    %add3A_755 = arith.addf %broadcast_in_dim3A_737, %dot_general3A_754 : vector<64x700xf32>
    %get3A_756 = arith.constant 256 : index
    %get3A_757 = arith.constant 3500 : index
    %get3A_758 = vector.load %arg11[%get3A_756, %get3A_757] : memref<512x5600xf32, #tpu.memory_space<vmem>>, vector<64x700xf32>
    %get3A_759 = arith.constant 256 : index
    %get3A_760 = arith.constant 4200 : index
    %get3A_761 = vector.load %arg11[%get3A_759, %get3A_760] : memref<512x5600xf32, #tpu.memory_space<vmem>>, vector<64x700xf32>
    %get3A_762 = arith.constant 256 : index
    %get3A_763 = arith.constant 4900 : index
    %get3A_764 = vector.load %arg11[%get3A_762, %get3A_763] : memref<512x5600xf32, #tpu.memory_space<vmem>>, vector<64x700xf32>
    %get3A_765 = arith.constant 1 : index
    %get3A_766 = arith.constant 0 : index
    %get3A_767 = arith.constant 0 : index
    %get3A_768 = vector.load %arg7[%get3A_765, %get3A_766, %get3A_767] : memref<3x64x192xf32, #tpu.memory_space<vmem>>, vector<1x64x192xf32>
    %get3A_769 = vector.shape_cast %get3A_768 : vector<1x64x192xf32> to vector<64x192xf32>
    %concatenate3A_770 = tpu.concatenate %get3A_758, %get3A_761, %get3A_764 in 0 : vector<64x700xf32>, vector<64x700xf32>, vector<64x700xf32> -> vector<192x700xf32>
    %dot_general3A_771 = arith.constant dense<0.000000e+00> : vector<64x700xf32>
    %dot_general3A_772 = tpu.matmul %get3A_769, %concatenate3A_770, %dot_general3A_771 {dimension_numbers = #tpu.dot_dimension_numbers<[1], [0], [0], [1], [0, 0, 1, 1], [], []>, transpose_lhs_hint = false} : vector<64x192xf32>, vector<192x700xf32>, vector<64x700xf32> -> vector<64x700xf32>
    %add3A_773 = arith.addf %add3A_755, %dot_general3A_772 : vector<64x700xf32>
    %get3A_774 = arith.constant 320 : index
    %get3A_775 = arith.constant 3500 : index
    %get3A_776 = vector.load %arg11[%get3A_774, %get3A_775] : memref<512x5600xf32, #tpu.memory_space<vmem>>, vector<64x700xf32>
    %get3A_777 = arith.constant 320 : index
    %get3A_778 = arith.constant 4200 : index
    %get3A_779 = vector.load %arg11[%get3A_777, %get3A_778] : memref<512x5600xf32, #tpu.memory_space<vmem>>, vector<64x700xf32>
    %get3A_780 = arith.constant 320 : index
    %get3A_781 = arith.constant 4900 : index
    %get3A_782 = vector.load %arg11[%get3A_780, %get3A_781] : memref<512x5600xf32, #tpu.memory_space<vmem>>, vector<64x700xf32>
    %get3A_783 = arith.constant 2 : index
    %get3A_784 = arith.constant 0 : index
    %get3A_785 = arith.constant 0 : index
    %get3A_786 = vector.load %arg7[%get3A_783, %get3A_784, %get3A_785] : memref<3x64x192xf32, #tpu.memory_space<vmem>>, vector<1x64x192xf32>
    %get3A_787 = vector.shape_cast %get3A_786 : vector<1x64x192xf32> to vector<64x192xf32>
    %concatenate3A_788 = tpu.concatenate %get3A_776, %get3A_779, %get3A_782 in 0 : vector<64x700xf32>, vector<64x700xf32>, vector<64x700xf32> -> vector<192x700xf32>
    %dot_general3A_789 = arith.constant dense<0.000000e+00> : vector<64x700xf32>
    %dot_general3A_790 = tpu.matmul %get3A_787, %concatenate3A_788, %dot_general3A_789 {dimension_numbers = #tpu.dot_dimension_numbers<[1], [0], [0], [1], [0, 0, 1, 1], [], []>, transpose_lhs_hint = false} : vector<64x192xf32>, vector<192x700xf32>, vector<64x700xf32> -> vector<64x700xf32>
    %add3A_791 = arith.addf %add3A_773, %dot_general3A_790 : vector<64x700xf32>
    %max3A_792 = arith.constant 0.000000e+00 : f32
    %max3A_793 = vector.broadcast %max3A_792 : f32 to vector<64x700xf32>
    %max3A_794 = arith.maximumf %add3A_791, %max3A_793 : vector<64x700xf32>
    %swap3A_795 = arith.constant 0 : index
    %swap3A_796 = arith.constant 0 : index
    %swap3A_797 = arith.constant 2 : index
    %swap3A_798 = arith.constant 2100 : index
    %swap3A_799 = vector.load %arg9[%swap3A_795, %swap3A_796, %swap3A_797, %swap3A_798] : memref<1x64x4x2800xf32, #tpu.memory_space<vmem>>, vector<1x64x1x700xf32>
    %swap3A_800 = vector.shape_cast %swap3A_799 : vector<1x64x1x700xf32> to vector<64x700xf32>
    %swap3A_801 = vector.shape_cast %max3A_794 : vector<64x700xf32> to vector<1x64x1x700xf32>
    tpu.vector_store %arg9[%swap3A_795, %swap3A_796, %swap3A_797, %swap3A_798], %swap3A_801 {strides = array<i32>} : memref<1x64x4x2800xf32, #tpu.memory_space<vmem>>, vector<1x64x1x700xf32>,
    %broadcast_in_dim3A_802 = vector.shape_cast %get3A_51 : vector<64x1xf32> to vector<64x1xf32>
    %broadcast_in_dim3A_803 = vector.broadcast %broadcast_in_dim3A_802 : vector<64x1xf32> to vector<64x700xf32>
    %get3A_804 = arith.constant 320 : index
    %get3A_805 = arith.constant 0 : index
    %get3A_806 = vector.load %arg11[%get3A_804, %get3A_805] : memref<512x5600xf32, #tpu.memory_space<vmem>>, vector<64x700xf32>
    %get3A_807 = arith.constant 320 : index
    %get3A_808 = arith.constant 700 : index
    %get3A_809 = vector.load %arg11[%get3A_807, %get3A_808] : memref<512x5600xf32, #tpu.memory_space<vmem>>, vector<64x700xf32>
    %get3A_810 = arith.constant 320 : index
    %get3A_811 = arith.constant 4900 : index
    %get3A_812 = vector.load %arg11[%get3A_810, %get3A_811] : memref<512x5600xf32, #tpu.memory_space<vmem>>, vector<64x700xf32>
    %broadcast_in_dim3A_813 = arith.constant 0.000000e+00 : f32
    %broadcast_in_dim3A_814 = vector.broadcast %broadcast_in_dim3A_813 : f32 to vector<64x1xf32>
    %slice3A_815 = vector.extract_strided_slice %get3A_812 {offsets = [0, 0], sizes = [64, 699], strides = [1, 1]} : vector<64x700xf32> to vector<64x699xf32>
    %concatenate3A_816 = tpu.concatenate %broadcast_in_dim3A_814, %slice3A_815 in 1 : vector<64x1xf32>, vector<64x699xf32> -> vector<64x700xf32>
    %get3A_817 = arith.constant 0 : index
    %get3A_818 = arith.constant 0 : index
    %get3A_819 = arith.constant 0 : index
    %get3A_820 = vector.load %arg7[%get3A_817, %get3A_818, %get3A_819] : memref<3x64x192xf32, #tpu.memory_space<vmem>>, vector<1x64x192xf32>
    %get3A_821 = vector.shape_cast %get3A_820 : vector<1x64x192xf32> to vector<64x192xf32>
    %concatenate3A_822 = tpu.concatenate %concatenate3A_816, %get3A_806, %get3A_809 in 0 : vector<64x700xf32>, vector<64x700xf32>, vector<64x700xf32> -> vector<192x700xf32>
    %dot_general3A_823 = arith.constant dense<0.000000e+00> : vector<64x700xf32>
    %dot_general3A_824 = tpu.matmul %get3A_821, %concatenate3A_822, %dot_general3A_823 {dimension_numbers = #tpu.dot_dimension_numbers<[1], [0], [0], [1], [0, 0, 1, 1], [], []>, transpose_lhs_hint = false} : vector<64x192xf32>, vector<192x700xf32>, vector<64x700xf32> -> vector<64x700xf32>
    %add3A_825 = arith.addf %broadcast_in_dim3A_803, %dot_general3A_824 : vector<64x700xf32>
    %get3A_826 = arith.constant 384 : index
    %get3A_827 = arith.constant 0 : index
    %get3A_828 = vector.load %arg11[%get3A_826, %get3A_827] : memref<512x5600xf32, #tpu.memory_space<vmem>>, vector<64x700xf32>
    %get3A_829 = arith.constant 384 : index
    %get3A_830 = arith.constant 700 : index
    %get3A_831 = vector.load %arg11[%get3A_829, %get3A_830] : memref<512x5600xf32, #tpu.memory_space<vmem>>, vector<64x700xf32>
    %get3A_832 = arith.constant 384 : index
    %get3A_833 = arith.constant 4900 : index
    %get3A_834 = vector.load %arg11[%get3A_832, %get3A_833] : memref<512x5600xf32, #tpu.memory_space<vmem>>, vector<64x700xf32>
    %broadcast_in_dim3A_835 = arith.constant 0.000000e+00 : f32
    %broadcast_in_dim3A_836 = vector.broadcast %broadcast_in_dim3A_835 : f32 to vector<64x1xf32>
    %slice3A_837 = vector.extract_strided_slice %get3A_834 {offsets = [0, 0], sizes = [64, 699], strides = [1, 1]} : vector<64x700xf32> to vector<64x699xf32>
    %concatenate3A_838 = tpu.concatenate %broadcast_in_dim3A_836, %slice3A_837 in 1 : vector<64x1xf32>, vector<64x699xf32> -> vector<64x700xf32>
    %get3A_839 = arith.constant 1 : index
    %get3A_840 = arith.constant 0 : index
    %get3A_841 = arith.constant 0 : index
    %get3A_842 = vector.load %arg7[%get3A_839, %get3A_840, %get3A_841] : memref<3x64x192xf32, #tpu.memory_space<vmem>>, vector<1x64x192xf32>
    %get3A_843 = vector.shape_cast %get3A_842 : vector<1x64x192xf32> to vector<64x192xf32>
    %concatenate3A_844 = tpu.concatenate %concatenate3A_838, %get3A_828, %get3A_831 in 0 : vector<64x700xf32>, vector<64x700xf32>, vector<64x700xf32> -> vector<192x700xf32>
    %dot_general3A_845 = arith.constant dense<0.000000e+00> : vector<64x700xf32>
    %dot_general3A_846 = tpu.matmul %get3A_843, %concatenate3A_844, %dot_general3A_845 {dimension_numbers = #tpu.dot_dimension_numbers<[1], [0], [0], [1], [0, 0, 1, 1], [], []>, transpose_lhs_hint = false} : vector<64x192xf32>, vector<192x700xf32>, vector<64x700xf32> -> vector<64x700xf32>
    %add3A_847 = arith.addf %add3A_825, %dot_general3A_846 : vector<64x700xf32>
    %get3A_848 = arith.constant 448 : index
    %get3A_849 = arith.constant 0 : index
    %get3A_850 = vector.load %arg11[%get3A_848, %get3A_849] : memref<512x5600xf32, #tpu.memory_space<vmem>>, vector<64x700xf32>
    %get3A_851 = arith.constant 448 : index
    %get3A_852 = arith.constant 700 : index
    %get3A_853 = vector.load %arg11[%get3A_851, %get3A_852] : memref<512x5600xf32, #tpu.memory_space<vmem>>, vector<64x700xf32>
    %get3A_854 = arith.constant 448 : index
    %get3A_855 = arith.constant 4900 : index
    %get3A_856 = vector.load %arg11[%get3A_854, %get3A_855] : memref<512x5600xf32, #tpu.memory_space<vmem>>, vector<64x700xf32>
    %broadcast_in_dim3A_857 = arith.constant 0.000000e+00 : f32
    %broadcast_in_dim3A_858 = vector.broadcast %broadcast_in_dim3A_857 : f32 to vector<64x1xf32>
    %slice3A_859 = vector.extract_strided_slice %get3A_856 {offsets = [0, 0], sizes = [64, 699], strides = [1, 1]} : vector<64x700xf32> to vector<64x699xf32>
    %concatenate3A_860 = tpu.concatenate %broadcast_in_dim3A_858, %slice3A_859 in 1 : vector<64x1xf32>, vector<64x699xf32> -> vector<64x700xf32>
    %get3A_861 = arith.constant 2 : index
    %get3A_862 = arith.constant 0 : index
    %get3A_863 = arith.constant 0 : index
    %get3A_864 = vector.load %arg7[%get3A_861, %get3A_862, %get3A_863] : memref<3x64x192xf32, #tpu.memory_space<vmem>>, vector<1x64x192xf32>
    %get3A_865 = vector.shape_cast %get3A_864 : vector<1x64x192xf32> to vector<64x192xf32>
    %concatenate3A_866 = tpu.concatenate %concatenate3A_860, %get3A_850, %get3A_853 in 0 : vector<64x700xf32>, vector<64x700xf32>, vector<64x700xf32> -> vector<192x700xf32>
    %dot_general3A_867 = arith.constant dense<0.000000e+00> : vector<64x700xf32>
    %dot_general3A_868 = tpu.matmul %get3A_865, %concatenate3A_866, %dot_general3A_867 {dimension_numbers = #tpu.dot_dimension_numbers<[1], [0], [0], [1], [0, 0, 1, 1], [], []>, transpose_lhs_hint = false} : vector<64x192xf32>, vector<192x700xf32>, vector<64x700xf32> -> vector<64x700xf32>
    %add3A_869 = arith.addf %add3A_847, %dot_general3A_868 : vector<64x700xf32>
    %max3A_870 = arith.constant 0.000000e+00 : f32
    %max3A_871 = vector.broadcast %max3A_870 : f32 to vector<64x700xf32>
    %max3A_872 = arith.maximumf %add3A_869, %max3A_871 : vector<64x700xf32>
    %swap3A_873 = arith.constant 0 : index
    %swap3A_874 = arith.constant 0 : index
    %swap3A_875 = arith.constant 3 : index
    %swap3A_876 = arith.constant 0 : index
    %swap3A_877 = vector.load %arg9[%swap3A_873, %swap3A_874, %swap3A_875, %swap3A_876] : memref<1x64x4x2800xf32, #tpu.memory_space<vmem>>, vector<1x64x1x700xf32>
    %swap3A_878 = vector.shape_cast %swap3A_877 : vector<1x64x1x700xf32> to vector<64x700xf32>
    %swap3A_879 = vector.shape_cast %max3A_872 : vector<64x700xf32> to vector<1x64x1x700xf32>
    tpu.vector_store %arg9[%swap3A_873, %swap3A_874, %swap3A_875, %swap3A_876], %swap3A_879 {strides = array<i32>} : memref<1x64x4x2800xf32, #tpu.memory_space<vmem>>, vector<1x64x1x700xf32>,
    %broadcast_in_dim3A_880 = vector.shape_cast %get3A_51 : vector<64x1xf32> to vector<64x1xf32>
    %broadcast_in_dim3A_881 = vector.broadcast %broadcast_in_dim3A_880 : vector<64x1xf32> to vector<64x700xf32>
    %get3A_882 = arith.constant 320 : index
    %get3A_883 = arith.constant 700 : index
    %get3A_884 = vector.load %arg11[%get3A_882, %get3A_883] : memref<512x5600xf32, #tpu.memory_space<vmem>>, vector<64x700xf32>
    %get3A_885 = arith.constant 320 : index
    %get3A_886 = arith.constant 1400 : index
    %get3A_887 = vector.load %arg11[%get3A_885, %get3A_886] : memref<512x5600xf32, #tpu.memory_space<vmem>>, vector<64x700xf32>
    %get3A_888 = arith.constant 320 : index
    %get3A_889 = arith.constant 2100 : index
    %get3A_890 = vector.load %arg11[%get3A_888, %get3A_889] : memref<512x5600xf32, #tpu.memory_space<vmem>>, vector<64x700xf32>
    %get3A_891 = arith.constant 0 : index
    %get3A_892 = arith.constant 0 : index
    %get3A_893 = arith.constant 0 : index
    %get3A_894 = vector.load %arg7[%get3A_891, %get3A_892, %get3A_893] : memref<3x64x192xf32, #tpu.memory_space<vmem>>, vector<1x64x192xf32>
    %get3A_895 = vector.shape_cast %get3A_894 : vector<1x64x192xf32> to vector<64x192xf32>
    %concatenate3A_896 = tpu.concatenate %get3A_884, %get3A_887, %get3A_890 in 0 : vector<64x700xf32>, vector<64x700xf32>, vector<64x700xf32> -> vector<192x700xf32>
    %dot_general3A_897 = arith.constant dense<0.000000e+00> : vector<64x700xf32>
    %dot_general3A_898 = tpu.matmul %get3A_895, %concatenate3A_896, %dot_general3A_897 {dimension_numbers = #tpu.dot_dimension_numbers<[1], [0], [0], [1], [0, 0, 1, 1], [], []>, transpose_lhs_hint = false} : vector<64x192xf32>, vector<192x700xf32>, vector<64x700xf32> -> vector<64x700xf32>
    %add3A_899 = arith.addf %broadcast_in_dim3A_881, %dot_general3A_898 : vector<64x700xf32>
    %get3A_900 = arith.constant 384 : index
    %get3A_901 = arith.constant 700 : index
    %get3A_902 = vector.load %arg11[%get3A_900, %get3A_901] : memref<512x5600xf32, #tpu.memory_space<vmem>>, vector<64x700xf32>
    %get3A_903 = arith.constant 384 : index
    %get3A_904 = arith.constant 1400 : index
    %get3A_905 = vector.load %arg11[%get3A_903, %get3A_904] : memref<512x5600xf32, #tpu.memory_space<vmem>>, vector<64x700xf32>
    %get3A_906 = arith.constant 384 : index
    %get3A_907 = arith.constant 2100 : index
    %get3A_908 = vector.load %arg11[%get3A_906, %get3A_907] : memref<512x5600xf32, #tpu.memory_space<vmem>>, vector<64x700xf32>
    %get3A_909 = arith.constant 1 : index
    %get3A_910 = arith.constant 0 : index
    %get3A_911 = arith.constant 0 : index
    %get3A_912 = vector.load %arg7[%get3A_909, %get3A_910, %get3A_911] : memref<3x64x192xf32, #tpu.memory_space<vmem>>, vector<1x64x192xf32>
    %get3A_913 = vector.shape_cast %get3A_912 : vector<1x64x192xf32> to vector<64x192xf32>
    %concatenate3A_914 = tpu.concatenate %get3A_902, %get3A_905, %get3A_908 in 0 : vector<64x700xf32>, vector<64x700xf32>, vector<64x700xf32> -> vector<192x700xf32>
    %dot_general3A_915 = arith.constant dense<0.000000e+00> : vector<64x700xf32>
    %dot_general3A_916 = tpu.matmul %get3A_913, %concatenate3A_914, %dot_general3A_915 {dimension_numbers = #tpu.dot_dimension_numbers<[1], [0], [0], [1], [0, 0, 1, 1], [], []>, transpose_lhs_hint = false} : vector<64x192xf32>, vector<192x700xf32>, vector<64x700xf32> -> vector<64x700xf32>
    %add3A_917 = arith.addf %add3A_899, %dot_general3A_916 : vector<64x700xf32>
    %get3A_918 = arith.constant 448 : index
    %get3A_919 = arith.constant 700 : index
    %get3A_920 = vector.load %arg11[%get3A_918, %get3A_919] : memref<512x5600xf32, #tpu.memory_space<vmem>>, vector<64x700xf32>
    %get3A_921 = arith.constant 448 : index
    %get3A_922 = arith.constant 1400 : index
    %get3A_923 = vector.load %arg11[%get3A_921, %get3A_922] : memref<512x5600xf32, #tpu.memory_space<vmem>>, vector<64x700xf32>
    %get3A_924 = arith.constant 448 : index
    %get3A_925 = arith.constant 2100 : index
    %get3A_926 = vector.load %arg11[%get3A_924, %get3A_925] : memref<512x5600xf32, #tpu.memory_space<vmem>>, vector<64x700xf32>
    %get3A_927 = arith.constant 2 : index
    %get3A_928 = arith.constant 0 : index
    %get3A_929 = arith.constant 0 : index
    %get3A_930 = vector.load %arg7[%get3A_927, %get3A_928, %get3A_929] : memref<3x64x192xf32, #tpu.memory_space<vmem>>, vector<1x64x192xf32>
    %get3A_931 = vector.shape_cast %get3A_930 : vector<1x64x192xf32> to vector<64x192xf32>
    %concatenate3A_932 = tpu.concatenate %get3A_920, %get3A_923, %get3A_926 in 0 : vector<64x700xf32>, vector<64x700xf32>, vector<64x700xf32> -> vector<192x700xf32>
    %dot_general3A_933 = arith.constant dense<0.000000e+00> : vector<64x700xf32>
    %dot_general3A_934 = tpu.matmul %get3A_931, %concatenate3A_932, %dot_general3A_933 {dimension_numbers = #tpu.dot_dimension_numbers<[1], [0], [0], [1], [0, 0, 1, 1], [], []>, transpose_lhs_hint = false} : vector<64x192xf32>, vector<192x700xf32>, vector<64x700xf32> -> vector<64x700xf32>
    %add3A_935 = arith.addf %add3A_917, %dot_general3A_934 : vector<64x700xf32>
    %max3A_936 = arith.constant 0.000000e+00 : f32
    %max3A_937 = vector.broadcast %max3A_936 : f32 to vector<64x700xf32>
    %max3A_938 = arith.maximumf %add3A_935, %max3A_937 : vector<64x700xf32>
    %swap3A_939 = arith.constant 0 : index
    %swap3A_940 = arith.constant 0 : index
    %swap3A_941 = arith.constant 3 : index
    %swap3A_942 = arith.constant 700 : index
    %swap3A_943 = vector.load %arg9[%swap3A_939, %swap3A_940, %swap3A_941, %swap3A_942] : memref<1x64x4x2800xf32, #tpu.memory_space<vmem>>, vector<1x64x1x700xf32>
    %swap3A_944 = vector.shape_cast %swap3A_943 : vector<1x64x1x700xf32> to vector<64x700xf32>
    %swap3A_945 = vector.shape_cast %max3A_938 : vector<64x700xf32> to vector<1x64x1x700xf32>
    tpu.vector_store %arg9[%swap3A_939, %swap3A_940, %swap3A_941, %swap3A_942], %swap3A_945 {strides = array<i32>} : memref<1x64x4x2800xf32, #tpu.memory_space<vmem>>, vector<1x64x1x700xf32>,
    %broadcast_in_dim3A_946 = vector.shape_cast %get3A_51 : vector<64x1xf32> to vector<64x1xf32>
    %broadcast_in_dim3A_947 = vector.broadcast %broadcast_in_dim3A_946 : vector<64x1xf32> to vector<64x700xf32>
    %get3A_948 = arith.constant 320 : index
    %get3A_949 = arith.constant 2100 : index
    %get3A_950 = vector.load %arg11[%get3A_948, %get3A_949] : memref<512x5600xf32, #tpu.memory_space<vmem>>, vector<64x700xf32>
    %get3A_951 = arith.constant 320 : index
    %get3A_952 = arith.constant 2800 : index
    %get3A_953 = vector.load %arg11[%get3A_951, %get3A_952] : memref<512x5600xf32, #tpu.memory_space<vmem>>, vector<64x700xf32>
    %get3A_954 = arith.constant 320 : index
    %get3A_955 = arith.constant 3500 : index
    %get3A_956 = vector.load %arg11[%get3A_954, %get3A_955] : memref<512x5600xf32, #tpu.memory_space<vmem>>, vector<64x700xf32>
    %get3A_957 = arith.constant 0 : index
    %get3A_958 = arith.constant 0 : index
    %get3A_959 = arith.constant 0 : index
    %get3A_960 = vector.load %arg7[%get3A_957, %get3A_958, %get3A_959] : memref<3x64x192xf32, #tpu.memory_space<vmem>>, vector<1x64x192xf32>
    %get3A_961 = vector.shape_cast %get3A_960 : vector<1x64x192xf32> to vector<64x192xf32>
    %concatenate3A_962 = tpu.concatenate %get3A_950, %get3A_953, %get3A_956 in 0 : vector<64x700xf32>, vector<64x700xf32>, vector<64x700xf32> -> vector<192x700xf32>
    %dot_general3A_963 = arith.constant dense<0.000000e+00> : vector<64x700xf32>
    %dot_general3A_964 = tpu.matmul %get3A_961, %concatenate3A_962, %dot_general3A_963 {dimension_numbers = #tpu.dot_dimension_numbers<[1], [0], [0], [1], [0, 0, 1, 1], [], []>, transpose_lhs_hint = false} : vector<64x192xf32>, vector<192x700xf32>, vector<64x700xf32> -> vector<64x700xf32>
    %add3A_965 = arith.addf %broadcast_in_dim3A_947, %dot_general3A_964 : vector<64x700xf32>
    %get3A_966 = arith.constant 384 : index
    %get3A_967 = arith.constant 2100 : index
    %get3A_968 = vector.load %arg11[%get3A_966, %get3A_967] : memref<512x5600xf32, #tpu.memory_space<vmem>>, vector<64x700xf32>
    %get3A_969 = arith.constant 384 : index
    %get3A_970 = arith.constant 2800 : index
    %get3A_971 = vector.load %arg11[%get3A_969, %get3A_970] : memref<512x5600xf32, #tpu.memory_space<vmem>>, vector<64x700xf32>
    %get3A_972 = arith.constant 384 : index
    %get3A_973 = arith.constant 3500 : index
    %get3A_974 = vector.load %arg11[%get3A_972, %get3A_973] : memref<512x5600xf32, #tpu.memory_space<vmem>>, vector<64x700xf32>
    %get3A_975 = arith.constant 1 : index
    %get3A_976 = arith.constant 0 : index
    %get3A_977 = arith.constant 0 : index
    %get3A_978 = vector.load %arg7[%get3A_975, %get3A_976, %get3A_977] : memref<3x64x192xf32, #tpu.memory_space<vmem>>, vector<1x64x192xf32>
    %get3A_979 = vector.shape_cast %get3A_978 : vector<1x64x192xf32> to vector<64x192xf32>
    %concatenate3A_980 = tpu.concatenate %get3A_968, %get3A_971, %get3A_974 in 0 : vector<64x700xf32>, vector<64x700xf32>, vector<64x700xf32> -> vector<192x700xf32>
    %dot_general3A_981 = arith.constant dense<0.000000e+00> : vector<64x700xf32>
    %dot_general3A_982 = tpu.matmul %get3A_979, %concatenate3A_980, %dot_general3A_981 {dimension_numbers = #tpu.dot_dimension_numbers<[1], [0], [0], [1], [0, 0, 1, 1], [], []>, transpose_lhs_hint = false} : vector<64x192xf32>, vector<192x700xf32>, vector<64x700xf32> -> vector<64x700xf32>
    %add3A_983 = arith.addf %add3A_965, %dot_general3A_982 : vector<64x700xf32>
    %get3A_984 = arith.constant 448 : index
    %get3A_985 = arith.constant 2100 : index
    %get3A_986 = vector.load %arg11[%get3A_984, %get3A_985] : memref<512x5600xf32, #tpu.memory_space<vmem>>, vector<64x700xf32>
    %get3A_987 = arith.constant 448 : index
    %get3A_988 = arith.constant 2800 : index
    %get3A_989 = vector.load %arg11[%get3A_987, %get3A_988] : memref<512x5600xf32, #tpu.memory_space<vmem>>, vector<64x700xf32>
    %get3A_990 = arith.constant 448 : index
    %get3A_991 = arith.constant 3500 : index
    %get3A_992 = vector.load %arg11[%get3A_990, %get3A_991] : memref<512x5600xf32, #tpu.memory_space<vmem>>, vector<64x700xf32>
    %get3A_993 = arith.constant 2 : index
    %get3A_994 = arith.constant 0 : index
    %get3A_995 = arith.constant 0 : index
    %get3A_996 = vector.load %arg7[%get3A_993, %get3A_994, %get3A_995] : memref<3x64x192xf32, #tpu.memory_space<vmem>>, vector<1x64x192xf32>
    %get3A_997 = vector.shape_cast %get3A_996 : vector<1x64x192xf32> to vector<64x192xf32>
    %concatenate3A_998 = tpu.concatenate %get3A_986, %get3A_989, %get3A_992 in 0 : vector<64x700xf32>, vector<64x700xf32>, vector<64x700xf32> -> vector<192x700xf32>
    %dot_general3A_999 = arith.constant dense<0.000000e+00> : vector<64x700xf32>
    %dot_general3A_1000 = tpu.matmul %get3A_997, %concatenate3A_998, %dot_general3A_999 {dimension_numbers = #tpu.dot_dimension_numbers<[1], [0], [0], [1], [0, 0, 1, 1], [], []>, transpose_lhs_hint = false} : vector<64x192xf32>, vector<192x700xf32>, vector<64x700xf32> -> vector<64x700xf32>
    %add3A_1001 = arith.addf %add3A_983, %dot_general3A_1000 : vector<64x700xf32>
    %max3A_1002 = arith.constant 0.000000e+00 : f32
    %max3A_1003 = vector.broadcast %max3A_1002 : f32 to vector<64x700xf32>
    %max3A_1004 = arith.maximumf %add3A_1001, %max3A_1003 : vector<64x700xf32>
    %swap3A_1005 = arith.constant 0 : index
    %swap3A_1006 = arith.constant 0 : index
    %swap3A_1007 = arith.constant 3 : index
    %swap3A_1008 = arith.constant 1400 : index
    %swap3A_1009 = vector.load %arg9[%swap3A_1005, %swap3A_1006, %swap3A_1007, %swap3A_1008] : memref<1x64x4x2800xf32, #tpu.memory_space<vmem>>, vector<1x64x1x700xf32>
    %swap3A_1010 = vector.shape_cast %swap3A_1009 : vector<1x64x1x700xf32> to vector<64x700xf32>
    %swap3A_1011 = vector.shape_cast %max3A_1004 : vector<64x700xf32> to vector<1x64x1x700xf32>
    tpu.vector_store %arg9[%swap3A_1005, %swap3A_1006, %swap3A_1007, %swap3A_1008], %swap3A_1011 {strides = array<i32>} : memref<1x64x4x2800xf32, #tpu.memory_space<vmem>>, vector<1x64x1x700xf32>,
    %broadcast_in_dim3A_1012 = vector.shape_cast %get3A_51 : vector<64x1xf32> to vector<64x1xf32>
    %broadcast_in_dim3A_1013 = vector.broadcast %broadcast_in_dim3A_1012 : vector<64x1xf32> to vector<64x700xf32>
    %get3A_1014 = arith.constant 320 : index
    %get3A_1015 = arith.constant 3500 : index
    %get3A_1016 = vector.load %arg11[%get3A_1014, %get3A_1015] : memref<512x5600xf32, #tpu.memory_space<vmem>>, vector<64x700xf32>
    %get3A_1017 = arith.constant 320 : index
    %get3A_1018 = arith.constant 4200 : index
    %get3A_1019 = vector.load %arg11[%get3A_1017, %get3A_1018] : memref<512x5600xf32, #tpu.memory_space<vmem>>, vector<64x700xf32>
    %get3A_1020 = arith.constant 320 : index
    %get3A_1021 = arith.constant 4900 : index
    %get3A_1022 = vector.load %arg11[%get3A_1020, %get3A_1021] : memref<512x5600xf32, #tpu.memory_space<vmem>>, vector<64x700xf32>
    %get3A_1023 = arith.constant 0 : index
    %get3A_1024 = arith.constant 0 : index
    %get3A_1025 = arith.constant 0 : index
    %get3A_1026 = vector.load %arg7[%get3A_1023, %get3A_1024, %get3A_1025] : memref<3x64x192xf32, #tpu.memory_space<vmem>>, vector<1x64x192xf32>
    %get3A_1027 = vector.shape_cast %get3A_1026 : vector<1x64x192xf32> to vector<64x192xf32>
    %concatenate3A_1028 = tpu.concatenate %get3A_1016, %get3A_1019, %get3A_1022 in 0 : vector<64x700xf32>, vector<64x700xf32>, vector<64x700xf32> -> vector<192x700xf32>
    %dot_general3A_1029 = arith.constant dense<0.000000e+00> : vector<64x700xf32>
    %dot_general3A_1030 = tpu.matmul %get3A_1027, %concatenate3A_1028, %dot_general3A_1029 {dimension_numbers = #tpu.dot_dimension_numbers<[1], [0], [0], [1], [0, 0, 1, 1], [], []>, transpose_lhs_hint = false} : vector<64x192xf32>, vector<192x700xf32>, vector<64x700xf32> -> vector<64x700xf32>
    %add3A_1031 = arith.addf %broadcast_in_dim3A_1013, %dot_general3A_1030 : vector<64x700xf32>
    %get3A_1032 = arith.constant 384 : index
    %get3A_1033 = arith.constant 3500 : index
    %get3A_1034 = vector.load %arg11[%get3A_1032, %get3A_1033] : memref<512x5600xf32, #tpu.memory_space<vmem>>, vector<64x700xf32>
    %get3A_1035 = arith.constant 384 : index
    %get3A_1036 = arith.constant 4200 : index
    %get3A_1037 = vector.load %arg11[%get3A_1035, %get3A_1036] : memref<512x5600xf32, #tpu.memory_space<vmem>>, vector<64x700xf32>
    %get3A_1038 = arith.constant 384 : index
    %get3A_1039 = arith.constant 4900 : index
    %get3A_1040 = vector.load %arg11[%get3A_1038, %get3A_1039] : memref<512x5600xf32, #tpu.memory_space<vmem>>, vector<64x700xf32>
    %get3A_1041 = arith.constant 1 : index
    %get3A_1042 = arith.constant 0 : index
    %get3A_1043 = arith.constant 0 : index
    %get3A_1044 = vector.load %arg7[%get3A_1041, %get3A_1042, %get3A_1043] : memref<3x64x192xf32, #tpu.memory_space<vmem>>, vector<1x64x192xf32>
    %get3A_1045 = vector.shape_cast %get3A_1044 : vector<1x64x192xf32> to vector<64x192xf32>
    %concatenate3A_1046 = tpu.concatenate %get3A_1034, %get3A_1037, %get3A_1040 in 0 : vector<64x700xf32>, vector<64x700xf32>, vector<64x700xf32> -> vector<192x700xf32>
    %dot_general3A_1047 = arith.constant dense<0.000000e+00> : vector<64x700xf32>
    %dot_general3A_1048 = tpu.matmul %get3A_1045, %concatenate3A_1046, %dot_general3A_1047 {dimension_numbers = #tpu.dot_dimension_numbers<[1], [0], [0], [1], [0, 0, 1, 1], [], []>, transpose_lhs_hint = false} : vector<64x192xf32>, vector<192x700xf32>, vector<64x700xf32> -> vector<64x700xf32>
    %add3A_1049 = arith.addf %add3A_1031, %dot_general3A_1048 : vector<64x700xf32>
    %get3A_1050 = arith.constant 448 : index
    %get3A_1051 = arith.constant 3500 : index
    %get3A_1052 = vector.load %arg11[%get3A_1050, %get3A_1051] : memref<512x5600xf32, #tpu.memory_space<vmem>>, vector<64x700xf32>
    %get3A_1053 = arith.constant 448 : index
    %get3A_1054 = arith.constant 4200 : index
    %get3A_1055 = vector.load %arg11[%get3A_1053, %get3A_1054] : memref<512x5600xf32, #tpu.memory_space<vmem>>, vector<64x700xf32>
    %get3A_1056 = arith.constant 448 : index
    %get3A_1057 = arith.constant 4900 : index
    %get3A_1058 = vector.load %arg11[%get3A_1056, %get3A_1057] : memref<512x5600xf32, #tpu.memory_space<vmem>>, vector<64x700xf32>
    %get3A_1059 = arith.constant 2 : index
    %get3A_1060 = arith.constant 0 : index
    %get3A_1061 = arith.constant 0 : index
    %get3A_1062 = vector.load %arg7[%get3A_1059, %get3A_1060, %get3A_1061] : memref<3x64x192xf32, #tpu.memory_space<vmem>>, vector<1x64x192xf32>
    %get3A_1063 = vector.shape_cast %get3A_1062 : vector<1x64x192xf32> to vector<64x192xf32>
    %concatenate3A_1064 = tpu.concatenate %get3A_1052, %get3A_1055, %get3A_1058 in 0 : vector<64x700xf32>, vector<64x700xf32>, vector<64x700xf32> -> vector<192x700xf32>
    %dot_general3A_1065 = arith.constant dense<0.000000e+00> : vector<64x700xf32>
    %dot_general3A_1066 = tpu.matmul %get3A_1063, %concatenate3A_1064, %dot_general3A_1065 {dimension_numbers = #tpu.dot_dimension_numbers<[1], [0], [0], [1], [0, 0, 1, 1], [], []>, transpose_lhs_hint = false} : vector<64x192xf32>, vector<192x700xf32>, vector<64x700xf32> -> vector<64x700xf32>
    %add3A_1067 = arith.addf %add3A_1049, %dot_general3A_1066 : vector<64x700xf32>
    %max3A_1068 = arith.constant 0.000000e+00 : f32
    %max3A_1069 = vector.broadcast %max3A_1068 : f32 to vector<64x700xf32>
    %max3A_1070 = arith.maximumf %add3A_1067, %max3A_1069 : vector<64x700xf32>
    %swap3A_1071 = arith.constant 0 : index
    %swap3A_1072 = arith.constant 0 : index
    %swap3A_1073 = arith.constant 3 : index
    %swap3A_1074 = arith.constant 2100 : index
    %swap3A_1075 = vector.load %arg9[%swap3A_1071, %swap3A_1072, %swap3A_1073, %swap3A_1074] : memref<1x64x4x2800xf32, #tpu.memory_space<vmem>>, vector<1x64x1x700xf32>
    %swap3A_1076 = vector.shape_cast %swap3A_1075 : vector<1x64x1x700xf32> to vector<64x700xf32>
    %swap3A_1077 = vector.shape_cast %max3A_1070 : vector<64x700xf32> to vector<1x64x1x700xf32>
    tpu.vector_store %arg9[%swap3A_1071, %swap3A_1072, %swap3A_1073, %swap3A_1074], %swap3A_1077 {strides = array<i32>} : memref<1x64x4x2800xf32, #tpu.memory_space<vmem>>, vector<1x64x1x700xf32>,
    return
  }
  func.func @transform_0(%arg0: i32) -> (i32, i32, i32) {
    %c0_i32 = arith.constant 0 : i32
    %c0_i32_0 = arith.constant 0 : i32
    %c0_i32_1 = arith.constant 0 : i32
    return %arg0, %c0_i32, %c0_i32_0 : i32, i32, i32
  }
  func.func @transform_1(%arg0: i32) -> (i32, i32) {
    %c0_i32 = arith.constant 0 : i32
    %c0_i32_0 = arith.constant 0 : i32
    %c0_i32_1 = arith.constant 0 : i32
    return %c0_i32, %c0_i32_0 : i32, i32
  }
  func.func @transform_2(%arg0: i32) -> (i32, i32) {
    %c0_i32 = arith.constant 0 : i32
    %c0_i32_0 = arith.constant 0 : i32
    %c0_i32_1 = arith.constant 0 : i32
    return %c0_i32, %c0_i32_0 : i32, i32
  }
  func.func @transform_3(%arg0: i32) -> (i32, i32) {
    %c0_i32 = arith.constant 0 : i32
    %c0_i32_0 = arith.constant 0 : i32
    %c0_i32_1 = arith.constant 0 : i32
    return %c0_i32, %c0_i32_0 : i32, i32
  }
  func.func @transform_4(%arg0: i32) -> (i32, i32) {
    %c0_i32 = arith.constant 0 : i32
    %c0_i32_0 = arith.constant 0 : i32
    %c0_i32_1 = arith.constant 0 : i32
    return %c0_i32, %c0_i32_0 : i32, i32
  }
  func.func @transform_5(%arg0: i32) -> (i32, i32) {
    %c0_i32 = arith.constant 0 : i32
    %c0_i32_0 = arith.constant 0 : i32
    %c0_i32_1 = arith.constant 0 : i32
    return %c0_i32, %c0_i32_0 : i32, i32
  }
  func.func @transform_6(%arg0: i32) -> (i32, i32, i32) {
    %c0_i32 = arith.constant 0 : i32
    %c0_i32_0 = arith.constant 0 : i32
    %c0_i32_1 = arith.constant 0 : i32
    %c0_i32_2 = arith.constant 0 : i32
    return %c0_i32, %c0_i32_0, %c0_i32_1 : i32, i32, i32
  }
  func.func @transform_7(%arg0: i32) -> (i32, i32) {
    %c0_i32 = arith.constant 0 : i32
    %c0_i32_0 = arith.constant 0 : i32
    %c0_i32_1 = arith.constant 0 : i32
    return %c0_i32, %c0_i32_0 : i32, i32
  }
  func.func @transform_8(%arg0: i32) -> (i32, i32, i32, i32) {
    %c0_i32 = arith.constant 0 : i32
    %c0_i32_0 = arith.constant 0 : i32
    %c0_i32_1 = arith.constant 0 : i32
    %c0_i32_2 = arith.constant 0 : i32
    return %arg0, %c0_i32, %c0_i32_0, %c0_i32_1 : i32, i32, i32, i32
  }
}

module attributes {stable_mosaic.version = 14 : i64} {
  func.func @_res_pool4_body(%arg0: i32, %arg1: memref<1x64x4x2800xf32, #tpu.memory_space<vmem>>, %arg2: memref<3x128x192xf32, #tpu.memory_space<vmem>>, %arg3: memref<128x1xf32, #tpu.memory_space<vmem>>, %arg4: memref<3x128x384xf32, #tpu.memory_space<vmem>>, %arg5: memref<128x1xf32, #tpu.memory_space<vmem>>, %arg6: memref<128x64xf32, #tpu.memory_space<vmem>>, %arg7: memref<128x1xf32, #tpu.memory_space<vmem>>, %arg8: memref<1x128x2x1400xf32, #tpu.memory_space<vmem>>, %arg9: memref<128x4x2800xf32, #tpu.memory_space<vmem>>) attributes {dimension_semantics = [#tpu.dimension_semantics<arbitrary>], iteration_bounds = array<i64: 2>, scalar_prefetch = 0 : i64, scratch_operands = 1 : i64, tpu.core_type = #tpu.core_type<tc>, window_params = [{transform_indices = @transform_0, window_bounds = array<i64: 1, 64, 4, 2800>}, {pipeline_mode = #tpu.pipeline_mode<synchronous>, transform_indices = @transform_1, window_bounds = array<i64: 3, 128, 192>}, {pipeline_mode = #tpu.pipeline_mode<synchronous>, transform_indices = @transform_2, window_bounds = array<i64: 128, 1>}, {pipeline_mode = #tpu.pipeline_mode<synchronous>, transform_indices = @transform_3, window_bounds = array<i64: 3, 128, 384>}, {pipeline_mode = #tpu.pipeline_mode<synchronous>, transform_indices = @transform_4, window_bounds = array<i64: 128, 1>}, {pipeline_mode = #tpu.pipeline_mode<synchronous>, transform_indices = @transform_5, window_bounds = array<i64: 128, 64>}, {pipeline_mode = #tpu.pipeline_mode<synchronous>, transform_indices = @transform_6, window_bounds = array<i64: 128, 1>}, {transform_indices = @transform_7, window_bounds = array<i64: 1, 128, 2, 1400>}]} {
    %get3A = arith.constant 0 : index
    %get3A_0 = arith.constant 0 : index
    %get3A_1 = vector.load %arg3[%get3A, %get3A_0] : memref<128x1xf32, #tpu.memory_space<vmem>>, vector<128x1xf32>
    %broadcast_in_dim3A = vector.shape_cast %get3A_1 : vector<128x1xf32> to vector<128x1xf32>
    %broadcast_in_dim3A_2 = vector.broadcast %broadcast_in_dim3A : vector<128x1xf32> to vector<128x700xf32>
    %get3A_3 = arith.constant 0 : index
    %get3A_4 = arith.constant 0 : index
    %get3A_5 = arith.constant 0 : index
    %get3A_6 = arith.constant 2100 : index
    %get3A_7 = vector.load %arg1[%get3A_3, %get3A_4, %get3A_5, %get3A_6] : memref<1x64x4x2800xf32, #tpu.memory_space<vmem>>, vector<1x64x1x700xf32>
    %get3A_8 = vector.shape_cast %get3A_7 : vector<1x64x1x700xf32> to vector<64x700xf32>
    %broadcast_in_dim3A_9 = arith.constant 0.000000e+00 : f32
    %broadcast_in_dim3A_10 = vector.broadcast %broadcast_in_dim3A_9 : f32 to vector<64x1xf32>
    %slice3A = vector.extract_strided_slice %get3A_8 {offsets = [0, 0], sizes = [64, 699], strides = [1, 1]} : vector<64x700xf32> to vector<64x699xf32>
    %concatenate3A = tpu.concatenate %broadcast_in_dim3A_10, %slice3A in 1 : vector<64x1xf32>, vector<64x699xf32> -> vector<64x700xf32>
    %get3A_11 = arith.constant 0 : index
    %get3A_12 = arith.constant 0 : index
    %get3A_13 = arith.constant 0 : index
    %get3A_14 = arith.constant 0 : index
    %get3A_15 = vector.load %arg1[%get3A_11, %get3A_12, %get3A_13, %get3A_14] : memref<1x64x4x2800xf32, #tpu.memory_space<vmem>>, vector<1x64x1x700xf32>
    %get3A_16 = vector.shape_cast %get3A_15 : vector<1x64x1x700xf32> to vector<64x700xf32>
    %get3A_17 = arith.constant 0 : index
    %get3A_18 = arith.constant 0 : index
    %get3A_19 = arith.constant 0 : index
    %get3A_20 = arith.constant 700 : index
    %get3A_21 = vector.load %arg1[%get3A_17, %get3A_18, %get3A_19, %get3A_20] : memref<1x64x4x2800xf32, #tpu.memory_space<vmem>>, vector<1x64x1x700xf32>
    %get3A_22 = vector.shape_cast %get3A_21 : vector<1x64x1x700xf32> to vector<64x700xf32>
    %get3A_23 = arith.constant 1 : index
    %get3A_24 = arith.constant 0 : index
    %get3A_25 = arith.constant 0 : index
    %get3A_26 = vector.load %arg2[%get3A_23, %get3A_24, %get3A_25] : memref<3x128x192xf32, #tpu.memory_space<vmem>>, vector<1x128x192xf32>
    %get3A_27 = vector.shape_cast %get3A_26 : vector<1x128x192xf32> to vector<128x192xf32>
    %concatenate3A_28 = tpu.concatenate %concatenate3A, %get3A_16, %get3A_22 in 0 : vector<64x700xf32>, vector<64x700xf32>, vector<64x700xf32> -> vector<192x700xf32>
    %dot_general3A = arith.constant dense<0.000000e+00> : vector<128x700xf32>
    %dot_general3A_29 = tpu.matmul %get3A_27, %concatenate3A_28, %dot_general3A {dimension_numbers = #tpu.dot_dimension_numbers<[1], [0], [0], [1], [0, 0, 1, 1], [], []>, transpose_lhs_hint = false} : vector<128x192xf32>, vector<192x700xf32>, vector<128x700xf32> -> vector<128x700xf32>
    %add3A = arith.addf %broadcast_in_dim3A_2, %dot_general3A_29 : vector<128x700xf32>
    %get3A_30 = arith.constant 0 : index
    %get3A_31 = arith.constant 0 : index
    %get3A_32 = arith.constant 1 : index
    %get3A_33 = arith.constant 2100 : index
    %get3A_34 = vector.load %arg1[%get3A_30, %get3A_31, %get3A_32, %get3A_33] : memref<1x64x4x2800xf32, #tpu.memory_space<vmem>>, vector<1x64x1x700xf32>
    %get3A_35 = vector.shape_cast %get3A_34 : vector<1x64x1x700xf32> to vector<64x700xf32>
    %broadcast_in_dim3A_36 = arith.constant 0.000000e+00 : f32
    %broadcast_in_dim3A_37 = vector.broadcast %broadcast_in_dim3A_36 : f32 to vector<64x1xf32>
    %slice3A_38 = vector.extract_strided_slice %get3A_35 {offsets = [0, 0], sizes = [64, 699], strides = [1, 1]} : vector<64x700xf32> to vector<64x699xf32>
    %concatenate3A_39 = tpu.concatenate %broadcast_in_dim3A_37, %slice3A_38 in 1 : vector<64x1xf32>, vector<64x699xf32> -> vector<64x700xf32>
    %get3A_40 = arith.constant 0 : index
    %get3A_41 = arith.constant 0 : index
    %get3A_42 = arith.constant 1 : index
    %get3A_43 = arith.constant 0 : index
    %get3A_44 = vector.load %arg1[%get3A_40, %get3A_41, %get3A_42, %get3A_43] : memref<1x64x4x2800xf32, #tpu.memory_space<vmem>>, vector<1x64x1x700xf32>
    %get3A_45 = vector.shape_cast %get3A_44 : vector<1x64x1x700xf32> to vector<64x700xf32>
    %get3A_46 = arith.constant 0 : index
    %get3A_47 = arith.constant 0 : index
    %get3A_48 = arith.constant 1 : index
    %get3A_49 = arith.constant 700 : index
    %get3A_50 = vector.load %arg1[%get3A_46, %get3A_47, %get3A_48, %get3A_49] : memref<1x64x4x2800xf32, #tpu.memory_space<vmem>>, vector<1x64x1x700xf32>
    %get3A_51 = vector.shape_cast %get3A_50 : vector<1x64x1x700xf32> to vector<64x700xf32>
    %get3A_52 = arith.constant 2 : index
    %get3A_53 = arith.constant 0 : index
    %get3A_54 = arith.constant 0 : index
    %get3A_55 = vector.load %arg2[%get3A_52, %get3A_53, %get3A_54] : memref<3x128x192xf32, #tpu.memory_space<vmem>>, vector<1x128x192xf32>
    %get3A_56 = vector.shape_cast %get3A_55 : vector<1x128x192xf32> to vector<128x192xf32>
    %concatenate3A_57 = tpu.concatenate %concatenate3A_39, %get3A_45, %get3A_51 in 0 : vector<64x700xf32>, vector<64x700xf32>, vector<64x700xf32> -> vector<192x700xf32>
    %dot_general3A_58 = arith.constant dense<0.000000e+00> : vector<128x700xf32>
    %dot_general3A_59 = tpu.matmul %get3A_56, %concatenate3A_57, %dot_general3A_58 {dimension_numbers = #tpu.dot_dimension_numbers<[1], [0], [0], [1], [0, 0, 1, 1], [], []>, transpose_lhs_hint = false} : vector<128x192xf32>, vector<192x700xf32>, vector<128x700xf32> -> vector<128x700xf32>
    %add3A_60 = arith.addf %add3A, %dot_general3A_59 : vector<128x700xf32>
    %broadcast_in_dim3A_61 = vector.shape_cast %get3A_1 : vector<128x1xf32> to vector<128x1xf32>
    %broadcast_in_dim3A_62 = vector.broadcast %broadcast_in_dim3A_61 : vector<128x1xf32> to vector<128x700xf32>
    %get3A_63 = arith.constant 0 : index
    %get3A_64 = arith.constant 0 : index
    %get3A_65 = arith.constant 0 : index
    %get3A_66 = arith.constant 0 : index
    %get3A_67 = vector.load %arg1[%get3A_63, %get3A_64, %get3A_65, %get3A_66] : memref<1x64x4x2800xf32, #tpu.memory_space<vmem>>, vector<1x64x1x700xf32>
    %get3A_68 = vector.shape_cast %get3A_67 : vector<1x64x1x700xf32> to vector<64x700xf32>
    %get3A_69 = arith.constant 0 : index
    %get3A_70 = arith.constant 0 : index
    %get3A_71 = arith.constant 0 : index
    %get3A_72 = arith.constant 700 : index
    %get3A_73 = vector.load %arg1[%get3A_69, %get3A_70, %get3A_71, %get3A_72] : memref<1x64x4x2800xf32, #tpu.memory_space<vmem>>, vector<1x64x1x700xf32>
    %get3A_74 = vector.shape_cast %get3A_73 : vector<1x64x1x700xf32> to vector<64x700xf32>
    %get3A_75 = arith.constant 0 : index
    %get3A_76 = arith.constant 0 : index
    %get3A_77 = arith.constant 0 : index
    %get3A_78 = arith.constant 1400 : index
    %get3A_79 = vector.load %arg1[%get3A_75, %get3A_76, %get3A_77, %get3A_78] : memref<1x64x4x2800xf32, #tpu.memory_space<vmem>>, vector<1x64x1x700xf32>
    %get3A_80 = vector.shape_cast %get3A_79 : vector<1x64x1x700xf32> to vector<64x700xf32>
    %get3A_81 = arith.constant 1 : index
    %get3A_82 = arith.constant 0 : index
    %get3A_83 = arith.constant 0 : index
    %get3A_84 = vector.load %arg2[%get3A_81, %get3A_82, %get3A_83] : memref<3x128x192xf32, #tpu.memory_space<vmem>>, vector<1x128x192xf32>
    %get3A_85 = vector.shape_cast %get3A_84 : vector<1x128x192xf32> to vector<128x192xf32>
    %concatenate3A_86 = tpu.concatenate %get3A_68, %get3A_74, %get3A_80 in 0 : vector<64x700xf32>, vector<64x700xf32>, vector<64x700xf32> -> vector<192x700xf32>
    %dot_general3A_87 = arith.constant dense<0.000000e+00> : vector<128x700xf32>
    %dot_general3A_88 = tpu.matmul %get3A_85, %concatenate3A_86, %dot_general3A_87 {dimension_numbers = #tpu.dot_dimension_numbers<[1], [0], [0], [1], [0, 0, 1, 1], [], []>, transpose_lhs_hint = false} : vector<128x192xf32>, vector<192x700xf32>, vector<128x700xf32> -> vector<128x700xf32>
    %add3A_89 = arith.addf %broadcast_in_dim3A_62, %dot_general3A_88 : vector<128x700xf32>
    %get3A_90 = arith.constant 0 : index
    %get3A_91 = arith.constant 0 : index
    %get3A_92 = arith.constant 1 : index
    %get3A_93 = arith.constant 0 : index
    %get3A_94 = vector.load %arg1[%get3A_90, %get3A_91, %get3A_92, %get3A_93] : memref<1x64x4x2800xf32, #tpu.memory_space<vmem>>, vector<1x64x1x700xf32>
    %get3A_95 = vector.shape_cast %get3A_94 : vector<1x64x1x700xf32> to vector<64x700xf32>
    %get3A_96 = arith.constant 0 : index
    %get3A_97 = arith.constant 0 : index
    %get3A_98 = arith.constant 1 : index
    %get3A_99 = arith.constant 700 : index
    %get3A_100 = vector.load %arg1[%get3A_96, %get3A_97, %get3A_98, %get3A_99] : memref<1x64x4x2800xf32, #tpu.memory_space<vmem>>, vector<1x64x1x700xf32>
    %get3A_101 = vector.shape_cast %get3A_100 : vector<1x64x1x700xf32> to vector<64x700xf32>
    %get3A_102 = arith.constant 0 : index
    %get3A_103 = arith.constant 0 : index
    %get3A_104 = arith.constant 1 : index
    %get3A_105 = arith.constant 1400 : index
    %get3A_106 = vector.load %arg1[%get3A_102, %get3A_103, %get3A_104, %get3A_105] : memref<1x64x4x2800xf32, #tpu.memory_space<vmem>>, vector<1x64x1x700xf32>
    %get3A_107 = vector.shape_cast %get3A_106 : vector<1x64x1x700xf32> to vector<64x700xf32>
    %get3A_108 = arith.constant 2 : index
    %get3A_109 = arith.constant 0 : index
    %get3A_110 = arith.constant 0 : index
    %get3A_111 = vector.load %arg2[%get3A_108, %get3A_109, %get3A_110] : memref<3x128x192xf32, #tpu.memory_space<vmem>>, vector<1x128x192xf32>
    %get3A_112 = vector.shape_cast %get3A_111 : vector<1x128x192xf32> to vector<128x192xf32>
    %concatenate3A_113 = tpu.concatenate %get3A_95, %get3A_101, %get3A_107 in 0 : vector<64x700xf32>, vector<64x700xf32>, vector<64x700xf32> -> vector<192x700xf32>
    %dot_general3A_114 = arith.constant dense<0.000000e+00> : vector<128x700xf32>
    %dot_general3A_115 = tpu.matmul %get3A_112, %concatenate3A_113, %dot_general3A_114 {dimension_numbers = #tpu.dot_dimension_numbers<[1], [0], [0], [1], [0, 0, 1, 1], [], []>, transpose_lhs_hint = false} : vector<128x192xf32>, vector<192x700xf32>, vector<128x700xf32> -> vector<128x700xf32>
    %add3A_116 = arith.addf %add3A_89, %dot_general3A_115 : vector<128x700xf32>
    %broadcast_in_dim3A_117 = vector.shape_cast %get3A_1 : vector<128x1xf32> to vector<128x1xf32>
    %broadcast_in_dim3A_118 = vector.broadcast %broadcast_in_dim3A_117 : vector<128x1xf32> to vector<128x700xf32>
    %get3A_119 = arith.constant 0 : index
    %get3A_120 = arith.constant 0 : index
    %get3A_121 = arith.constant 0 : index
    %get3A_122 = arith.constant 700 : index
    %get3A_123 = vector.load %arg1[%get3A_119, %get3A_120, %get3A_121, %get3A_122] : memref<1x64x4x2800xf32, #tpu.memory_space<vmem>>, vector<1x64x1x700xf32>
    %get3A_124 = vector.shape_cast %get3A_123 : vector<1x64x1x700xf32> to vector<64x700xf32>
    %get3A_125 = arith.constant 0 : index
    %get3A_126 = arith.constant 0 : index
    %get3A_127 = arith.constant 0 : index
    %get3A_128 = arith.constant 1400 : index
    %get3A_129 = vector.load %arg1[%get3A_125, %get3A_126, %get3A_127, %get3A_128] : memref<1x64x4x2800xf32, #tpu.memory_space<vmem>>, vector<1x64x1x700xf32>
    %get3A_130 = vector.shape_cast %get3A_129 : vector<1x64x1x700xf32> to vector<64x700xf32>
    %get3A_131 = arith.constant 0 : index
    %get3A_132 = arith.constant 0 : index
    %get3A_133 = arith.constant 0 : index
    %get3A_134 = arith.constant 2100 : index
    %get3A_135 = vector.load %arg1[%get3A_131, %get3A_132, %get3A_133, %get3A_134] : memref<1x64x4x2800xf32, #tpu.memory_space<vmem>>, vector<1x64x1x700xf32>
    %get3A_136 = vector.shape_cast %get3A_135 : vector<1x64x1x700xf32> to vector<64x700xf32>
    %get3A_137 = arith.constant 1 : index
    %get3A_138 = arith.constant 0 : index
    %get3A_139 = arith.constant 0 : index
    %get3A_140 = vector.load %arg2[%get3A_137, %get3A_138, %get3A_139] : memref<3x128x192xf32, #tpu.memory_space<vmem>>, vector<1x128x192xf32>
    %get3A_141 = vector.shape_cast %get3A_140 : vector<1x128x192xf32> to vector<128x192xf32>
    %concatenate3A_142 = tpu.concatenate %get3A_124, %get3A_130, %get3A_136 in 0 : vector<64x700xf32>, vector<64x700xf32>, vector<64x700xf32> -> vector<192x700xf32>
    %dot_general3A_143 = arith.constant dense<0.000000e+00> : vector<128x700xf32>
    %dot_general3A_144 = tpu.matmul %get3A_141, %concatenate3A_142, %dot_general3A_143 {dimension_numbers = #tpu.dot_dimension_numbers<[1], [0], [0], [1], [0, 0, 1, 1], [], []>, transpose_lhs_hint = false} : vector<128x192xf32>, vector<192x700xf32>, vector<128x700xf32> -> vector<128x700xf32>
    %add3A_145 = arith.addf %broadcast_in_dim3A_118, %dot_general3A_144 : vector<128x700xf32>
    %get3A_146 = arith.constant 0 : index
    %get3A_147 = arith.constant 0 : index
    %get3A_148 = arith.constant 1 : index
    %get3A_149 = arith.constant 700 : index
    %get3A_150 = vector.load %arg1[%get3A_146, %get3A_147, %get3A_148, %get3A_149] : memref<1x64x4x2800xf32, #tpu.memory_space<vmem>>, vector<1x64x1x700xf32>
    %get3A_151 = vector.shape_cast %get3A_150 : vector<1x64x1x700xf32> to vector<64x700xf32>
    %get3A_152 = arith.constant 0 : index
    %get3A_153 = arith.constant 0 : index
    %get3A_154 = arith.constant 1 : index
    %get3A_155 = arith.constant 1400 : index
    %get3A_156 = vector.load %arg1[%get3A_152, %get3A_153, %get3A_154, %get3A_155] : memref<1x64x4x2800xf32, #tpu.memory_space<vmem>>, vector<1x64x1x700xf32>
    %get3A_157 = vector.shape_cast %get3A_156 : vector<1x64x1x700xf32> to vector<64x700xf32>
    %get3A_158 = arith.constant 0 : index
    %get3A_159 = arith.constant 0 : index
    %get3A_160 = arith.constant 1 : index
    %get3A_161 = arith.constant 2100 : index
    %get3A_162 = vector.load %arg1[%get3A_158, %get3A_159, %get3A_160, %get3A_161] : memref<1x64x4x2800xf32, #tpu.memory_space<vmem>>, vector<1x64x1x700xf32>
    %get3A_163 = vector.shape_cast %get3A_162 : vector<1x64x1x700xf32> to vector<64x700xf32>
    %get3A_164 = arith.constant 2 : index
    %get3A_165 = arith.constant 0 : index
    %get3A_166 = arith.constant 0 : index
    %get3A_167 = vector.load %arg2[%get3A_164, %get3A_165, %get3A_166] : memref<3x128x192xf32, #tpu.memory_space<vmem>>, vector<1x128x192xf32>
    %get3A_168 = vector.shape_cast %get3A_167 : vector<1x128x192xf32> to vector<128x192xf32>
    %concatenate3A_169 = tpu.concatenate %get3A_151, %get3A_157, %get3A_163 in 0 : vector<64x700xf32>, vector<64x700xf32>, vector<64x700xf32> -> vector<192x700xf32>
    %dot_general3A_170 = arith.constant dense<0.000000e+00> : vector<128x700xf32>
    %dot_general3A_171 = tpu.matmul %get3A_168, %concatenate3A_169, %dot_general3A_170 {dimension_numbers = #tpu.dot_dimension_numbers<[1], [0], [0], [1], [0, 0, 1, 1], [], []>, transpose_lhs_hint = false} : vector<128x192xf32>, vector<192x700xf32>, vector<128x700xf32> -> vector<128x700xf32>
    %add3A_172 = arith.addf %add3A_145, %dot_general3A_171 : vector<128x700xf32>
    %broadcast_in_dim3A_173 = vector.shape_cast %get3A_1 : vector<128x1xf32> to vector<128x1xf32>
    %broadcast_in_dim3A_174 = vector.broadcast %broadcast_in_dim3A_173 : vector<128x1xf32> to vector<128x700xf32>
    %get3A_175 = arith.constant 0 : index
    %get3A_176 = arith.constant 0 : index
    %get3A_177 = arith.constant 0 : index
    %get3A_178 = arith.constant 1400 : index
    %get3A_179 = vector.load %arg1[%get3A_175, %get3A_176, %get3A_177, %get3A_178] : memref<1x64x4x2800xf32, #tpu.memory_space<vmem>>, vector<1x64x1x700xf32>
    %get3A_180 = vector.shape_cast %get3A_179 : vector<1x64x1x700xf32> to vector<64x700xf32>
    %get3A_181 = arith.constant 0 : index
    %get3A_182 = arith.constant 0 : index
    %get3A_183 = arith.constant 0 : index
    %get3A_184 = arith.constant 2100 : index
    %get3A_185 = vector.load %arg1[%get3A_181, %get3A_182, %get3A_183, %get3A_184] : memref<1x64x4x2800xf32, #tpu.memory_space<vmem>>, vector<1x64x1x700xf32>
    %get3A_186 = vector.shape_cast %get3A_185 : vector<1x64x1x700xf32> to vector<64x700xf32>
    %get3A_187 = arith.constant 0 : index
    %get3A_188 = arith.constant 0 : index
    %get3A_189 = arith.constant 0 : index
    %get3A_190 = arith.constant 0 : index
    %get3A_191 = vector.load %arg1[%get3A_187, %get3A_188, %get3A_189, %get3A_190] : memref<1x64x4x2800xf32, #tpu.memory_space<vmem>>, vector<1x64x1x700xf32>
    %get3A_192 = vector.shape_cast %get3A_191 : vector<1x64x1x700xf32> to vector<64x700xf32>
    %slice3A_193 = vector.extract_strided_slice %get3A_192 {offsets = [0, 1], sizes = [64, 699], strides = [1, 1]} : vector<64x700xf32> to vector<64x699xf32>
    %broadcast_in_dim3A_194 = arith.constant 0.000000e+00 : f32
    %broadcast_in_dim3A_195 = vector.broadcast %broadcast_in_dim3A_194 : f32 to vector<64x1xf32>
    %concatenate3A_196 = tpu.concatenate %slice3A_193, %broadcast_in_dim3A_195 in 1 : vector<64x699xf32>, vector<64x1xf32> -> vector<64x700xf32>
    %get3A_197 = arith.constant 1 : index
    %get3A_198 = arith.constant 0 : index
    %get3A_199 = arith.constant 0 : index
    %get3A_200 = vector.load %arg2[%get3A_197, %get3A_198, %get3A_199] : memref<3x128x192xf32, #tpu.memory_space<vmem>>, vector<1x128x192xf32>
    %get3A_201 = vector.shape_cast %get3A_200 : vector<1x128x192xf32> to vector<128x192xf32>
    %concatenate3A_202 = tpu.concatenate %get3A_180, %get3A_186, %concatenate3A_196 in 0 : vector<64x700xf32>, vector<64x700xf32>, vector<64x700xf32> -> vector<192x700xf32>
    %dot_general3A_203 = arith.constant dense<0.000000e+00> : vector<128x700xf32>
    %dot_general3A_204 = tpu.matmul %get3A_201, %concatenate3A_202, %dot_general3A_203 {dimension_numbers = #tpu.dot_dimension_numbers<[1], [0], [0], [1], [0, 0, 1, 1], [], []>, transpose_lhs_hint = false} : vector<128x192xf32>, vector<192x700xf32>, vector<128x700xf32> -> vector<128x700xf32>
    %add3A_205 = arith.addf %broadcast_in_dim3A_174, %dot_general3A_204 : vector<128x700xf32>
    %get3A_206 = arith.constant 0 : index
    %get3A_207 = arith.constant 0 : index
    %get3A_208 = arith.constant 1 : index
    %get3A_209 = arith.constant 1400 : index
    %get3A_210 = vector.load %arg1[%get3A_206, %get3A_207, %get3A_208, %get3A_209] : memref<1x64x4x2800xf32, #tpu.memory_space<vmem>>, vector<1x64x1x700xf32>
    %get3A_211 = vector.shape_cast %get3A_210 : vector<1x64x1x700xf32> to vector<64x700xf32>
    %get3A_212 = arith.constant 0 : index
    %get3A_213 = arith.constant 0 : index
    %get3A_214 = arith.constant 1 : index
    %get3A_215 = arith.constant 2100 : index
    %get3A_216 = vector.load %arg1[%get3A_212, %get3A_213, %get3A_214, %get3A_215] : memref<1x64x4x2800xf32, #tpu.memory_space<vmem>>, vector<1x64x1x700xf32>
    %get3A_217 = vector.shape_cast %get3A_216 : vector<1x64x1x700xf32> to vector<64x700xf32>
    %get3A_218 = arith.constant 0 : index
    %get3A_219 = arith.constant 0 : index
    %get3A_220 = arith.constant 1 : index
    %get3A_221 = arith.constant 0 : index
    %get3A_222 = vector.load %arg1[%get3A_218, %get3A_219, %get3A_220, %get3A_221] : memref<1x64x4x2800xf32, #tpu.memory_space<vmem>>, vector<1x64x1x700xf32>
    %get3A_223 = vector.shape_cast %get3A_222 : vector<1x64x1x700xf32> to vector<64x700xf32>
    %slice3A_224 = vector.extract_strided_slice %get3A_223 {offsets = [0, 1], sizes = [64, 699], strides = [1, 1]} : vector<64x700xf32> to vector<64x699xf32>
    %broadcast_in_dim3A_225 = arith.constant 0.000000e+00 : f32
    %broadcast_in_dim3A_226 = vector.broadcast %broadcast_in_dim3A_225 : f32 to vector<64x1xf32>
    %concatenate3A_227 = tpu.concatenate %slice3A_224, %broadcast_in_dim3A_226 in 1 : vector<64x699xf32>, vector<64x1xf32> -> vector<64x700xf32>
    %get3A_228 = arith.constant 2 : index
    %get3A_229 = arith.constant 0 : index
    %get3A_230 = arith.constant 0 : index
    %get3A_231 = vector.load %arg2[%get3A_228, %get3A_229, %get3A_230] : memref<3x128x192xf32, #tpu.memory_space<vmem>>, vector<1x128x192xf32>
    %get3A_232 = vector.shape_cast %get3A_231 : vector<1x128x192xf32> to vector<128x192xf32>
    %concatenate3A_233 = tpu.concatenate %get3A_211, %get3A_217, %concatenate3A_227 in 0 : vector<64x700xf32>, vector<64x700xf32>, vector<64x700xf32> -> vector<192x700xf32>
    %dot_general3A_234 = arith.constant dense<0.000000e+00> : vector<128x700xf32>
    %dot_general3A_235 = tpu.matmul %get3A_232, %concatenate3A_233, %dot_general3A_234 {dimension_numbers = #tpu.dot_dimension_numbers<[1], [0], [0], [1], [0, 0, 1, 1], [], []>, transpose_lhs_hint = false} : vector<128x192xf32>, vector<192x700xf32>, vector<128x700xf32> -> vector<128x700xf32>
    %add3A_236 = arith.addf %add3A_205, %dot_general3A_235 : vector<128x700xf32>
    %broadcast_in_dim3A_237 = vector.shape_cast %get3A_1 : vector<128x1xf32> to vector<128x1xf32>
    %broadcast_in_dim3A_238 = vector.broadcast %broadcast_in_dim3A_237 : vector<128x1xf32> to vector<128x700xf32>
    %get3A_239 = arith.constant 0 : index
    %get3A_240 = arith.constant 0 : index
    %get3A_241 = arith.constant 0 : index
    %get3A_242 = arith.constant 2100 : index
    %get3A_243 = vector.load %arg1[%get3A_239, %get3A_240, %get3A_241, %get3A_242] : memref<1x64x4x2800xf32, #tpu.memory_space<vmem>>, vector<1x64x1x700xf32>
    %get3A_244 = vector.shape_cast %get3A_243 : vector<1x64x1x700xf32> to vector<64x700xf32>
    %broadcast_in_dim3A_245 = arith.constant 0.000000e+00 : f32
    %broadcast_in_dim3A_246 = vector.broadcast %broadcast_in_dim3A_245 : f32 to vector<64x1xf32>
    %slice3A_247 = vector.extract_strided_slice %get3A_244 {offsets = [0, 0], sizes = [64, 699], strides = [1, 1]} : vector<64x700xf32> to vector<64x699xf32>
    %concatenate3A_248 = tpu.concatenate %broadcast_in_dim3A_246, %slice3A_247 in 1 : vector<64x1xf32>, vector<64x699xf32> -> vector<64x700xf32>
    %get3A_249 = arith.constant 0 : index
    %get3A_250 = arith.constant 0 : index
    %get3A_251 = arith.constant 0 : index
    %get3A_252 = arith.constant 0 : index
    %get3A_253 = vector.load %arg1[%get3A_249, %get3A_250, %get3A_251, %get3A_252] : memref<1x64x4x2800xf32, #tpu.memory_space<vmem>>, vector<1x64x1x700xf32>
    %get3A_254 = vector.shape_cast %get3A_253 : vector<1x64x1x700xf32> to vector<64x700xf32>
    %get3A_255 = arith.constant 0 : index
    %get3A_256 = arith.constant 0 : index
    %get3A_257 = arith.constant 0 : index
    %get3A_258 = arith.constant 700 : index
    %get3A_259 = vector.load %arg1[%get3A_255, %get3A_256, %get3A_257, %get3A_258] : memref<1x64x4x2800xf32, #tpu.memory_space<vmem>>, vector<1x64x1x700xf32>
    %get3A_260 = vector.shape_cast %get3A_259 : vector<1x64x1x700xf32> to vector<64x700xf32>
    %get3A_261 = arith.constant 0 : index
    %get3A_262 = arith.constant 0 : index
    %get3A_263 = arith.constant 0 : index
    %get3A_264 = vector.load %arg2[%get3A_261, %get3A_262, %get3A_263] : memref<3x128x192xf32, #tpu.memory_space<vmem>>, vector<1x128x192xf32>
    %get3A_265 = vector.shape_cast %get3A_264 : vector<1x128x192xf32> to vector<128x192xf32>
    %concatenate3A_266 = tpu.concatenate %concatenate3A_248, %get3A_254, %get3A_260 in 0 : vector<64x700xf32>, vector<64x700xf32>, vector<64x700xf32> -> vector<192x700xf32>
    %dot_general3A_267 = arith.constant dense<0.000000e+00> : vector<128x700xf32>
    %dot_general3A_268 = tpu.matmul %get3A_265, %concatenate3A_266, %dot_general3A_267 {dimension_numbers = #tpu.dot_dimension_numbers<[1], [0], [0], [1], [0, 0, 1, 1], [], []>, transpose_lhs_hint = false} : vector<128x192xf32>, vector<192x700xf32>, vector<128x700xf32> -> vector<128x700xf32>
    %add3A_269 = arith.addf %broadcast_in_dim3A_238, %dot_general3A_268 : vector<128x700xf32>
    %get3A_270 = arith.constant 0 : index
    %get3A_271 = arith.constant 0 : index
    %get3A_272 = arith.constant 1 : index
    %get3A_273 = arith.constant 2100 : index
    %get3A_274 = vector.load %arg1[%get3A_270, %get3A_271, %get3A_272, %get3A_273] : memref<1x64x4x2800xf32, #tpu.memory_space<vmem>>, vector<1x64x1x700xf32>
    %get3A_275 = vector.shape_cast %get3A_274 : vector<1x64x1x700xf32> to vector<64x700xf32>
    %broadcast_in_dim3A_276 = arith.constant 0.000000e+00 : f32
    %broadcast_in_dim3A_277 = vector.broadcast %broadcast_in_dim3A_276 : f32 to vector<64x1xf32>
    %slice3A_278 = vector.extract_strided_slice %get3A_275 {offsets = [0, 0], sizes = [64, 699], strides = [1, 1]} : vector<64x700xf32> to vector<64x699xf32>
    %concatenate3A_279 = tpu.concatenate %broadcast_in_dim3A_277, %slice3A_278 in 1 : vector<64x1xf32>, vector<64x699xf32> -> vector<64x700xf32>
    %get3A_280 = arith.constant 0 : index
    %get3A_281 = arith.constant 0 : index
    %get3A_282 = arith.constant 1 : index
    %get3A_283 = arith.constant 0 : index
    %get3A_284 = vector.load %arg1[%get3A_280, %get3A_281, %get3A_282, %get3A_283] : memref<1x64x4x2800xf32, #tpu.memory_space<vmem>>, vector<1x64x1x700xf32>
    %get3A_285 = vector.shape_cast %get3A_284 : vector<1x64x1x700xf32> to vector<64x700xf32>
    %get3A_286 = arith.constant 0 : index
    %get3A_287 = arith.constant 0 : index
    %get3A_288 = arith.constant 1 : index
    %get3A_289 = arith.constant 700 : index
    %get3A_290 = vector.load %arg1[%get3A_286, %get3A_287, %get3A_288, %get3A_289] : memref<1x64x4x2800xf32, #tpu.memory_space<vmem>>, vector<1x64x1x700xf32>
    %get3A_291 = vector.shape_cast %get3A_290 : vector<1x64x1x700xf32> to vector<64x700xf32>
    %get3A_292 = arith.constant 1 : index
    %get3A_293 = arith.constant 0 : index
    %get3A_294 = arith.constant 0 : index
    %get3A_295 = vector.load %arg2[%get3A_292, %get3A_293, %get3A_294] : memref<3x128x192xf32, #tpu.memory_space<vmem>>, vector<1x128x192xf32>
    %get3A_296 = vector.shape_cast %get3A_295 : vector<1x128x192xf32> to vector<128x192xf32>
    %concatenate3A_297 = tpu.concatenate %concatenate3A_279, %get3A_285, %get3A_291 in 0 : vector<64x700xf32>, vector<64x700xf32>, vector<64x700xf32> -> vector<192x700xf32>
    %dot_general3A_298 = arith.constant dense<0.000000e+00> : vector<128x700xf32>
    %dot_general3A_299 = tpu.matmul %get3A_296, %concatenate3A_297, %dot_general3A_298 {dimension_numbers = #tpu.dot_dimension_numbers<[1], [0], [0], [1], [0, 0, 1, 1], [], []>, transpose_lhs_hint = false} : vector<128x192xf32>, vector<192x700xf32>, vector<128x700xf32> -> vector<128x700xf32>
    %add3A_300 = arith.addf %add3A_269, %dot_general3A_299 : vector<128x700xf32>
    %get3A_301 = arith.constant 0 : index
    %get3A_302 = arith.constant 0 : index
    %get3A_303 = arith.constant 2 : index
    %get3A_304 = arith.constant 2100 : index
    %get3A_305 = vector.load %arg1[%get3A_301, %get3A_302, %get3A_303, %get3A_304] : memref<1x64x4x2800xf32, #tpu.memory_space<vmem>>, vector<1x64x1x700xf32>
    %get3A_306 = vector.shape_cast %get3A_305 : vector<1x64x1x700xf32> to vector<64x700xf32>
    %broadcast_in_dim3A_307 = arith.constant 0.000000e+00 : f32
    %broadcast_in_dim3A_308 = vector.broadcast %broadcast_in_dim3A_307 : f32 to vector<64x1xf32>
    %slice3A_309 = vector.extract_strided_slice %get3A_306 {offsets = [0, 0], sizes = [64, 699], strides = [1, 1]} : vector<64x700xf32> to vector<64x699xf32>
    %concatenate3A_310 = tpu.concatenate %broadcast_in_dim3A_308, %slice3A_309 in 1 : vector<64x1xf32>, vector<64x699xf32> -> vector<64x700xf32>
    %get3A_311 = arith.constant 0 : index
    %get3A_312 = arith.constant 0 : index
    %get3A_313 = arith.constant 2 : index
    %get3A_314 = arith.constant 0 : index
    %get3A_315 = vector.load %arg1[%get3A_311, %get3A_312, %get3A_313, %get3A_314] : memref<1x64x4x2800xf32, #tpu.memory_space<vmem>>, vector<1x64x1x700xf32>
    %get3A_316 = vector.shape_cast %get3A_315 : vector<1x64x1x700xf32> to vector<64x700xf32>
    %get3A_317 = arith.constant 0 : index
    %get3A_318 = arith.constant 0 : index
    %get3A_319 = arith.constant 2 : index
    %get3A_320 = arith.constant 700 : index
    %get3A_321 = vector.load %arg1[%get3A_317, %get3A_318, %get3A_319, %get3A_320] : memref<1x64x4x2800xf32, #tpu.memory_space<vmem>>, vector<1x64x1x700xf32>
    %get3A_322 = vector.shape_cast %get3A_321 : vector<1x64x1x700xf32> to vector<64x700xf32>
    %get3A_323 = arith.constant 2 : index
    %get3A_324 = arith.constant 0 : index
    %get3A_325 = arith.constant 0 : index
    %get3A_326 = vector.load %arg2[%get3A_323, %get3A_324, %get3A_325] : memref<3x128x192xf32, #tpu.memory_space<vmem>>, vector<1x128x192xf32>
    %get3A_327 = vector.shape_cast %get3A_326 : vector<1x128x192xf32> to vector<128x192xf32>
    %concatenate3A_328 = tpu.concatenate %concatenate3A_310, %get3A_316, %get3A_322 in 0 : vector<64x700xf32>, vector<64x700xf32>, vector<64x700xf32> -> vector<192x700xf32>
    %dot_general3A_329 = arith.constant dense<0.000000e+00> : vector<128x700xf32>
    %dot_general3A_330 = tpu.matmul %get3A_327, %concatenate3A_328, %dot_general3A_329 {dimension_numbers = #tpu.dot_dimension_numbers<[1], [0], [0], [1], [0, 0, 1, 1], [], []>, transpose_lhs_hint = false} : vector<128x192xf32>, vector<192x700xf32>, vector<128x700xf32> -> vector<128x700xf32>
    %add3A_331 = arith.addf %add3A_300, %dot_general3A_330 : vector<128x700xf32>
    %broadcast_in_dim3A_332 = vector.shape_cast %get3A_1 : vector<128x1xf32> to vector<128x1xf32>
    %broadcast_in_dim3A_333 = vector.broadcast %broadcast_in_dim3A_332 : vector<128x1xf32> to vector<128x700xf32>
    %get3A_334 = arith.constant 0 : index
    %get3A_335 = arith.constant 0 : index
    %get3A_336 = arith.constant 0 : index
    %get3A_337 = arith.constant 0 : index
    %get3A_338 = vector.load %arg1[%get3A_334, %get3A_335, %get3A_336, %get3A_337] : memref<1x64x4x2800xf32, #tpu.memory_space<vmem>>, vector<1x64x1x700xf32>
    %get3A_339 = vector.shape_cast %get3A_338 : vector<1x64x1x700xf32> to vector<64x700xf32>
    %get3A_340 = arith.constant 0 : index
    %get3A_341 = arith.constant 0 : index
    %get3A_342 = arith.constant 0 : index
    %get3A_343 = arith.constant 700 : index
    %get3A_344 = vector.load %arg1[%get3A_340, %get3A_341, %get3A_342, %get3A_343] : memref<1x64x4x2800xf32, #tpu.memory_space<vmem>>, vector<1x64x1x700xf32>
    %get3A_345 = vector.shape_cast %get3A_344 : vector<1x64x1x700xf32> to vector<64x700xf32>
    %get3A_346 = arith.constant 0 : index
    %get3A_347 = arith.constant 0 : index
    %get3A_348 = arith.constant 0 : index
    %get3A_349 = arith.constant 1400 : index
    %get3A_350 = vector.load %arg1[%get3A_346, %get3A_347, %get3A_348, %get3A_349] : memref<1x64x4x2800xf32, #tpu.memory_space<vmem>>, vector<1x64x1x700xf32>
    %get3A_351 = vector.shape_cast %get3A_350 : vector<1x64x1x700xf32> to vector<64x700xf32>
    %get3A_352 = arith.constant 0 : index
    %get3A_353 = arith.constant 0 : index
    %get3A_354 = arith.constant 0 : index
    %get3A_355 = vector.load %arg2[%get3A_352, %get3A_353, %get3A_354] : memref<3x128x192xf32, #tpu.memory_space<vmem>>, vector<1x128x192xf32>
    %get3A_356 = vector.shape_cast %get3A_355 : vector<1x128x192xf32> to vector<128x192xf32>
    %concatenate3A_357 = tpu.concatenate %get3A_339, %get3A_345, %get3A_351 in 0 : vector<64x700xf32>, vector<64x700xf32>, vector<64x700xf32> -> vector<192x700xf32>
    %dot_general3A_358 = arith.constant dense<0.000000e+00> : vector<128x700xf32>
    %dot_general3A_359 = tpu.matmul %get3A_356, %concatenate3A_357, %dot_general3A_358 {dimension_numbers = #tpu.dot_dimension_numbers<[1], [0], [0], [1], [0, 0, 1, 1], [], []>, transpose_lhs_hint = false} : vector<128x192xf32>, vector<192x700xf32>, vector<128x700xf32> -> vector<128x700xf32>
    %add3A_360 = arith.addf %broadcast_in_dim3A_333, %dot_general3A_359 : vector<128x700xf32>
    %get3A_361 = arith.constant 0 : index
    %get3A_362 = arith.constant 0 : index
    %get3A_363 = arith.constant 1 : index
    %get3A_364 = arith.constant 0 : index
    %get3A_365 = vector.load %arg1[%get3A_361, %get3A_362, %get3A_363, %get3A_364] : memref<1x64x4x2800xf32, #tpu.memory_space<vmem>>, vector<1x64x1x700xf32>
    %get3A_366 = vector.shape_cast %get3A_365 : vector<1x64x1x700xf32> to vector<64x700xf32>
    %get3A_367 = arith.constant 0 : index
    %get3A_368 = arith.constant 0 : index
    %get3A_369 = arith.constant 1 : index
    %get3A_370 = arith.constant 700 : index
    %get3A_371 = vector.load %arg1[%get3A_367, %get3A_368, %get3A_369, %get3A_370] : memref<1x64x4x2800xf32, #tpu.memory_space<vmem>>, vector<1x64x1x700xf32>
    %get3A_372 = vector.shape_cast %get3A_371 : vector<1x64x1x700xf32> to vector<64x700xf32>
    %get3A_373 = arith.constant 0 : index
    %get3A_374 = arith.constant 0 : index
    %get3A_375 = arith.constant 1 : index
    %get3A_376 = arith.constant 1400 : index
    %get3A_377 = vector.load %arg1[%get3A_373, %get3A_374, %get3A_375, %get3A_376] : memref<1x64x4x2800xf32, #tpu.memory_space<vmem>>, vector<1x64x1x700xf32>
    %get3A_378 = vector.shape_cast %get3A_377 : vector<1x64x1x700xf32> to vector<64x700xf32>
    %get3A_379 = arith.constant 1 : index
    %get3A_380 = arith.constant 0 : index
    %get3A_381 = arith.constant 0 : index
    %get3A_382 = vector.load %arg2[%get3A_379, %get3A_380, %get3A_381] : memref<3x128x192xf32, #tpu.memory_space<vmem>>, vector<1x128x192xf32>
    %get3A_383 = vector.shape_cast %get3A_382 : vector<1x128x192xf32> to vector<128x192xf32>
    %concatenate3A_384 = tpu.concatenate %get3A_366, %get3A_372, %get3A_378 in 0 : vector<64x700xf32>, vector<64x700xf32>, vector<64x700xf32> -> vector<192x700xf32>
    %dot_general3A_385 = arith.constant dense<0.000000e+00> : vector<128x700xf32>
    %dot_general3A_386 = tpu.matmul %get3A_383, %concatenate3A_384, %dot_general3A_385 {dimension_numbers = #tpu.dot_dimension_numbers<[1], [0], [0], [1], [0, 0, 1, 1], [], []>, transpose_lhs_hint = false} : vector<128x192xf32>, vector<192x700xf32>, vector<128x700xf32> -> vector<128x700xf32>
    %add3A_387 = arith.addf %add3A_360, %dot_general3A_386 : vector<128x700xf32>
    %get3A_388 = arith.constant 0 : index
    %get3A_389 = arith.constant 0 : index
    %get3A_390 = arith.constant 2 : index
    %get3A_391 = arith.constant 0 : index
    %get3A_392 = vector.load %arg1[%get3A_388, %get3A_389, %get3A_390, %get3A_391] : memref<1x64x4x2800xf32, #tpu.memory_space<vmem>>, vector<1x64x1x700xf32>
    %get3A_393 = vector.shape_cast %get3A_392 : vector<1x64x1x700xf32> to vector<64x700xf32>
    %get3A_394 = arith.constant 0 : index
    %get3A_395 = arith.constant 0 : index
    %get3A_396 = arith.constant 2 : index
    %get3A_397 = arith.constant 700 : index
    %get3A_398 = vector.load %arg1[%get3A_394, %get3A_395, %get3A_396, %get3A_397] : memref<1x64x4x2800xf32, #tpu.memory_space<vmem>>, vector<1x64x1x700xf32>
    %get3A_399 = vector.shape_cast %get3A_398 : vector<1x64x1x700xf32> to vector<64x700xf32>
    %get3A_400 = arith.constant 0 : index
    %get3A_401 = arith.constant 0 : index
    %get3A_402 = arith.constant 2 : index
    %get3A_403 = arith.constant 1400 : index
    %get3A_404 = vector.load %arg1[%get3A_400, %get3A_401, %get3A_402, %get3A_403] : memref<1x64x4x2800xf32, #tpu.memory_space<vmem>>, vector<1x64x1x700xf32>
    %get3A_405 = vector.shape_cast %get3A_404 : vector<1x64x1x700xf32> to vector<64x700xf32>
    %get3A_406 = arith.constant 2 : index
    %get3A_407 = arith.constant 0 : index
    %get3A_408 = arith.constant 0 : index
    %get3A_409 = vector.load %arg2[%get3A_406, %get3A_407, %get3A_408] : memref<3x128x192xf32, #tpu.memory_space<vmem>>, vector<1x128x192xf32>
    %get3A_410 = vector.shape_cast %get3A_409 : vector<1x128x192xf32> to vector<128x192xf32>
    %concatenate3A_411 = tpu.concatenate %get3A_393, %get3A_399, %get3A_405 in 0 : vector<64x700xf32>, vector<64x700xf32>, vector<64x700xf32> -> vector<192x700xf32>
    %dot_general3A_412 = arith.constant dense<0.000000e+00> : vector<128x700xf32>
    %dot_general3A_413 = tpu.matmul %get3A_410, %concatenate3A_411, %dot_general3A_412 {dimension_numbers = #tpu.dot_dimension_numbers<[1], [0], [0], [1], [0, 0, 1, 1], [], []>, transpose_lhs_hint = false} : vector<128x192xf32>, vector<192x700xf32>, vector<128x700xf32> -> vector<128x700xf32>
    %add3A_414 = arith.addf %add3A_387, %dot_general3A_413 : vector<128x700xf32>
    %broadcast_in_dim3A_415 = vector.shape_cast %get3A_1 : vector<128x1xf32> to vector<128x1xf32>
    %broadcast_in_dim3A_416 = vector.broadcast %broadcast_in_dim3A_415 : vector<128x1xf32> to vector<128x700xf32>
    %get3A_417 = arith.constant 0 : index
    %get3A_418 = arith.constant 0 : index
    %get3A_419 = arith.constant 0 : index
    %get3A_420 = arith.constant 700 : index
    %get3A_421 = vector.load %arg1[%get3A_417, %get3A_418, %get3A_419, %get3A_420] : memref<1x64x4x2800xf32, #tpu.memory_space<vmem>>, vector<1x64x1x700xf32>
    %get3A_422 = vector.shape_cast %get3A_421 : vector<1x64x1x700xf32> to vector<64x700xf32>
    %get3A_423 = arith.constant 0 : index
    %get3A_424 = arith.constant 0 : index
    %get3A_425 = arith.constant 0 : index
    %get3A_426 = arith.constant 1400 : index
    %get3A_427 = vector.load %arg1[%get3A_423, %get3A_424, %get3A_425, %get3A_426] : memref<1x64x4x2800xf32, #tpu.memory_space<vmem>>, vector<1x64x1x700xf32>
    %get3A_428 = vector.shape_cast %get3A_427 : vector<1x64x1x700xf32> to vector<64x700xf32>
    %get3A_429 = arith.constant 0 : index
    %get3A_430 = arith.constant 0 : index
    %get3A_431 = arith.constant 0 : index
    %get3A_432 = arith.constant 2100 : index
    %get3A_433 = vector.load %arg1[%get3A_429, %get3A_430, %get3A_431, %get3A_432] : memref<1x64x4x2800xf32, #tpu.memory_space<vmem>>, vector<1x64x1x700xf32>
    %get3A_434 = vector.shape_cast %get3A_433 : vector<1x64x1x700xf32> to vector<64x700xf32>
    %get3A_435 = arith.constant 0 : index
    %get3A_436 = arith.constant 0 : index
    %get3A_437 = arith.constant 0 : index
    %get3A_438 = vector.load %arg2[%get3A_435, %get3A_436, %get3A_437] : memref<3x128x192xf32, #tpu.memory_space<vmem>>, vector<1x128x192xf32>
    %get3A_439 = vector.shape_cast %get3A_438 : vector<1x128x192xf32> to vector<128x192xf32>
    %concatenate3A_440 = tpu.concatenate %get3A_422, %get3A_428, %get3A_434 in 0 : vector<64x700xf32>, vector<64x700xf32>, vector<64x700xf32> -> vector<192x700xf32>
    %dot_general3A_441 = arith.constant dense<0.000000e+00> : vector<128x700xf32>
    %dot_general3A_442 = tpu.matmul %get3A_439, %concatenate3A_440, %dot_general3A_441 {dimension_numbers = #tpu.dot_dimension_numbers<[1], [0], [0], [1], [0, 0, 1, 1], [], []>, transpose_lhs_hint = false} : vector<128x192xf32>, vector<192x700xf32>, vector<128x700xf32> -> vector<128x700xf32>
    %add3A_443 = arith.addf %broadcast_in_dim3A_416, %dot_general3A_442 : vector<128x700xf32>
    %get3A_444 = arith.constant 0 : index
    %get3A_445 = arith.constant 0 : index
    %get3A_446 = arith.constant 1 : index
    %get3A_447 = arith.constant 700 : index
    %get3A_448 = vector.load %arg1[%get3A_444, %get3A_445, %get3A_446, %get3A_447] : memref<1x64x4x2800xf32, #tpu.memory_space<vmem>>, vector<1x64x1x700xf32>
    %get3A_449 = vector.shape_cast %get3A_448 : vector<1x64x1x700xf32> to vector<64x700xf32>
    %get3A_450 = arith.constant 0 : index
    %get3A_451 = arith.constant 0 : index
    %get3A_452 = arith.constant 1 : index
    %get3A_453 = arith.constant 1400 : index
    %get3A_454 = vector.load %arg1[%get3A_450, %get3A_451, %get3A_452, %get3A_453] : memref<1x64x4x2800xf32, #tpu.memory_space<vmem>>, vector<1x64x1x700xf32>
    %get3A_455 = vector.shape_cast %get3A_454 : vector<1x64x1x700xf32> to vector<64x700xf32>
    %get3A_456 = arith.constant 0 : index
    %get3A_457 = arith.constant 0 : index
    %get3A_458 = arith.constant 1 : index
    %get3A_459 = arith.constant 2100 : index
    %get3A_460 = vector.load %arg1[%get3A_456, %get3A_457, %get3A_458, %get3A_459] : memref<1x64x4x2800xf32, #tpu.memory_space<vmem>>, vector<1x64x1x700xf32>
    %get3A_461 = vector.shape_cast %get3A_460 : vector<1x64x1x700xf32> to vector<64x700xf32>
    %get3A_462 = arith.constant 1 : index
    %get3A_463 = arith.constant 0 : index
    %get3A_464 = arith.constant 0 : index
    %get3A_465 = vector.load %arg2[%get3A_462, %get3A_463, %get3A_464] : memref<3x128x192xf32, #tpu.memory_space<vmem>>, vector<1x128x192xf32>
    %get3A_466 = vector.shape_cast %get3A_465 : vector<1x128x192xf32> to vector<128x192xf32>
    %concatenate3A_467 = tpu.concatenate %get3A_449, %get3A_455, %get3A_461 in 0 : vector<64x700xf32>, vector<64x700xf32>, vector<64x700xf32> -> vector<192x700xf32>
    %dot_general3A_468 = arith.constant dense<0.000000e+00> : vector<128x700xf32>
    %dot_general3A_469 = tpu.matmul %get3A_466, %concatenate3A_467, %dot_general3A_468 {dimension_numbers = #tpu.dot_dimension_numbers<[1], [0], [0], [1], [0, 0, 1, 1], [], []>, transpose_lhs_hint = false} : vector<128x192xf32>, vector<192x700xf32>, vector<128x700xf32> -> vector<128x700xf32>
    %add3A_470 = arith.addf %add3A_443, %dot_general3A_469 : vector<128x700xf32>
    %get3A_471 = arith.constant 0 : index
    %get3A_472 = arith.constant 0 : index
    %get3A_473 = arith.constant 2 : index
    %get3A_474 = arith.constant 700 : index
    %get3A_475 = vector.load %arg1[%get3A_471, %get3A_472, %get3A_473, %get3A_474] : memref<1x64x4x2800xf32, #tpu.memory_space<vmem>>, vector<1x64x1x700xf32>
    %get3A_476 = vector.shape_cast %get3A_475 : vector<1x64x1x700xf32> to vector<64x700xf32>
    %get3A_477 = arith.constant 0 : index
    %get3A_478 = arith.constant 0 : index
    %get3A_479 = arith.constant 2 : index
    %get3A_480 = arith.constant 1400 : index
    %get3A_481 = vector.load %arg1[%get3A_477, %get3A_478, %get3A_479, %get3A_480] : memref<1x64x4x2800xf32, #tpu.memory_space<vmem>>, vector<1x64x1x700xf32>
    %get3A_482 = vector.shape_cast %get3A_481 : vector<1x64x1x700xf32> to vector<64x700xf32>
    %get3A_483 = arith.constant 0 : index
    %get3A_484 = arith.constant 0 : index
    %get3A_485 = arith.constant 2 : index
    %get3A_486 = arith.constant 2100 : index
    %get3A_487 = vector.load %arg1[%get3A_483, %get3A_484, %get3A_485, %get3A_486] : memref<1x64x4x2800xf32, #tpu.memory_space<vmem>>, vector<1x64x1x700xf32>
    %get3A_488 = vector.shape_cast %get3A_487 : vector<1x64x1x700xf32> to vector<64x700xf32>
    %get3A_489 = arith.constant 2 : index
    %get3A_490 = arith.constant 0 : index
    %get3A_491 = arith.constant 0 : index
    %get3A_492 = vector.load %arg2[%get3A_489, %get3A_490, %get3A_491] : memref<3x128x192xf32, #tpu.memory_space<vmem>>, vector<1x128x192xf32>
    %get3A_493 = vector.shape_cast %get3A_492 : vector<1x128x192xf32> to vector<128x192xf32>
    %concatenate3A_494 = tpu.concatenate %get3A_476, %get3A_482, %get3A_488 in 0 : vector<64x700xf32>, vector<64x700xf32>, vector<64x700xf32> -> vector<192x700xf32>
    %dot_general3A_495 = arith.constant dense<0.000000e+00> : vector<128x700xf32>
    %dot_general3A_496 = tpu.matmul %get3A_493, %concatenate3A_494, %dot_general3A_495 {dimension_numbers = #tpu.dot_dimension_numbers<[1], [0], [0], [1], [0, 0, 1, 1], [], []>, transpose_lhs_hint = false} : vector<128x192xf32>, vector<192x700xf32>, vector<128x700xf32> -> vector<128x700xf32>
    %add3A_497 = arith.addf %add3A_470, %dot_general3A_496 : vector<128x700xf32>
    %broadcast_in_dim3A_498 = vector.shape_cast %get3A_1 : vector<128x1xf32> to vector<128x1xf32>
    %broadcast_in_dim3A_499 = vector.broadcast %broadcast_in_dim3A_498 : vector<128x1xf32> to vector<128x700xf32>
    %get3A_500 = arith.constant 0 : index
    %get3A_501 = arith.constant 0 : index
    %get3A_502 = arith.constant 0 : index
    %get3A_503 = arith.constant 1400 : index
    %get3A_504 = vector.load %arg1[%get3A_500, %get3A_501, %get3A_502, %get3A_503] : memref<1x64x4x2800xf32, #tpu.memory_space<vmem>>, vector<1x64x1x700xf32>
    %get3A_505 = vector.shape_cast %get3A_504 : vector<1x64x1x700xf32> to vector<64x700xf32>
    %get3A_506 = arith.constant 0 : index
    %get3A_507 = arith.constant 0 : index
    %get3A_508 = arith.constant 0 : index
    %get3A_509 = arith.constant 2100 : index
    %get3A_510 = vector.load %arg1[%get3A_506, %get3A_507, %get3A_508, %get3A_509] : memref<1x64x4x2800xf32, #tpu.memory_space<vmem>>, vector<1x64x1x700xf32>
    %get3A_511 = vector.shape_cast %get3A_510 : vector<1x64x1x700xf32> to vector<64x700xf32>
    %get3A_512 = arith.constant 0 : index
    %get3A_513 = arith.constant 0 : index
    %get3A_514 = arith.constant 0 : index
    %get3A_515 = arith.constant 0 : index
    %get3A_516 = vector.load %arg1[%get3A_512, %get3A_513, %get3A_514, %get3A_515] : memref<1x64x4x2800xf32, #tpu.memory_space<vmem>>, vector<1x64x1x700xf32>
    %get3A_517 = vector.shape_cast %get3A_516 : vector<1x64x1x700xf32> to vector<64x700xf32>
    %slice3A_518 = vector.extract_strided_slice %get3A_517 {offsets = [0, 1], sizes = [64, 699], strides = [1, 1]} : vector<64x700xf32> to vector<64x699xf32>
    %broadcast_in_dim3A_519 = arith.constant 0.000000e+00 : f32
    %broadcast_in_dim3A_520 = vector.broadcast %broadcast_in_dim3A_519 : f32 to vector<64x1xf32>
    %concatenate3A_521 = tpu.concatenate %slice3A_518, %broadcast_in_dim3A_520 in 1 : vector<64x699xf32>, vector<64x1xf32> -> vector<64x700xf32>
    %get3A_522 = arith.constant 0 : index
    %get3A_523 = arith.constant 0 : index
    %get3A_524 = arith.constant 0 : index
    %get3A_525 = vector.load %arg2[%get3A_522, %get3A_523, %get3A_524] : memref<3x128x192xf32, #tpu.memory_space<vmem>>, vector<1x128x192xf32>
    %get3A_526 = vector.shape_cast %get3A_525 : vector<1x128x192xf32> to vector<128x192xf32>
    %concatenate3A_527 = tpu.concatenate %get3A_505, %get3A_511, %concatenate3A_521 in 0 : vector<64x700xf32>, vector<64x700xf32>, vector<64x700xf32> -> vector<192x700xf32>
    %dot_general3A_528 = arith.constant dense<0.000000e+00> : vector<128x700xf32>
    %dot_general3A_529 = tpu.matmul %get3A_526, %concatenate3A_527, %dot_general3A_528 {dimension_numbers = #tpu.dot_dimension_numbers<[1], [0], [0], [1], [0, 0, 1, 1], [], []>, transpose_lhs_hint = false} : vector<128x192xf32>, vector<192x700xf32>, vector<128x700xf32> -> vector<128x700xf32>
    %add3A_530 = arith.addf %broadcast_in_dim3A_499, %dot_general3A_529 : vector<128x700xf32>
    %get3A_531 = arith.constant 0 : index
    %get3A_532 = arith.constant 0 : index
    %get3A_533 = arith.constant 1 : index
    %get3A_534 = arith.constant 1400 : index
    %get3A_535 = vector.load %arg1[%get3A_531, %get3A_532, %get3A_533, %get3A_534] : memref<1x64x4x2800xf32, #tpu.memory_space<vmem>>, vector<1x64x1x700xf32>
    %get3A_536 = vector.shape_cast %get3A_535 : vector<1x64x1x700xf32> to vector<64x700xf32>
    %get3A_537 = arith.constant 0 : index
    %get3A_538 = arith.constant 0 : index
    %get3A_539 = arith.constant 1 : index
    %get3A_540 = arith.constant 2100 : index
    %get3A_541 = vector.load %arg1[%get3A_537, %get3A_538, %get3A_539, %get3A_540] : memref<1x64x4x2800xf32, #tpu.memory_space<vmem>>, vector<1x64x1x700xf32>
    %get3A_542 = vector.shape_cast %get3A_541 : vector<1x64x1x700xf32> to vector<64x700xf32>
    %get3A_543 = arith.constant 0 : index
    %get3A_544 = arith.constant 0 : index
    %get3A_545 = arith.constant 1 : index
    %get3A_546 = arith.constant 0 : index
    %get3A_547 = vector.load %arg1[%get3A_543, %get3A_544, %get3A_545, %get3A_546] : memref<1x64x4x2800xf32, #tpu.memory_space<vmem>>, vector<1x64x1x700xf32>
    %get3A_548 = vector.shape_cast %get3A_547 : vector<1x64x1x700xf32> to vector<64x700xf32>
    %slice3A_549 = vector.extract_strided_slice %get3A_548 {offsets = [0, 1], sizes = [64, 699], strides = [1, 1]} : vector<64x700xf32> to vector<64x699xf32>
    %broadcast_in_dim3A_550 = arith.constant 0.000000e+00 : f32
    %broadcast_in_dim3A_551 = vector.broadcast %broadcast_in_dim3A_550 : f32 to vector<64x1xf32>
    %concatenate3A_552 = tpu.concatenate %slice3A_549, %broadcast_in_dim3A_551 in 1 : vector<64x699xf32>, vector<64x1xf32> -> vector<64x700xf32>
    %get3A_553 = arith.constant 1 : index
    %get3A_554 = arith.constant 0 : index
    %get3A_555 = arith.constant 0 : index
    %get3A_556 = vector.load %arg2[%get3A_553, %get3A_554, %get3A_555] : memref<3x128x192xf32, #tpu.memory_space<vmem>>, vector<1x128x192xf32>
    %get3A_557 = vector.shape_cast %get3A_556 : vector<1x128x192xf32> to vector<128x192xf32>
    %concatenate3A_558 = tpu.concatenate %get3A_536, %get3A_542, %concatenate3A_552 in 0 : vector<64x700xf32>, vector<64x700xf32>, vector<64x700xf32> -> vector<192x700xf32>
    %dot_general3A_559 = arith.constant dense<0.000000e+00> : vector<128x700xf32>
    %dot_general3A_560 = tpu.matmul %get3A_557, %concatenate3A_558, %dot_general3A_559 {dimension_numbers = #tpu.dot_dimension_numbers<[1], [0], [0], [1], [0, 0, 1, 1], [], []>, transpose_lhs_hint = false} : vector<128x192xf32>, vector<192x700xf32>, vector<128x700xf32> -> vector<128x700xf32>
    %add3A_561 = arith.addf %add3A_530, %dot_general3A_560 : vector<128x700xf32>
    %get3A_562 = arith.constant 0 : index
    %get3A_563 = arith.constant 0 : index
    %get3A_564 = arith.constant 2 : index
    %get3A_565 = arith.constant 1400 : index
    %get3A_566 = vector.load %arg1[%get3A_562, %get3A_563, %get3A_564, %get3A_565] : memref<1x64x4x2800xf32, #tpu.memory_space<vmem>>, vector<1x64x1x700xf32>
    %get3A_567 = vector.shape_cast %get3A_566 : vector<1x64x1x700xf32> to vector<64x700xf32>
    %get3A_568 = arith.constant 0 : index
    %get3A_569 = arith.constant 0 : index
    %get3A_570 = arith.constant 2 : index
    %get3A_571 = arith.constant 2100 : index
    %get3A_572 = vector.load %arg1[%get3A_568, %get3A_569, %get3A_570, %get3A_571] : memref<1x64x4x2800xf32, #tpu.memory_space<vmem>>, vector<1x64x1x700xf32>
    %get3A_573 = vector.shape_cast %get3A_572 : vector<1x64x1x700xf32> to vector<64x700xf32>
    %get3A_574 = arith.constant 0 : index
    %get3A_575 = arith.constant 0 : index
    %get3A_576 = arith.constant 2 : index
    %get3A_577 = arith.constant 0 : index
    %get3A_578 = vector.load %arg1[%get3A_574, %get3A_575, %get3A_576, %get3A_577] : memref<1x64x4x2800xf32, #tpu.memory_space<vmem>>, vector<1x64x1x700xf32>
    %get3A_579 = vector.shape_cast %get3A_578 : vector<1x64x1x700xf32> to vector<64x700xf32>
    %slice3A_580 = vector.extract_strided_slice %get3A_579 {offsets = [0, 1], sizes = [64, 699], strides = [1, 1]} : vector<64x700xf32> to vector<64x699xf32>
    %broadcast_in_dim3A_581 = arith.constant 0.000000e+00 : f32
    %broadcast_in_dim3A_582 = vector.broadcast %broadcast_in_dim3A_581 : f32 to vector<64x1xf32>
    %concatenate3A_583 = tpu.concatenate %slice3A_580, %broadcast_in_dim3A_582 in 1 : vector<64x699xf32>, vector<64x1xf32> -> vector<64x700xf32>
    %get3A_584 = arith.constant 2 : index
    %get3A_585 = arith.constant 0 : index
    %get3A_586 = arith.constant 0 : index
    %get3A_587 = vector.load %arg2[%get3A_584, %get3A_585, %get3A_586] : memref<3x128x192xf32, #tpu.memory_space<vmem>>, vector<1x128x192xf32>
    %get3A_588 = vector.shape_cast %get3A_587 : vector<1x128x192xf32> to vector<128x192xf32>
    %concatenate3A_589 = tpu.concatenate %get3A_567, %get3A_573, %concatenate3A_583 in 0 : vector<64x700xf32>, vector<64x700xf32>, vector<64x700xf32> -> vector<192x700xf32>
    %dot_general3A_590 = arith.constant dense<0.000000e+00> : vector<128x700xf32>
    %dot_general3A_591 = tpu.matmul %get3A_588, %concatenate3A_589, %dot_general3A_590 {dimension_numbers = #tpu.dot_dimension_numbers<[1], [0], [0], [1], [0, 0, 1, 1], [], []>, transpose_lhs_hint = false} : vector<128x192xf32>, vector<192x700xf32>, vector<128x700xf32> -> vector<128x700xf32>
    %add3A_592 = arith.addf %add3A_561, %dot_general3A_591 : vector<128x700xf32>
    %broadcast_in_dim3A_593 = vector.shape_cast %get3A_1 : vector<128x1xf32> to vector<128x1xf32>
    %broadcast_in_dim3A_594 = vector.broadcast %broadcast_in_dim3A_593 : vector<128x1xf32> to vector<128x700xf32>
    %get3A_595 = arith.constant 0 : index
    %get3A_596 = arith.constant 0 : index
    %get3A_597 = arith.constant 1 : index
    %get3A_598 = arith.constant 2100 : index
    %get3A_599 = vector.load %arg1[%get3A_595, %get3A_596, %get3A_597, %get3A_598] : memref<1x64x4x2800xf32, #tpu.memory_space<vmem>>, vector<1x64x1x700xf32>
    %get3A_600 = vector.shape_cast %get3A_599 : vector<1x64x1x700xf32> to vector<64x700xf32>
    %broadcast_in_dim3A_601 = arith.constant 0.000000e+00 : f32
    %broadcast_in_dim3A_602 = vector.broadcast %broadcast_in_dim3A_601 : f32 to vector<64x1xf32>
    %slice3A_603 = vector.extract_strided_slice %get3A_600 {offsets = [0, 0], sizes = [64, 699], strides = [1, 1]} : vector<64x700xf32> to vector<64x699xf32>
    %concatenate3A_604 = tpu.concatenate %broadcast_in_dim3A_602, %slice3A_603 in 1 : vector<64x1xf32>, vector<64x699xf32> -> vector<64x700xf32>
    %get3A_605 = arith.constant 0 : index
    %get3A_606 = arith.constant 0 : index
    %get3A_607 = arith.constant 1 : index
    %get3A_608 = arith.constant 0 : index
    %get3A_609 = vector.load %arg1[%get3A_605, %get3A_606, %get3A_607, %get3A_608] : memref<1x64x4x2800xf32, #tpu.memory_space<vmem>>, vector<1x64x1x700xf32>
    %get3A_610 = vector.shape_cast %get3A_609 : vector<1x64x1x700xf32> to vector<64x700xf32>
    %get3A_611 = arith.constant 0 : index
    %get3A_612 = arith.constant 0 : index
    %get3A_613 = arith.constant 1 : index
    %get3A_614 = arith.constant 700 : index
    %get3A_615 = vector.load %arg1[%get3A_611, %get3A_612, %get3A_613, %get3A_614] : memref<1x64x4x2800xf32, #tpu.memory_space<vmem>>, vector<1x64x1x700xf32>
    %get3A_616 = vector.shape_cast %get3A_615 : vector<1x64x1x700xf32> to vector<64x700xf32>
    %get3A_617 = arith.constant 0 : index
    %get3A_618 = arith.constant 0 : index
    %get3A_619 = arith.constant 0 : index
    %get3A_620 = vector.load %arg2[%get3A_617, %get3A_618, %get3A_619] : memref<3x128x192xf32, #tpu.memory_space<vmem>>, vector<1x128x192xf32>
    %get3A_621 = vector.shape_cast %get3A_620 : vector<1x128x192xf32> to vector<128x192xf32>
    %concatenate3A_622 = tpu.concatenate %concatenate3A_604, %get3A_610, %get3A_616 in 0 : vector<64x700xf32>, vector<64x700xf32>, vector<64x700xf32> -> vector<192x700xf32>
    %dot_general3A_623 = arith.constant dense<0.000000e+00> : vector<128x700xf32>
    %dot_general3A_624 = tpu.matmul %get3A_621, %concatenate3A_622, %dot_general3A_623 {dimension_numbers = #tpu.dot_dimension_numbers<[1], [0], [0], [1], [0, 0, 1, 1], [], []>, transpose_lhs_hint = false} : vector<128x192xf32>, vector<192x700xf32>, vector<128x700xf32> -> vector<128x700xf32>
    %add3A_625 = arith.addf %broadcast_in_dim3A_594, %dot_general3A_624 : vector<128x700xf32>
    %get3A_626 = arith.constant 0 : index
    %get3A_627 = arith.constant 0 : index
    %get3A_628 = arith.constant 2 : index
    %get3A_629 = arith.constant 2100 : index
    %get3A_630 = vector.load %arg1[%get3A_626, %get3A_627, %get3A_628, %get3A_629] : memref<1x64x4x2800xf32, #tpu.memory_space<vmem>>, vector<1x64x1x700xf32>
    %get3A_631 = vector.shape_cast %get3A_630 : vector<1x64x1x700xf32> to vector<64x700xf32>
    %broadcast_in_dim3A_632 = arith.constant 0.000000e+00 : f32
    %broadcast_in_dim3A_633 = vector.broadcast %broadcast_in_dim3A_632 : f32 to vector<64x1xf32>
    %slice3A_634 = vector.extract_strided_slice %get3A_631 {offsets = [0, 0], sizes = [64, 699], strides = [1, 1]} : vector<64x700xf32> to vector<64x699xf32>
    %concatenate3A_635 = tpu.concatenate %broadcast_in_dim3A_633, %slice3A_634 in 1 : vector<64x1xf32>, vector<64x699xf32> -> vector<64x700xf32>
    %get3A_636 = arith.constant 0 : index
    %get3A_637 = arith.constant 0 : index
    %get3A_638 = arith.constant 2 : index
    %get3A_639 = arith.constant 0 : index
    %get3A_640 = vector.load %arg1[%get3A_636, %get3A_637, %get3A_638, %get3A_639] : memref<1x64x4x2800xf32, #tpu.memory_space<vmem>>, vector<1x64x1x700xf32>
    %get3A_641 = vector.shape_cast %get3A_640 : vector<1x64x1x700xf32> to vector<64x700xf32>
    %get3A_642 = arith.constant 0 : index
    %get3A_643 = arith.constant 0 : index
    %get3A_644 = arith.constant 2 : index
    %get3A_645 = arith.constant 700 : index
    %get3A_646 = vector.load %arg1[%get3A_642, %get3A_643, %get3A_644, %get3A_645] : memref<1x64x4x2800xf32, #tpu.memory_space<vmem>>, vector<1x64x1x700xf32>
    %get3A_647 = vector.shape_cast %get3A_646 : vector<1x64x1x700xf32> to vector<64x700xf32>
    %get3A_648 = arith.constant 1 : index
    %get3A_649 = arith.constant 0 : index
    %get3A_650 = arith.constant 0 : index
    %get3A_651 = vector.load %arg2[%get3A_648, %get3A_649, %get3A_650] : memref<3x128x192xf32, #tpu.memory_space<vmem>>, vector<1x128x192xf32>
    %get3A_652 = vector.shape_cast %get3A_651 : vector<1x128x192xf32> to vector<128x192xf32>
    %concatenate3A_653 = tpu.concatenate %concatenate3A_635, %get3A_641, %get3A_647 in 0 : vector<64x700xf32>, vector<64x700xf32>, vector<64x700xf32> -> vector<192x700xf32>
    %dot_general3A_654 = arith.constant dense<0.000000e+00> : vector<128x700xf32>
    %dot_general3A_655 = tpu.matmul %get3A_652, %concatenate3A_653, %dot_general3A_654 {dimension_numbers = #tpu.dot_dimension_numbers<[1], [0], [0], [1], [0, 0, 1, 1], [], []>, transpose_lhs_hint = false} : vector<128x192xf32>, vector<192x700xf32>, vector<128x700xf32> -> vector<128x700xf32>
    %add3A_656 = arith.addf %add3A_625, %dot_general3A_655 : vector<128x700xf32>
    %get3A_657 = arith.constant 0 : index
    %get3A_658 = arith.constant 0 : index
    %get3A_659 = arith.constant 3 : index
    %get3A_660 = arith.constant 2100 : index
    %get3A_661 = vector.load %arg1[%get3A_657, %get3A_658, %get3A_659, %get3A_660] : memref<1x64x4x2800xf32, #tpu.memory_space<vmem>>, vector<1x64x1x700xf32>
    %get3A_662 = vector.shape_cast %get3A_661 : vector<1x64x1x700xf32> to vector<64x700xf32>
    %broadcast_in_dim3A_663 = arith.constant 0.000000e+00 : f32
    %broadcast_in_dim3A_664 = vector.broadcast %broadcast_in_dim3A_663 : f32 to vector<64x1xf32>
    %slice3A_665 = vector.extract_strided_slice %get3A_662 {offsets = [0, 0], sizes = [64, 699], strides = [1, 1]} : vector<64x700xf32> to vector<64x699xf32>
    %concatenate3A_666 = tpu.concatenate %broadcast_in_dim3A_664, %slice3A_665 in 1 : vector<64x1xf32>, vector<64x699xf32> -> vector<64x700xf32>
    %get3A_667 = arith.constant 0 : index
    %get3A_668 = arith.constant 0 : index
    %get3A_669 = arith.constant 3 : index
    %get3A_670 = arith.constant 0 : index
    %get3A_671 = vector.load %arg1[%get3A_667, %get3A_668, %get3A_669, %get3A_670] : memref<1x64x4x2800xf32, #tpu.memory_space<vmem>>, vector<1x64x1x700xf32>
    %get3A_672 = vector.shape_cast %get3A_671 : vector<1x64x1x700xf32> to vector<64x700xf32>
    %get3A_673 = arith.constant 0 : index
    %get3A_674 = arith.constant 0 : index
    %get3A_675 = arith.constant 3 : index
    %get3A_676 = arith.constant 700 : index
    %get3A_677 = vector.load %arg1[%get3A_673, %get3A_674, %get3A_675, %get3A_676] : memref<1x64x4x2800xf32, #tpu.memory_space<vmem>>, vector<1x64x1x700xf32>
    %get3A_678 = vector.shape_cast %get3A_677 : vector<1x64x1x700xf32> to vector<64x700xf32>
    %get3A_679 = arith.constant 2 : index
    %get3A_680 = arith.constant 0 : index
    %get3A_681 = arith.constant 0 : index
    %get3A_682 = vector.load %arg2[%get3A_679, %get3A_680, %get3A_681] : memref<3x128x192xf32, #tpu.memory_space<vmem>>, vector<1x128x192xf32>
    %get3A_683 = vector.shape_cast %get3A_682 : vector<1x128x192xf32> to vector<128x192xf32>
    %concatenate3A_684 = tpu.concatenate %concatenate3A_666, %get3A_672, %get3A_678 in 0 : vector<64x700xf32>, vector<64x700xf32>, vector<64x700xf32> -> vector<192x700xf32>
    %dot_general3A_685 = arith.constant dense<0.000000e+00> : vector<128x700xf32>
    %dot_general3A_686 = tpu.matmul %get3A_683, %concatenate3A_684, %dot_general3A_685 {dimension_numbers = #tpu.dot_dimension_numbers<[1], [0], [0], [1], [0, 0, 1, 1], [], []>, transpose_lhs_hint = false} : vector<128x192xf32>, vector<192x700xf32>, vector<128x700xf32> -> vector<128x700xf32>
    %add3A_687 = arith.addf %add3A_656, %dot_general3A_686 : vector<128x700xf32>
    %broadcast_in_dim3A_688 = vector.shape_cast %get3A_1 : vector<128x1xf32> to vector<128x1xf32>
    %broadcast_in_dim3A_689 = vector.broadcast %broadcast_in_dim3A_688 : vector<128x1xf32> to vector<128x700xf32>
    %get3A_690 = arith.constant 0 : index
    %get3A_691 = arith.constant 0 : index
    %get3A_692 = arith.constant 1 : index
    %get3A_693 = arith.constant 0 : index
    %get3A_694 = vector.load %arg1[%get3A_690, %get3A_691, %get3A_692, %get3A_693] : memref<1x64x4x2800xf32, #tpu.memory_space<vmem>>, vector<1x64x1x700xf32>
    %get3A_695 = vector.shape_cast %get3A_694 : vector<1x64x1x700xf32> to vector<64x700xf32>
    %get3A_696 = arith.constant 0 : index
    %get3A_697 = arith.constant 0 : index
    %get3A_698 = arith.constant 1 : index
    %get3A_699 = arith.constant 700 : index
    %get3A_700 = vector.load %arg1[%get3A_696, %get3A_697, %get3A_698, %get3A_699] : memref<1x64x4x2800xf32, #tpu.memory_space<vmem>>, vector<1x64x1x700xf32>
    %get3A_701 = vector.shape_cast %get3A_700 : vector<1x64x1x700xf32> to vector<64x700xf32>
    %get3A_702 = arith.constant 0 : index
    %get3A_703 = arith.constant 0 : index
    %get3A_704 = arith.constant 1 : index
    %get3A_705 = arith.constant 1400 : index
    %get3A_706 = vector.load %arg1[%get3A_702, %get3A_703, %get3A_704, %get3A_705] : memref<1x64x4x2800xf32, #tpu.memory_space<vmem>>, vector<1x64x1x700xf32>
    %get3A_707 = vector.shape_cast %get3A_706 : vector<1x64x1x700xf32> to vector<64x700xf32>
    %get3A_708 = arith.constant 0 : index
    %get3A_709 = arith.constant 0 : index
    %get3A_710 = arith.constant 0 : index
    %get3A_711 = vector.load %arg2[%get3A_708, %get3A_709, %get3A_710] : memref<3x128x192xf32, #tpu.memory_space<vmem>>, vector<1x128x192xf32>
    %get3A_712 = vector.shape_cast %get3A_711 : vector<1x128x192xf32> to vector<128x192xf32>
    %concatenate3A_713 = tpu.concatenate %get3A_695, %get3A_701, %get3A_707 in 0 : vector<64x700xf32>, vector<64x700xf32>, vector<64x700xf32> -> vector<192x700xf32>
    %dot_general3A_714 = arith.constant dense<0.000000e+00> : vector<128x700xf32>
    %dot_general3A_715 = tpu.matmul %get3A_712, %concatenate3A_713, %dot_general3A_714 {dimension_numbers = #tpu.dot_dimension_numbers<[1], [0], [0], [1], [0, 0, 1, 1], [], []>, transpose_lhs_hint = false} : vector<128x192xf32>, vector<192x700xf32>, vector<128x700xf32> -> vector<128x700xf32>
    %add3A_716 = arith.addf %broadcast_in_dim3A_689, %dot_general3A_715 : vector<128x700xf32>
    %get3A_717 = arith.constant 0 : index
    %get3A_718 = arith.constant 0 : index
    %get3A_719 = arith.constant 2 : index
    %get3A_720 = arith.constant 0 : index
    %get3A_721 = vector.load %arg1[%get3A_717, %get3A_718, %get3A_719, %get3A_720] : memref<1x64x4x2800xf32, #tpu.memory_space<vmem>>, vector<1x64x1x700xf32>
    %get3A_722 = vector.shape_cast %get3A_721 : vector<1x64x1x700xf32> to vector<64x700xf32>
    %get3A_723 = arith.constant 0 : index
    %get3A_724 = arith.constant 0 : index
    %get3A_725 = arith.constant 2 : index
    %get3A_726 = arith.constant 700 : index
    %get3A_727 = vector.load %arg1[%get3A_723, %get3A_724, %get3A_725, %get3A_726] : memref<1x64x4x2800xf32, #tpu.memory_space<vmem>>, vector<1x64x1x700xf32>
    %get3A_728 = vector.shape_cast %get3A_727 : vector<1x64x1x700xf32> to vector<64x700xf32>
    %get3A_729 = arith.constant 0 : index
    %get3A_730 = arith.constant 0 : index
    %get3A_731 = arith.constant 2 : index
    %get3A_732 = arith.constant 1400 : index
    %get3A_733 = vector.load %arg1[%get3A_729, %get3A_730, %get3A_731, %get3A_732] : memref<1x64x4x2800xf32, #tpu.memory_space<vmem>>, vector<1x64x1x700xf32>
    %get3A_734 = vector.shape_cast %get3A_733 : vector<1x64x1x700xf32> to vector<64x700xf32>
    %get3A_735 = arith.constant 1 : index
    %get3A_736 = arith.constant 0 : index
    %get3A_737 = arith.constant 0 : index
    %get3A_738 = vector.load %arg2[%get3A_735, %get3A_736, %get3A_737] : memref<3x128x192xf32, #tpu.memory_space<vmem>>, vector<1x128x192xf32>
    %get3A_739 = vector.shape_cast %get3A_738 : vector<1x128x192xf32> to vector<128x192xf32>
    %concatenate3A_740 = tpu.concatenate %get3A_722, %get3A_728, %get3A_734 in 0 : vector<64x700xf32>, vector<64x700xf32>, vector<64x700xf32> -> vector<192x700xf32>
    %dot_general3A_741 = arith.constant dense<0.000000e+00> : vector<128x700xf32>
    %dot_general3A_742 = tpu.matmul %get3A_739, %concatenate3A_740, %dot_general3A_741 {dimension_numbers = #tpu.dot_dimension_numbers<[1], [0], [0], [1], [0, 0, 1, 1], [], []>, transpose_lhs_hint = false} : vector<128x192xf32>, vector<192x700xf32>, vector<128x700xf32> -> vector<128x700xf32>
    %add3A_743 = arith.addf %add3A_716, %dot_general3A_742 : vector<128x700xf32>
    %get3A_744 = arith.constant 0 : index
    %get3A_745 = arith.constant 0 : index
    %get3A_746 = arith.constant 3 : index
    %get3A_747 = arith.constant 0 : index
    %get3A_748 = vector.load %arg1[%get3A_744, %get3A_745, %get3A_746, %get3A_747] : memref<1x64x4x2800xf32, #tpu.memory_space<vmem>>, vector<1x64x1x700xf32>
    %get3A_749 = vector.shape_cast %get3A_748 : vector<1x64x1x700xf32> to vector<64x700xf32>
    %get3A_750 = arith.constant 0 : index
    %get3A_751 = arith.constant 0 : index
    %get3A_752 = arith.constant 3 : index
    %get3A_753 = arith.constant 700 : index
    %get3A_754 = vector.load %arg1[%get3A_750, %get3A_751, %get3A_752, %get3A_753] : memref<1x64x4x2800xf32, #tpu.memory_space<vmem>>, vector<1x64x1x700xf32>
    %get3A_755 = vector.shape_cast %get3A_754 : vector<1x64x1x700xf32> to vector<64x700xf32>
    %get3A_756 = arith.constant 0 : index
    %get3A_757 = arith.constant 0 : index
    %get3A_758 = arith.constant 3 : index
    %get3A_759 = arith.constant 1400 : index
    %get3A_760 = vector.load %arg1[%get3A_756, %get3A_757, %get3A_758, %get3A_759] : memref<1x64x4x2800xf32, #tpu.memory_space<vmem>>, vector<1x64x1x700xf32>
    %get3A_761 = vector.shape_cast %get3A_760 : vector<1x64x1x700xf32> to vector<64x700xf32>
    %get3A_762 = arith.constant 2 : index
    %get3A_763 = arith.constant 0 : index
    %get3A_764 = arith.constant 0 : index
    %get3A_765 = vector.load %arg2[%get3A_762, %get3A_763, %get3A_764] : memref<3x128x192xf32, #tpu.memory_space<vmem>>, vector<1x128x192xf32>
    %get3A_766 = vector.shape_cast %get3A_765 : vector<1x128x192xf32> to vector<128x192xf32>
    %concatenate3A_767 = tpu.concatenate %get3A_749, %get3A_755, %get3A_761 in 0 : vector<64x700xf32>, vector<64x700xf32>, vector<64x700xf32> -> vector<192x700xf32>
    %dot_general3A_768 = arith.constant dense<0.000000e+00> : vector<128x700xf32>
    %dot_general3A_769 = tpu.matmul %get3A_766, %concatenate3A_767, %dot_general3A_768 {dimension_numbers = #tpu.dot_dimension_numbers<[1], [0], [0], [1], [0, 0, 1, 1], [], []>, transpose_lhs_hint = false} : vector<128x192xf32>, vector<192x700xf32>, vector<128x700xf32> -> vector<128x700xf32>
    %add3A_770 = arith.addf %add3A_743, %dot_general3A_769 : vector<128x700xf32>
    %broadcast_in_dim3A_771 = vector.shape_cast %get3A_1 : vector<128x1xf32> to vector<128x1xf32>
    %broadcast_in_dim3A_772 = vector.broadcast %broadcast_in_dim3A_771 : vector<128x1xf32> to vector<128x700xf32>
    %get3A_773 = arith.constant 0 : index
    %get3A_774 = arith.constant 0 : index
    %get3A_775 = arith.constant 1 : index
    %get3A_776 = arith.constant 700 : index
    %get3A_777 = vector.load %arg1[%get3A_773, %get3A_774, %get3A_775, %get3A_776] : memref<1x64x4x2800xf32, #tpu.memory_space<vmem>>, vector<1x64x1x700xf32>
    %get3A_778 = vector.shape_cast %get3A_777 : vector<1x64x1x700xf32> to vector<64x700xf32>
    %get3A_779 = arith.constant 0 : index
    %get3A_780 = arith.constant 0 : index
    %get3A_781 = arith.constant 1 : index
    %get3A_782 = arith.constant 1400 : index
    %get3A_783 = vector.load %arg1[%get3A_779, %get3A_780, %get3A_781, %get3A_782] : memref<1x64x4x2800xf32, #tpu.memory_space<vmem>>, vector<1x64x1x700xf32>
    %get3A_784 = vector.shape_cast %get3A_783 : vector<1x64x1x700xf32> to vector<64x700xf32>
    %get3A_785 = arith.constant 0 : index
    %get3A_786 = arith.constant 0 : index
    %get3A_787 = arith.constant 1 : index
    %get3A_788 = arith.constant 2100 : index
    %get3A_789 = vector.load %arg1[%get3A_785, %get3A_786, %get3A_787, %get3A_788] : memref<1x64x4x2800xf32, #tpu.memory_space<vmem>>, vector<1x64x1x700xf32>
    %get3A_790 = vector.shape_cast %get3A_789 : vector<1x64x1x700xf32> to vector<64x700xf32>
    %get3A_791 = arith.constant 0 : index
    %get3A_792 = arith.constant 0 : index
    %get3A_793 = arith.constant 0 : index
    %get3A_794 = vector.load %arg2[%get3A_791, %get3A_792, %get3A_793] : memref<3x128x192xf32, #tpu.memory_space<vmem>>, vector<1x128x192xf32>
    %get3A_795 = vector.shape_cast %get3A_794 : vector<1x128x192xf32> to vector<128x192xf32>
    %concatenate3A_796 = tpu.concatenate %get3A_778, %get3A_784, %get3A_790 in 0 : vector<64x700xf32>, vector<64x700xf32>, vector<64x700xf32> -> vector<192x700xf32>
    %dot_general3A_797 = arith.constant dense<0.000000e+00> : vector<128x700xf32>
    %dot_general3A_798 = tpu.matmul %get3A_795, %concatenate3A_796, %dot_general3A_797 {dimension_numbers = #tpu.dot_dimension_numbers<[1], [0], [0], [1], [0, 0, 1, 1], [], []>, transpose_lhs_hint = false} : vector<128x192xf32>, vector<192x700xf32>, vector<128x700xf32> -> vector<128x700xf32>
    %add3A_799 = arith.addf %broadcast_in_dim3A_772, %dot_general3A_798 : vector<128x700xf32>
    %get3A_800 = arith.constant 0 : index
    %get3A_801 = arith.constant 0 : index
    %get3A_802 = arith.constant 2 : index
    %get3A_803 = arith.constant 700 : index
    %get3A_804 = vector.load %arg1[%get3A_800, %get3A_801, %get3A_802, %get3A_803] : memref<1x64x4x2800xf32, #tpu.memory_space<vmem>>, vector<1x64x1x700xf32>
    %get3A_805 = vector.shape_cast %get3A_804 : vector<1x64x1x700xf32> to vector<64x700xf32>
    %get3A_806 = arith.constant 0 : index
    %get3A_807 = arith.constant 0 : index
    %get3A_808 = arith.constant 2 : index
    %get3A_809 = arith.constant 1400 : index
    %get3A_810 = vector.load %arg1[%get3A_806, %get3A_807, %get3A_808, %get3A_809] : memref<1x64x4x2800xf32, #tpu.memory_space<vmem>>, vector<1x64x1x700xf32>
    %get3A_811 = vector.shape_cast %get3A_810 : vector<1x64x1x700xf32> to vector<64x700xf32>
    %get3A_812 = arith.constant 0 : index
    %get3A_813 = arith.constant 0 : index
    %get3A_814 = arith.constant 2 : index
    %get3A_815 = arith.constant 2100 : index
    %get3A_816 = vector.load %arg1[%get3A_812, %get3A_813, %get3A_814, %get3A_815] : memref<1x64x4x2800xf32, #tpu.memory_space<vmem>>, vector<1x64x1x700xf32>
    %get3A_817 = vector.shape_cast %get3A_816 : vector<1x64x1x700xf32> to vector<64x700xf32>
    %get3A_818 = arith.constant 1 : index
    %get3A_819 = arith.constant 0 : index
    %get3A_820 = arith.constant 0 : index
    %get3A_821 = vector.load %arg2[%get3A_818, %get3A_819, %get3A_820] : memref<3x128x192xf32, #tpu.memory_space<vmem>>, vector<1x128x192xf32>
    %get3A_822 = vector.shape_cast %get3A_821 : vector<1x128x192xf32> to vector<128x192xf32>
    %concatenate3A_823 = tpu.concatenate %get3A_805, %get3A_811, %get3A_817 in 0 : vector<64x700xf32>, vector<64x700xf32>, vector<64x700xf32> -> vector<192x700xf32>
    %dot_general3A_824 = arith.constant dense<0.000000e+00> : vector<128x700xf32>
    %dot_general3A_825 = tpu.matmul %get3A_822, %concatenate3A_823, %dot_general3A_824 {dimension_numbers = #tpu.dot_dimension_numbers<[1], [0], [0], [1], [0, 0, 1, 1], [], []>, transpose_lhs_hint = false} : vector<128x192xf32>, vector<192x700xf32>, vector<128x700xf32> -> vector<128x700xf32>
    %add3A_826 = arith.addf %add3A_799, %dot_general3A_825 : vector<128x700xf32>
    %get3A_827 = arith.constant 0 : index
    %get3A_828 = arith.constant 0 : index
    %get3A_829 = arith.constant 3 : index
    %get3A_830 = arith.constant 700 : index
    %get3A_831 = vector.load %arg1[%get3A_827, %get3A_828, %get3A_829, %get3A_830] : memref<1x64x4x2800xf32, #tpu.memory_space<vmem>>, vector<1x64x1x700xf32>
    %get3A_832 = vector.shape_cast %get3A_831 : vector<1x64x1x700xf32> to vector<64x700xf32>
    %get3A_833 = arith.constant 0 : index
    %get3A_834 = arith.constant 0 : index
    %get3A_835 = arith.constant 3 : index
    %get3A_836 = arith.constant 1400 : index
    %get3A_837 = vector.load %arg1[%get3A_833, %get3A_834, %get3A_835, %get3A_836] : memref<1x64x4x2800xf32, #tpu.memory_space<vmem>>, vector<1x64x1x700xf32>
    %get3A_838 = vector.shape_cast %get3A_837 : vector<1x64x1x700xf32> to vector<64x700xf32>
    %get3A_839 = arith.constant 0 : index
    %get3A_840 = arith.constant 0 : index
    %get3A_841 = arith.constant 3 : index
    %get3A_842 = arith.constant 2100 : index
    %get3A_843 = vector.load %arg1[%get3A_839, %get3A_840, %get3A_841, %get3A_842] : memref<1x64x4x2800xf32, #tpu.memory_space<vmem>>, vector<1x64x1x700xf32>
    %get3A_844 = vector.shape_cast %get3A_843 : vector<1x64x1x700xf32> to vector<64x700xf32>
    %get3A_845 = arith.constant 2 : index
    %get3A_846 = arith.constant 0 : index
    %get3A_847 = arith.constant 0 : index
    %get3A_848 = vector.load %arg2[%get3A_845, %get3A_846, %get3A_847] : memref<3x128x192xf32, #tpu.memory_space<vmem>>, vector<1x128x192xf32>
    %get3A_849 = vector.shape_cast %get3A_848 : vector<1x128x192xf32> to vector<128x192xf32>
    %concatenate3A_850 = tpu.concatenate %get3A_832, %get3A_838, %get3A_844 in 0 : vector<64x700xf32>, vector<64x700xf32>, vector<64x700xf32> -> vector<192x700xf32>
    %dot_general3A_851 = arith.constant dense<0.000000e+00> : vector<128x700xf32>
    %dot_general3A_852 = tpu.matmul %get3A_849, %concatenate3A_850, %dot_general3A_851 {dimension_numbers = #tpu.dot_dimension_numbers<[1], [0], [0], [1], [0, 0, 1, 1], [], []>, transpose_lhs_hint = false} : vector<128x192xf32>, vector<192x700xf32>, vector<128x700xf32> -> vector<128x700xf32>
    %add3A_853 = arith.addf %add3A_826, %dot_general3A_852 : vector<128x700xf32>
    %broadcast_in_dim3A_854 = vector.shape_cast %get3A_1 : vector<128x1xf32> to vector<128x1xf32>
    %broadcast_in_dim3A_855 = vector.broadcast %broadcast_in_dim3A_854 : vector<128x1xf32> to vector<128x700xf32>
    %get3A_856 = arith.constant 0 : index
    %get3A_857 = arith.constant 0 : index
    %get3A_858 = arith.constant 1 : index
    %get3A_859 = arith.constant 1400 : index
    %get3A_860 = vector.load %arg1[%get3A_856, %get3A_857, %get3A_858, %get3A_859] : memref<1x64x4x2800xf32, #tpu.memory_space<vmem>>, vector<1x64x1x700xf32>
    %get3A_861 = vector.shape_cast %get3A_860 : vector<1x64x1x700xf32> to vector<64x700xf32>
    %get3A_862 = arith.constant 0 : index
    %get3A_863 = arith.constant 0 : index
    %get3A_864 = arith.constant 1 : index
    %get3A_865 = arith.constant 2100 : index
    %get3A_866 = vector.load %arg1[%get3A_862, %get3A_863, %get3A_864, %get3A_865] : memref<1x64x4x2800xf32, #tpu.memory_space<vmem>>, vector<1x64x1x700xf32>
    %get3A_867 = vector.shape_cast %get3A_866 : vector<1x64x1x700xf32> to vector<64x700xf32>
    %get3A_868 = arith.constant 0 : index
    %get3A_869 = arith.constant 0 : index
    %get3A_870 = arith.constant 1 : index
    %get3A_871 = arith.constant 0 : index
    %get3A_872 = vector.load %arg1[%get3A_868, %get3A_869, %get3A_870, %get3A_871] : memref<1x64x4x2800xf32, #tpu.memory_space<vmem>>, vector<1x64x1x700xf32>
    %get3A_873 = vector.shape_cast %get3A_872 : vector<1x64x1x700xf32> to vector<64x700xf32>
    %slice3A_874 = vector.extract_strided_slice %get3A_873 {offsets = [0, 1], sizes = [64, 699], strides = [1, 1]} : vector<64x700xf32> to vector<64x699xf32>
    %broadcast_in_dim3A_875 = arith.constant 0.000000e+00 : f32
    %broadcast_in_dim3A_876 = vector.broadcast %broadcast_in_dim3A_875 : f32 to vector<64x1xf32>
    %concatenate3A_877 = tpu.concatenate %slice3A_874, %broadcast_in_dim3A_876 in 1 : vector<64x699xf32>, vector<64x1xf32> -> vector<64x700xf32>
    %get3A_878 = arith.constant 0 : index
    %get3A_879 = arith.constant 0 : index
    %get3A_880 = arith.constant 0 : index
    %get3A_881 = vector.load %arg2[%get3A_878, %get3A_879, %get3A_880] : memref<3x128x192xf32, #tpu.memory_space<vmem>>, vector<1x128x192xf32>
    %get3A_882 = vector.shape_cast %get3A_881 : vector<1x128x192xf32> to vector<128x192xf32>
    %concatenate3A_883 = tpu.concatenate %get3A_861, %get3A_867, %concatenate3A_877 in 0 : vector<64x700xf32>, vector<64x700xf32>, vector<64x700xf32> -> vector<192x700xf32>
    %dot_general3A_884 = arith.constant dense<0.000000e+00> : vector<128x700xf32>
    %dot_general3A_885 = tpu.matmul %get3A_882, %concatenate3A_883, %dot_general3A_884 {dimension_numbers = #tpu.dot_dimension_numbers<[1], [0], [0], [1], [0, 0, 1, 1], [], []>, transpose_lhs_hint = false} : vector<128x192xf32>, vector<192x700xf32>, vector<128x700xf32> -> vector<128x700xf32>
    %add3A_886 = arith.addf %broadcast_in_dim3A_855, %dot_general3A_885 : vector<128x700xf32>
    %get3A_887 = arith.constant 0 : index
    %get3A_888 = arith.constant 0 : index
    %get3A_889 = arith.constant 2 : index
    %get3A_890 = arith.constant 1400 : index
    %get3A_891 = vector.load %arg1[%get3A_887, %get3A_888, %get3A_889, %get3A_890] : memref<1x64x4x2800xf32, #tpu.memory_space<vmem>>, vector<1x64x1x700xf32>
    %get3A_892 = vector.shape_cast %get3A_891 : vector<1x64x1x700xf32> to vector<64x700xf32>
    %get3A_893 = arith.constant 0 : index
    %get3A_894 = arith.constant 0 : index
    %get3A_895 = arith.constant 2 : index
    %get3A_896 = arith.constant 2100 : index
    %get3A_897 = vector.load %arg1[%get3A_893, %get3A_894, %get3A_895, %get3A_896] : memref<1x64x4x2800xf32, #tpu.memory_space<vmem>>, vector<1x64x1x700xf32>
    %get3A_898 = vector.shape_cast %get3A_897 : vector<1x64x1x700xf32> to vector<64x700xf32>
    %get3A_899 = arith.constant 0 : index
    %get3A_900 = arith.constant 0 : index
    %get3A_901 = arith.constant 2 : index
    %get3A_902 = arith.constant 0 : index
    %get3A_903 = vector.load %arg1[%get3A_899, %get3A_900, %get3A_901, %get3A_902] : memref<1x64x4x2800xf32, #tpu.memory_space<vmem>>, vector<1x64x1x700xf32>
    %get3A_904 = vector.shape_cast %get3A_903 : vector<1x64x1x700xf32> to vector<64x700xf32>
    %slice3A_905 = vector.extract_strided_slice %get3A_904 {offsets = [0, 1], sizes = [64, 699], strides = [1, 1]} : vector<64x700xf32> to vector<64x699xf32>
    %broadcast_in_dim3A_906 = arith.constant 0.000000e+00 : f32
    %broadcast_in_dim3A_907 = vector.broadcast %broadcast_in_dim3A_906 : f32 to vector<64x1xf32>
    %concatenate3A_908 = tpu.concatenate %slice3A_905, %broadcast_in_dim3A_907 in 1 : vector<64x699xf32>, vector<64x1xf32> -> vector<64x700xf32>
    %get3A_909 = arith.constant 1 : index
    %get3A_910 = arith.constant 0 : index
    %get3A_911 = arith.constant 0 : index
    %get3A_912 = vector.load %arg2[%get3A_909, %get3A_910, %get3A_911] : memref<3x128x192xf32, #tpu.memory_space<vmem>>, vector<1x128x192xf32>
    %get3A_913 = vector.shape_cast %get3A_912 : vector<1x128x192xf32> to vector<128x192xf32>
    %concatenate3A_914 = tpu.concatenate %get3A_892, %get3A_898, %concatenate3A_908 in 0 : vector<64x700xf32>, vector<64x700xf32>, vector<64x700xf32> -> vector<192x700xf32>
    %dot_general3A_915 = arith.constant dense<0.000000e+00> : vector<128x700xf32>
    %dot_general3A_916 = tpu.matmul %get3A_913, %concatenate3A_914, %dot_general3A_915 {dimension_numbers = #tpu.dot_dimension_numbers<[1], [0], [0], [1], [0, 0, 1, 1], [], []>, transpose_lhs_hint = false} : vector<128x192xf32>, vector<192x700xf32>, vector<128x700xf32> -> vector<128x700xf32>
    %add3A_917 = arith.addf %add3A_886, %dot_general3A_916 : vector<128x700xf32>
    %get3A_918 = arith.constant 0 : index
    %get3A_919 = arith.constant 0 : index
    %get3A_920 = arith.constant 3 : index
    %get3A_921 = arith.constant 1400 : index
    %get3A_922 = vector.load %arg1[%get3A_918, %get3A_919, %get3A_920, %get3A_921] : memref<1x64x4x2800xf32, #tpu.memory_space<vmem>>, vector<1x64x1x700xf32>
    %get3A_923 = vector.shape_cast %get3A_922 : vector<1x64x1x700xf32> to vector<64x700xf32>
    %get3A_924 = arith.constant 0 : index
    %get3A_925 = arith.constant 0 : index
    %get3A_926 = arith.constant 3 : index
    %get3A_927 = arith.constant 2100 : index
    %get3A_928 = vector.load %arg1[%get3A_924, %get3A_925, %get3A_926, %get3A_927] : memref<1x64x4x2800xf32, #tpu.memory_space<vmem>>, vector<1x64x1x700xf32>
    %get3A_929 = vector.shape_cast %get3A_928 : vector<1x64x1x700xf32> to vector<64x700xf32>
    %get3A_930 = arith.constant 0 : index
    %get3A_931 = arith.constant 0 : index
    %get3A_932 = arith.constant 3 : index
    %get3A_933 = arith.constant 0 : index
    %get3A_934 = vector.load %arg1[%get3A_930, %get3A_931, %get3A_932, %get3A_933] : memref<1x64x4x2800xf32, #tpu.memory_space<vmem>>, vector<1x64x1x700xf32>
    %get3A_935 = vector.shape_cast %get3A_934 : vector<1x64x1x700xf32> to vector<64x700xf32>
    %slice3A_936 = vector.extract_strided_slice %get3A_935 {offsets = [0, 1], sizes = [64, 699], strides = [1, 1]} : vector<64x700xf32> to vector<64x699xf32>
    %broadcast_in_dim3A_937 = arith.constant 0.000000e+00 : f32
    %broadcast_in_dim3A_938 = vector.broadcast %broadcast_in_dim3A_937 : f32 to vector<64x1xf32>
    %concatenate3A_939 = tpu.concatenate %slice3A_936, %broadcast_in_dim3A_938 in 1 : vector<64x699xf32>, vector<64x1xf32> -> vector<64x700xf32>
    %get3A_940 = arith.constant 2 : index
    %get3A_941 = arith.constant 0 : index
    %get3A_942 = arith.constant 0 : index
    %get3A_943 = vector.load %arg2[%get3A_940, %get3A_941, %get3A_942] : memref<3x128x192xf32, #tpu.memory_space<vmem>>, vector<1x128x192xf32>
    %get3A_944 = vector.shape_cast %get3A_943 : vector<1x128x192xf32> to vector<128x192xf32>
    %concatenate3A_945 = tpu.concatenate %get3A_923, %get3A_929, %concatenate3A_939 in 0 : vector<64x700xf32>, vector<64x700xf32>, vector<64x700xf32> -> vector<192x700xf32>
    %dot_general3A_946 = arith.constant dense<0.000000e+00> : vector<128x700xf32>
    %dot_general3A_947 = tpu.matmul %get3A_944, %concatenate3A_945, %dot_general3A_946 {dimension_numbers = #tpu.dot_dimension_numbers<[1], [0], [0], [1], [0, 0, 1, 1], [], []>, transpose_lhs_hint = false} : vector<128x192xf32>, vector<192x700xf32>, vector<128x700xf32> -> vector<128x700xf32>
    %add3A_948 = arith.addf %add3A_917, %dot_general3A_947 : vector<128x700xf32>
    %broadcast_in_dim3A_949 = vector.shape_cast %get3A_1 : vector<128x1xf32> to vector<128x1xf32>
    %broadcast_in_dim3A_950 = vector.broadcast %broadcast_in_dim3A_949 : vector<128x1xf32> to vector<128x700xf32>
    %get3A_951 = arith.constant 0 : index
    %get3A_952 = arith.constant 0 : index
    %get3A_953 = arith.constant 2 : index
    %get3A_954 = arith.constant 2100 : index
    %get3A_955 = vector.load %arg1[%get3A_951, %get3A_952, %get3A_953, %get3A_954] : memref<1x64x4x2800xf32, #tpu.memory_space<vmem>>, vector<1x64x1x700xf32>
    %get3A_956 = vector.shape_cast %get3A_955 : vector<1x64x1x700xf32> to vector<64x700xf32>
    %broadcast_in_dim3A_957 = arith.constant 0.000000e+00 : f32
    %broadcast_in_dim3A_958 = vector.broadcast %broadcast_in_dim3A_957 : f32 to vector<64x1xf32>
    %slice3A_959 = vector.extract_strided_slice %get3A_956 {offsets = [0, 0], sizes = [64, 699], strides = [1, 1]} : vector<64x700xf32> to vector<64x699xf32>
    %concatenate3A_960 = tpu.concatenate %broadcast_in_dim3A_958, %slice3A_959 in 1 : vector<64x1xf32>, vector<64x699xf32> -> vector<64x700xf32>
    %get3A_961 = arith.constant 0 : index
    %get3A_962 = arith.constant 0 : index
    %get3A_963 = arith.constant 2 : index
    %get3A_964 = arith.constant 0 : index
    %get3A_965 = vector.load %arg1[%get3A_961, %get3A_962, %get3A_963, %get3A_964] : memref<1x64x4x2800xf32, #tpu.memory_space<vmem>>, vector<1x64x1x700xf32>
    %get3A_966 = vector.shape_cast %get3A_965 : vector<1x64x1x700xf32> to vector<64x700xf32>
    %get3A_967 = arith.constant 0 : index
    %get3A_968 = arith.constant 0 : index
    %get3A_969 = arith.constant 2 : index
    %get3A_970 = arith.constant 700 : index
    %get3A_971 = vector.load %arg1[%get3A_967, %get3A_968, %get3A_969, %get3A_970] : memref<1x64x4x2800xf32, #tpu.memory_space<vmem>>, vector<1x64x1x700xf32>
    %get3A_972 = vector.shape_cast %get3A_971 : vector<1x64x1x700xf32> to vector<64x700xf32>
    %get3A_973 = arith.constant 0 : index
    %get3A_974 = arith.constant 0 : index
    %get3A_975 = arith.constant 0 : index
    %get3A_976 = vector.load %arg2[%get3A_973, %get3A_974, %get3A_975] : memref<3x128x192xf32, #tpu.memory_space<vmem>>, vector<1x128x192xf32>
    %get3A_977 = vector.shape_cast %get3A_976 : vector<1x128x192xf32> to vector<128x192xf32>
    %concatenate3A_978 = tpu.concatenate %concatenate3A_960, %get3A_966, %get3A_972 in 0 : vector<64x700xf32>, vector<64x700xf32>, vector<64x700xf32> -> vector<192x700xf32>
    %dot_general3A_979 = arith.constant dense<0.000000e+00> : vector<128x700xf32>
    %dot_general3A_980 = tpu.matmul %get3A_977, %concatenate3A_978, %dot_general3A_979 {dimension_numbers = #tpu.dot_dimension_numbers<[1], [0], [0], [1], [0, 0, 1, 1], [], []>, transpose_lhs_hint = false} : vector<128x192xf32>, vector<192x700xf32>, vector<128x700xf32> -> vector<128x700xf32>
    %add3A_981 = arith.addf %broadcast_in_dim3A_950, %dot_general3A_980 : vector<128x700xf32>
    %get3A_982 = arith.constant 0 : index
    %get3A_983 = arith.constant 0 : index
    %get3A_984 = arith.constant 3 : index
    %get3A_985 = arith.constant 2100 : index
    %get3A_986 = vector.load %arg1[%get3A_982, %get3A_983, %get3A_984, %get3A_985] : memref<1x64x4x2800xf32, #tpu.memory_space<vmem>>, vector<1x64x1x700xf32>
    %get3A_987 = vector.shape_cast %get3A_986 : vector<1x64x1x700xf32> to vector<64x700xf32>
    %broadcast_in_dim3A_988 = arith.constant 0.000000e+00 : f32
    %broadcast_in_dim3A_989 = vector.broadcast %broadcast_in_dim3A_988 : f32 to vector<64x1xf32>
    %slice3A_990 = vector.extract_strided_slice %get3A_987 {offsets = [0, 0], sizes = [64, 699], strides = [1, 1]} : vector<64x700xf32> to vector<64x699xf32>
    %concatenate3A_991 = tpu.concatenate %broadcast_in_dim3A_989, %slice3A_990 in 1 : vector<64x1xf32>, vector<64x699xf32> -> vector<64x700xf32>
    %get3A_992 = arith.constant 0 : index
    %get3A_993 = arith.constant 0 : index
    %get3A_994 = arith.constant 3 : index
    %get3A_995 = arith.constant 0 : index
    %get3A_996 = vector.load %arg1[%get3A_992, %get3A_993, %get3A_994, %get3A_995] : memref<1x64x4x2800xf32, #tpu.memory_space<vmem>>, vector<1x64x1x700xf32>
    %get3A_997 = vector.shape_cast %get3A_996 : vector<1x64x1x700xf32> to vector<64x700xf32>
    %get3A_998 = arith.constant 0 : index
    %get3A_999 = arith.constant 0 : index
    %get3A_1000 = arith.constant 3 : index
    %get3A_1001 = arith.constant 700 : index
    %get3A_1002 = vector.load %arg1[%get3A_998, %get3A_999, %get3A_1000, %get3A_1001] : memref<1x64x4x2800xf32, #tpu.memory_space<vmem>>, vector<1x64x1x700xf32>
    %get3A_1003 = vector.shape_cast %get3A_1002 : vector<1x64x1x700xf32> to vector<64x700xf32>
    %get3A_1004 = arith.constant 1 : index
    %get3A_1005 = arith.constant 0 : index
    %get3A_1006 = arith.constant 0 : index
    %get3A_1007 = vector.load %arg2[%get3A_1004, %get3A_1005, %get3A_1006] : memref<3x128x192xf32, #tpu.memory_space<vmem>>, vector<1x128x192xf32>
    %get3A_1008 = vector.shape_cast %get3A_1007 : vector<1x128x192xf32> to vector<128x192xf32>
    %concatenate3A_1009 = tpu.concatenate %concatenate3A_991, %get3A_997, %get3A_1003 in 0 : vector<64x700xf32>, vector<64x700xf32>, vector<64x700xf32> -> vector<192x700xf32>
    %dot_general3A_1010 = arith.constant dense<0.000000e+00> : vector<128x700xf32>
    %dot_general3A_1011 = tpu.matmul %get3A_1008, %concatenate3A_1009, %dot_general3A_1010 {dimension_numbers = #tpu.dot_dimension_numbers<[1], [0], [0], [1], [0, 0, 1, 1], [], []>, transpose_lhs_hint = false} : vector<128x192xf32>, vector<192x700xf32>, vector<128x700xf32> -> vector<128x700xf32>
    %add3A_1012 = arith.addf %add3A_981, %dot_general3A_1011 : vector<128x700xf32>
    %broadcast_in_dim3A_1013 = vector.shape_cast %get3A_1 : vector<128x1xf32> to vector<128x1xf32>
    %broadcast_in_dim3A_1014 = vector.broadcast %broadcast_in_dim3A_1013 : vector<128x1xf32> to vector<128x700xf32>
    %get3A_1015 = arith.constant 0 : index
    %get3A_1016 = arith.constant 0 : index
    %get3A_1017 = arith.constant 2 : index
    %get3A_1018 = arith.constant 0 : index
    %get3A_1019 = vector.load %arg1[%get3A_1015, %get3A_1016, %get3A_1017, %get3A_1018] : memref<1x64x4x2800xf32, #tpu.memory_space<vmem>>, vector<1x64x1x700xf32>
    %get3A_1020 = vector.shape_cast %get3A_1019 : vector<1x64x1x700xf32> to vector<64x700xf32>
    %get3A_1021 = arith.constant 0 : index
    %get3A_1022 = arith.constant 0 : index
    %get3A_1023 = arith.constant 2 : index
    %get3A_1024 = arith.constant 700 : index
    %get3A_1025 = vector.load %arg1[%get3A_1021, %get3A_1022, %get3A_1023, %get3A_1024] : memref<1x64x4x2800xf32, #tpu.memory_space<vmem>>, vector<1x64x1x700xf32>
    %get3A_1026 = vector.shape_cast %get3A_1025 : vector<1x64x1x700xf32> to vector<64x700xf32>
    %get3A_1027 = arith.constant 0 : index
    %get3A_1028 = arith.constant 0 : index
    %get3A_1029 = arith.constant 2 : index
    %get3A_1030 = arith.constant 1400 : index
    %get3A_1031 = vector.load %arg1[%get3A_1027, %get3A_1028, %get3A_1029, %get3A_1030] : memref<1x64x4x2800xf32, #tpu.memory_space<vmem>>, vector<1x64x1x700xf32>
    %get3A_1032 = vector.shape_cast %get3A_1031 : vector<1x64x1x700xf32> to vector<64x700xf32>
    %get3A_1033 = arith.constant 0 : index
    %get3A_1034 = arith.constant 0 : index
    %get3A_1035 = arith.constant 0 : index
    %get3A_1036 = vector.load %arg2[%get3A_1033, %get3A_1034, %get3A_1035] : memref<3x128x192xf32, #tpu.memory_space<vmem>>, vector<1x128x192xf32>
    %get3A_1037 = vector.shape_cast %get3A_1036 : vector<1x128x192xf32> to vector<128x192xf32>
    %concatenate3A_1038 = tpu.concatenate %get3A_1020, %get3A_1026, %get3A_1032 in 0 : vector<64x700xf32>, vector<64x700xf32>, vector<64x700xf32> -> vector<192x700xf32>
    %dot_general3A_1039 = arith.constant dense<0.000000e+00> : vector<128x700xf32>
    %dot_general3A_1040 = tpu.matmul %get3A_1037, %concatenate3A_1038, %dot_general3A_1039 {dimension_numbers = #tpu.dot_dimension_numbers<[1], [0], [0], [1], [0, 0, 1, 1], [], []>, transpose_lhs_hint = false} : vector<128x192xf32>, vector<192x700xf32>, vector<128x700xf32> -> vector<128x700xf32>
    %add3A_1041 = arith.addf %broadcast_in_dim3A_1014, %dot_general3A_1040 : vector<128x700xf32>
    %get3A_1042 = arith.constant 0 : index
    %get3A_1043 = arith.constant 0 : index
    %get3A_1044 = arith.constant 3 : index
    %get3A_1045 = arith.constant 0 : index
    %get3A_1046 = vector.load %arg1[%get3A_1042, %get3A_1043, %get3A_1044, %get3A_1045] : memref<1x64x4x2800xf32, #tpu.memory_space<vmem>>, vector<1x64x1x700xf32>
    %get3A_1047 = vector.shape_cast %get3A_1046 : vector<1x64x1x700xf32> to vector<64x700xf32>
    %get3A_1048 = arith.constant 0 : index
    %get3A_1049 = arith.constant 0 : index
    %get3A_1050 = arith.constant 3 : index
    %get3A_1051 = arith.constant 700 : index
    %get3A_1052 = vector.load %arg1[%get3A_1048, %get3A_1049, %get3A_1050, %get3A_1051] : memref<1x64x4x2800xf32, #tpu.memory_space<vmem>>, vector<1x64x1x700xf32>
    %get3A_1053 = vector.shape_cast %get3A_1052 : vector<1x64x1x700xf32> to vector<64x700xf32>
    %get3A_1054 = arith.constant 0 : index
    %get3A_1055 = arith.constant 0 : index
    %get3A_1056 = arith.constant 3 : index
    %get3A_1057 = arith.constant 1400 : index
    %get3A_1058 = vector.load %arg1[%get3A_1054, %get3A_1055, %get3A_1056, %get3A_1057] : memref<1x64x4x2800xf32, #tpu.memory_space<vmem>>, vector<1x64x1x700xf32>
    %get3A_1059 = vector.shape_cast %get3A_1058 : vector<1x64x1x700xf32> to vector<64x700xf32>
    %get3A_1060 = arith.constant 1 : index
    %get3A_1061 = arith.constant 0 : index
    %get3A_1062 = arith.constant 0 : index
    %get3A_1063 = vector.load %arg2[%get3A_1060, %get3A_1061, %get3A_1062] : memref<3x128x192xf32, #tpu.memory_space<vmem>>, vector<1x128x192xf32>
    %get3A_1064 = vector.shape_cast %get3A_1063 : vector<1x128x192xf32> to vector<128x192xf32>
    %concatenate3A_1065 = tpu.concatenate %get3A_1047, %get3A_1053, %get3A_1059 in 0 : vector<64x700xf32>, vector<64x700xf32>, vector<64x700xf32> -> vector<192x700xf32>
    %dot_general3A_1066 = arith.constant dense<0.000000e+00> : vector<128x700xf32>
    %dot_general3A_1067 = tpu.matmul %get3A_1064, %concatenate3A_1065, %dot_general3A_1066 {dimension_numbers = #tpu.dot_dimension_numbers<[1], [0], [0], [1], [0, 0, 1, 1], [], []>, transpose_lhs_hint = false} : vector<128x192xf32>, vector<192x700xf32>, vector<128x700xf32> -> vector<128x700xf32>
    %add3A_1068 = arith.addf %add3A_1041, %dot_general3A_1067 : vector<128x700xf32>
    %broadcast_in_dim3A_1069 = vector.shape_cast %get3A_1 : vector<128x1xf32> to vector<128x1xf32>
    %broadcast_in_dim3A_1070 = vector.broadcast %broadcast_in_dim3A_1069 : vector<128x1xf32> to vector<128x700xf32>
    %get3A_1071 = arith.constant 0 : index
    %get3A_1072 = arith.constant 0 : index
    %get3A_1073 = arith.constant 2 : index
    %get3A_1074 = arith.constant 700 : index
    %get3A_1075 = vector.load %arg1[%get3A_1071, %get3A_1072, %get3A_1073, %get3A_1074] : memref<1x64x4x2800xf32, #tpu.memory_space<vmem>>, vector<1x64x1x700xf32>
    %get3A_1076 = vector.shape_cast %get3A_1075 : vector<1x64x1x700xf32> to vector<64x700xf32>
    %get3A_1077 = arith.constant 0 : index
    %get3A_1078 = arith.constant 0 : index
    %get3A_1079 = arith.constant 2 : index
    %get3A_1080 = arith.constant 1400 : index
    %get3A_1081 = vector.load %arg1[%get3A_1077, %get3A_1078, %get3A_1079, %get3A_1080] : memref<1x64x4x2800xf32, #tpu.memory_space<vmem>>, vector<1x64x1x700xf32>
    %get3A_1082 = vector.shape_cast %get3A_1081 : vector<1x64x1x700xf32> to vector<64x700xf32>
    %get3A_1083 = arith.constant 0 : index
    %get3A_1084 = arith.constant 0 : index
    %get3A_1085 = arith.constant 2 : index
    %get3A_1086 = arith.constant 2100 : index
    %get3A_1087 = vector.load %arg1[%get3A_1083, %get3A_1084, %get3A_1085, %get3A_1086] : memref<1x64x4x2800xf32, #tpu.memory_space<vmem>>, vector<1x64x1x700xf32>
    %get3A_1088 = vector.shape_cast %get3A_1087 : vector<1x64x1x700xf32> to vector<64x700xf32>
    %get3A_1089 = arith.constant 0 : index
    %get3A_1090 = arith.constant 0 : index
    %get3A_1091 = arith.constant 0 : index
    %get3A_1092 = vector.load %arg2[%get3A_1089, %get3A_1090, %get3A_1091] : memref<3x128x192xf32, #tpu.memory_space<vmem>>, vector<1x128x192xf32>
    %get3A_1093 = vector.shape_cast %get3A_1092 : vector<1x128x192xf32> to vector<128x192xf32>
    %concatenate3A_1094 = tpu.concatenate %get3A_1076, %get3A_1082, %get3A_1088 in 0 : vector<64x700xf32>, vector<64x700xf32>, vector<64x700xf32> -> vector<192x700xf32>
    %dot_general3A_1095 = arith.constant dense<0.000000e+00> : vector<128x700xf32>
    %dot_general3A_1096 = tpu.matmul %get3A_1093, %concatenate3A_1094, %dot_general3A_1095 {dimension_numbers = #tpu.dot_dimension_numbers<[1], [0], [0], [1], [0, 0, 1, 1], [], []>, transpose_lhs_hint = false} : vector<128x192xf32>, vector<192x700xf32>, vector<128x700xf32> -> vector<128x700xf32>
    %add3A_1097 = arith.addf %broadcast_in_dim3A_1070, %dot_general3A_1096 : vector<128x700xf32>
    %get3A_1098 = arith.constant 0 : index
    %get3A_1099 = arith.constant 0 : index
    %get3A_1100 = arith.constant 3 : index
    %get3A_1101 = arith.constant 700 : index
    %get3A_1102 = vector.load %arg1[%get3A_1098, %get3A_1099, %get3A_1100, %get3A_1101] : memref<1x64x4x2800xf32, #tpu.memory_space<vmem>>, vector<1x64x1x700xf32>
    %get3A_1103 = vector.shape_cast %get3A_1102 : vector<1x64x1x700xf32> to vector<64x700xf32>
    %get3A_1104 = arith.constant 0 : index
    %get3A_1105 = arith.constant 0 : index
    %get3A_1106 = arith.constant 3 : index
    %get3A_1107 = arith.constant 1400 : index
    %get3A_1108 = vector.load %arg1[%get3A_1104, %get3A_1105, %get3A_1106, %get3A_1107] : memref<1x64x4x2800xf32, #tpu.memory_space<vmem>>, vector<1x64x1x700xf32>
    %get3A_1109 = vector.shape_cast %get3A_1108 : vector<1x64x1x700xf32> to vector<64x700xf32>
    %get3A_1110 = arith.constant 0 : index
    %get3A_1111 = arith.constant 0 : index
    %get3A_1112 = arith.constant 3 : index
    %get3A_1113 = arith.constant 2100 : index
    %get3A_1114 = vector.load %arg1[%get3A_1110, %get3A_1111, %get3A_1112, %get3A_1113] : memref<1x64x4x2800xf32, #tpu.memory_space<vmem>>, vector<1x64x1x700xf32>
    %get3A_1115 = vector.shape_cast %get3A_1114 : vector<1x64x1x700xf32> to vector<64x700xf32>
    %get3A_1116 = arith.constant 1 : index
    %get3A_1117 = arith.constant 0 : index
    %get3A_1118 = arith.constant 0 : index
    %get3A_1119 = vector.load %arg2[%get3A_1116, %get3A_1117, %get3A_1118] : memref<3x128x192xf32, #tpu.memory_space<vmem>>, vector<1x128x192xf32>
    %get3A_1120 = vector.shape_cast %get3A_1119 : vector<1x128x192xf32> to vector<128x192xf32>
    %concatenate3A_1121 = tpu.concatenate %get3A_1103, %get3A_1109, %get3A_1115 in 0 : vector<64x700xf32>, vector<64x700xf32>, vector<64x700xf32> -> vector<192x700xf32>
    %dot_general3A_1122 = arith.constant dense<0.000000e+00> : vector<128x700xf32>
    %dot_general3A_1123 = tpu.matmul %get3A_1120, %concatenate3A_1121, %dot_general3A_1122 {dimension_numbers = #tpu.dot_dimension_numbers<[1], [0], [0], [1], [0, 0, 1, 1], [], []>, transpose_lhs_hint = false} : vector<128x192xf32>, vector<192x700xf32>, vector<128x700xf32> -> vector<128x700xf32>
    %add3A_1124 = arith.addf %add3A_1097, %dot_general3A_1123 : vector<128x700xf32>
    %broadcast_in_dim3A_1125 = vector.shape_cast %get3A_1 : vector<128x1xf32> to vector<128x1xf32>
    %broadcast_in_dim3A_1126 = vector.broadcast %broadcast_in_dim3A_1125 : vector<128x1xf32> to vector<128x700xf32>
    %get3A_1127 = arith.constant 0 : index
    %get3A_1128 = arith.constant 0 : index
    %get3A_1129 = arith.constant 2 : index
    %get3A_1130 = arith.constant 1400 : index
    %get3A_1131 = vector.load %arg1[%get3A_1127, %get3A_1128, %get3A_1129, %get3A_1130] : memref<1x64x4x2800xf32, #tpu.memory_space<vmem>>, vector<1x64x1x700xf32>
    %get3A_1132 = vector.shape_cast %get3A_1131 : vector<1x64x1x700xf32> to vector<64x700xf32>
    %get3A_1133 = arith.constant 0 : index
    %get3A_1134 = arith.constant 0 : index
    %get3A_1135 = arith.constant 2 : index
    %get3A_1136 = arith.constant 2100 : index
    %get3A_1137 = vector.load %arg1[%get3A_1133, %get3A_1134, %get3A_1135, %get3A_1136] : memref<1x64x4x2800xf32, #tpu.memory_space<vmem>>, vector<1x64x1x700xf32>
    %get3A_1138 = vector.shape_cast %get3A_1137 : vector<1x64x1x700xf32> to vector<64x700xf32>
    %get3A_1139 = arith.constant 0 : index
    %get3A_1140 = arith.constant 0 : index
    %get3A_1141 = arith.constant 2 : index
    %get3A_1142 = arith.constant 0 : index
    %get3A_1143 = vector.load %arg1[%get3A_1139, %get3A_1140, %get3A_1141, %get3A_1142] : memref<1x64x4x2800xf32, #tpu.memory_space<vmem>>, vector<1x64x1x700xf32>
    %get3A_1144 = vector.shape_cast %get3A_1143 : vector<1x64x1x700xf32> to vector<64x700xf32>
    %slice3A_1145 = vector.extract_strided_slice %get3A_1144 {offsets = [0, 1], sizes = [64, 699], strides = [1, 1]} : vector<64x700xf32> to vector<64x699xf32>
    %broadcast_in_dim3A_1146 = arith.constant 0.000000e+00 : f32
    %broadcast_in_dim3A_1147 = vector.broadcast %broadcast_in_dim3A_1146 : f32 to vector<64x1xf32>
    %concatenate3A_1148 = tpu.concatenate %slice3A_1145, %broadcast_in_dim3A_1147 in 1 : vector<64x699xf32>, vector<64x1xf32> -> vector<64x700xf32>
    %get3A_1149 = arith.constant 0 : index
    %get3A_1150 = arith.constant 0 : index
    %get3A_1151 = arith.constant 0 : index
    %get3A_1152 = vector.load %arg2[%get3A_1149, %get3A_1150, %get3A_1151] : memref<3x128x192xf32, #tpu.memory_space<vmem>>, vector<1x128x192xf32>
    %get3A_1153 = vector.shape_cast %get3A_1152 : vector<1x128x192xf32> to vector<128x192xf32>
    %concatenate3A_1154 = tpu.concatenate %get3A_1132, %get3A_1138, %concatenate3A_1148 in 0 : vector<64x700xf32>, vector<64x700xf32>, vector<64x700xf32> -> vector<192x700xf32>
    %dot_general3A_1155 = arith.constant dense<0.000000e+00> : vector<128x700xf32>
    %dot_general3A_1156 = tpu.matmul %get3A_1153, %concatenate3A_1154, %dot_general3A_1155 {dimension_numbers = #tpu.dot_dimension_numbers<[1], [0], [0], [1], [0, 0, 1, 1], [], []>, transpose_lhs_hint = false} : vector<128x192xf32>, vector<192x700xf32>, vector<128x700xf32> -> vector<128x700xf32>
    %add3A_1157 = arith.addf %broadcast_in_dim3A_1126, %dot_general3A_1156 : vector<128x700xf32>
    %get3A_1158 = arith.constant 0 : index
    %get3A_1159 = arith.constant 0 : index
    %get3A_1160 = arith.constant 3 : index
    %get3A_1161 = arith.constant 1400 : index
    %get3A_1162 = vector.load %arg1[%get3A_1158, %get3A_1159, %get3A_1160, %get3A_1161] : memref<1x64x4x2800xf32, #tpu.memory_space<vmem>>, vector<1x64x1x700xf32>
    %get3A_1163 = vector.shape_cast %get3A_1162 : vector<1x64x1x700xf32> to vector<64x700xf32>
    %get3A_1164 = arith.constant 0 : index
    %get3A_1165 = arith.constant 0 : index
    %get3A_1166 = arith.constant 3 : index
    %get3A_1167 = arith.constant 2100 : index
    %get3A_1168 = vector.load %arg1[%get3A_1164, %get3A_1165, %get3A_1166, %get3A_1167] : memref<1x64x4x2800xf32, #tpu.memory_space<vmem>>, vector<1x64x1x700xf32>
    %get3A_1169 = vector.shape_cast %get3A_1168 : vector<1x64x1x700xf32> to vector<64x700xf32>
    %get3A_1170 = arith.constant 0 : index
    %get3A_1171 = arith.constant 0 : index
    %get3A_1172 = arith.constant 3 : index
    %get3A_1173 = arith.constant 0 : index
    %get3A_1174 = vector.load %arg1[%get3A_1170, %get3A_1171, %get3A_1172, %get3A_1173] : memref<1x64x4x2800xf32, #tpu.memory_space<vmem>>, vector<1x64x1x700xf32>
    %get3A_1175 = vector.shape_cast %get3A_1174 : vector<1x64x1x700xf32> to vector<64x700xf32>
    %slice3A_1176 = vector.extract_strided_slice %get3A_1175 {offsets = [0, 1], sizes = [64, 699], strides = [1, 1]} : vector<64x700xf32> to vector<64x699xf32>
    %broadcast_in_dim3A_1177 = arith.constant 0.000000e+00 : f32
    %broadcast_in_dim3A_1178 = vector.broadcast %broadcast_in_dim3A_1177 : f32 to vector<64x1xf32>
    %concatenate3A_1179 = tpu.concatenate %slice3A_1176, %broadcast_in_dim3A_1178 in 1 : vector<64x699xf32>, vector<64x1xf32> -> vector<64x700xf32>
    %get3A_1180 = arith.constant 1 : index
    %get3A_1181 = arith.constant 0 : index
    %get3A_1182 = arith.constant 0 : index
    %get3A_1183 = vector.load %arg2[%get3A_1180, %get3A_1181, %get3A_1182] : memref<3x128x192xf32, #tpu.memory_space<vmem>>, vector<1x128x192xf32>
    %get3A_1184 = vector.shape_cast %get3A_1183 : vector<1x128x192xf32> to vector<128x192xf32>
    %concatenate3A_1185 = tpu.concatenate %get3A_1163, %get3A_1169, %concatenate3A_1179 in 0 : vector<64x700xf32>, vector<64x700xf32>, vector<64x700xf32> -> vector<192x700xf32>
    %dot_general3A_1186 = arith.constant dense<0.000000e+00> : vector<128x700xf32>
    %dot_general3A_1187 = tpu.matmul %get3A_1184, %concatenate3A_1185, %dot_general3A_1186 {dimension_numbers = #tpu.dot_dimension_numbers<[1], [0], [0], [1], [0, 0, 1, 1], [], []>, transpose_lhs_hint = false} : vector<128x192xf32>, vector<192x700xf32>, vector<128x700xf32> -> vector<128x700xf32>
    %add3A_1188 = arith.addf %add3A_1157, %dot_general3A_1187 : vector<128x700xf32>
    %max3A = arith.constant 0.000000e+00 : f32
    %max3A_1189 = vector.broadcast %max3A : f32 to vector<128x700xf32>
    %max3A_1190 = arith.maximumf %add3A_60, %max3A_1189 : vector<128x700xf32>
    %swap3A = arith.constant 0 : index
    %swap3A_1191 = arith.constant 0 : index
    %swap3A_1192 = arith.constant 0 : index
    %swap3A_1193 = vector.load %arg9[%swap3A, %swap3A_1191, %swap3A_1192] : memref<128x4x2800xf32, #tpu.memory_space<vmem>>, vector<128x1x700xf32>
    %swap3A_1194 = vector.shape_cast %swap3A_1193 : vector<128x1x700xf32> to vector<128x700xf32>
    %swap3A_1195 = vector.shape_cast %max3A_1190 : vector<128x700xf32> to vector<128x1x700xf32>
    tpu.vector_store %arg9[%swap3A, %swap3A_1191, %swap3A_1192], %swap3A_1195 {strides = array<i32>} : memref<128x4x2800xf32, #tpu.memory_space<vmem>>, vector<128x1x700xf32>,
    %max3A_1196 = arith.constant 0.000000e+00 : f32
    %max3A_1197 = vector.broadcast %max3A_1196 : f32 to vector<128x700xf32>
    %max3A_1198 = arith.maximumf %add3A_116, %max3A_1197 : vector<128x700xf32>
    %swap3A_1199 = arith.constant 0 : index
    %swap3A_1200 = arith.constant 0 : index
    %swap3A_1201 = arith.constant 700 : index
    %swap3A_1202 = vector.load %arg9[%swap3A_1199, %swap3A_1200, %swap3A_1201] : memref<128x4x2800xf32, #tpu.memory_space<vmem>>, vector<128x1x700xf32>
    %swap3A_1203 = vector.shape_cast %swap3A_1202 : vector<128x1x700xf32> to vector<128x700xf32>
    %swap3A_1204 = vector.shape_cast %max3A_1198 : vector<128x700xf32> to vector<128x1x700xf32>
    tpu.vector_store %arg9[%swap3A_1199, %swap3A_1200, %swap3A_1201], %swap3A_1204 {strides = array<i32>} : memref<128x4x2800xf32, #tpu.memory_space<vmem>>, vector<128x1x700xf32>,
    %max3A_1205 = arith.constant 0.000000e+00 : f32
    %max3A_1206 = vector.broadcast %max3A_1205 : f32 to vector<128x700xf32>
    %max3A_1207 = arith.maximumf %add3A_172, %max3A_1206 : vector<128x700xf32>
    %swap3A_1208 = arith.constant 0 : index
    %swap3A_1209 = arith.constant 0 : index
    %swap3A_1210 = arith.constant 1400 : index
    %swap3A_1211 = vector.load %arg9[%swap3A_1208, %swap3A_1209, %swap3A_1210] : memref<128x4x2800xf32, #tpu.memory_space<vmem>>, vector<128x1x700xf32>
    %swap3A_1212 = vector.shape_cast %swap3A_1211 : vector<128x1x700xf32> to vector<128x700xf32>
    %swap3A_1213 = vector.shape_cast %max3A_1207 : vector<128x700xf32> to vector<128x1x700xf32>
    tpu.vector_store %arg9[%swap3A_1208, %swap3A_1209, %swap3A_1210], %swap3A_1213 {strides = array<i32>} : memref<128x4x2800xf32, #tpu.memory_space<vmem>>, vector<128x1x700xf32>,
    %max3A_1214 = arith.constant 0.000000e+00 : f32
    %max3A_1215 = vector.broadcast %max3A_1214 : f32 to vector<128x700xf32>
    %max3A_1216 = arith.maximumf %add3A_236, %max3A_1215 : vector<128x700xf32>
    %swap3A_1217 = arith.constant 0 : index
    %swap3A_1218 = arith.constant 0 : index
    %swap3A_1219 = arith.constant 2100 : index
    %swap3A_1220 = vector.load %arg9[%swap3A_1217, %swap3A_1218, %swap3A_1219] : memref<128x4x2800xf32, #tpu.memory_space<vmem>>, vector<128x1x700xf32>
    %swap3A_1221 = vector.shape_cast %swap3A_1220 : vector<128x1x700xf32> to vector<128x700xf32>
    %swap3A_1222 = vector.shape_cast %max3A_1216 : vector<128x700xf32> to vector<128x1x700xf32>
    tpu.vector_store %arg9[%swap3A_1217, %swap3A_1218, %swap3A_1219], %swap3A_1222 {strides = array<i32>} : memref<128x4x2800xf32, #tpu.memory_space<vmem>>, vector<128x1x700xf32>,
    %max3A_1223 = arith.constant 0.000000e+00 : f32
    %max3A_1224 = vector.broadcast %max3A_1223 : f32 to vector<128x700xf32>
    %max3A_1225 = arith.maximumf %add3A_331, %max3A_1224 : vector<128x700xf32>
    %swap3A_1226 = arith.constant 0 : index
    %swap3A_1227 = arith.constant 1 : index
    %swap3A_1228 = arith.constant 0 : index
    %swap3A_1229 = vector.load %arg9[%swap3A_1226, %swap3A_1227, %swap3A_1228] : memref<128x4x2800xf32, #tpu.memory_space<vmem>>, vector<128x1x700xf32>
    %swap3A_1230 = vector.shape_cast %swap3A_1229 : vector<128x1x700xf32> to vector<128x700xf32>
    %swap3A_1231 = vector.shape_cast %max3A_1225 : vector<128x700xf32> to vector<128x1x700xf32>
    tpu.vector_store %arg9[%swap3A_1226, %swap3A_1227, %swap3A_1228], %swap3A_1231 {strides = array<i32>} : memref<128x4x2800xf32, #tpu.memory_space<vmem>>, vector<128x1x700xf32>,
    %max3A_1232 = arith.constant 0.000000e+00 : f32
    %max3A_1233 = vector.broadcast %max3A_1232 : f32 to vector<128x700xf32>
    %max3A_1234 = arith.maximumf %add3A_414, %max3A_1233 : vector<128x700xf32>
    %swap3A_1235 = arith.constant 0 : index
    %swap3A_1236 = arith.constant 1 : index
    %swap3A_1237 = arith.constant 700 : index
    %swap3A_1238 = vector.load %arg9[%swap3A_1235, %swap3A_1236, %swap3A_1237] : memref<128x4x2800xf32, #tpu.memory_space<vmem>>, vector<128x1x700xf32>
    %swap3A_1239 = vector.shape_cast %swap3A_1238 : vector<128x1x700xf32> to vector<128x700xf32>
    %swap3A_1240 = vector.shape_cast %max3A_1234 : vector<128x700xf32> to vector<128x1x700xf32>
    tpu.vector_store %arg9[%swap3A_1235, %swap3A_1236, %swap3A_1237], %swap3A_1240 {strides = array<i32>} : memref<128x4x2800xf32, #tpu.memory_space<vmem>>, vector<128x1x700xf32>,
    %max3A_1241 = arith.constant 0.000000e+00 : f32
    %max3A_1242 = vector.broadcast %max3A_1241 : f32 to vector<128x700xf32>
    %max3A_1243 = arith.maximumf %add3A_497, %max3A_1242 : vector<128x700xf32>
    %swap3A_1244 = arith.constant 0 : index
    %swap3A_1245 = arith.constant 1 : index
    %swap3A_1246 = arith.constant 1400 : index
    %swap3A_1247 = vector.load %arg9[%swap3A_1244, %swap3A_1245, %swap3A_1246] : memref<128x4x2800xf32, #tpu.memory_space<vmem>>, vector<128x1x700xf32>
    %swap3A_1248 = vector.shape_cast %swap3A_1247 : vector<128x1x700xf32> to vector<128x700xf32>
    %swap3A_1249 = vector.shape_cast %max3A_1243 : vector<128x700xf32> to vector<128x1x700xf32>
    tpu.vector_store %arg9[%swap3A_1244, %swap3A_1245, %swap3A_1246], %swap3A_1249 {strides = array<i32>} : memref<128x4x2800xf32, #tpu.memory_space<vmem>>, vector<128x1x700xf32>,
    %max3A_1250 = arith.constant 0.000000e+00 : f32
    %max3A_1251 = vector.broadcast %max3A_1250 : f32 to vector<128x700xf32>
    %max3A_1252 = arith.maximumf %add3A_592, %max3A_1251 : vector<128x700xf32>
    %swap3A_1253 = arith.constant 0 : index
    %swap3A_1254 = arith.constant 1 : index
    %swap3A_1255 = arith.constant 2100 : index
    %swap3A_1256 = vector.load %arg9[%swap3A_1253, %swap3A_1254, %swap3A_1255] : memref<128x4x2800xf32, #tpu.memory_space<vmem>>, vector<128x1x700xf32>
    %swap3A_1257 = vector.shape_cast %swap3A_1256 : vector<128x1x700xf32> to vector<128x700xf32>
    %swap3A_1258 = vector.shape_cast %max3A_1252 : vector<128x700xf32> to vector<128x1x700xf32>
    tpu.vector_store %arg9[%swap3A_1253, %swap3A_1254, %swap3A_1255], %swap3A_1258 {strides = array<i32>} : memref<128x4x2800xf32, #tpu.memory_space<vmem>>, vector<128x1x700xf32>,
    %max3A_1259 = arith.constant 0.000000e+00 : f32
    %max3A_1260 = vector.broadcast %max3A_1259 : f32 to vector<128x700xf32>
    %max3A_1261 = arith.maximumf %add3A_687, %max3A_1260 : vector<128x700xf32>
    %swap3A_1262 = arith.constant 0 : index
    %swap3A_1263 = arith.constant 2 : index
    %swap3A_1264 = arith.constant 0 : index
    %swap3A_1265 = vector.load %arg9[%swap3A_1262, %swap3A_1263, %swap3A_1264] : memref<128x4x2800xf32, #tpu.memory_space<vmem>>, vector<128x1x700xf32>
    %swap3A_1266 = vector.shape_cast %swap3A_1265 : vector<128x1x700xf32> to vector<128x700xf32>
    %swap3A_1267 = vector.shape_cast %max3A_1261 : vector<128x700xf32> to vector<128x1x700xf32>
    tpu.vector_store %arg9[%swap3A_1262, %swap3A_1263, %swap3A_1264], %swap3A_1267 {strides = array<i32>} : memref<128x4x2800xf32, #tpu.memory_space<vmem>>, vector<128x1x700xf32>,
    %max3A_1268 = arith.constant 0.000000e+00 : f32
    %max3A_1269 = vector.broadcast %max3A_1268 : f32 to vector<128x700xf32>
    %max3A_1270 = arith.maximumf %add3A_770, %max3A_1269 : vector<128x700xf32>
    %swap3A_1271 = arith.constant 0 : index
    %swap3A_1272 = arith.constant 2 : index
    %swap3A_1273 = arith.constant 700 : index
    %swap3A_1274 = vector.load %arg9[%swap3A_1271, %swap3A_1272, %swap3A_1273] : memref<128x4x2800xf32, #tpu.memory_space<vmem>>, vector<128x1x700xf32>
    %swap3A_1275 = vector.shape_cast %swap3A_1274 : vector<128x1x700xf32> to vector<128x700xf32>
    %swap3A_1276 = vector.shape_cast %max3A_1270 : vector<128x700xf32> to vector<128x1x700xf32>
    tpu.vector_store %arg9[%swap3A_1271, %swap3A_1272, %swap3A_1273], %swap3A_1276 {strides = array<i32>} : memref<128x4x2800xf32, #tpu.memory_space<vmem>>, vector<128x1x700xf32>,
    %max3A_1277 = arith.constant 0.000000e+00 : f32
    %max3A_1278 = vector.broadcast %max3A_1277 : f32 to vector<128x700xf32>
    %max3A_1279 = arith.maximumf %add3A_853, %max3A_1278 : vector<128x700xf32>
    %swap3A_1280 = arith.constant 0 : index
    %swap3A_1281 = arith.constant 2 : index
    %swap3A_1282 = arith.constant 1400 : index
    %swap3A_1283 = vector.load %arg9[%swap3A_1280, %swap3A_1281, %swap3A_1282] : memref<128x4x2800xf32, #tpu.memory_space<vmem>>, vector<128x1x700xf32>
    %swap3A_1284 = vector.shape_cast %swap3A_1283 : vector<128x1x700xf32> to vector<128x700xf32>
    %swap3A_1285 = vector.shape_cast %max3A_1279 : vector<128x700xf32> to vector<128x1x700xf32>
    tpu.vector_store %arg9[%swap3A_1280, %swap3A_1281, %swap3A_1282], %swap3A_1285 {strides = array<i32>} : memref<128x4x2800xf32, #tpu.memory_space<vmem>>, vector<128x1x700xf32>,
    %max3A_1286 = arith.constant 0.000000e+00 : f32
    %max3A_1287 = vector.broadcast %max3A_1286 : f32 to vector<128x700xf32>
    %max3A_1288 = arith.maximumf %add3A_948, %max3A_1287 : vector<128x700xf32>
    %swap3A_1289 = arith.constant 0 : index
    %swap3A_1290 = arith.constant 2 : index
    %swap3A_1291 = arith.constant 2100 : index
    %swap3A_1292 = vector.load %arg9[%swap3A_1289, %swap3A_1290, %swap3A_1291] : memref<128x4x2800xf32, #tpu.memory_space<vmem>>, vector<128x1x700xf32>
    %swap3A_1293 = vector.shape_cast %swap3A_1292 : vector<128x1x700xf32> to vector<128x700xf32>
    %swap3A_1294 = vector.shape_cast %max3A_1288 : vector<128x700xf32> to vector<128x1x700xf32>
    tpu.vector_store %arg9[%swap3A_1289, %swap3A_1290, %swap3A_1291], %swap3A_1294 {strides = array<i32>} : memref<128x4x2800xf32, #tpu.memory_space<vmem>>, vector<128x1x700xf32>,
    %max3A_1295 = arith.constant 0.000000e+00 : f32
    %max3A_1296 = vector.broadcast %max3A_1295 : f32 to vector<128x700xf32>
    %max3A_1297 = arith.maximumf %add3A_1012, %max3A_1296 : vector<128x700xf32>
    %swap3A_1298 = arith.constant 0 : index
    %swap3A_1299 = arith.constant 3 : index
    %swap3A_1300 = arith.constant 0 : index
    %swap3A_1301 = vector.load %arg9[%swap3A_1298, %swap3A_1299, %swap3A_1300] : memref<128x4x2800xf32, #tpu.memory_space<vmem>>, vector<128x1x700xf32>
    %swap3A_1302 = vector.shape_cast %swap3A_1301 : vector<128x1x700xf32> to vector<128x700xf32>
    %swap3A_1303 = vector.shape_cast %max3A_1297 : vector<128x700xf32> to vector<128x1x700xf32>
    tpu.vector_store %arg9[%swap3A_1298, %swap3A_1299, %swap3A_1300], %swap3A_1303 {strides = array<i32>} : memref<128x4x2800xf32, #tpu.memory_space<vmem>>, vector<128x1x700xf32>,
    %max3A_1304 = arith.constant 0.000000e+00 : f32
    %max3A_1305 = vector.broadcast %max3A_1304 : f32 to vector<128x700xf32>
    %max3A_1306 = arith.maximumf %add3A_1068, %max3A_1305 : vector<128x700xf32>
    %swap3A_1307 = arith.constant 0 : index
    %swap3A_1308 = arith.constant 3 : index
    %swap3A_1309 = arith.constant 700 : index
    %swap3A_1310 = vector.load %arg9[%swap3A_1307, %swap3A_1308, %swap3A_1309] : memref<128x4x2800xf32, #tpu.memory_space<vmem>>, vector<128x1x700xf32>
    %swap3A_1311 = vector.shape_cast %swap3A_1310 : vector<128x1x700xf32> to vector<128x700xf32>
    %swap3A_1312 = vector.shape_cast %max3A_1306 : vector<128x700xf32> to vector<128x1x700xf32>
    tpu.vector_store %arg9[%swap3A_1307, %swap3A_1308, %swap3A_1309], %swap3A_1312 {strides = array<i32>} : memref<128x4x2800xf32, #tpu.memory_space<vmem>>, vector<128x1x700xf32>,
    %max3A_1313 = arith.constant 0.000000e+00 : f32
    %max3A_1314 = vector.broadcast %max3A_1313 : f32 to vector<128x700xf32>
    %max3A_1315 = arith.maximumf %add3A_1124, %max3A_1314 : vector<128x700xf32>
    %swap3A_1316 = arith.constant 0 : index
    %swap3A_1317 = arith.constant 3 : index
    %swap3A_1318 = arith.constant 1400 : index
    %swap3A_1319 = vector.load %arg9[%swap3A_1316, %swap3A_1317, %swap3A_1318] : memref<128x4x2800xf32, #tpu.memory_space<vmem>>, vector<128x1x700xf32>
    %swap3A_1320 = vector.shape_cast %swap3A_1319 : vector<128x1x700xf32> to vector<128x700xf32>
    %swap3A_1321 = vector.shape_cast %max3A_1315 : vector<128x700xf32> to vector<128x1x700xf32>
    tpu.vector_store %arg9[%swap3A_1316, %swap3A_1317, %swap3A_1318], %swap3A_1321 {strides = array<i32>} : memref<128x4x2800xf32, #tpu.memory_space<vmem>>, vector<128x1x700xf32>,
    %max3A_1322 = arith.constant 0.000000e+00 : f32
    %max3A_1323 = vector.broadcast %max3A_1322 : f32 to vector<128x700xf32>
    %max3A_1324 = arith.maximumf %add3A_1188, %max3A_1323 : vector<128x700xf32>
    %swap3A_1325 = arith.constant 0 : index
    %swap3A_1326 = arith.constant 3 : index
    %swap3A_1327 = arith.constant 2100 : index
    %swap3A_1328 = vector.load %arg9[%swap3A_1325, %swap3A_1326, %swap3A_1327] : memref<128x4x2800xf32, #tpu.memory_space<vmem>>, vector<128x1x700xf32>
    %swap3A_1329 = vector.shape_cast %swap3A_1328 : vector<128x1x700xf32> to vector<128x700xf32>
    %swap3A_1330 = vector.shape_cast %max3A_1324 : vector<128x700xf32> to vector<128x1x700xf32>
    tpu.vector_store %arg9[%swap3A_1325, %swap3A_1326, %swap3A_1327], %swap3A_1330 {strides = array<i32>} : memref<128x4x2800xf32, #tpu.memory_space<vmem>>, vector<128x1x700xf32>,
    %get3A_1331 = arith.constant 0 : index
    %get3A_1332 = arith.constant 0 : index
    %get3A_1333 = vector.load %arg5[%get3A_1331, %get3A_1332] : memref<128x1xf32, #tpu.memory_space<vmem>>, vector<128x1xf32>
    %broadcast_in_dim3A_1334 = vector.shape_cast %get3A_1333 : vector<128x1xf32> to vector<128x1xf32>
    %broadcast_in_dim3A_1335 = vector.broadcast %broadcast_in_dim3A_1334 : vector<128x1xf32> to vector<128x700xf32>
    %get3A_1336 = arith.constant 0 : index
    %get3A_1337 = arith.constant 0 : index
    %get3A_1338 = arith.constant 2100 : index
    %get3A_1339 = vector.load %arg9[%get3A_1336, %get3A_1337, %get3A_1338] : memref<128x4x2800xf32, #tpu.memory_space<vmem>>, vector<128x1x700xf32>
    %get3A_1340 = vector.shape_cast %get3A_1339 : vector<128x1x700xf32> to vector<128x700xf32>
    %broadcast_in_dim3A_1341 = arith.constant 0.000000e+00 : f32
    %broadcast_in_dim3A_1342 = vector.broadcast %broadcast_in_dim3A_1341 : f32 to vector<128x1xf32>
    %slice3A_1343 = vector.extract_strided_slice %get3A_1340 {offsets = [0, 0], sizes = [128, 699], strides = [1, 1]} : vector<128x700xf32> to vector<128x699xf32>
    %concatenate3A_1344 = tpu.concatenate %broadcast_in_dim3A_1342, %slice3A_1343 in 1 : vector<128x1xf32>, vector<128x699xf32> -> vector<128x700xf32>
    %get3A_1345 = arith.constant 0 : index
    %get3A_1346 = arith.constant 0 : index
    %get3A_1347 = arith.constant 0 : index
    %get3A_1348 = vector.load %arg9[%get3A_1345, %get3A_1346, %get3A_1347] : memref<128x4x2800xf32, #tpu.memory_space<vmem>>, vector<128x1x700xf32>
    %get3A_1349 = vector.shape_cast %get3A_1348 : vector<128x1x700xf32> to vector<128x700xf32>
    %get3A_1350 = arith.constant 0 : index
    %get3A_1351 = arith.constant 0 : index
    %get3A_1352 = arith.constant 700 : index
    %get3A_1353 = vector.load %arg9[%get3A_1350, %get3A_1351, %get3A_1352] : memref<128x4x2800xf32, #tpu.memory_space<vmem>>, vector<128x1x700xf32>
    %get3A_1354 = vector.shape_cast %get3A_1353 : vector<128x1x700xf32> to vector<128x700xf32>
    %get3A_1355 = arith.constant 1 : index
    %get3A_1356 = arith.constant 0 : index
    %get3A_1357 = arith.constant 0 : index
    %get3A_1358 = vector.load %arg4[%get3A_1355, %get3A_1356, %get3A_1357] : memref<3x128x384xf32, #tpu.memory_space<vmem>>, vector<1x128x384xf32>
    %get3A_1359 = vector.shape_cast %get3A_1358 : vector<1x128x384xf32> to vector<128x384xf32>
    %concatenate3A_1360 = tpu.concatenate %concatenate3A_1344, %get3A_1349, %get3A_1354 in 0 : vector<128x700xf32>, vector<128x700xf32>, vector<128x700xf32> -> vector<384x700xf32>
    %dot_general3A_1361 = arith.constant dense<0.000000e+00> : vector<128x700xf32>
    %dot_general3A_1362 = tpu.matmul %get3A_1359, %concatenate3A_1360, %dot_general3A_1361 {dimension_numbers = #tpu.dot_dimension_numbers<[1], [0], [0], [1], [0, 0, 1, 1], [], []>, transpose_lhs_hint = false} : vector<128x384xf32>, vector<384x700xf32>, vector<128x700xf32> -> vector<128x700xf32>
    %add3A_1363 = arith.addf %broadcast_in_dim3A_1335, %dot_general3A_1362 : vector<128x700xf32>
    %get3A_1364 = arith.constant 0 : index
    %get3A_1365 = arith.constant 1 : index
    %get3A_1366 = arith.constant 2100 : index
    %get3A_1367 = vector.load %arg9[%get3A_1364, %get3A_1365, %get3A_1366] : memref<128x4x2800xf32, #tpu.memory_space<vmem>>, vector<128x1x700xf32>
    %get3A_1368 = vector.shape_cast %get3A_1367 : vector<128x1x700xf32> to vector<128x700xf32>
    %broadcast_in_dim3A_1369 = arith.constant 0.000000e+00 : f32
    %broadcast_in_dim3A_1370 = vector.broadcast %broadcast_in_dim3A_1369 : f32 to vector<128x1xf32>
    %slice3A_1371 = vector.extract_strided_slice %get3A_1368 {offsets = [0, 0], sizes = [128, 699], strides = [1, 1]} : vector<128x700xf32> to vector<128x699xf32>
    %concatenate3A_1372 = tpu.concatenate %broadcast_in_dim3A_1370, %slice3A_1371 in 1 : vector<128x1xf32>, vector<128x699xf32> -> vector<128x700xf32>
    %get3A_1373 = arith.constant 0 : index
    %get3A_1374 = arith.constant 1 : index
    %get3A_1375 = arith.constant 0 : index
    %get3A_1376 = vector.load %arg9[%get3A_1373, %get3A_1374, %get3A_1375] : memref<128x4x2800xf32, #tpu.memory_space<vmem>>, vector<128x1x700xf32>
    %get3A_1377 = vector.shape_cast %get3A_1376 : vector<128x1x700xf32> to vector<128x700xf32>
    %get3A_1378 = arith.constant 0 : index
    %get3A_1379 = arith.constant 1 : index
    %get3A_1380 = arith.constant 700 : index
    %get3A_1381 = vector.load %arg9[%get3A_1378, %get3A_1379, %get3A_1380] : memref<128x4x2800xf32, #tpu.memory_space<vmem>>, vector<128x1x700xf32>
    %get3A_1382 = vector.shape_cast %get3A_1381 : vector<128x1x700xf32> to vector<128x700xf32>
    %get3A_1383 = arith.constant 2 : index
    %get3A_1384 = arith.constant 0 : index
    %get3A_1385 = arith.constant 0 : index
    %get3A_1386 = vector.load %arg4[%get3A_1383, %get3A_1384, %get3A_1385] : memref<3x128x384xf32, #tpu.memory_space<vmem>>, vector<1x128x384xf32>
    %get3A_1387 = vector.shape_cast %get3A_1386 : vector<1x128x384xf32> to vector<128x384xf32>
    %concatenate3A_1388 = tpu.concatenate %concatenate3A_1372, %get3A_1377, %get3A_1382 in 0 : vector<128x700xf32>, vector<128x700xf32>, vector<128x700xf32> -> vector<384x700xf32>
    %dot_general3A_1389 = arith.constant dense<0.000000e+00> : vector<128x700xf32>
    %dot_general3A_1390 = tpu.matmul %get3A_1387, %concatenate3A_1388, %dot_general3A_1389 {dimension_numbers = #tpu.dot_dimension_numbers<[1], [0], [0], [1], [0, 0, 1, 1], [], []>, transpose_lhs_hint = false} : vector<128x384xf32>, vector<384x700xf32>, vector<128x700xf32> -> vector<128x700xf32>
    %add3A_1391 = arith.addf %add3A_1363, %dot_general3A_1390 : vector<128x700xf32>
    %broadcast_in_dim3A_1392 = vector.shape_cast %get3A_1333 : vector<128x1xf32> to vector<128x1xf32>
    %broadcast_in_dim3A_1393 = vector.broadcast %broadcast_in_dim3A_1392 : vector<128x1xf32> to vector<128x700xf32>
    %get3A_1394 = arith.constant 0 : index
    %get3A_1395 = arith.constant 0 : index
    %get3A_1396 = arith.constant 0 : index
    %get3A_1397 = vector.load %arg9[%get3A_1394, %get3A_1395, %get3A_1396] : memref<128x4x2800xf32, #tpu.memory_space<vmem>>, vector<128x1x700xf32>
    %get3A_1398 = vector.shape_cast %get3A_1397 : vector<128x1x700xf32> to vector<128x700xf32>
    %get3A_1399 = arith.constant 0 : index
    %get3A_1400 = arith.constant 0 : index
    %get3A_1401 = arith.constant 700 : index
    %get3A_1402 = vector.load %arg9[%get3A_1399, %get3A_1400, %get3A_1401] : memref<128x4x2800xf32, #tpu.memory_space<vmem>>, vector<128x1x700xf32>
    %get3A_1403 = vector.shape_cast %get3A_1402 : vector<128x1x700xf32> to vector<128x700xf32>
    %get3A_1404 = arith.constant 0 : index
    %get3A_1405 = arith.constant 0 : index
    %get3A_1406 = arith.constant 1400 : index
    %get3A_1407 = vector.load %arg9[%get3A_1404, %get3A_1405, %get3A_1406] : memref<128x4x2800xf32, #tpu.memory_space<vmem>>, vector<128x1x700xf32>
    %get3A_1408 = vector.shape_cast %get3A_1407 : vector<128x1x700xf32> to vector<128x700xf32>
    %get3A_1409 = arith.constant 1 : index
    %get3A_1410 = arith.constant 0 : index
    %get3A_1411 = arith.constant 0 : index
    %get3A_1412 = vector.load %arg4[%get3A_1409, %get3A_1410, %get3A_1411] : memref<3x128x384xf32, #tpu.memory_space<vmem>>, vector<1x128x384xf32>
    %get3A_1413 = vector.shape_cast %get3A_1412 : vector<1x128x384xf32> to vector<128x384xf32>
    %concatenate3A_1414 = tpu.concatenate %get3A_1398, %get3A_1403, %get3A_1408 in 0 : vector<128x700xf32>, vector<128x700xf32>, vector<128x700xf32> -> vector<384x700xf32>
    %dot_general3A_1415 = arith.constant dense<0.000000e+00> : vector<128x700xf32>
    %dot_general3A_1416 = tpu.matmul %get3A_1413, %concatenate3A_1414, %dot_general3A_1415 {dimension_numbers = #tpu.dot_dimension_numbers<[1], [0], [0], [1], [0, 0, 1, 1], [], []>, transpose_lhs_hint = false} : vector<128x384xf32>, vector<384x700xf32>, vector<128x700xf32> -> vector<128x700xf32>
    %add3A_1417 = arith.addf %broadcast_in_dim3A_1393, %dot_general3A_1416 : vector<128x700xf32>
    %get3A_1418 = arith.constant 0 : index
    %get3A_1419 = arith.constant 1 : index
    %get3A_1420 = arith.constant 0 : index
    %get3A_1421 = vector.load %arg9[%get3A_1418, %get3A_1419, %get3A_1420] : memref<128x4x2800xf32, #tpu.memory_space<vmem>>, vector<128x1x700xf32>
    %get3A_1422 = vector.shape_cast %get3A_1421 : vector<128x1x700xf32> to vector<128x700xf32>
    %get3A_1423 = arith.constant 0 : index
    %get3A_1424 = arith.constant 1 : index
    %get3A_1425 = arith.constant 700 : index
    %get3A_1426 = vector.load %arg9[%get3A_1423, %get3A_1424, %get3A_1425] : memref<128x4x2800xf32, #tpu.memory_space<vmem>>, vector<128x1x700xf32>
    %get3A_1427 = vector.shape_cast %get3A_1426 : vector<128x1x700xf32> to vector<128x700xf32>
    %get3A_1428 = arith.constant 0 : index
    %get3A_1429 = arith.constant 1 : index
    %get3A_1430 = arith.constant 1400 : index
    %get3A_1431 = vector.load %arg9[%get3A_1428, %get3A_1429, %get3A_1430] : memref<128x4x2800xf32, #tpu.memory_space<vmem>>, vector<128x1x700xf32>
    %get3A_1432 = vector.shape_cast %get3A_1431 : vector<128x1x700xf32> to vector<128x700xf32>
    %get3A_1433 = arith.constant 2 : index
    %get3A_1434 = arith.constant 0 : index
    %get3A_1435 = arith.constant 0 : index
    %get3A_1436 = vector.load %arg4[%get3A_1433, %get3A_1434, %get3A_1435] : memref<3x128x384xf32, #tpu.memory_space<vmem>>, vector<1x128x384xf32>
    %get3A_1437 = vector.shape_cast %get3A_1436 : vector<1x128x384xf32> to vector<128x384xf32>
    %concatenate3A_1438 = tpu.concatenate %get3A_1422, %get3A_1427, %get3A_1432 in 0 : vector<128x700xf32>, vector<128x700xf32>, vector<128x700xf32> -> vector<384x700xf32>
    %dot_general3A_1439 = arith.constant dense<0.000000e+00> : vector<128x700xf32>
    %dot_general3A_1440 = tpu.matmul %get3A_1437, %concatenate3A_1438, %dot_general3A_1439 {dimension_numbers = #tpu.dot_dimension_numbers<[1], [0], [0], [1], [0, 0, 1, 1], [], []>, transpose_lhs_hint = false} : vector<128x384xf32>, vector<384x700xf32>, vector<128x700xf32> -> vector<128x700xf32>
    %add3A_1441 = arith.addf %add3A_1417, %dot_general3A_1440 : vector<128x700xf32>
    %broadcast_in_dim3A_1442 = vector.shape_cast %get3A_1333 : vector<128x1xf32> to vector<128x1xf32>
    %broadcast_in_dim3A_1443 = vector.broadcast %broadcast_in_dim3A_1442 : vector<128x1xf32> to vector<128x700xf32>
    %get3A_1444 = arith.constant 0 : index
    %get3A_1445 = arith.constant 0 : index
    %get3A_1446 = arith.constant 700 : index
    %get3A_1447 = vector.load %arg9[%get3A_1444, %get3A_1445, %get3A_1446] : memref<128x4x2800xf32, #tpu.memory_space<vmem>>, vector<128x1x700xf32>
    %get3A_1448 = vector.shape_cast %get3A_1447 : vector<128x1x700xf32> to vector<128x700xf32>
    %get3A_1449 = arith.constant 0 : index
    %get3A_1450 = arith.constant 0 : index
    %get3A_1451 = arith.constant 1400 : index
    %get3A_1452 = vector.load %arg9[%get3A_1449, %get3A_1450, %get3A_1451] : memref<128x4x2800xf32, #tpu.memory_space<vmem>>, vector<128x1x700xf32>
    %get3A_1453 = vector.shape_cast %get3A_1452 : vector<128x1x700xf32> to vector<128x700xf32>
    %get3A_1454 = arith.constant 0 : index
    %get3A_1455 = arith.constant 0 : index
    %get3A_1456 = arith.constant 2100 : index
    %get3A_1457 = vector.load %arg9[%get3A_1454, %get3A_1455, %get3A_1456] : memref<128x4x2800xf32, #tpu.memory_space<vmem>>, vector<128x1x700xf32>
    %get3A_1458 = vector.shape_cast %get3A_1457 : vector<128x1x700xf32> to vector<128x700xf32>
    %get3A_1459 = arith.constant 1 : index
    %get3A_1460 = arith.constant 0 : index
    %get3A_1461 = arith.constant 0 : index
    %get3A_1462 = vector.load %arg4[%get3A_1459, %get3A_1460, %get3A_1461] : memref<3x128x384xf32, #tpu.memory_space<vmem>>, vector<1x128x384xf32>
    %get3A_1463 = vector.shape_cast %get3A_1462 : vector<1x128x384xf32> to vector<128x384xf32>
    %concatenate3A_1464 = tpu.concatenate %get3A_1448, %get3A_1453, %get3A_1458 in 0 : vector<128x700xf32>, vector<128x700xf32>, vector<128x700xf32> -> vector<384x700xf32>
    %dot_general3A_1465 = arith.constant dense<0.000000e+00> : vector<128x700xf32>
    %dot_general3A_1466 = tpu.matmul %get3A_1463, %concatenate3A_1464, %dot_general3A_1465 {dimension_numbers = #tpu.dot_dimension_numbers<[1], [0], [0], [1], [0, 0, 1, 1], [], []>, transpose_lhs_hint = false} : vector<128x384xf32>, vector<384x700xf32>, vector<128x700xf32> -> vector<128x700xf32>
    %add3A_1467 = arith.addf %broadcast_in_dim3A_1443, %dot_general3A_1466 : vector<128x700xf32>
    %get3A_1468 = arith.constant 0 : index
    %get3A_1469 = arith.constant 1 : index
    %get3A_1470 = arith.constant 700 : index
    %get3A_1471 = vector.load %arg9[%get3A_1468, %get3A_1469, %get3A_1470] : memref<128x4x2800xf32, #tpu.memory_space<vmem>>, vector<128x1x700xf32>
    %get3A_1472 = vector.shape_cast %get3A_1471 : vector<128x1x700xf32> to vector<128x700xf32>
    %get3A_1473 = arith.constant 0 : index
    %get3A_1474 = arith.constant 1 : index
    %get3A_1475 = arith.constant 1400 : index
    %get3A_1476 = vector.load %arg9[%get3A_1473, %get3A_1474, %get3A_1475] : memref<128x4x2800xf32, #tpu.memory_space<vmem>>, vector<128x1x700xf32>
    %get3A_1477 = vector.shape_cast %get3A_1476 : vector<128x1x700xf32> to vector<128x700xf32>
    %get3A_1478 = arith.constant 0 : index
    %get3A_1479 = arith.constant 1 : index
    %get3A_1480 = arith.constant 2100 : index
    %get3A_1481 = vector.load %arg9[%get3A_1478, %get3A_1479, %get3A_1480] : memref<128x4x2800xf32, #tpu.memory_space<vmem>>, vector<128x1x700xf32>
    %get3A_1482 = vector.shape_cast %get3A_1481 : vector<128x1x700xf32> to vector<128x700xf32>
    %get3A_1483 = arith.constant 2 : index
    %get3A_1484 = arith.constant 0 : index
    %get3A_1485 = arith.constant 0 : index
    %get3A_1486 = vector.load %arg4[%get3A_1483, %get3A_1484, %get3A_1485] : memref<3x128x384xf32, #tpu.memory_space<vmem>>, vector<1x128x384xf32>
    %get3A_1487 = vector.shape_cast %get3A_1486 : vector<1x128x384xf32> to vector<128x384xf32>
    %concatenate3A_1488 = tpu.concatenate %get3A_1472, %get3A_1477, %get3A_1482 in 0 : vector<128x700xf32>, vector<128x700xf32>, vector<128x700xf32> -> vector<384x700xf32>
    %dot_general3A_1489 = arith.constant dense<0.000000e+00> : vector<128x700xf32>
    %dot_general3A_1490 = tpu.matmul %get3A_1487, %concatenate3A_1488, %dot_general3A_1489 {dimension_numbers = #tpu.dot_dimension_numbers<[1], [0], [0], [1], [0, 0, 1, 1], [], []>, transpose_lhs_hint = false} : vector<128x384xf32>, vector<384x700xf32>, vector<128x700xf32> -> vector<128x700xf32>
    %add3A_1491 = arith.addf %add3A_1467, %dot_general3A_1490 : vector<128x700xf32>
    %broadcast_in_dim3A_1492 = vector.shape_cast %get3A_1333 : vector<128x1xf32> to vector<128x1xf32>
    %broadcast_in_dim3A_1493 = vector.broadcast %broadcast_in_dim3A_1492 : vector<128x1xf32> to vector<128x700xf32>
    %get3A_1494 = arith.constant 0 : index
    %get3A_1495 = arith.constant 0 : index
    %get3A_1496 = arith.constant 1400 : index
    %get3A_1497 = vector.load %arg9[%get3A_1494, %get3A_1495, %get3A_1496] : memref<128x4x2800xf32, #tpu.memory_space<vmem>>, vector<128x1x700xf32>
    %get3A_1498 = vector.shape_cast %get3A_1497 : vector<128x1x700xf32> to vector<128x700xf32>
    %get3A_1499 = arith.constant 0 : index
    %get3A_1500 = arith.constant 0 : index
    %get3A_1501 = arith.constant 2100 : index
    %get3A_1502 = vector.load %arg9[%get3A_1499, %get3A_1500, %get3A_1501] : memref<128x4x2800xf32, #tpu.memory_space<vmem>>, vector<128x1x700xf32>
    %get3A_1503 = vector.shape_cast %get3A_1502 : vector<128x1x700xf32> to vector<128x700xf32>
    %get3A_1504 = arith.constant 0 : index
    %get3A_1505 = arith.constant 0 : index
    %get3A_1506 = arith.constant 0 : index
    %get3A_1507 = vector.load %arg9[%get3A_1504, %get3A_1505, %get3A_1506] : memref<128x4x2800xf32, #tpu.memory_space<vmem>>, vector<128x1x700xf32>
    %get3A_1508 = vector.shape_cast %get3A_1507 : vector<128x1x700xf32> to vector<128x700xf32>
    %slice3A_1509 = vector.extract_strided_slice %get3A_1508 {offsets = [0, 1], sizes = [128, 699], strides = [1, 1]} : vector<128x700xf32> to vector<128x699xf32>
    %broadcast_in_dim3A_1510 = arith.constant 0.000000e+00 : f32
    %broadcast_in_dim3A_1511 = vector.broadcast %broadcast_in_dim3A_1510 : f32 to vector<128x1xf32>
    %concatenate3A_1512 = tpu.concatenate %slice3A_1509, %broadcast_in_dim3A_1511 in 1 : vector<128x699xf32>, vector<128x1xf32> -> vector<128x700xf32>
    %get3A_1513 = arith.constant 1 : index
    %get3A_1514 = arith.constant 0 : index
    %get3A_1515 = arith.constant 0 : index
    %get3A_1516 = vector.load %arg4[%get3A_1513, %get3A_1514, %get3A_1515] : memref<3x128x384xf32, #tpu.memory_space<vmem>>, vector<1x128x384xf32>
    %get3A_1517 = vector.shape_cast %get3A_1516 : vector<1x128x384xf32> to vector<128x384xf32>
    %concatenate3A_1518 = tpu.concatenate %get3A_1498, %get3A_1503, %concatenate3A_1512 in 0 : vector<128x700xf32>, vector<128x700xf32>, vector<128x700xf32> -> vector<384x700xf32>
    %dot_general3A_1519 = arith.constant dense<0.000000e+00> : vector<128x700xf32>
    %dot_general3A_1520 = tpu.matmul %get3A_1517, %concatenate3A_1518, %dot_general3A_1519 {dimension_numbers = #tpu.dot_dimension_numbers<[1], [0], [0], [1], [0, 0, 1, 1], [], []>, transpose_lhs_hint = false} : vector<128x384xf32>, vector<384x700xf32>, vector<128x700xf32> -> vector<128x700xf32>
    %add3A_1521 = arith.addf %broadcast_in_dim3A_1493, %dot_general3A_1520 : vector<128x700xf32>
    %get3A_1522 = arith.constant 0 : index
    %get3A_1523 = arith.constant 1 : index
    %get3A_1524 = arith.constant 1400 : index
    %get3A_1525 = vector.load %arg9[%get3A_1522, %get3A_1523, %get3A_1524] : memref<128x4x2800xf32, #tpu.memory_space<vmem>>, vector<128x1x700xf32>
    %get3A_1526 = vector.shape_cast %get3A_1525 : vector<128x1x700xf32> to vector<128x700xf32>
    %get3A_1527 = arith.constant 0 : index
    %get3A_1528 = arith.constant 1 : index
    %get3A_1529 = arith.constant 2100 : index
    %get3A_1530 = vector.load %arg9[%get3A_1527, %get3A_1528, %get3A_1529] : memref<128x4x2800xf32, #tpu.memory_space<vmem>>, vector<128x1x700xf32>
    %get3A_1531 = vector.shape_cast %get3A_1530 : vector<128x1x700xf32> to vector<128x700xf32>
    %get3A_1532 = arith.constant 0 : index
    %get3A_1533 = arith.constant 1 : index
    %get3A_1534 = arith.constant 0 : index
    %get3A_1535 = vector.load %arg9[%get3A_1532, %get3A_1533, %get3A_1534] : memref<128x4x2800xf32, #tpu.memory_space<vmem>>, vector<128x1x700xf32>
    %get3A_1536 = vector.shape_cast %get3A_1535 : vector<128x1x700xf32> to vector<128x700xf32>
    %slice3A_1537 = vector.extract_strided_slice %get3A_1536 {offsets = [0, 1], sizes = [128, 699], strides = [1, 1]} : vector<128x700xf32> to vector<128x699xf32>
    %broadcast_in_dim3A_1538 = arith.constant 0.000000e+00 : f32
    %broadcast_in_dim3A_1539 = vector.broadcast %broadcast_in_dim3A_1538 : f32 to vector<128x1xf32>
    %concatenate3A_1540 = tpu.concatenate %slice3A_1537, %broadcast_in_dim3A_1539 in 1 : vector<128x699xf32>, vector<128x1xf32> -> vector<128x700xf32>
    %get3A_1541 = arith.constant 2 : index
    %get3A_1542 = arith.constant 0 : index
    %get3A_1543 = arith.constant 0 : index
    %get3A_1544 = vector.load %arg4[%get3A_1541, %get3A_1542, %get3A_1543] : memref<3x128x384xf32, #tpu.memory_space<vmem>>, vector<1x128x384xf32>
    %get3A_1545 = vector.shape_cast %get3A_1544 : vector<1x128x384xf32> to vector<128x384xf32>
    %concatenate3A_1546 = tpu.concatenate %get3A_1526, %get3A_1531, %concatenate3A_1540 in 0 : vector<128x700xf32>, vector<128x700xf32>, vector<128x700xf32> -> vector<384x700xf32>
    %dot_general3A_1547 = arith.constant dense<0.000000e+00> : vector<128x700xf32>
    %dot_general3A_1548 = tpu.matmul %get3A_1545, %concatenate3A_1546, %dot_general3A_1547 {dimension_numbers = #tpu.dot_dimension_numbers<[1], [0], [0], [1], [0, 0, 1, 1], [], []>, transpose_lhs_hint = false} : vector<128x384xf32>, vector<384x700xf32>, vector<128x700xf32> -> vector<128x700xf32>
    %add3A_1549 = arith.addf %add3A_1521, %dot_general3A_1548 : vector<128x700xf32>
    %broadcast_in_dim3A_1550 = vector.shape_cast %get3A_1333 : vector<128x1xf32> to vector<128x1xf32>
    %broadcast_in_dim3A_1551 = vector.broadcast %broadcast_in_dim3A_1550 : vector<128x1xf32> to vector<128x700xf32>
    %get3A_1552 = arith.constant 0 : index
    %get3A_1553 = arith.constant 0 : index
    %get3A_1554 = arith.constant 2100 : index
    %get3A_1555 = vector.load %arg9[%get3A_1552, %get3A_1553, %get3A_1554] : memref<128x4x2800xf32, #tpu.memory_space<vmem>>, vector<128x1x700xf32>
    %get3A_1556 = vector.shape_cast %get3A_1555 : vector<128x1x700xf32> to vector<128x700xf32>
    %broadcast_in_dim3A_1557 = arith.constant 0.000000e+00 : f32
    %broadcast_in_dim3A_1558 = vector.broadcast %broadcast_in_dim3A_1557 : f32 to vector<128x1xf32>
    %slice3A_1559 = vector.extract_strided_slice %get3A_1556 {offsets = [0, 0], sizes = [128, 699], strides = [1, 1]} : vector<128x700xf32> to vector<128x699xf32>
    %concatenate3A_1560 = tpu.concatenate %broadcast_in_dim3A_1558, %slice3A_1559 in 1 : vector<128x1xf32>, vector<128x699xf32> -> vector<128x700xf32>
    %get3A_1561 = arith.constant 0 : index
    %get3A_1562 = arith.constant 0 : index
    %get3A_1563 = arith.constant 0 : index
    %get3A_1564 = vector.load %arg9[%get3A_1561, %get3A_1562, %get3A_1563] : memref<128x4x2800xf32, #tpu.memory_space<vmem>>, vector<128x1x700xf32>
    %get3A_1565 = vector.shape_cast %get3A_1564 : vector<128x1x700xf32> to vector<128x700xf32>
    %get3A_1566 = arith.constant 0 : index
    %get3A_1567 = arith.constant 0 : index
    %get3A_1568 = arith.constant 700 : index
    %get3A_1569 = vector.load %arg9[%get3A_1566, %get3A_1567, %get3A_1568] : memref<128x4x2800xf32, #tpu.memory_space<vmem>>, vector<128x1x700xf32>
    %get3A_1570 = vector.shape_cast %get3A_1569 : vector<128x1x700xf32> to vector<128x700xf32>
    %get3A_1571 = arith.constant 0 : index
    %get3A_1572 = arith.constant 0 : index
    %get3A_1573 = arith.constant 0 : index
    %get3A_1574 = vector.load %arg4[%get3A_1571, %get3A_1572, %get3A_1573] : memref<3x128x384xf32, #tpu.memory_space<vmem>>, vector<1x128x384xf32>
    %get3A_1575 = vector.shape_cast %get3A_1574 : vector<1x128x384xf32> to vector<128x384xf32>
    %concatenate3A_1576 = tpu.concatenate %concatenate3A_1560, %get3A_1565, %get3A_1570 in 0 : vector<128x700xf32>, vector<128x700xf32>, vector<128x700xf32> -> vector<384x700xf32>
    %dot_general3A_1577 = arith.constant dense<0.000000e+00> : vector<128x700xf32>
    %dot_general3A_1578 = tpu.matmul %get3A_1575, %concatenate3A_1576, %dot_general3A_1577 {dimension_numbers = #tpu.dot_dimension_numbers<[1], [0], [0], [1], [0, 0, 1, 1], [], []>, transpose_lhs_hint = false} : vector<128x384xf32>, vector<384x700xf32>, vector<128x700xf32> -> vector<128x700xf32>
    %add3A_1579 = arith.addf %broadcast_in_dim3A_1551, %dot_general3A_1578 : vector<128x700xf32>
    %get3A_1580 = arith.constant 0 : index
    %get3A_1581 = arith.constant 1 : index
    %get3A_1582 = arith.constant 2100 : index
    %get3A_1583 = vector.load %arg9[%get3A_1580, %get3A_1581, %get3A_1582] : memref<128x4x2800xf32, #tpu.memory_space<vmem>>, vector<128x1x700xf32>
    %get3A_1584 = vector.shape_cast %get3A_1583 : vector<128x1x700xf32> to vector<128x700xf32>
    %broadcast_in_dim3A_1585 = arith.constant 0.000000e+00 : f32
    %broadcast_in_dim3A_1586 = vector.broadcast %broadcast_in_dim3A_1585 : f32 to vector<128x1xf32>
    %slice3A_1587 = vector.extract_strided_slice %get3A_1584 {offsets = [0, 0], sizes = [128, 699], strides = [1, 1]} : vector<128x700xf32> to vector<128x699xf32>
    %concatenate3A_1588 = tpu.concatenate %broadcast_in_dim3A_1586, %slice3A_1587 in 1 : vector<128x1xf32>, vector<128x699xf32> -> vector<128x700xf32>
    %get3A_1589 = arith.constant 0 : index
    %get3A_1590 = arith.constant 1 : index
    %get3A_1591 = arith.constant 0 : index
    %get3A_1592 = vector.load %arg9[%get3A_1589, %get3A_1590, %get3A_1591] : memref<128x4x2800xf32, #tpu.memory_space<vmem>>, vector<128x1x700xf32>
    %get3A_1593 = vector.shape_cast %get3A_1592 : vector<128x1x700xf32> to vector<128x700xf32>
    %get3A_1594 = arith.constant 0 : index
    %get3A_1595 = arith.constant 1 : index
    %get3A_1596 = arith.constant 700 : index
    %get3A_1597 = vector.load %arg9[%get3A_1594, %get3A_1595, %get3A_1596] : memref<128x4x2800xf32, #tpu.memory_space<vmem>>, vector<128x1x700xf32>
    %get3A_1598 = vector.shape_cast %get3A_1597 : vector<128x1x700xf32> to vector<128x700xf32>
    %get3A_1599 = arith.constant 1 : index
    %get3A_1600 = arith.constant 0 : index
    %get3A_1601 = arith.constant 0 : index
    %get3A_1602 = vector.load %arg4[%get3A_1599, %get3A_1600, %get3A_1601] : memref<3x128x384xf32, #tpu.memory_space<vmem>>, vector<1x128x384xf32>
    %get3A_1603 = vector.shape_cast %get3A_1602 : vector<1x128x384xf32> to vector<128x384xf32>
    %concatenate3A_1604 = tpu.concatenate %concatenate3A_1588, %get3A_1593, %get3A_1598 in 0 : vector<128x700xf32>, vector<128x700xf32>, vector<128x700xf32> -> vector<384x700xf32>
    %dot_general3A_1605 = arith.constant dense<0.000000e+00> : vector<128x700xf32>
    %dot_general3A_1606 = tpu.matmul %get3A_1603, %concatenate3A_1604, %dot_general3A_1605 {dimension_numbers = #tpu.dot_dimension_numbers<[1], [0], [0], [1], [0, 0, 1, 1], [], []>, transpose_lhs_hint = false} : vector<128x384xf32>, vector<384x700xf32>, vector<128x700xf32> -> vector<128x700xf32>
    %add3A_1607 = arith.addf %add3A_1579, %dot_general3A_1606 : vector<128x700xf32>
    %get3A_1608 = arith.constant 0 : index
    %get3A_1609 = arith.constant 2 : index
    %get3A_1610 = arith.constant 2100 : index
    %get3A_1611 = vector.load %arg9[%get3A_1608, %get3A_1609, %get3A_1610] : memref<128x4x2800xf32, #tpu.memory_space<vmem>>, vector<128x1x700xf32>
    %get3A_1612 = vector.shape_cast %get3A_1611 : vector<128x1x700xf32> to vector<128x700xf32>
    %broadcast_in_dim3A_1613 = arith.constant 0.000000e+00 : f32
    %broadcast_in_dim3A_1614 = vector.broadcast %broadcast_in_dim3A_1613 : f32 to vector<128x1xf32>
    %slice3A_1615 = vector.extract_strided_slice %get3A_1612 {offsets = [0, 0], sizes = [128, 699], strides = [1, 1]} : vector<128x700xf32> to vector<128x699xf32>
    %concatenate3A_1616 = tpu.concatenate %broadcast_in_dim3A_1614, %slice3A_1615 in 1 : vector<128x1xf32>, vector<128x699xf32> -> vector<128x700xf32>
    %get3A_1617 = arith.constant 0 : index
    %get3A_1618 = arith.constant 2 : index
    %get3A_1619 = arith.constant 0 : index
    %get3A_1620 = vector.load %arg9[%get3A_1617, %get3A_1618, %get3A_1619] : memref<128x4x2800xf32, #tpu.memory_space<vmem>>, vector<128x1x700xf32>
    %get3A_1621 = vector.shape_cast %get3A_1620 : vector<128x1x700xf32> to vector<128x700xf32>
    %get3A_1622 = arith.constant 0 : index
    %get3A_1623 = arith.constant 2 : index
    %get3A_1624 = arith.constant 700 : index
    %get3A_1625 = vector.load %arg9[%get3A_1622, %get3A_1623, %get3A_1624] : memref<128x4x2800xf32, #tpu.memory_space<vmem>>, vector<128x1x700xf32>
    %get3A_1626 = vector.shape_cast %get3A_1625 : vector<128x1x700xf32> to vector<128x700xf32>
    %get3A_1627 = arith.constant 2 : index
    %get3A_1628 = arith.constant 0 : index
    %get3A_1629 = arith.constant 0 : index
    %get3A_1630 = vector.load %arg4[%get3A_1627, %get3A_1628, %get3A_1629] : memref<3x128x384xf32, #tpu.memory_space<vmem>>, vector<1x128x384xf32>
    %get3A_1631 = vector.shape_cast %get3A_1630 : vector<1x128x384xf32> to vector<128x384xf32>
    %concatenate3A_1632 = tpu.concatenate %concatenate3A_1616, %get3A_1621, %get3A_1626 in 0 : vector<128x700xf32>, vector<128x700xf32>, vector<128x700xf32> -> vector<384x700xf32>
    %dot_general3A_1633 = arith.constant dense<0.000000e+00> : vector<128x700xf32>
    %dot_general3A_1634 = tpu.matmul %get3A_1631, %concatenate3A_1632, %dot_general3A_1633 {dimension_numbers = #tpu.dot_dimension_numbers<[1], [0], [0], [1], [0, 0, 1, 1], [], []>, transpose_lhs_hint = false} : vector<128x384xf32>, vector<384x700xf32>, vector<128x700xf32> -> vector<128x700xf32>
    %add3A_1635 = arith.addf %add3A_1607, %dot_general3A_1634 : vector<128x700xf32>
    %broadcast_in_dim3A_1636 = vector.shape_cast %get3A_1333 : vector<128x1xf32> to vector<128x1xf32>
    %broadcast_in_dim3A_1637 = vector.broadcast %broadcast_in_dim3A_1636 : vector<128x1xf32> to vector<128x700xf32>
    %get3A_1638 = arith.constant 0 : index
    %get3A_1639 = arith.constant 0 : index
    %get3A_1640 = arith.constant 0 : index
    %get3A_1641 = vector.load %arg9[%get3A_1638, %get3A_1639, %get3A_1640] : memref<128x4x2800xf32, #tpu.memory_space<vmem>>, vector<128x1x700xf32>
    %get3A_1642 = vector.shape_cast %get3A_1641 : vector<128x1x700xf32> to vector<128x700xf32>
    %get3A_1643 = arith.constant 0 : index
    %get3A_1644 = arith.constant 0 : index
    %get3A_1645 = arith.constant 700 : index
    %get3A_1646 = vector.load %arg9[%get3A_1643, %get3A_1644, %get3A_1645] : memref<128x4x2800xf32, #tpu.memory_space<vmem>>, vector<128x1x700xf32>
    %get3A_1647 = vector.shape_cast %get3A_1646 : vector<128x1x700xf32> to vector<128x700xf32>
    %get3A_1648 = arith.constant 0 : index
    %get3A_1649 = arith.constant 0 : index
    %get3A_1650 = arith.constant 1400 : index
    %get3A_1651 = vector.load %arg9[%get3A_1648, %get3A_1649, %get3A_1650] : memref<128x4x2800xf32, #tpu.memory_space<vmem>>, vector<128x1x700xf32>
    %get3A_1652 = vector.shape_cast %get3A_1651 : vector<128x1x700xf32> to vector<128x700xf32>
    %get3A_1653 = arith.constant 0 : index
    %get3A_1654 = arith.constant 0 : index
    %get3A_1655 = arith.constant 0 : index
    %get3A_1656 = vector.load %arg4[%get3A_1653, %get3A_1654, %get3A_1655] : memref<3x128x384xf32, #tpu.memory_space<vmem>>, vector<1x128x384xf32>
    %get3A_1657 = vector.shape_cast %get3A_1656 : vector<1x128x384xf32> to vector<128x384xf32>
    %concatenate3A_1658 = tpu.concatenate %get3A_1642, %get3A_1647, %get3A_1652 in 0 : vector<128x700xf32>, vector<128x700xf32>, vector<128x700xf32> -> vector<384x700xf32>
    %dot_general3A_1659 = arith.constant dense<0.000000e+00> : vector<128x700xf32>
    %dot_general3A_1660 = tpu.matmul %get3A_1657, %concatenate3A_1658, %dot_general3A_1659 {dimension_numbers = #tpu.dot_dimension_numbers<[1], [0], [0], [1], [0, 0, 1, 1], [], []>, transpose_lhs_hint = false} : vector<128x384xf32>, vector<384x700xf32>, vector<128x700xf32> -> vector<128x700xf32>
    %add3A_1661 = arith.addf %broadcast_in_dim3A_1637, %dot_general3A_1660 : vector<128x700xf32>
    %get3A_1662 = arith.constant 0 : index
    %get3A_1663 = arith.constant 1 : index
    %get3A_1664 = arith.constant 0 : index
    %get3A_1665 = vector.load %arg9[%get3A_1662, %get3A_1663, %get3A_1664] : memref<128x4x2800xf32, #tpu.memory_space<vmem>>, vector<128x1x700xf32>
    %get3A_1666 = vector.shape_cast %get3A_1665 : vector<128x1x700xf32> to vector<128x700xf32>
    %get3A_1667 = arith.constant 0 : index
    %get3A_1668 = arith.constant 1 : index
    %get3A_1669 = arith.constant 700 : index
    %get3A_1670 = vector.load %arg9[%get3A_1667, %get3A_1668, %get3A_1669] : memref<128x4x2800xf32, #tpu.memory_space<vmem>>, vector<128x1x700xf32>
    %get3A_1671 = vector.shape_cast %get3A_1670 : vector<128x1x700xf32> to vector<128x700xf32>
    %get3A_1672 = arith.constant 0 : index
    %get3A_1673 = arith.constant 1 : index
    %get3A_1674 = arith.constant 1400 : index
    %get3A_1675 = vector.load %arg9[%get3A_1672, %get3A_1673, %get3A_1674] : memref<128x4x2800xf32, #tpu.memory_space<vmem>>, vector<128x1x700xf32>
    %get3A_1676 = vector.shape_cast %get3A_1675 : vector<128x1x700xf32> to vector<128x700xf32>
    %get3A_1677 = arith.constant 1 : index
    %get3A_1678 = arith.constant 0 : index
    %get3A_1679 = arith.constant 0 : index
    %get3A_1680 = vector.load %arg4[%get3A_1677, %get3A_1678, %get3A_1679] : memref<3x128x384xf32, #tpu.memory_space<vmem>>, vector<1x128x384xf32>
    %get3A_1681 = vector.shape_cast %get3A_1680 : vector<1x128x384xf32> to vector<128x384xf32>
    %concatenate3A_1682 = tpu.concatenate %get3A_1666, %get3A_1671, %get3A_1676 in 0 : vector<128x700xf32>, vector<128x700xf32>, vector<128x700xf32> -> vector<384x700xf32>
    %dot_general3A_1683 = arith.constant dense<0.000000e+00> : vector<128x700xf32>
    %dot_general3A_1684 = tpu.matmul %get3A_1681, %concatenate3A_1682, %dot_general3A_1683 {dimension_numbers = #tpu.dot_dimension_numbers<[1], [0], [0], [1], [0, 0, 1, 1], [], []>, transpose_lhs_hint = false} : vector<128x384xf32>, vector<384x700xf32>, vector<128x700xf32> -> vector<128x700xf32>
    %add3A_1685 = arith.addf %add3A_1661, %dot_general3A_1684 : vector<128x700xf32>
    %get3A_1686 = arith.constant 0 : index
    %get3A_1687 = arith.constant 2 : index
    %get3A_1688 = arith.constant 0 : index
    %get3A_1689 = vector.load %arg9[%get3A_1686, %get3A_1687, %get3A_1688] : memref<128x4x2800xf32, #tpu.memory_space<vmem>>, vector<128x1x700xf32>
    %get3A_1690 = vector.shape_cast %get3A_1689 : vector<128x1x700xf32> to vector<128x700xf32>
    %get3A_1691 = arith.constant 0 : index
    %get3A_1692 = arith.constant 2 : index
    %get3A_1693 = arith.constant 700 : index
    %get3A_1694 = vector.load %arg9[%get3A_1691, %get3A_1692, %get3A_1693] : memref<128x4x2800xf32, #tpu.memory_space<vmem>>, vector<128x1x700xf32>
    %get3A_1695 = vector.shape_cast %get3A_1694 : vector<128x1x700xf32> to vector<128x700xf32>
    %get3A_1696 = arith.constant 0 : index
    %get3A_1697 = arith.constant 2 : index
    %get3A_1698 = arith.constant 1400 : index
    %get3A_1699 = vector.load %arg9[%get3A_1696, %get3A_1697, %get3A_1698] : memref<128x4x2800xf32, #tpu.memory_space<vmem>>, vector<128x1x700xf32>
    %get3A_1700 = vector.shape_cast %get3A_1699 : vector<128x1x700xf32> to vector<128x700xf32>
    %get3A_1701 = arith.constant 2 : index
    %get3A_1702 = arith.constant 0 : index
    %get3A_1703 = arith.constant 0 : index
    %get3A_1704 = vector.load %arg4[%get3A_1701, %get3A_1702, %get3A_1703] : memref<3x128x384xf32, #tpu.memory_space<vmem>>, vector<1x128x384xf32>
    %get3A_1705 = vector.shape_cast %get3A_1704 : vector<1x128x384xf32> to vector<128x384xf32>
    %concatenate3A_1706 = tpu.concatenate %get3A_1690, %get3A_1695, %get3A_1700 in 0 : vector<128x700xf32>, vector<128x700xf32>, vector<128x700xf32> -> vector<384x700xf32>
    %dot_general3A_1707 = arith.constant dense<0.000000e+00> : vector<128x700xf32>
    %dot_general3A_1708 = tpu.matmul %get3A_1705, %concatenate3A_1706, %dot_general3A_1707 {dimension_numbers = #tpu.dot_dimension_numbers<[1], [0], [0], [1], [0, 0, 1, 1], [], []>, transpose_lhs_hint = false} : vector<128x384xf32>, vector<384x700xf32>, vector<128x700xf32> -> vector<128x700xf32>
    %add3A_1709 = arith.addf %add3A_1685, %dot_general3A_1708 : vector<128x700xf32>
    %broadcast_in_dim3A_1710 = vector.shape_cast %get3A_1333 : vector<128x1xf32> to vector<128x1xf32>
    %broadcast_in_dim3A_1711 = vector.broadcast %broadcast_in_dim3A_1710 : vector<128x1xf32> to vector<128x700xf32>
    %get3A_1712 = arith.constant 0 : index
    %get3A_1713 = arith.constant 0 : index
    %get3A_1714 = arith.constant 700 : index
    %get3A_1715 = vector.load %arg9[%get3A_1712, %get3A_1713, %get3A_1714] : memref<128x4x2800xf32, #tpu.memory_space<vmem>>, vector<128x1x700xf32>
    %get3A_1716 = vector.shape_cast %get3A_1715 : vector<128x1x700xf32> to vector<128x700xf32>
    %get3A_1717 = arith.constant 0 : index
    %get3A_1718 = arith.constant 0 : index
    %get3A_1719 = arith.constant 1400 : index
    %get3A_1720 = vector.load %arg9[%get3A_1717, %get3A_1718, %get3A_1719] : memref<128x4x2800xf32, #tpu.memory_space<vmem>>, vector<128x1x700xf32>
    %get3A_1721 = vector.shape_cast %get3A_1720 : vector<128x1x700xf32> to vector<128x700xf32>
    %get3A_1722 = arith.constant 0 : index
    %get3A_1723 = arith.constant 0 : index
    %get3A_1724 = arith.constant 2100 : index
    %get3A_1725 = vector.load %arg9[%get3A_1722, %get3A_1723, %get3A_1724] : memref<128x4x2800xf32, #tpu.memory_space<vmem>>, vector<128x1x700xf32>
    %get3A_1726 = vector.shape_cast %get3A_1725 : vector<128x1x700xf32> to vector<128x700xf32>
    %get3A_1727 = arith.constant 0 : index
    %get3A_1728 = arith.constant 0 : index
    %get3A_1729 = arith.constant 0 : index
    %get3A_1730 = vector.load %arg4[%get3A_1727, %get3A_1728, %get3A_1729] : memref<3x128x384xf32, #tpu.memory_space<vmem>>, vector<1x128x384xf32>
    %get3A_1731 = vector.shape_cast %get3A_1730 : vector<1x128x384xf32> to vector<128x384xf32>
    %concatenate3A_1732 = tpu.concatenate %get3A_1716, %get3A_1721, %get3A_1726 in 0 : vector<128x700xf32>, vector<128x700xf32>, vector<128x700xf32> -> vector<384x700xf32>
    %dot_general3A_1733 = arith.constant dense<0.000000e+00> : vector<128x700xf32>
    %dot_general3A_1734 = tpu.matmul %get3A_1731, %concatenate3A_1732, %dot_general3A_1733 {dimension_numbers = #tpu.dot_dimension_numbers<[1], [0], [0], [1], [0, 0, 1, 1], [], []>, transpose_lhs_hint = false} : vector<128x384xf32>, vector<384x700xf32>, vector<128x700xf32> -> vector<128x700xf32>
    %add3A_1735 = arith.addf %broadcast_in_dim3A_1711, %dot_general3A_1734 : vector<128x700xf32>
    %get3A_1736 = arith.constant 0 : index
    %get3A_1737 = arith.constant 1 : index
    %get3A_1738 = arith.constant 700 : index
    %get3A_1739 = vector.load %arg9[%get3A_1736, %get3A_1737, %get3A_1738] : memref<128x4x2800xf32, #tpu.memory_space<vmem>>, vector<128x1x700xf32>
    %get3A_1740 = vector.shape_cast %get3A_1739 : vector<128x1x700xf32> to vector<128x700xf32>
    %get3A_1741 = arith.constant 0 : index
    %get3A_1742 = arith.constant 1 : index
    %get3A_1743 = arith.constant 1400 : index
    %get3A_1744 = vector.load %arg9[%get3A_1741, %get3A_1742, %get3A_1743] : memref<128x4x2800xf32, #tpu.memory_space<vmem>>, vector<128x1x700xf32>
    %get3A_1745 = vector.shape_cast %get3A_1744 : vector<128x1x700xf32> to vector<128x700xf32>
    %get3A_1746 = arith.constant 0 : index
    %get3A_1747 = arith.constant 1 : index
    %get3A_1748 = arith.constant 2100 : index
    %get3A_1749 = vector.load %arg9[%get3A_1746, %get3A_1747, %get3A_1748] : memref<128x4x2800xf32, #tpu.memory_space<vmem>>, vector<128x1x700xf32>
    %get3A_1750 = vector.shape_cast %get3A_1749 : vector<128x1x700xf32> to vector<128x700xf32>
    %get3A_1751 = arith.constant 1 : index
    %get3A_1752 = arith.constant 0 : index
    %get3A_1753 = arith.constant 0 : index
    %get3A_1754 = vector.load %arg4[%get3A_1751, %get3A_1752, %get3A_1753] : memref<3x128x384xf32, #tpu.memory_space<vmem>>, vector<1x128x384xf32>
    %get3A_1755 = vector.shape_cast %get3A_1754 : vector<1x128x384xf32> to vector<128x384xf32>
    %concatenate3A_1756 = tpu.concatenate %get3A_1740, %get3A_1745, %get3A_1750 in 0 : vector<128x700xf32>, vector<128x700xf32>, vector<128x700xf32> -> vector<384x700xf32>
    %dot_general3A_1757 = arith.constant dense<0.000000e+00> : vector<128x700xf32>
    %dot_general3A_1758 = tpu.matmul %get3A_1755, %concatenate3A_1756, %dot_general3A_1757 {dimension_numbers = #tpu.dot_dimension_numbers<[1], [0], [0], [1], [0, 0, 1, 1], [], []>, transpose_lhs_hint = false} : vector<128x384xf32>, vector<384x700xf32>, vector<128x700xf32> -> vector<128x700xf32>
    %add3A_1759 = arith.addf %add3A_1735, %dot_general3A_1758 : vector<128x700xf32>
    %get3A_1760 = arith.constant 0 : index
    %get3A_1761 = arith.constant 2 : index
    %get3A_1762 = arith.constant 700 : index
    %get3A_1763 = vector.load %arg9[%get3A_1760, %get3A_1761, %get3A_1762] : memref<128x4x2800xf32, #tpu.memory_space<vmem>>, vector<128x1x700xf32>
    %get3A_1764 = vector.shape_cast %get3A_1763 : vector<128x1x700xf32> to vector<128x700xf32>
    %get3A_1765 = arith.constant 0 : index
    %get3A_1766 = arith.constant 2 : index
    %get3A_1767 = arith.constant 1400 : index
    %get3A_1768 = vector.load %arg9[%get3A_1765, %get3A_1766, %get3A_1767] : memref<128x4x2800xf32, #tpu.memory_space<vmem>>, vector<128x1x700xf32>
    %get3A_1769 = vector.shape_cast %get3A_1768 : vector<128x1x700xf32> to vector<128x700xf32>
    %get3A_1770 = arith.constant 0 : index
    %get3A_1771 = arith.constant 2 : index
    %get3A_1772 = arith.constant 2100 : index
    %get3A_1773 = vector.load %arg9[%get3A_1770, %get3A_1771, %get3A_1772] : memref<128x4x2800xf32, #tpu.memory_space<vmem>>, vector<128x1x700xf32>
    %get3A_1774 = vector.shape_cast %get3A_1773 : vector<128x1x700xf32> to vector<128x700xf32>
    %get3A_1775 = arith.constant 2 : index
    %get3A_1776 = arith.constant 0 : index
    %get3A_1777 = arith.constant 0 : index
    %get3A_1778 = vector.load %arg4[%get3A_1775, %get3A_1776, %get3A_1777] : memref<3x128x384xf32, #tpu.memory_space<vmem>>, vector<1x128x384xf32>
    %get3A_1779 = vector.shape_cast %get3A_1778 : vector<1x128x384xf32> to vector<128x384xf32>
    %concatenate3A_1780 = tpu.concatenate %get3A_1764, %get3A_1769, %get3A_1774 in 0 : vector<128x700xf32>, vector<128x700xf32>, vector<128x700xf32> -> vector<384x700xf32>
    %dot_general3A_1781 = arith.constant dense<0.000000e+00> : vector<128x700xf32>
    %dot_general3A_1782 = tpu.matmul %get3A_1779, %concatenate3A_1780, %dot_general3A_1781 {dimension_numbers = #tpu.dot_dimension_numbers<[1], [0], [0], [1], [0, 0, 1, 1], [], []>, transpose_lhs_hint = false} : vector<128x384xf32>, vector<384x700xf32>, vector<128x700xf32> -> vector<128x700xf32>
    %add3A_1783 = arith.addf %add3A_1759, %dot_general3A_1782 : vector<128x700xf32>
    %broadcast_in_dim3A_1784 = vector.shape_cast %get3A_1333 : vector<128x1xf32> to vector<128x1xf32>
    %broadcast_in_dim3A_1785 = vector.broadcast %broadcast_in_dim3A_1784 : vector<128x1xf32> to vector<128x700xf32>
    %get3A_1786 = arith.constant 0 : index
    %get3A_1787 = arith.constant 0 : index
    %get3A_1788 = arith.constant 1400 : index
    %get3A_1789 = vector.load %arg9[%get3A_1786, %get3A_1787, %get3A_1788] : memref<128x4x2800xf32, #tpu.memory_space<vmem>>, vector<128x1x700xf32>
    %get3A_1790 = vector.shape_cast %get3A_1789 : vector<128x1x700xf32> to vector<128x700xf32>
    %get3A_1791 = arith.constant 0 : index
    %get3A_1792 = arith.constant 0 : index
    %get3A_1793 = arith.constant 2100 : index
    %get3A_1794 = vector.load %arg9[%get3A_1791, %get3A_1792, %get3A_1793] : memref<128x4x2800xf32, #tpu.memory_space<vmem>>, vector<128x1x700xf32>
    %get3A_1795 = vector.shape_cast %get3A_1794 : vector<128x1x700xf32> to vector<128x700xf32>
    %get3A_1796 = arith.constant 0 : index
    %get3A_1797 = arith.constant 0 : index
    %get3A_1798 = arith.constant 0 : index
    %get3A_1799 = vector.load %arg9[%get3A_1796, %get3A_1797, %get3A_1798] : memref<128x4x2800xf32, #tpu.memory_space<vmem>>, vector<128x1x700xf32>
    %get3A_1800 = vector.shape_cast %get3A_1799 : vector<128x1x700xf32> to vector<128x700xf32>
    %slice3A_1801 = vector.extract_strided_slice %get3A_1800 {offsets = [0, 1], sizes = [128, 699], strides = [1, 1]} : vector<128x700xf32> to vector<128x699xf32>
    %broadcast_in_dim3A_1802 = arith.constant 0.000000e+00 : f32
    %broadcast_in_dim3A_1803 = vector.broadcast %broadcast_in_dim3A_1802 : f32 to vector<128x1xf32>
    %concatenate3A_1804 = tpu.concatenate %slice3A_1801, %broadcast_in_dim3A_1803 in 1 : vector<128x699xf32>, vector<128x1xf32> -> vector<128x700xf32>
    %get3A_1805 = arith.constant 0 : index
    %get3A_1806 = arith.constant 0 : index
    %get3A_1807 = arith.constant 0 : index
    %get3A_1808 = vector.load %arg4[%get3A_1805, %get3A_1806, %get3A_1807] : memref<3x128x384xf32, #tpu.memory_space<vmem>>, vector<1x128x384xf32>
    %get3A_1809 = vector.shape_cast %get3A_1808 : vector<1x128x384xf32> to vector<128x384xf32>
    %concatenate3A_1810 = tpu.concatenate %get3A_1790, %get3A_1795, %concatenate3A_1804 in 0 : vector<128x700xf32>, vector<128x700xf32>, vector<128x700xf32> -> vector<384x700xf32>
    %dot_general3A_1811 = arith.constant dense<0.000000e+00> : vector<128x700xf32>
    %dot_general3A_1812 = tpu.matmul %get3A_1809, %concatenate3A_1810, %dot_general3A_1811 {dimension_numbers = #tpu.dot_dimension_numbers<[1], [0], [0], [1], [0, 0, 1, 1], [], []>, transpose_lhs_hint = false} : vector<128x384xf32>, vector<384x700xf32>, vector<128x700xf32> -> vector<128x700xf32>
    %add3A_1813 = arith.addf %broadcast_in_dim3A_1785, %dot_general3A_1812 : vector<128x700xf32>
    %get3A_1814 = arith.constant 0 : index
    %get3A_1815 = arith.constant 1 : index
    %get3A_1816 = arith.constant 1400 : index
    %get3A_1817 = vector.load %arg9[%get3A_1814, %get3A_1815, %get3A_1816] : memref<128x4x2800xf32, #tpu.memory_space<vmem>>, vector<128x1x700xf32>
    %get3A_1818 = vector.shape_cast %get3A_1817 : vector<128x1x700xf32> to vector<128x700xf32>
    %get3A_1819 = arith.constant 0 : index
    %get3A_1820 = arith.constant 1 : index
    %get3A_1821 = arith.constant 2100 : index
    %get3A_1822 = vector.load %arg9[%get3A_1819, %get3A_1820, %get3A_1821] : memref<128x4x2800xf32, #tpu.memory_space<vmem>>, vector<128x1x700xf32>
    %get3A_1823 = vector.shape_cast %get3A_1822 : vector<128x1x700xf32> to vector<128x700xf32>
    %get3A_1824 = arith.constant 0 : index
    %get3A_1825 = arith.constant 1 : index
    %get3A_1826 = arith.constant 0 : index
    %get3A_1827 = vector.load %arg9[%get3A_1824, %get3A_1825, %get3A_1826] : memref<128x4x2800xf32, #tpu.memory_space<vmem>>, vector<128x1x700xf32>
    %get3A_1828 = vector.shape_cast %get3A_1827 : vector<128x1x700xf32> to vector<128x700xf32>
    %slice3A_1829 = vector.extract_strided_slice %get3A_1828 {offsets = [0, 1], sizes = [128, 699], strides = [1, 1]} : vector<128x700xf32> to vector<128x699xf32>
    %broadcast_in_dim3A_1830 = arith.constant 0.000000e+00 : f32
    %broadcast_in_dim3A_1831 = vector.broadcast %broadcast_in_dim3A_1830 : f32 to vector<128x1xf32>
    %concatenate3A_1832 = tpu.concatenate %slice3A_1829, %broadcast_in_dim3A_1831 in 1 : vector<128x699xf32>, vector<128x1xf32> -> vector<128x700xf32>
    %get3A_1833 = arith.constant 1 : index
    %get3A_1834 = arith.constant 0 : index
    %get3A_1835 = arith.constant 0 : index
    %get3A_1836 = vector.load %arg4[%get3A_1833, %get3A_1834, %get3A_1835] : memref<3x128x384xf32, #tpu.memory_space<vmem>>, vector<1x128x384xf32>
    %get3A_1837 = vector.shape_cast %get3A_1836 : vector<1x128x384xf32> to vector<128x384xf32>
    %concatenate3A_1838 = tpu.concatenate %get3A_1818, %get3A_1823, %concatenate3A_1832 in 0 : vector<128x700xf32>, vector<128x700xf32>, vector<128x700xf32> -> vector<384x700xf32>
    %dot_general3A_1839 = arith.constant dense<0.000000e+00> : vector<128x700xf32>
    %dot_general3A_1840 = tpu.matmul %get3A_1837, %concatenate3A_1838, %dot_general3A_1839 {dimension_numbers = #tpu.dot_dimension_numbers<[1], [0], [0], [1], [0, 0, 1, 1], [], []>, transpose_lhs_hint = false} : vector<128x384xf32>, vector<384x700xf32>, vector<128x700xf32> -> vector<128x700xf32>
    %add3A_1841 = arith.addf %add3A_1813, %dot_general3A_1840 : vector<128x700xf32>
    %get3A_1842 = arith.constant 0 : index
    %get3A_1843 = arith.constant 2 : index
    %get3A_1844 = arith.constant 1400 : index
    %get3A_1845 = vector.load %arg9[%get3A_1842, %get3A_1843, %get3A_1844] : memref<128x4x2800xf32, #tpu.memory_space<vmem>>, vector<128x1x700xf32>
    %get3A_1846 = vector.shape_cast %get3A_1845 : vector<128x1x700xf32> to vector<128x700xf32>
    %get3A_1847 = arith.constant 0 : index
    %get3A_1848 = arith.constant 2 : index
    %get3A_1849 = arith.constant 2100 : index
    %get3A_1850 = vector.load %arg9[%get3A_1847, %get3A_1848, %get3A_1849] : memref<128x4x2800xf32, #tpu.memory_space<vmem>>, vector<128x1x700xf32>
    %get3A_1851 = vector.shape_cast %get3A_1850 : vector<128x1x700xf32> to vector<128x700xf32>
    %get3A_1852 = arith.constant 0 : index
    %get3A_1853 = arith.constant 2 : index
    %get3A_1854 = arith.constant 0 : index
    %get3A_1855 = vector.load %arg9[%get3A_1852, %get3A_1853, %get3A_1854] : memref<128x4x2800xf32, #tpu.memory_space<vmem>>, vector<128x1x700xf32>
    %get3A_1856 = vector.shape_cast %get3A_1855 : vector<128x1x700xf32> to vector<128x700xf32>
    %slice3A_1857 = vector.extract_strided_slice %get3A_1856 {offsets = [0, 1], sizes = [128, 699], strides = [1, 1]} : vector<128x700xf32> to vector<128x699xf32>
    %broadcast_in_dim3A_1858 = arith.constant 0.000000e+00 : f32
    %broadcast_in_dim3A_1859 = vector.broadcast %broadcast_in_dim3A_1858 : f32 to vector<128x1xf32>
    %concatenate3A_1860 = tpu.concatenate %slice3A_1857, %broadcast_in_dim3A_1859 in 1 : vector<128x699xf32>, vector<128x1xf32> -> vector<128x700xf32>
    %get3A_1861 = arith.constant 2 : index
    %get3A_1862 = arith.constant 0 : index
    %get3A_1863 = arith.constant 0 : index
    %get3A_1864 = vector.load %arg4[%get3A_1861, %get3A_1862, %get3A_1863] : memref<3x128x384xf32, #tpu.memory_space<vmem>>, vector<1x128x384xf32>
    %get3A_1865 = vector.shape_cast %get3A_1864 : vector<1x128x384xf32> to vector<128x384xf32>
    %concatenate3A_1866 = tpu.concatenate %get3A_1846, %get3A_1851, %concatenate3A_1860 in 0 : vector<128x700xf32>, vector<128x700xf32>, vector<128x700xf32> -> vector<384x700xf32>
    %dot_general3A_1867 = arith.constant dense<0.000000e+00> : vector<128x700xf32>
    %dot_general3A_1868 = tpu.matmul %get3A_1865, %concatenate3A_1866, %dot_general3A_1867 {dimension_numbers = #tpu.dot_dimension_numbers<[1], [0], [0], [1], [0, 0, 1, 1], [], []>, transpose_lhs_hint = false} : vector<128x384xf32>, vector<384x700xf32>, vector<128x700xf32> -> vector<128x700xf32>
    %add3A_1869 = arith.addf %add3A_1841, %dot_general3A_1868 : vector<128x700xf32>
    %broadcast_in_dim3A_1870 = vector.shape_cast %get3A_1333 : vector<128x1xf32> to vector<128x1xf32>
    %broadcast_in_dim3A_1871 = vector.broadcast %broadcast_in_dim3A_1870 : vector<128x1xf32> to vector<128x700xf32>
    %get3A_1872 = arith.constant 0 : index
    %get3A_1873 = arith.constant 1 : index
    %get3A_1874 = arith.constant 2100 : index
    %get3A_1875 = vector.load %arg9[%get3A_1872, %get3A_1873, %get3A_1874] : memref<128x4x2800xf32, #tpu.memory_space<vmem>>, vector<128x1x700xf32>
    %get3A_1876 = vector.shape_cast %get3A_1875 : vector<128x1x700xf32> to vector<128x700xf32>
    %broadcast_in_dim3A_1877 = arith.constant 0.000000e+00 : f32
    %broadcast_in_dim3A_1878 = vector.broadcast %broadcast_in_dim3A_1877 : f32 to vector<128x1xf32>
    %slice3A_1879 = vector.extract_strided_slice %get3A_1876 {offsets = [0, 0], sizes = [128, 699], strides = [1, 1]} : vector<128x700xf32> to vector<128x699xf32>
    %concatenate3A_1880 = tpu.concatenate %broadcast_in_dim3A_1878, %slice3A_1879 in 1 : vector<128x1xf32>, vector<128x699xf32> -> vector<128x700xf32>
    %get3A_1881 = arith.constant 0 : index
    %get3A_1882 = arith.constant 1 : index
    %get3A_1883 = arith.constant 0 : index
    %get3A_1884 = vector.load %arg9[%get3A_1881, %get3A_1882, %get3A_1883] : memref<128x4x2800xf32, #tpu.memory_space<vmem>>, vector<128x1x700xf32>
    %get3A_1885 = vector.shape_cast %get3A_1884 : vector<128x1x700xf32> to vector<128x700xf32>
    %get3A_1886 = arith.constant 0 : index
    %get3A_1887 = arith.constant 1 : index
    %get3A_1888 = arith.constant 700 : index
    %get3A_1889 = vector.load %arg9[%get3A_1886, %get3A_1887, %get3A_1888] : memref<128x4x2800xf32, #tpu.memory_space<vmem>>, vector<128x1x700xf32>
    %get3A_1890 = vector.shape_cast %get3A_1889 : vector<128x1x700xf32> to vector<128x700xf32>
    %get3A_1891 = arith.constant 0 : index
    %get3A_1892 = arith.constant 0 : index
    %get3A_1893 = arith.constant 0 : index
    %get3A_1894 = vector.load %arg4[%get3A_1891, %get3A_1892, %get3A_1893] : memref<3x128x384xf32, #tpu.memory_space<vmem>>, vector<1x128x384xf32>
    %get3A_1895 = vector.shape_cast %get3A_1894 : vector<1x128x384xf32> to vector<128x384xf32>
    %concatenate3A_1896 = tpu.concatenate %concatenate3A_1880, %get3A_1885, %get3A_1890 in 0 : vector<128x700xf32>, vector<128x700xf32>, vector<128x700xf32> -> vector<384x700xf32>
    %dot_general3A_1897 = arith.constant dense<0.000000e+00> : vector<128x700xf32>
    %dot_general3A_1898 = tpu.matmul %get3A_1895, %concatenate3A_1896, %dot_general3A_1897 {dimension_numbers = #tpu.dot_dimension_numbers<[1], [0], [0], [1], [0, 0, 1, 1], [], []>, transpose_lhs_hint = false} : vector<128x384xf32>, vector<384x700xf32>, vector<128x700xf32> -> vector<128x700xf32>
    %add3A_1899 = arith.addf %broadcast_in_dim3A_1871, %dot_general3A_1898 : vector<128x700xf32>
    %get3A_1900 = arith.constant 0 : index
    %get3A_1901 = arith.constant 2 : index
    %get3A_1902 = arith.constant 2100 : index
    %get3A_1903 = vector.load %arg9[%get3A_1900, %get3A_1901, %get3A_1902] : memref<128x4x2800xf32, #tpu.memory_space<vmem>>, vector<128x1x700xf32>
    %get3A_1904 = vector.shape_cast %get3A_1903 : vector<128x1x700xf32> to vector<128x700xf32>
    %broadcast_in_dim3A_1905 = arith.constant 0.000000e+00 : f32
    %broadcast_in_dim3A_1906 = vector.broadcast %broadcast_in_dim3A_1905 : f32 to vector<128x1xf32>
    %slice3A_1907 = vector.extract_strided_slice %get3A_1904 {offsets = [0, 0], sizes = [128, 699], strides = [1, 1]} : vector<128x700xf32> to vector<128x699xf32>
    %concatenate3A_1908 = tpu.concatenate %broadcast_in_dim3A_1906, %slice3A_1907 in 1 : vector<128x1xf32>, vector<128x699xf32> -> vector<128x700xf32>
    %get3A_1909 = arith.constant 0 : index
    %get3A_1910 = arith.constant 2 : index
    %get3A_1911 = arith.constant 0 : index
    %get3A_1912 = vector.load %arg9[%get3A_1909, %get3A_1910, %get3A_1911] : memref<128x4x2800xf32, #tpu.memory_space<vmem>>, vector<128x1x700xf32>
    %get3A_1913 = vector.shape_cast %get3A_1912 : vector<128x1x700xf32> to vector<128x700xf32>
    %get3A_1914 = arith.constant 0 : index
    %get3A_1915 = arith.constant 2 : index
    %get3A_1916 = arith.constant 700 : index
    %get3A_1917 = vector.load %arg9[%get3A_1914, %get3A_1915, %get3A_1916] : memref<128x4x2800xf32, #tpu.memory_space<vmem>>, vector<128x1x700xf32>
    %get3A_1918 = vector.shape_cast %get3A_1917 : vector<128x1x700xf32> to vector<128x700xf32>
    %get3A_1919 = arith.constant 1 : index
    %get3A_1920 = arith.constant 0 : index
    %get3A_1921 = arith.constant 0 : index
    %get3A_1922 = vector.load %arg4[%get3A_1919, %get3A_1920, %get3A_1921] : memref<3x128x384xf32, #tpu.memory_space<vmem>>, vector<1x128x384xf32>
    %get3A_1923 = vector.shape_cast %get3A_1922 : vector<1x128x384xf32> to vector<128x384xf32>
    %concatenate3A_1924 = tpu.concatenate %concatenate3A_1908, %get3A_1913, %get3A_1918 in 0 : vector<128x700xf32>, vector<128x700xf32>, vector<128x700xf32> -> vector<384x700xf32>
    %dot_general3A_1925 = arith.constant dense<0.000000e+00> : vector<128x700xf32>
    %dot_general3A_1926 = tpu.matmul %get3A_1923, %concatenate3A_1924, %dot_general3A_1925 {dimension_numbers = #tpu.dot_dimension_numbers<[1], [0], [0], [1], [0, 0, 1, 1], [], []>, transpose_lhs_hint = false} : vector<128x384xf32>, vector<384x700xf32>, vector<128x700xf32> -> vector<128x700xf32>
    %add3A_1927 = arith.addf %add3A_1899, %dot_general3A_1926 : vector<128x700xf32>
    %get3A_1928 = arith.constant 0 : index
    %get3A_1929 = arith.constant 3 : index
    %get3A_1930 = arith.constant 2100 : index
    %get3A_1931 = vector.load %arg9[%get3A_1928, %get3A_1929, %get3A_1930] : memref<128x4x2800xf32, #tpu.memory_space<vmem>>, vector<128x1x700xf32>
    %get3A_1932 = vector.shape_cast %get3A_1931 : vector<128x1x700xf32> to vector<128x700xf32>
    %broadcast_in_dim3A_1933 = arith.constant 0.000000e+00 : f32
    %broadcast_in_dim3A_1934 = vector.broadcast %broadcast_in_dim3A_1933 : f32 to vector<128x1xf32>
    %slice3A_1935 = vector.extract_strided_slice %get3A_1932 {offsets = [0, 0], sizes = [128, 699], strides = [1, 1]} : vector<128x700xf32> to vector<128x699xf32>
    %concatenate3A_1936 = tpu.concatenate %broadcast_in_dim3A_1934, %slice3A_1935 in 1 : vector<128x1xf32>, vector<128x699xf32> -> vector<128x700xf32>
    %get3A_1937 = arith.constant 0 : index
    %get3A_1938 = arith.constant 3 : index
    %get3A_1939 = arith.constant 0 : index
    %get3A_1940 = vector.load %arg9[%get3A_1937, %get3A_1938, %get3A_1939] : memref<128x4x2800xf32, #tpu.memory_space<vmem>>, vector<128x1x700xf32>
    %get3A_1941 = vector.shape_cast %get3A_1940 : vector<128x1x700xf32> to vector<128x700xf32>
    %get3A_1942 = arith.constant 0 : index
    %get3A_1943 = arith.constant 3 : index
    %get3A_1944 = arith.constant 700 : index
    %get3A_1945 = vector.load %arg9[%get3A_1942, %get3A_1943, %get3A_1944] : memref<128x4x2800xf32, #tpu.memory_space<vmem>>, vector<128x1x700xf32>
    %get3A_1946 = vector.shape_cast %get3A_1945 : vector<128x1x700xf32> to vector<128x700xf32>
    %get3A_1947 = arith.constant 2 : index
    %get3A_1948 = arith.constant 0 : index
    %get3A_1949 = arith.constant 0 : index
    %get3A_1950 = vector.load %arg4[%get3A_1947, %get3A_1948, %get3A_1949] : memref<3x128x384xf32, #tpu.memory_space<vmem>>, vector<1x128x384xf32>
    %get3A_1951 = vector.shape_cast %get3A_1950 : vector<1x128x384xf32> to vector<128x384xf32>
    %concatenate3A_1952 = tpu.concatenate %concatenate3A_1936, %get3A_1941, %get3A_1946 in 0 : vector<128x700xf32>, vector<128x700xf32>, vector<128x700xf32> -> vector<384x700xf32>
    %dot_general3A_1953 = arith.constant dense<0.000000e+00> : vector<128x700xf32>
    %dot_general3A_1954 = tpu.matmul %get3A_1951, %concatenate3A_1952, %dot_general3A_1953 {dimension_numbers = #tpu.dot_dimension_numbers<[1], [0], [0], [1], [0, 0, 1, 1], [], []>, transpose_lhs_hint = false} : vector<128x384xf32>, vector<384x700xf32>, vector<128x700xf32> -> vector<128x700xf32>
    %add3A_1955 = arith.addf %add3A_1927, %dot_general3A_1954 : vector<128x700xf32>
    %broadcast_in_dim3A_1956 = vector.shape_cast %get3A_1333 : vector<128x1xf32> to vector<128x1xf32>
    %broadcast_in_dim3A_1957 = vector.broadcast %broadcast_in_dim3A_1956 : vector<128x1xf32> to vector<128x700xf32>
    %get3A_1958 = arith.constant 0 : index
    %get3A_1959 = arith.constant 1 : index
    %get3A_1960 = arith.constant 0 : index
    %get3A_1961 = vector.load %arg9[%get3A_1958, %get3A_1959, %get3A_1960] : memref<128x4x2800xf32, #tpu.memory_space<vmem>>, vector<128x1x700xf32>
    %get3A_1962 = vector.shape_cast %get3A_1961 : vector<128x1x700xf32> to vector<128x700xf32>
    %get3A_1963 = arith.constant 0 : index
    %get3A_1964 = arith.constant 1 : index
    %get3A_1965 = arith.constant 700 : index
    %get3A_1966 = vector.load %arg9[%get3A_1963, %get3A_1964, %get3A_1965] : memref<128x4x2800xf32, #tpu.memory_space<vmem>>, vector<128x1x700xf32>
    %get3A_1967 = vector.shape_cast %get3A_1966 : vector<128x1x700xf32> to vector<128x700xf32>
    %get3A_1968 = arith.constant 0 : index
    %get3A_1969 = arith.constant 1 : index
    %get3A_1970 = arith.constant 1400 : index
    %get3A_1971 = vector.load %arg9[%get3A_1968, %get3A_1969, %get3A_1970] : memref<128x4x2800xf32, #tpu.memory_space<vmem>>, vector<128x1x700xf32>
    %get3A_1972 = vector.shape_cast %get3A_1971 : vector<128x1x700xf32> to vector<128x700xf32>
    %get3A_1973 = arith.constant 0 : index
    %get3A_1974 = arith.constant 0 : index
    %get3A_1975 = arith.constant 0 : index
    %get3A_1976 = vector.load %arg4[%get3A_1973, %get3A_1974, %get3A_1975] : memref<3x128x384xf32, #tpu.memory_space<vmem>>, vector<1x128x384xf32>
    %get3A_1977 = vector.shape_cast %get3A_1976 : vector<1x128x384xf32> to vector<128x384xf32>
    %concatenate3A_1978 = tpu.concatenate %get3A_1962, %get3A_1967, %get3A_1972 in 0 : vector<128x700xf32>, vector<128x700xf32>, vector<128x700xf32> -> vector<384x700xf32>
    %dot_general3A_1979 = arith.constant dense<0.000000e+00> : vector<128x700xf32>
    %dot_general3A_1980 = tpu.matmul %get3A_1977, %concatenate3A_1978, %dot_general3A_1979 {dimension_numbers = #tpu.dot_dimension_numbers<[1], [0], [0], [1], [0, 0, 1, 1], [], []>, transpose_lhs_hint = false} : vector<128x384xf32>, vector<384x700xf32>, vector<128x700xf32> -> vector<128x700xf32>
    %add3A_1981 = arith.addf %broadcast_in_dim3A_1957, %dot_general3A_1980 : vector<128x700xf32>
    %get3A_1982 = arith.constant 0 : index
    %get3A_1983 = arith.constant 2 : index
    %get3A_1984 = arith.constant 0 : index
    %get3A_1985 = vector.load %arg9[%get3A_1982, %get3A_1983, %get3A_1984] : memref<128x4x2800xf32, #tpu.memory_space<vmem>>, vector<128x1x700xf32>
    %get3A_1986 = vector.shape_cast %get3A_1985 : vector<128x1x700xf32> to vector<128x700xf32>
    %get3A_1987 = arith.constant 0 : index
    %get3A_1988 = arith.constant 2 : index
    %get3A_1989 = arith.constant 700 : index
    %get3A_1990 = vector.load %arg9[%get3A_1987, %get3A_1988, %get3A_1989] : memref<128x4x2800xf32, #tpu.memory_space<vmem>>, vector<128x1x700xf32>
    %get3A_1991 = vector.shape_cast %get3A_1990 : vector<128x1x700xf32> to vector<128x700xf32>
    %get3A_1992 = arith.constant 0 : index
    %get3A_1993 = arith.constant 2 : index
    %get3A_1994 = arith.constant 1400 : index
    %get3A_1995 = vector.load %arg9[%get3A_1992, %get3A_1993, %get3A_1994] : memref<128x4x2800xf32, #tpu.memory_space<vmem>>, vector<128x1x700xf32>
    %get3A_1996 = vector.shape_cast %get3A_1995 : vector<128x1x700xf32> to vector<128x700xf32>
    %get3A_1997 = arith.constant 1 : index
    %get3A_1998 = arith.constant 0 : index
    %get3A_1999 = arith.constant 0 : index
    %get3A_2000 = vector.load %arg4[%get3A_1997, %get3A_1998, %get3A_1999] : memref<3x128x384xf32, #tpu.memory_space<vmem>>, vector<1x128x384xf32>
    %get3A_2001 = vector.shape_cast %get3A_2000 : vector<1x128x384xf32> to vector<128x384xf32>
    %concatenate3A_2002 = tpu.concatenate %get3A_1986, %get3A_1991, %get3A_1996 in 0 : vector<128x700xf32>, vector<128x700xf32>, vector<128x700xf32> -> vector<384x700xf32>
    %dot_general3A_2003 = arith.constant dense<0.000000e+00> : vector<128x700xf32>
    %dot_general3A_2004 = tpu.matmul %get3A_2001, %concatenate3A_2002, %dot_general3A_2003 {dimension_numbers = #tpu.dot_dimension_numbers<[1], [0], [0], [1], [0, 0, 1, 1], [], []>, transpose_lhs_hint = false} : vector<128x384xf32>, vector<384x700xf32>, vector<128x700xf32> -> vector<128x700xf32>
    %add3A_2005 = arith.addf %add3A_1981, %dot_general3A_2004 : vector<128x700xf32>
    %get3A_2006 = arith.constant 0 : index
    %get3A_2007 = arith.constant 3 : index
    %get3A_2008 = arith.constant 0 : index
    %get3A_2009 = vector.load %arg9[%get3A_2006, %get3A_2007, %get3A_2008] : memref<128x4x2800xf32, #tpu.memory_space<vmem>>, vector<128x1x700xf32>
    %get3A_2010 = vector.shape_cast %get3A_2009 : vector<128x1x700xf32> to vector<128x700xf32>
    %get3A_2011 = arith.constant 0 : index
    %get3A_2012 = arith.constant 3 : index
    %get3A_2013 = arith.constant 700 : index
    %get3A_2014 = vector.load %arg9[%get3A_2011, %get3A_2012, %get3A_2013] : memref<128x4x2800xf32, #tpu.memory_space<vmem>>, vector<128x1x700xf32>
    %get3A_2015 = vector.shape_cast %get3A_2014 : vector<128x1x700xf32> to vector<128x700xf32>
    %get3A_2016 = arith.constant 0 : index
    %get3A_2017 = arith.constant 3 : index
    %get3A_2018 = arith.constant 1400 : index
    %get3A_2019 = vector.load %arg9[%get3A_2016, %get3A_2017, %get3A_2018] : memref<128x4x2800xf32, #tpu.memory_space<vmem>>, vector<128x1x700xf32>
    %get3A_2020 = vector.shape_cast %get3A_2019 : vector<128x1x700xf32> to vector<128x700xf32>
    %get3A_2021 = arith.constant 2 : index
    %get3A_2022 = arith.constant 0 : index
    %get3A_2023 = arith.constant 0 : index
    %get3A_2024 = vector.load %arg4[%get3A_2021, %get3A_2022, %get3A_2023] : memref<3x128x384xf32, #tpu.memory_space<vmem>>, vector<1x128x384xf32>
    %get3A_2025 = vector.shape_cast %get3A_2024 : vector<1x128x384xf32> to vector<128x384xf32>
    %concatenate3A_2026 = tpu.concatenate %get3A_2010, %get3A_2015, %get3A_2020 in 0 : vector<128x700xf32>, vector<128x700xf32>, vector<128x700xf32> -> vector<384x700xf32>
    %dot_general3A_2027 = arith.constant dense<0.000000e+00> : vector<128x700xf32>
    %dot_general3A_2028 = tpu.matmul %get3A_2025, %concatenate3A_2026, %dot_general3A_2027 {dimension_numbers = #tpu.dot_dimension_numbers<[1], [0], [0], [1], [0, 0, 1, 1], [], []>, transpose_lhs_hint = false} : vector<128x384xf32>, vector<384x700xf32>, vector<128x700xf32> -> vector<128x700xf32>
    %add3A_2029 = arith.addf %add3A_2005, %dot_general3A_2028 : vector<128x700xf32>
    %broadcast_in_dim3A_2030 = vector.shape_cast %get3A_1333 : vector<128x1xf32> to vector<128x1xf32>
    %broadcast_in_dim3A_2031 = vector.broadcast %broadcast_in_dim3A_2030 : vector<128x1xf32> to vector<128x700xf32>
    %get3A_2032 = arith.constant 0 : index
    %get3A_2033 = arith.constant 1 : index
    %get3A_2034 = arith.constant 700 : index
    %get3A_2035 = vector.load %arg9[%get3A_2032, %get3A_2033, %get3A_2034] : memref<128x4x2800xf32, #tpu.memory_space<vmem>>, vector<128x1x700xf32>
    %get3A_2036 = vector.shape_cast %get3A_2035 : vector<128x1x700xf32> to vector<128x700xf32>
    %get3A_2037 = arith.constant 0 : index
    %get3A_2038 = arith.constant 1 : index
    %get3A_2039 = arith.constant 1400 : index
    %get3A_2040 = vector.load %arg9[%get3A_2037, %get3A_2038, %get3A_2039] : memref<128x4x2800xf32, #tpu.memory_space<vmem>>, vector<128x1x700xf32>
    %get3A_2041 = vector.shape_cast %get3A_2040 : vector<128x1x700xf32> to vector<128x700xf32>
    %get3A_2042 = arith.constant 0 : index
    %get3A_2043 = arith.constant 1 : index
    %get3A_2044 = arith.constant 2100 : index
    %get3A_2045 = vector.load %arg9[%get3A_2042, %get3A_2043, %get3A_2044] : memref<128x4x2800xf32, #tpu.memory_space<vmem>>, vector<128x1x700xf32>
    %get3A_2046 = vector.shape_cast %get3A_2045 : vector<128x1x700xf32> to vector<128x700xf32>
    %get3A_2047 = arith.constant 0 : index
    %get3A_2048 = arith.constant 0 : index
    %get3A_2049 = arith.constant 0 : index
    %get3A_2050 = vector.load %arg4[%get3A_2047, %get3A_2048, %get3A_2049] : memref<3x128x384xf32, #tpu.memory_space<vmem>>, vector<1x128x384xf32>
    %get3A_2051 = vector.shape_cast %get3A_2050 : vector<1x128x384xf32> to vector<128x384xf32>
    %concatenate3A_2052 = tpu.concatenate %get3A_2036, %get3A_2041, %get3A_2046 in 0 : vector<128x700xf32>, vector<128x700xf32>, vector<128x700xf32> -> vector<384x700xf32>
    %dot_general3A_2053 = arith.constant dense<0.000000e+00> : vector<128x700xf32>
    %dot_general3A_2054 = tpu.matmul %get3A_2051, %concatenate3A_2052, %dot_general3A_2053 {dimension_numbers = #tpu.dot_dimension_numbers<[1], [0], [0], [1], [0, 0, 1, 1], [], []>, transpose_lhs_hint = false} : vector<128x384xf32>, vector<384x700xf32>, vector<128x700xf32> -> vector<128x700xf32>
    %add3A_2055 = arith.addf %broadcast_in_dim3A_2031, %dot_general3A_2054 : vector<128x700xf32>
    %get3A_2056 = arith.constant 0 : index
    %get3A_2057 = arith.constant 2 : index
    %get3A_2058 = arith.constant 700 : index
    %get3A_2059 = vector.load %arg9[%get3A_2056, %get3A_2057, %get3A_2058] : memref<128x4x2800xf32, #tpu.memory_space<vmem>>, vector<128x1x700xf32>
    %get3A_2060 = vector.shape_cast %get3A_2059 : vector<128x1x700xf32> to vector<128x700xf32>
    %get3A_2061 = arith.constant 0 : index
    %get3A_2062 = arith.constant 2 : index
    %get3A_2063 = arith.constant 1400 : index
    %get3A_2064 = vector.load %arg9[%get3A_2061, %get3A_2062, %get3A_2063] : memref<128x4x2800xf32, #tpu.memory_space<vmem>>, vector<128x1x700xf32>
    %get3A_2065 = vector.shape_cast %get3A_2064 : vector<128x1x700xf32> to vector<128x700xf32>
    %get3A_2066 = arith.constant 0 : index
    %get3A_2067 = arith.constant 2 : index
    %get3A_2068 = arith.constant 2100 : index
    %get3A_2069 = vector.load %arg9[%get3A_2066, %get3A_2067, %get3A_2068] : memref<128x4x2800xf32, #tpu.memory_space<vmem>>, vector<128x1x700xf32>
    %get3A_2070 = vector.shape_cast %get3A_2069 : vector<128x1x700xf32> to vector<128x700xf32>
    %get3A_2071 = arith.constant 1 : index
    %get3A_2072 = arith.constant 0 : index
    %get3A_2073 = arith.constant 0 : index
    %get3A_2074 = vector.load %arg4[%get3A_2071, %get3A_2072, %get3A_2073] : memref<3x128x384xf32, #tpu.memory_space<vmem>>, vector<1x128x384xf32>
    %get3A_2075 = vector.shape_cast %get3A_2074 : vector<1x128x384xf32> to vector<128x384xf32>
    %concatenate3A_2076 = tpu.concatenate %get3A_2060, %get3A_2065, %get3A_2070 in 0 : vector<128x700xf32>, vector<128x700xf32>, vector<128x700xf32> -> vector<384x700xf32>
    %dot_general3A_2077 = arith.constant dense<0.000000e+00> : vector<128x700xf32>
    %dot_general3A_2078 = tpu.matmul %get3A_2075, %concatenate3A_2076, %dot_general3A_2077 {dimension_numbers = #tpu.dot_dimension_numbers<[1], [0], [0], [1], [0, 0, 1, 1], [], []>, transpose_lhs_hint = false} : vector<128x384xf32>, vector<384x700xf32>, vector<128x700xf32> -> vector<128x700xf32>
    %add3A_2079 = arith.addf %add3A_2055, %dot_general3A_2078 : vector<128x700xf32>
    %get3A_2080 = arith.constant 0 : index
    %get3A_2081 = arith.constant 3 : index
    %get3A_2082 = arith.constant 700 : index
    %get3A_2083 = vector.load %arg9[%get3A_2080, %get3A_2081, %get3A_2082] : memref<128x4x2800xf32, #tpu.memory_space<vmem>>, vector<128x1x700xf32>
    %get3A_2084 = vector.shape_cast %get3A_2083 : vector<128x1x700xf32> to vector<128x700xf32>
    %get3A_2085 = arith.constant 0 : index
    %get3A_2086 = arith.constant 3 : index
    %get3A_2087 = arith.constant 1400 : index
    %get3A_2088 = vector.load %arg9[%get3A_2085, %get3A_2086, %get3A_2087] : memref<128x4x2800xf32, #tpu.memory_space<vmem>>, vector<128x1x700xf32>
    %get3A_2089 = vector.shape_cast %get3A_2088 : vector<128x1x700xf32> to vector<128x700xf32>
    %get3A_2090 = arith.constant 0 : index
    %get3A_2091 = arith.constant 3 : index
    %get3A_2092 = arith.constant 2100 : index
    %get3A_2093 = vector.load %arg9[%get3A_2090, %get3A_2091, %get3A_2092] : memref<128x4x2800xf32, #tpu.memory_space<vmem>>, vector<128x1x700xf32>
    %get3A_2094 = vector.shape_cast %get3A_2093 : vector<128x1x700xf32> to vector<128x700xf32>
    %get3A_2095 = arith.constant 2 : index
    %get3A_2096 = arith.constant 0 : index
    %get3A_2097 = arith.constant 0 : index
    %get3A_2098 = vector.load %arg4[%get3A_2095, %get3A_2096, %get3A_2097] : memref<3x128x384xf32, #tpu.memory_space<vmem>>, vector<1x128x384xf32>
    %get3A_2099 = vector.shape_cast %get3A_2098 : vector<1x128x384xf32> to vector<128x384xf32>
    %concatenate3A_2100 = tpu.concatenate %get3A_2084, %get3A_2089, %get3A_2094 in 0 : vector<128x700xf32>, vector<128x700xf32>, vector<128x700xf32> -> vector<384x700xf32>
    %dot_general3A_2101 = arith.constant dense<0.000000e+00> : vector<128x700xf32>
    %dot_general3A_2102 = tpu.matmul %get3A_2099, %concatenate3A_2100, %dot_general3A_2101 {dimension_numbers = #tpu.dot_dimension_numbers<[1], [0], [0], [1], [0, 0, 1, 1], [], []>, transpose_lhs_hint = false} : vector<128x384xf32>, vector<384x700xf32>, vector<128x700xf32> -> vector<128x700xf32>
    %add3A_2103 = arith.addf %add3A_2079, %dot_general3A_2102 : vector<128x700xf32>
    %broadcast_in_dim3A_2104 = vector.shape_cast %get3A_1333 : vector<128x1xf32> to vector<128x1xf32>
    %broadcast_in_dim3A_2105 = vector.broadcast %broadcast_in_dim3A_2104 : vector<128x1xf32> to vector<128x700xf32>
    %get3A_2106 = arith.constant 0 : index
    %get3A_2107 = arith.constant 1 : index
    %get3A_2108 = arith.constant 1400 : index
    %get3A_2109 = vector.load %arg9[%get3A_2106, %get3A_2107, %get3A_2108] : memref<128x4x2800xf32, #tpu.memory_space<vmem>>, vector<128x1x700xf32>
    %get3A_2110 = vector.shape_cast %get3A_2109 : vector<128x1x700xf32> to vector<128x700xf32>
    %get3A_2111 = arith.constant 0 : index
    %get3A_2112 = arith.constant 1 : index
    %get3A_2113 = arith.constant 2100 : index
    %get3A_2114 = vector.load %arg9[%get3A_2111, %get3A_2112, %get3A_2113] : memref<128x4x2800xf32, #tpu.memory_space<vmem>>, vector<128x1x700xf32>
    %get3A_2115 = vector.shape_cast %get3A_2114 : vector<128x1x700xf32> to vector<128x700xf32>
    %get3A_2116 = arith.constant 0 : index
    %get3A_2117 = arith.constant 1 : index
    %get3A_2118 = arith.constant 0 : index
    %get3A_2119 = vector.load %arg9[%get3A_2116, %get3A_2117, %get3A_2118] : memref<128x4x2800xf32, #tpu.memory_space<vmem>>, vector<128x1x700xf32>
    %get3A_2120 = vector.shape_cast %get3A_2119 : vector<128x1x700xf32> to vector<128x700xf32>
    %slice3A_2121 = vector.extract_strided_slice %get3A_2120 {offsets = [0, 1], sizes = [128, 699], strides = [1, 1]} : vector<128x700xf32> to vector<128x699xf32>
    %broadcast_in_dim3A_2122 = arith.constant 0.000000e+00 : f32
    %broadcast_in_dim3A_2123 = vector.broadcast %broadcast_in_dim3A_2122 : f32 to vector<128x1xf32>
    %concatenate3A_2124 = tpu.concatenate %slice3A_2121, %broadcast_in_dim3A_2123 in 1 : vector<128x699xf32>, vector<128x1xf32> -> vector<128x700xf32>
    %get3A_2125 = arith.constant 0 : index
    %get3A_2126 = arith.constant 0 : index
    %get3A_2127 = arith.constant 0 : index
    %get3A_2128 = vector.load %arg4[%get3A_2125, %get3A_2126, %get3A_2127] : memref<3x128x384xf32, #tpu.memory_space<vmem>>, vector<1x128x384xf32>
    %get3A_2129 = vector.shape_cast %get3A_2128 : vector<1x128x384xf32> to vector<128x384xf32>
    %concatenate3A_2130 = tpu.concatenate %get3A_2110, %get3A_2115, %concatenate3A_2124 in 0 : vector<128x700xf32>, vector<128x700xf32>, vector<128x700xf32> -> vector<384x700xf32>
    %dot_general3A_2131 = arith.constant dense<0.000000e+00> : vector<128x700xf32>
    %dot_general3A_2132 = tpu.matmul %get3A_2129, %concatenate3A_2130, %dot_general3A_2131 {dimension_numbers = #tpu.dot_dimension_numbers<[1], [0], [0], [1], [0, 0, 1, 1], [], []>, transpose_lhs_hint = false} : vector<128x384xf32>, vector<384x700xf32>, vector<128x700xf32> -> vector<128x700xf32>
    %add3A_2133 = arith.addf %broadcast_in_dim3A_2105, %dot_general3A_2132 : vector<128x700xf32>
    %get3A_2134 = arith.constant 0 : index
    %get3A_2135 = arith.constant 2 : index
    %get3A_2136 = arith.constant 1400 : index
    %get3A_2137 = vector.load %arg9[%get3A_2134, %get3A_2135, %get3A_2136] : memref<128x4x2800xf32, #tpu.memory_space<vmem>>, vector<128x1x700xf32>
    %get3A_2138 = vector.shape_cast %get3A_2137 : vector<128x1x700xf32> to vector<128x700xf32>
    %get3A_2139 = arith.constant 0 : index
    %get3A_2140 = arith.constant 2 : index
    %get3A_2141 = arith.constant 2100 : index
    %get3A_2142 = vector.load %arg9[%get3A_2139, %get3A_2140, %get3A_2141] : memref<128x4x2800xf32, #tpu.memory_space<vmem>>, vector<128x1x700xf32>
    %get3A_2143 = vector.shape_cast %get3A_2142 : vector<128x1x700xf32> to vector<128x700xf32>
    %get3A_2144 = arith.constant 0 : index
    %get3A_2145 = arith.constant 2 : index
    %get3A_2146 = arith.constant 0 : index
    %get3A_2147 = vector.load %arg9[%get3A_2144, %get3A_2145, %get3A_2146] : memref<128x4x2800xf32, #tpu.memory_space<vmem>>, vector<128x1x700xf32>
    %get3A_2148 = vector.shape_cast %get3A_2147 : vector<128x1x700xf32> to vector<128x700xf32>
    %slice3A_2149 = vector.extract_strided_slice %get3A_2148 {offsets = [0, 1], sizes = [128, 699], strides = [1, 1]} : vector<128x700xf32> to vector<128x699xf32>
    %broadcast_in_dim3A_2150 = arith.constant 0.000000e+00 : f32
    %broadcast_in_dim3A_2151 = vector.broadcast %broadcast_in_dim3A_2150 : f32 to vector<128x1xf32>
    %concatenate3A_2152 = tpu.concatenate %slice3A_2149, %broadcast_in_dim3A_2151 in 1 : vector<128x699xf32>, vector<128x1xf32> -> vector<128x700xf32>
    %get3A_2153 = arith.constant 1 : index
    %get3A_2154 = arith.constant 0 : index
    %get3A_2155 = arith.constant 0 : index
    %get3A_2156 = vector.load %arg4[%get3A_2153, %get3A_2154, %get3A_2155] : memref<3x128x384xf32, #tpu.memory_space<vmem>>, vector<1x128x384xf32>
    %get3A_2157 = vector.shape_cast %get3A_2156 : vector<1x128x384xf32> to vector<128x384xf32>
    %concatenate3A_2158 = tpu.concatenate %get3A_2138, %get3A_2143, %concatenate3A_2152 in 0 : vector<128x700xf32>, vector<128x700xf32>, vector<128x700xf32> -> vector<384x700xf32>
    %dot_general3A_2159 = arith.constant dense<0.000000e+00> : vector<128x700xf32>
    %dot_general3A_2160 = tpu.matmul %get3A_2157, %concatenate3A_2158, %dot_general3A_2159 {dimension_numbers = #tpu.dot_dimension_numbers<[1], [0], [0], [1], [0, 0, 1, 1], [], []>, transpose_lhs_hint = false} : vector<128x384xf32>, vector<384x700xf32>, vector<128x700xf32> -> vector<128x700xf32>
    %add3A_2161 = arith.addf %add3A_2133, %dot_general3A_2160 : vector<128x700xf32>
    %get3A_2162 = arith.constant 0 : index
    %get3A_2163 = arith.constant 3 : index
    %get3A_2164 = arith.constant 1400 : index
    %get3A_2165 = vector.load %arg9[%get3A_2162, %get3A_2163, %get3A_2164] : memref<128x4x2800xf32, #tpu.memory_space<vmem>>, vector<128x1x700xf32>
    %get3A_2166 = vector.shape_cast %get3A_2165 : vector<128x1x700xf32> to vector<128x700xf32>
    %get3A_2167 = arith.constant 0 : index
    %get3A_2168 = arith.constant 3 : index
    %get3A_2169 = arith.constant 2100 : index
    %get3A_2170 = vector.load %arg9[%get3A_2167, %get3A_2168, %get3A_2169] : memref<128x4x2800xf32, #tpu.memory_space<vmem>>, vector<128x1x700xf32>
    %get3A_2171 = vector.shape_cast %get3A_2170 : vector<128x1x700xf32> to vector<128x700xf32>
    %get3A_2172 = arith.constant 0 : index
    %get3A_2173 = arith.constant 3 : index
    %get3A_2174 = arith.constant 0 : index
    %get3A_2175 = vector.load %arg9[%get3A_2172, %get3A_2173, %get3A_2174] : memref<128x4x2800xf32, #tpu.memory_space<vmem>>, vector<128x1x700xf32>
    %get3A_2176 = vector.shape_cast %get3A_2175 : vector<128x1x700xf32> to vector<128x700xf32>
    %slice3A_2177 = vector.extract_strided_slice %get3A_2176 {offsets = [0, 1], sizes = [128, 699], strides = [1, 1]} : vector<128x700xf32> to vector<128x699xf32>
    %broadcast_in_dim3A_2178 = arith.constant 0.000000e+00 : f32
    %broadcast_in_dim3A_2179 = vector.broadcast %broadcast_in_dim3A_2178 : f32 to vector<128x1xf32>
    %concatenate3A_2180 = tpu.concatenate %slice3A_2177, %broadcast_in_dim3A_2179 in 1 : vector<128x699xf32>, vector<128x1xf32> -> vector<128x700xf32>
    %get3A_2181 = arith.constant 2 : index
    %get3A_2182 = arith.constant 0 : index
    %get3A_2183 = arith.constant 0 : index
    %get3A_2184 = vector.load %arg4[%get3A_2181, %get3A_2182, %get3A_2183] : memref<3x128x384xf32, #tpu.memory_space<vmem>>, vector<1x128x384xf32>
    %get3A_2185 = vector.shape_cast %get3A_2184 : vector<1x128x384xf32> to vector<128x384xf32>
    %concatenate3A_2186 = tpu.concatenate %get3A_2166, %get3A_2171, %concatenate3A_2180 in 0 : vector<128x700xf32>, vector<128x700xf32>, vector<128x700xf32> -> vector<384x700xf32>
    %dot_general3A_2187 = arith.constant dense<0.000000e+00> : vector<128x700xf32>
    %dot_general3A_2188 = tpu.matmul %get3A_2185, %concatenate3A_2186, %dot_general3A_2187 {dimension_numbers = #tpu.dot_dimension_numbers<[1], [0], [0], [1], [0, 0, 1, 1], [], []>, transpose_lhs_hint = false} : vector<128x384xf32>, vector<384x700xf32>, vector<128x700xf32> -> vector<128x700xf32>
    %add3A_2189 = arith.addf %add3A_2161, %dot_general3A_2188 : vector<128x700xf32>
    %broadcast_in_dim3A_2190 = vector.shape_cast %get3A_1333 : vector<128x1xf32> to vector<128x1xf32>
    %broadcast_in_dim3A_2191 = vector.broadcast %broadcast_in_dim3A_2190 : vector<128x1xf32> to vector<128x700xf32>
    %get3A_2192 = arith.constant 0 : index
    %get3A_2193 = arith.constant 2 : index
    %get3A_2194 = arith.constant 2100 : index
    %get3A_2195 = vector.load %arg9[%get3A_2192, %get3A_2193, %get3A_2194] : memref<128x4x2800xf32, #tpu.memory_space<vmem>>, vector<128x1x700xf32>
    %get3A_2196 = vector.shape_cast %get3A_2195 : vector<128x1x700xf32> to vector<128x700xf32>
    %broadcast_in_dim3A_2197 = arith.constant 0.000000e+00 : f32
    %broadcast_in_dim3A_2198 = vector.broadcast %broadcast_in_dim3A_2197 : f32 to vector<128x1xf32>
    %slice3A_2199 = vector.extract_strided_slice %get3A_2196 {offsets = [0, 0], sizes = [128, 699], strides = [1, 1]} : vector<128x700xf32> to vector<128x699xf32>
    %concatenate3A_2200 = tpu.concatenate %broadcast_in_dim3A_2198, %slice3A_2199 in 1 : vector<128x1xf32>, vector<128x699xf32> -> vector<128x700xf32>
    %get3A_2201 = arith.constant 0 : index
    %get3A_2202 = arith.constant 2 : index
    %get3A_2203 = arith.constant 0 : index
    %get3A_2204 = vector.load %arg9[%get3A_2201, %get3A_2202, %get3A_2203] : memref<128x4x2800xf32, #tpu.memory_space<vmem>>, vector<128x1x700xf32>
    %get3A_2205 = vector.shape_cast %get3A_2204 : vector<128x1x700xf32> to vector<128x700xf32>
    %get3A_2206 = arith.constant 0 : index
    %get3A_2207 = arith.constant 2 : index
    %get3A_2208 = arith.constant 700 : index
    %get3A_2209 = vector.load %arg9[%get3A_2206, %get3A_2207, %get3A_2208] : memref<128x4x2800xf32, #tpu.memory_space<vmem>>, vector<128x1x700xf32>
    %get3A_2210 = vector.shape_cast %get3A_2209 : vector<128x1x700xf32> to vector<128x700xf32>
    %get3A_2211 = arith.constant 0 : index
    %get3A_2212 = arith.constant 0 : index
    %get3A_2213 = arith.constant 0 : index
    %get3A_2214 = vector.load %arg4[%get3A_2211, %get3A_2212, %get3A_2213] : memref<3x128x384xf32, #tpu.memory_space<vmem>>, vector<1x128x384xf32>
    %get3A_2215 = vector.shape_cast %get3A_2214 : vector<1x128x384xf32> to vector<128x384xf32>
    %concatenate3A_2216 = tpu.concatenate %concatenate3A_2200, %get3A_2205, %get3A_2210 in 0 : vector<128x700xf32>, vector<128x700xf32>, vector<128x700xf32> -> vector<384x700xf32>
    %dot_general3A_2217 = arith.constant dense<0.000000e+00> : vector<128x700xf32>
    %dot_general3A_2218 = tpu.matmul %get3A_2215, %concatenate3A_2216, %dot_general3A_2217 {dimension_numbers = #tpu.dot_dimension_numbers<[1], [0], [0], [1], [0, 0, 1, 1], [], []>, transpose_lhs_hint = false} : vector<128x384xf32>, vector<384x700xf32>, vector<128x700xf32> -> vector<128x700xf32>
    %add3A_2219 = arith.addf %broadcast_in_dim3A_2191, %dot_general3A_2218 : vector<128x700xf32>
    %get3A_2220 = arith.constant 0 : index
    %get3A_2221 = arith.constant 3 : index
    %get3A_2222 = arith.constant 2100 : index
    %get3A_2223 = vector.load %arg9[%get3A_2220, %get3A_2221, %get3A_2222] : memref<128x4x2800xf32, #tpu.memory_space<vmem>>, vector<128x1x700xf32>
    %get3A_2224 = vector.shape_cast %get3A_2223 : vector<128x1x700xf32> to vector<128x700xf32>
    %broadcast_in_dim3A_2225 = arith.constant 0.000000e+00 : f32
    %broadcast_in_dim3A_2226 = vector.broadcast %broadcast_in_dim3A_2225 : f32 to vector<128x1xf32>
    %slice3A_2227 = vector.extract_strided_slice %get3A_2224 {offsets = [0, 0], sizes = [128, 699], strides = [1, 1]} : vector<128x700xf32> to vector<128x699xf32>
    %concatenate3A_2228 = tpu.concatenate %broadcast_in_dim3A_2226, %slice3A_2227 in 1 : vector<128x1xf32>, vector<128x699xf32> -> vector<128x700xf32>
    %get3A_2229 = arith.constant 0 : index
    %get3A_2230 = arith.constant 3 : index
    %get3A_2231 = arith.constant 0 : index
    %get3A_2232 = vector.load %arg9[%get3A_2229, %get3A_2230, %get3A_2231] : memref<128x4x2800xf32, #tpu.memory_space<vmem>>, vector<128x1x700xf32>
    %get3A_2233 = vector.shape_cast %get3A_2232 : vector<128x1x700xf32> to vector<128x700xf32>
    %get3A_2234 = arith.constant 0 : index
    %get3A_2235 = arith.constant 3 : index
    %get3A_2236 = arith.constant 700 : index
    %get3A_2237 = vector.load %arg9[%get3A_2234, %get3A_2235, %get3A_2236] : memref<128x4x2800xf32, #tpu.memory_space<vmem>>, vector<128x1x700xf32>
    %get3A_2238 = vector.shape_cast %get3A_2237 : vector<128x1x700xf32> to vector<128x700xf32>
    %get3A_2239 = arith.constant 1 : index
    %get3A_2240 = arith.constant 0 : index
    %get3A_2241 = arith.constant 0 : index
    %get3A_2242 = vector.load %arg4[%get3A_2239, %get3A_2240, %get3A_2241] : memref<3x128x384xf32, #tpu.memory_space<vmem>>, vector<1x128x384xf32>
    %get3A_2243 = vector.shape_cast %get3A_2242 : vector<1x128x384xf32> to vector<128x384xf32>
    %concatenate3A_2244 = tpu.concatenate %concatenate3A_2228, %get3A_2233, %get3A_2238 in 0 : vector<128x700xf32>, vector<128x700xf32>, vector<128x700xf32> -> vector<384x700xf32>
    %dot_general3A_2245 = arith.constant dense<0.000000e+00> : vector<128x700xf32>
    %dot_general3A_2246 = tpu.matmul %get3A_2243, %concatenate3A_2244, %dot_general3A_2245 {dimension_numbers = #tpu.dot_dimension_numbers<[1], [0], [0], [1], [0, 0, 1, 1], [], []>, transpose_lhs_hint = false} : vector<128x384xf32>, vector<384x700xf32>, vector<128x700xf32> -> vector<128x700xf32>
    %add3A_2247 = arith.addf %add3A_2219, %dot_general3A_2246 : vector<128x700xf32>
    %broadcast_in_dim3A_2248 = vector.shape_cast %get3A_1333 : vector<128x1xf32> to vector<128x1xf32>
    %broadcast_in_dim3A_2249 = vector.broadcast %broadcast_in_dim3A_2248 : vector<128x1xf32> to vector<128x700xf32>
    %get3A_2250 = arith.constant 0 : index
    %get3A_2251 = arith.constant 2 : index
    %get3A_2252 = arith.constant 0 : index
    %get3A_2253 = vector.load %arg9[%get3A_2250, %get3A_2251, %get3A_2252] : memref<128x4x2800xf32, #tpu.memory_space<vmem>>, vector<128x1x700xf32>
    %get3A_2254 = vector.shape_cast %get3A_2253 : vector<128x1x700xf32> to vector<128x700xf32>
    %get3A_2255 = arith.constant 0 : index
    %get3A_2256 = arith.constant 2 : index
    %get3A_2257 = arith.constant 700 : index
    %get3A_2258 = vector.load %arg9[%get3A_2255, %get3A_2256, %get3A_2257] : memref<128x4x2800xf32, #tpu.memory_space<vmem>>, vector<128x1x700xf32>
    %get3A_2259 = vector.shape_cast %get3A_2258 : vector<128x1x700xf32> to vector<128x700xf32>
    %get3A_2260 = arith.constant 0 : index
    %get3A_2261 = arith.constant 2 : index
    %get3A_2262 = arith.constant 1400 : index
    %get3A_2263 = vector.load %arg9[%get3A_2260, %get3A_2261, %get3A_2262] : memref<128x4x2800xf32, #tpu.memory_space<vmem>>, vector<128x1x700xf32>
    %get3A_2264 = vector.shape_cast %get3A_2263 : vector<128x1x700xf32> to vector<128x700xf32>
    %get3A_2265 = arith.constant 0 : index
    %get3A_2266 = arith.constant 0 : index
    %get3A_2267 = arith.constant 0 : index
    %get3A_2268 = vector.load %arg4[%get3A_2265, %get3A_2266, %get3A_2267] : memref<3x128x384xf32, #tpu.memory_space<vmem>>, vector<1x128x384xf32>
    %get3A_2269 = vector.shape_cast %get3A_2268 : vector<1x128x384xf32> to vector<128x384xf32>
    %concatenate3A_2270 = tpu.concatenate %get3A_2254, %get3A_2259, %get3A_2264 in 0 : vector<128x700xf32>, vector<128x700xf32>, vector<128x700xf32> -> vector<384x700xf32>
    %dot_general3A_2271 = arith.constant dense<0.000000e+00> : vector<128x700xf32>
    %dot_general3A_2272 = tpu.matmul %get3A_2269, %concatenate3A_2270, %dot_general3A_2271 {dimension_numbers = #tpu.dot_dimension_numbers<[1], [0], [0], [1], [0, 0, 1, 1], [], []>, transpose_lhs_hint = false} : vector<128x384xf32>, vector<384x700xf32>, vector<128x700xf32> -> vector<128x700xf32>
    %add3A_2273 = arith.addf %broadcast_in_dim3A_2249, %dot_general3A_2272 : vector<128x700xf32>
    %get3A_2274 = arith.constant 0 : index
    %get3A_2275 = arith.constant 3 : index
    %get3A_2276 = arith.constant 0 : index
    %get3A_2277 = vector.load %arg9[%get3A_2274, %get3A_2275, %get3A_2276] : memref<128x4x2800xf32, #tpu.memory_space<vmem>>, vector<128x1x700xf32>
    %get3A_2278 = vector.shape_cast %get3A_2277 : vector<128x1x700xf32> to vector<128x700xf32>
    %get3A_2279 = arith.constant 0 : index
    %get3A_2280 = arith.constant 3 : index
    %get3A_2281 = arith.constant 700 : index
    %get3A_2282 = vector.load %arg9[%get3A_2279, %get3A_2280, %get3A_2281] : memref<128x4x2800xf32, #tpu.memory_space<vmem>>, vector<128x1x700xf32>
    %get3A_2283 = vector.shape_cast %get3A_2282 : vector<128x1x700xf32> to vector<128x700xf32>
    %get3A_2284 = arith.constant 0 : index
    %get3A_2285 = arith.constant 3 : index
    %get3A_2286 = arith.constant 1400 : index
    %get3A_2287 = vector.load %arg9[%get3A_2284, %get3A_2285, %get3A_2286] : memref<128x4x2800xf32, #tpu.memory_space<vmem>>, vector<128x1x700xf32>
    %get3A_2288 = vector.shape_cast %get3A_2287 : vector<128x1x700xf32> to vector<128x700xf32>
    %get3A_2289 = arith.constant 1 : index
    %get3A_2290 = arith.constant 0 : index
    %get3A_2291 = arith.constant 0 : index
    %get3A_2292 = vector.load %arg4[%get3A_2289, %get3A_2290, %get3A_2291] : memref<3x128x384xf32, #tpu.memory_space<vmem>>, vector<1x128x384xf32>
    %get3A_2293 = vector.shape_cast %get3A_2292 : vector<1x128x384xf32> to vector<128x384xf32>
    %concatenate3A_2294 = tpu.concatenate %get3A_2278, %get3A_2283, %get3A_2288 in 0 : vector<128x700xf32>, vector<128x700xf32>, vector<128x700xf32> -> vector<384x700xf32>
    %dot_general3A_2295 = arith.constant dense<0.000000e+00> : vector<128x700xf32>
    %dot_general3A_2296 = tpu.matmul %get3A_2293, %concatenate3A_2294, %dot_general3A_2295 {dimension_numbers = #tpu.dot_dimension_numbers<[1], [0], [0], [1], [0, 0, 1, 1], [], []>, transpose_lhs_hint = false} : vector<128x384xf32>, vector<384x700xf32>, vector<128x700xf32> -> vector<128x700xf32>
    %add3A_2297 = arith.addf %add3A_2273, %dot_general3A_2296 : vector<128x700xf32>
    %broadcast_in_dim3A_2298 = vector.shape_cast %get3A_1333 : vector<128x1xf32> to vector<128x1xf32>
    %broadcast_in_dim3A_2299 = vector.broadcast %broadcast_in_dim3A_2298 : vector<128x1xf32> to vector<128x700xf32>
    %get3A_2300 = arith.constant 0 : index
    %get3A_2301 = arith.constant 2 : index
    %get3A_2302 = arith.constant 700 : index
    %get3A_2303 = vector.load %arg9[%get3A_2300, %get3A_2301, %get3A_2302] : memref<128x4x2800xf32, #tpu.memory_space<vmem>>, vector<128x1x700xf32>
    %get3A_2304 = vector.shape_cast %get3A_2303 : vector<128x1x700xf32> to vector<128x700xf32>
    %get3A_2305 = arith.constant 0 : index
    %get3A_2306 = arith.constant 2 : index
    %get3A_2307 = arith.constant 1400 : index
    %get3A_2308 = vector.load %arg9[%get3A_2305, %get3A_2306, %get3A_2307] : memref<128x4x2800xf32, #tpu.memory_space<vmem>>, vector<128x1x700xf32>
    %get3A_2309 = vector.shape_cast %get3A_2308 : vector<128x1x700xf32> to vector<128x700xf32>
    %get3A_2310 = arith.constant 0 : index
    %get3A_2311 = arith.constant 2 : index
    %get3A_2312 = arith.constant 2100 : index
    %get3A_2313 = vector.load %arg9[%get3A_2310, %get3A_2311, %get3A_2312] : memref<128x4x2800xf32, #tpu.memory_space<vmem>>, vector<128x1x700xf32>
    %get3A_2314 = vector.shape_cast %get3A_2313 : vector<128x1x700xf32> to vector<128x700xf32>
    %get3A_2315 = arith.constant 0 : index
    %get3A_2316 = arith.constant 0 : index
    %get3A_2317 = arith.constant 0 : index
    %get3A_2318 = vector.load %arg4[%get3A_2315, %get3A_2316, %get3A_2317] : memref<3x128x384xf32, #tpu.memory_space<vmem>>, vector<1x128x384xf32>
    %get3A_2319 = vector.shape_cast %get3A_2318 : vector<1x128x384xf32> to vector<128x384xf32>
    %concatenate3A_2320 = tpu.concatenate %get3A_2304, %get3A_2309, %get3A_2314 in 0 : vector<128x700xf32>, vector<128x700xf32>, vector<128x700xf32> -> vector<384x700xf32>
    %dot_general3A_2321 = arith.constant dense<0.000000e+00> : vector<128x700xf32>
    %dot_general3A_2322 = tpu.matmul %get3A_2319, %concatenate3A_2320, %dot_general3A_2321 {dimension_numbers = #tpu.dot_dimension_numbers<[1], [0], [0], [1], [0, 0, 1, 1], [], []>, transpose_lhs_hint = false} : vector<128x384xf32>, vector<384x700xf32>, vector<128x700xf32> -> vector<128x700xf32>
    %add3A_2323 = arith.addf %broadcast_in_dim3A_2299, %dot_general3A_2322 : vector<128x700xf32>
    %get3A_2324 = arith.constant 0 : index
    %get3A_2325 = arith.constant 3 : index
    %get3A_2326 = arith.constant 700 : index
    %get3A_2327 = vector.load %arg9[%get3A_2324, %get3A_2325, %get3A_2326] : memref<128x4x2800xf32, #tpu.memory_space<vmem>>, vector<128x1x700xf32>
    %get3A_2328 = vector.shape_cast %get3A_2327 : vector<128x1x700xf32> to vector<128x700xf32>
    %get3A_2329 = arith.constant 0 : index
    %get3A_2330 = arith.constant 3 : index
    %get3A_2331 = arith.constant 1400 : index
    %get3A_2332 = vector.load %arg9[%get3A_2329, %get3A_2330, %get3A_2331] : memref<128x4x2800xf32, #tpu.memory_space<vmem>>, vector<128x1x700xf32>
    %get3A_2333 = vector.shape_cast %get3A_2332 : vector<128x1x700xf32> to vector<128x700xf32>
    %get3A_2334 = arith.constant 0 : index
    %get3A_2335 = arith.constant 3 : index
    %get3A_2336 = arith.constant 2100 : index
    %get3A_2337 = vector.load %arg9[%get3A_2334, %get3A_2335, %get3A_2336] : memref<128x4x2800xf32, #tpu.memory_space<vmem>>, vector<128x1x700xf32>
    %get3A_2338 = vector.shape_cast %get3A_2337 : vector<128x1x700xf32> to vector<128x700xf32>
    %get3A_2339 = arith.constant 1 : index
    %get3A_2340 = arith.constant 0 : index
    %get3A_2341 = arith.constant 0 : index
    %get3A_2342 = vector.load %arg4[%get3A_2339, %get3A_2340, %get3A_2341] : memref<3x128x384xf32, #tpu.memory_space<vmem>>, vector<1x128x384xf32>
    %get3A_2343 = vector.shape_cast %get3A_2342 : vector<1x128x384xf32> to vector<128x384xf32>
    %concatenate3A_2344 = tpu.concatenate %get3A_2328, %get3A_2333, %get3A_2338 in 0 : vector<128x700xf32>, vector<128x700xf32>, vector<128x700xf32> -> vector<384x700xf32>
    %dot_general3A_2345 = arith.constant dense<0.000000e+00> : vector<128x700xf32>
    %dot_general3A_2346 = tpu.matmul %get3A_2343, %concatenate3A_2344, %dot_general3A_2345 {dimension_numbers = #tpu.dot_dimension_numbers<[1], [0], [0], [1], [0, 0, 1, 1], [], []>, transpose_lhs_hint = false} : vector<128x384xf32>, vector<384x700xf32>, vector<128x700xf32> -> vector<128x700xf32>
    %add3A_2347 = arith.addf %add3A_2323, %dot_general3A_2346 : vector<128x700xf32>
    %broadcast_in_dim3A_2348 = vector.shape_cast %get3A_1333 : vector<128x1xf32> to vector<128x1xf32>
    %broadcast_in_dim3A_2349 = vector.broadcast %broadcast_in_dim3A_2348 : vector<128x1xf32> to vector<128x700xf32>
    %get3A_2350 = arith.constant 0 : index
    %get3A_2351 = arith.constant 2 : index
    %get3A_2352 = arith.constant 1400 : index
    %get3A_2353 = vector.load %arg9[%get3A_2350, %get3A_2351, %get3A_2352] : memref<128x4x2800xf32, #tpu.memory_space<vmem>>, vector<128x1x700xf32>
    %get3A_2354 = vector.shape_cast %get3A_2353 : vector<128x1x700xf32> to vector<128x700xf32>
    %get3A_2355 = arith.constant 0 : index
    %get3A_2356 = arith.constant 2 : index
    %get3A_2357 = arith.constant 2100 : index
    %get3A_2358 = vector.load %arg9[%get3A_2355, %get3A_2356, %get3A_2357] : memref<128x4x2800xf32, #tpu.memory_space<vmem>>, vector<128x1x700xf32>
    %get3A_2359 = vector.shape_cast %get3A_2358 : vector<128x1x700xf32> to vector<128x700xf32>
    %get3A_2360 = arith.constant 0 : index
    %get3A_2361 = arith.constant 2 : index
    %get3A_2362 = arith.constant 0 : index
    %get3A_2363 = vector.load %arg9[%get3A_2360, %get3A_2361, %get3A_2362] : memref<128x4x2800xf32, #tpu.memory_space<vmem>>, vector<128x1x700xf32>
    %get3A_2364 = vector.shape_cast %get3A_2363 : vector<128x1x700xf32> to vector<128x700xf32>
    %slice3A_2365 = vector.extract_strided_slice %get3A_2364 {offsets = [0, 1], sizes = [128, 699], strides = [1, 1]} : vector<128x700xf32> to vector<128x699xf32>
    %broadcast_in_dim3A_2366 = arith.constant 0.000000e+00 : f32
    %broadcast_in_dim3A_2367 = vector.broadcast %broadcast_in_dim3A_2366 : f32 to vector<128x1xf32>
    %concatenate3A_2368 = tpu.concatenate %slice3A_2365, %broadcast_in_dim3A_2367 in 1 : vector<128x699xf32>, vector<128x1xf32> -> vector<128x700xf32>
    %get3A_2369 = arith.constant 0 : index
    %get3A_2370 = arith.constant 0 : index
    %get3A_2371 = arith.constant 0 : index
    %get3A_2372 = vector.load %arg4[%get3A_2369, %get3A_2370, %get3A_2371] : memref<3x128x384xf32, #tpu.memory_space<vmem>>, vector<1x128x384xf32>
    %get3A_2373 = vector.shape_cast %get3A_2372 : vector<1x128x384xf32> to vector<128x384xf32>
    %concatenate3A_2374 = tpu.concatenate %get3A_2354, %get3A_2359, %concatenate3A_2368 in 0 : vector<128x700xf32>, vector<128x700xf32>, vector<128x700xf32> -> vector<384x700xf32>
    %dot_general3A_2375 = arith.constant dense<0.000000e+00> : vector<128x700xf32>
    %dot_general3A_2376 = tpu.matmul %get3A_2373, %concatenate3A_2374, %dot_general3A_2375 {dimension_numbers = #tpu.dot_dimension_numbers<[1], [0], [0], [1], [0, 0, 1, 1], [], []>, transpose_lhs_hint = false} : vector<128x384xf32>, vector<384x700xf32>, vector<128x700xf32> -> vector<128x700xf32>
    %add3A_2377 = arith.addf %broadcast_in_dim3A_2349, %dot_general3A_2376 : vector<128x700xf32>
    %get3A_2378 = arith.constant 0 : index
    %get3A_2379 = arith.constant 3 : index
    %get3A_2380 = arith.constant 1400 : index
    %get3A_2381 = vector.load %arg9[%get3A_2378, %get3A_2379, %get3A_2380] : memref<128x4x2800xf32, #tpu.memory_space<vmem>>, vector<128x1x700xf32>
    %get3A_2382 = vector.shape_cast %get3A_2381 : vector<128x1x700xf32> to vector<128x700xf32>
    %get3A_2383 = arith.constant 0 : index
    %get3A_2384 = arith.constant 3 : index
    %get3A_2385 = arith.constant 2100 : index
    %get3A_2386 = vector.load %arg9[%get3A_2383, %get3A_2384, %get3A_2385] : memref<128x4x2800xf32, #tpu.memory_space<vmem>>, vector<128x1x700xf32>
    %get3A_2387 = vector.shape_cast %get3A_2386 : vector<128x1x700xf32> to vector<128x700xf32>
    %get3A_2388 = arith.constant 0 : index
    %get3A_2389 = arith.constant 3 : index
    %get3A_2390 = arith.constant 0 : index
    %get3A_2391 = vector.load %arg9[%get3A_2388, %get3A_2389, %get3A_2390] : memref<128x4x2800xf32, #tpu.memory_space<vmem>>, vector<128x1x700xf32>
    %get3A_2392 = vector.shape_cast %get3A_2391 : vector<128x1x700xf32> to vector<128x700xf32>
    %slice3A_2393 = vector.extract_strided_slice %get3A_2392 {offsets = [0, 1], sizes = [128, 699], strides = [1, 1]} : vector<128x700xf32> to vector<128x699xf32>
    %broadcast_in_dim3A_2394 = arith.constant 0.000000e+00 : f32
    %broadcast_in_dim3A_2395 = vector.broadcast %broadcast_in_dim3A_2394 : f32 to vector<128x1xf32>
    %concatenate3A_2396 = tpu.concatenate %slice3A_2393, %broadcast_in_dim3A_2395 in 1 : vector<128x699xf32>, vector<128x1xf32> -> vector<128x700xf32>
    %get3A_2397 = arith.constant 1 : index
    %get3A_2398 = arith.constant 0 : index
    %get3A_2399 = arith.constant 0 : index
    %get3A_2400 = vector.load %arg4[%get3A_2397, %get3A_2398, %get3A_2399] : memref<3x128x384xf32, #tpu.memory_space<vmem>>, vector<1x128x384xf32>
    %get3A_2401 = vector.shape_cast %get3A_2400 : vector<1x128x384xf32> to vector<128x384xf32>
    %concatenate3A_2402 = tpu.concatenate %get3A_2382, %get3A_2387, %concatenate3A_2396 in 0 : vector<128x700xf32>, vector<128x700xf32>, vector<128x700xf32> -> vector<384x700xf32>
    %dot_general3A_2403 = arith.constant dense<0.000000e+00> : vector<128x700xf32>
    %dot_general3A_2404 = tpu.matmul %get3A_2401, %concatenate3A_2402, %dot_general3A_2403 {dimension_numbers = #tpu.dot_dimension_numbers<[1], [0], [0], [1], [0, 0, 1, 1], [], []>, transpose_lhs_hint = false} : vector<128x384xf32>, vector<384x700xf32>, vector<128x700xf32> -> vector<128x700xf32>
    %add3A_2405 = arith.addf %add3A_2377, %dot_general3A_2404 : vector<128x700xf32>
    %get3A_2406 = arith.constant 0 : index
    %get3A_2407 = arith.constant 0 : index
    %get3A_2408 = vector.load %arg6[%get3A_2406, %get3A_2407] : memref<128x64xf32, #tpu.memory_space<vmem>>, vector<128x64xf32>
    %get3A_2409 = arith.constant 0 : index
    %get3A_2410 = arith.constant 0 : index
    %get3A_2411 = vector.load %arg7[%get3A_2409, %get3A_2410] : memref<128x1xf32, #tpu.memory_space<vmem>>, vector<128x1xf32>
    %get3A_2412 = arith.constant 0 : index
    %get3A_2413 = arith.constant 0 : index
    %get3A_2414 = arith.constant 0 : index
    %get3A_2415 = arith.constant 0 : index
    %get3A_2416 = vector.load %arg1[%get3A_2412, %get3A_2413, %get3A_2414, %get3A_2415] : memref<1x64x4x2800xf32, #tpu.memory_space<vmem>>, vector<1x64x1x700xf32>
    %get3A_2417 = vector.shape_cast %get3A_2416 : vector<1x64x1x700xf32> to vector<64x700xf32>
    %dot_general3A_2418 = arith.constant dense<0.000000e+00> : vector<128x700xf32>
    %dot_general3A_2419 = tpu.matmul %get3A_2408, %get3A_2417, %dot_general3A_2418 {dimension_numbers = #tpu.dot_dimension_numbers<[1], [0], [0], [1], [0, 0, 1, 1], [], []>, transpose_lhs_hint = false} : vector<128x64xf32>, vector<64x700xf32>, vector<128x700xf32> -> vector<128x700xf32>
    %add3A_2420 = arith.addf %add3A_1391, %dot_general3A_2419 : vector<128x700xf32>
    %add3A_2421 = vector.broadcast %get3A_2411 : vector<128x1xf32> to vector<128x700xf32>
    %add3A_2422 = arith.addf %add3A_2420, %add3A_2421 : vector<128x700xf32>
    %max3A_2423 = arith.constant 0.000000e+00 : f32
    %max3A_2424 = vector.broadcast %max3A_2423 : f32 to vector<128x700xf32>
    %max3A_2425 = arith.maximumf %add3A_2422, %max3A_2424 : vector<128x700xf32>
    %get3A_2426 = arith.constant 0 : index
    %get3A_2427 = arith.constant 0 : index
    %get3A_2428 = arith.constant 0 : index
    %get3A_2429 = arith.constant 700 : index
    %get3A_2430 = vector.load %arg1[%get3A_2426, %get3A_2427, %get3A_2428, %get3A_2429] : memref<1x64x4x2800xf32, #tpu.memory_space<vmem>>, vector<1x64x1x700xf32>
    %get3A_2431 = vector.shape_cast %get3A_2430 : vector<1x64x1x700xf32> to vector<64x700xf32>
    %dot_general3A_2432 = arith.constant dense<0.000000e+00> : vector<128x700xf32>
    %dot_general3A_2433 = tpu.matmul %get3A_2408, %get3A_2431, %dot_general3A_2432 {dimension_numbers = #tpu.dot_dimension_numbers<[1], [0], [0], [1], [0, 0, 1, 1], [], []>, transpose_lhs_hint = false} : vector<128x64xf32>, vector<64x700xf32>, vector<128x700xf32> -> vector<128x700xf32>
    %add3A_2434 = arith.addf %add3A_1441, %dot_general3A_2433 : vector<128x700xf32>
    %add3A_2435 = vector.broadcast %get3A_2411 : vector<128x1xf32> to vector<128x700xf32>
    %add3A_2436 = arith.addf %add3A_2434, %add3A_2435 : vector<128x700xf32>
    %max3A_2437 = arith.constant 0.000000e+00 : f32
    %max3A_2438 = vector.broadcast %max3A_2437 : f32 to vector<128x700xf32>
    %max3A_2439 = arith.maximumf %add3A_2436, %max3A_2438 : vector<128x700xf32>
    %get3A_2440 = arith.constant 0 : index
    %get3A_2441 = arith.constant 0 : index
    %get3A_2442 = arith.constant 1 : index
    %get3A_2443 = arith.constant 0 : index
    %get3A_2444 = vector.load %arg1[%get3A_2440, %get3A_2441, %get3A_2442, %get3A_2443] : memref<1x64x4x2800xf32, #tpu.memory_space<vmem>>, vector<1x64x1x700xf32>
    %get3A_2445 = vector.shape_cast %get3A_2444 : vector<1x64x1x700xf32> to vector<64x700xf32>
    %dot_general3A_2446 = arith.constant dense<0.000000e+00> : vector<128x700xf32>
    %dot_general3A_2447 = tpu.matmul %get3A_2408, %get3A_2445, %dot_general3A_2446 {dimension_numbers = #tpu.dot_dimension_numbers<[1], [0], [0], [1], [0, 0, 1, 1], [], []>, transpose_lhs_hint = false} : vector<128x64xf32>, vector<64x700xf32>, vector<128x700xf32> -> vector<128x700xf32>
    %add3A_2448 = arith.addf %add3A_1635, %dot_general3A_2447 : vector<128x700xf32>
    %add3A_2449 = vector.broadcast %get3A_2411 : vector<128x1xf32> to vector<128x700xf32>
    %add3A_2450 = arith.addf %add3A_2448, %add3A_2449 : vector<128x700xf32>
    %max3A_2451 = arith.constant 0.000000e+00 : f32
    %max3A_2452 = vector.broadcast %max3A_2451 : f32 to vector<128x700xf32>
    %max3A_2453 = arith.maximumf %add3A_2450, %max3A_2452 : vector<128x700xf32>
    %get3A_2454 = arith.constant 0 : index
    %get3A_2455 = arith.constant 0 : index
    %get3A_2456 = arith.constant 1 : index
    %get3A_2457 = arith.constant 700 : index
    %get3A_2458 = vector.load %arg1[%get3A_2454, %get3A_2455, %get3A_2456, %get3A_2457] : memref<1x64x4x2800xf32, #tpu.memory_space<vmem>>, vector<1x64x1x700xf32>
    %get3A_2459 = vector.shape_cast %get3A_2458 : vector<1x64x1x700xf32> to vector<64x700xf32>
    %dot_general3A_2460 = arith.constant dense<0.000000e+00> : vector<128x700xf32>
    %dot_general3A_2461 = tpu.matmul %get3A_2408, %get3A_2459, %dot_general3A_2460 {dimension_numbers = #tpu.dot_dimension_numbers<[1], [0], [0], [1], [0, 0, 1, 1], [], []>, transpose_lhs_hint = false} : vector<128x64xf32>, vector<64x700xf32>, vector<128x700xf32> -> vector<128x700xf32>
    %add3A_2462 = arith.addf %add3A_1709, %dot_general3A_2461 : vector<128x700xf32>
    %add3A_2463 = vector.broadcast %get3A_2411 : vector<128x1xf32> to vector<128x700xf32>
    %add3A_2464 = arith.addf %add3A_2462, %add3A_2463 : vector<128x700xf32>
    %max3A_2465 = arith.constant 0.000000e+00 : f32
    %max3A_2466 = vector.broadcast %max3A_2465 : f32 to vector<128x700xf32>
    %max3A_2467 = arith.maximumf %add3A_2464, %max3A_2466 : vector<128x700xf32>
    %max3A_2468 = arith.maximumf %max3A_2425, %max3A_2439 : vector<128x700xf32>
    %max3A_2469 = arith.maximumf %max3A_2453, %max3A_2467 : vector<128x700xf32>
    %max3A_2470 = arith.maximumf %max3A_2468, %max3A_2469 : vector<128x700xf32>
    %swap3A_2471 = arith.constant 0 : index
    %swap3A_2472 = arith.constant 0 : index
    %swap3A_2473 = arith.constant 0 : index
    %swap3A_2474 = arith.constant 0 : index
    %swap3A_2475 = vector.load %arg8[%swap3A_2471, %swap3A_2472, %swap3A_2473, %swap3A_2474] : memref<1x128x2x1400xf32, #tpu.memory_space<vmem>>, vector<1x128x1x700xf32>
    %swap3A_2476 = vector.shape_cast %swap3A_2475 : vector<1x128x1x700xf32> to vector<128x700xf32>
    %swap3A_2477 = vector.shape_cast %max3A_2470 : vector<128x700xf32> to vector<1x128x1x700xf32>
    tpu.vector_store %arg8[%swap3A_2471, %swap3A_2472, %swap3A_2473, %swap3A_2474], %swap3A_2477 {strides = array<i32>} : memref<1x128x2x1400xf32, #tpu.memory_space<vmem>>, vector<1x128x1x700xf32>,
    %get3A_2478 = arith.constant 0 : index
    %get3A_2479 = arith.constant 0 : index
    %get3A_2480 = arith.constant 0 : index
    %get3A_2481 = arith.constant 1400 : index
    %get3A_2482 = vector.load %arg1[%get3A_2478, %get3A_2479, %get3A_2480, %get3A_2481] : memref<1x64x4x2800xf32, #tpu.memory_space<vmem>>, vector<1x64x1x700xf32>
    %get3A_2483 = vector.shape_cast %get3A_2482 : vector<1x64x1x700xf32> to vector<64x700xf32>
    %dot_general3A_2484 = arith.constant dense<0.000000e+00> : vector<128x700xf32>
    %dot_general3A_2485 = tpu.matmul %get3A_2408, %get3A_2483, %dot_general3A_2484 {dimension_numbers = #tpu.dot_dimension_numbers<[1], [0], [0], [1], [0, 0, 1, 1], [], []>, transpose_lhs_hint = false} : vector<128x64xf32>, vector<64x700xf32>, vector<128x700xf32> -> vector<128x700xf32>
    %add3A_2486 = arith.addf %add3A_1491, %dot_general3A_2485 : vector<128x700xf32>
    %add3A_2487 = vector.broadcast %get3A_2411 : vector<128x1xf32> to vector<128x700xf32>
    %add3A_2488 = arith.addf %add3A_2486, %add3A_2487 : vector<128x700xf32>
    %max3A_2489 = arith.constant 0.000000e+00 : f32
    %max3A_2490 = vector.broadcast %max3A_2489 : f32 to vector<128x700xf32>
    %max3A_2491 = arith.maximumf %add3A_2488, %max3A_2490 : vector<128x700xf32>
    %get3A_2492 = arith.constant 0 : index
    %get3A_2493 = arith.constant 0 : index
    %get3A_2494 = arith.constant 0 : index
    %get3A_2495 = arith.constant 2100 : index
    %get3A_2496 = vector.load %arg1[%get3A_2492, %get3A_2493, %get3A_2494, %get3A_2495] : memref<1x64x4x2800xf32, #tpu.memory_space<vmem>>, vector<1x64x1x700xf32>
    %get3A_2497 = vector.shape_cast %get3A_2496 : vector<1x64x1x700xf32> to vector<64x700xf32>
    %dot_general3A_2498 = arith.constant dense<0.000000e+00> : vector<128x700xf32>
    %dot_general3A_2499 = tpu.matmul %get3A_2408, %get3A_2497, %dot_general3A_2498 {dimension_numbers = #tpu.dot_dimension_numbers<[1], [0], [0], [1], [0, 0, 1, 1], [], []>, transpose_lhs_hint = false} : vector<128x64xf32>, vector<64x700xf32>, vector<128x700xf32> -> vector<128x700xf32>
    %add3A_2500 = arith.addf %add3A_1549, %dot_general3A_2499 : vector<128x700xf32>
    %add3A_2501 = vector.broadcast %get3A_2411 : vector<128x1xf32> to vector<128x700xf32>
    %add3A_2502 = arith.addf %add3A_2500, %add3A_2501 : vector<128x700xf32>
    %max3A_2503 = arith.constant 0.000000e+00 : f32
    %max3A_2504 = vector.broadcast %max3A_2503 : f32 to vector<128x700xf32>
    %max3A_2505 = arith.maximumf %add3A_2502, %max3A_2504 : vector<128x700xf32>
    %get3A_2506 = arith.constant 0 : index
    %get3A_2507 = arith.constant 0 : index
    %get3A_2508 = arith.constant 1 : index
    %get3A_2509 = arith.constant 1400 : index
    %get3A_2510 = vector.load %arg1[%get3A_2506, %get3A_2507, %get3A_2508, %get3A_2509] : memref<1x64x4x2800xf32, #tpu.memory_space<vmem>>, vector<1x64x1x700xf32>
    %get3A_2511 = vector.shape_cast %get3A_2510 : vector<1x64x1x700xf32> to vector<64x700xf32>
    %dot_general3A_2512 = arith.constant dense<0.000000e+00> : vector<128x700xf32>
    %dot_general3A_2513 = tpu.matmul %get3A_2408, %get3A_2511, %dot_general3A_2512 {dimension_numbers = #tpu.dot_dimension_numbers<[1], [0], [0], [1], [0, 0, 1, 1], [], []>, transpose_lhs_hint = false} : vector<128x64xf32>, vector<64x700xf32>, vector<128x700xf32> -> vector<128x700xf32>
    %add3A_2514 = arith.addf %add3A_1783, %dot_general3A_2513 : vector<128x700xf32>
    %add3A_2515 = vector.broadcast %get3A_2411 : vector<128x1xf32> to vector<128x700xf32>
    %add3A_2516 = arith.addf %add3A_2514, %add3A_2515 : vector<128x700xf32>
    %max3A_2517 = arith.constant 0.000000e+00 : f32
    %max3A_2518 = vector.broadcast %max3A_2517 : f32 to vector<128x700xf32>
    %max3A_2519 = arith.maximumf %add3A_2516, %max3A_2518 : vector<128x700xf32>
    %get3A_2520 = arith.constant 0 : index
    %get3A_2521 = arith.constant 0 : index
    %get3A_2522 = arith.constant 1 : index
    %get3A_2523 = arith.constant 2100 : index
    %get3A_2524 = vector.load %arg1[%get3A_2520, %get3A_2521, %get3A_2522, %get3A_2523] : memref<1x64x4x2800xf32, #tpu.memory_space<vmem>>, vector<1x64x1x700xf32>
    %get3A_2525 = vector.shape_cast %get3A_2524 : vector<1x64x1x700xf32> to vector<64x700xf32>
    %dot_general3A_2526 = arith.constant dense<0.000000e+00> : vector<128x700xf32>
    %dot_general3A_2527 = tpu.matmul %get3A_2408, %get3A_2525, %dot_general3A_2526 {dimension_numbers = #tpu.dot_dimension_numbers<[1], [0], [0], [1], [0, 0, 1, 1], [], []>, transpose_lhs_hint = false} : vector<128x64xf32>, vector<64x700xf32>, vector<128x700xf32> -> vector<128x700xf32>
    %add3A_2528 = arith.addf %add3A_1869, %dot_general3A_2527 : vector<128x700xf32>
    %add3A_2529 = vector.broadcast %get3A_2411 : vector<128x1xf32> to vector<128x700xf32>
    %add3A_2530 = arith.addf %add3A_2528, %add3A_2529 : vector<128x700xf32>
    %max3A_2531 = arith.constant 0.000000e+00 : f32
    %max3A_2532 = vector.broadcast %max3A_2531 : f32 to vector<128x700xf32>
    %max3A_2533 = arith.maximumf %add3A_2530, %max3A_2532 : vector<128x700xf32>
    %max3A_2534 = arith.maximumf %max3A_2491, %max3A_2505 : vector<128x700xf32>
    %max3A_2535 = arith.maximumf %max3A_2519, %max3A_2533 : vector<128x700xf32>
    %max3A_2536 = arith.maximumf %max3A_2534, %max3A_2535 : vector<128x700xf32>
    %swap3A_2537 = arith.constant 0 : index
    %swap3A_2538 = arith.constant 0 : index
    %swap3A_2539 = arith.constant 0 : index
    %swap3A_2540 = arith.constant 700 : index
    %swap3A_2541 = vector.load %arg8[%swap3A_2537, %swap3A_2538, %swap3A_2539, %swap3A_2540] : memref<1x128x2x1400xf32, #tpu.memory_space<vmem>>, vector<1x128x1x700xf32>
    %swap3A_2542 = vector.shape_cast %swap3A_2541 : vector<1x128x1x700xf32> to vector<128x700xf32>
    %swap3A_2543 = vector.shape_cast %max3A_2536 : vector<128x700xf32> to vector<1x128x1x700xf32>
    tpu.vector_store %arg8[%swap3A_2537, %swap3A_2538, %swap3A_2539, %swap3A_2540], %swap3A_2543 {strides = array<i32>} : memref<1x128x2x1400xf32, #tpu.memory_space<vmem>>, vector<1x128x1x700xf32>,
    %get3A_2544 = arith.constant 0 : index
    %get3A_2545 = arith.constant 0 : index
    %get3A_2546 = arith.constant 2 : index
    %get3A_2547 = arith.constant 0 : index
    %get3A_2548 = vector.load %arg1[%get3A_2544, %get3A_2545, %get3A_2546, %get3A_2547] : memref<1x64x4x2800xf32, #tpu.memory_space<vmem>>, vector<1x64x1x700xf32>
    %get3A_2549 = vector.shape_cast %get3A_2548 : vector<1x64x1x700xf32> to vector<64x700xf32>
    %dot_general3A_2550 = arith.constant dense<0.000000e+00> : vector<128x700xf32>
    %dot_general3A_2551 = tpu.matmul %get3A_2408, %get3A_2549, %dot_general3A_2550 {dimension_numbers = #tpu.dot_dimension_numbers<[1], [0], [0], [1], [0, 0, 1, 1], [], []>, transpose_lhs_hint = false} : vector<128x64xf32>, vector<64x700xf32>, vector<128x700xf32> -> vector<128x700xf32>
    %add3A_2552 = arith.addf %add3A_1955, %dot_general3A_2551 : vector<128x700xf32>
    %add3A_2553 = vector.broadcast %get3A_2411 : vector<128x1xf32> to vector<128x700xf32>
    %add3A_2554 = arith.addf %add3A_2552, %add3A_2553 : vector<128x700xf32>
    %max3A_2555 = arith.constant 0.000000e+00 : f32
    %max3A_2556 = vector.broadcast %max3A_2555 : f32 to vector<128x700xf32>
    %max3A_2557 = arith.maximumf %add3A_2554, %max3A_2556 : vector<128x700xf32>
    %get3A_2558 = arith.constant 0 : index
    %get3A_2559 = arith.constant 0 : index
    %get3A_2560 = arith.constant 2 : index
    %get3A_2561 = arith.constant 700 : index
    %get3A_2562 = vector.load %arg1[%get3A_2558, %get3A_2559, %get3A_2560, %get3A_2561] : memref<1x64x4x2800xf32, #tpu.memory_space<vmem>>, vector<1x64x1x700xf32>
    %get3A_2563 = vector.shape_cast %get3A_2562 : vector<1x64x1x700xf32> to vector<64x700xf32>
    %dot_general3A_2564 = arith.constant dense<0.000000e+00> : vector<128x700xf32>
    %dot_general3A_2565 = tpu.matmul %get3A_2408, %get3A_2563, %dot_general3A_2564 {dimension_numbers = #tpu.dot_dimension_numbers<[1], [0], [0], [1], [0, 0, 1, 1], [], []>, transpose_lhs_hint = false} : vector<128x64xf32>, vector<64x700xf32>, vector<128x700xf32> -> vector<128x700xf32>
    %add3A_2566 = arith.addf %add3A_2029, %dot_general3A_2565 : vector<128x700xf32>
    %add3A_2567 = vector.broadcast %get3A_2411 : vector<128x1xf32> to vector<128x700xf32>
    %add3A_2568 = arith.addf %add3A_2566, %add3A_2567 : vector<128x700xf32>
    %max3A_2569 = arith.constant 0.000000e+00 : f32
    %max3A_2570 = vector.broadcast %max3A_2569 : f32 to vector<128x700xf32>
    %max3A_2571 = arith.maximumf %add3A_2568, %max3A_2570 : vector<128x700xf32>
    %get3A_2572 = arith.constant 0 : index
    %get3A_2573 = arith.constant 0 : index
    %get3A_2574 = arith.constant 3 : index
    %get3A_2575 = arith.constant 0 : index
    %get3A_2576 = vector.load %arg1[%get3A_2572, %get3A_2573, %get3A_2574, %get3A_2575] : memref<1x64x4x2800xf32, #tpu.memory_space<vmem>>, vector<1x64x1x700xf32>
    %get3A_2577 = vector.shape_cast %get3A_2576 : vector<1x64x1x700xf32> to vector<64x700xf32>
    %dot_general3A_2578 = arith.constant dense<0.000000e+00> : vector<128x700xf32>
    %dot_general3A_2579 = tpu.matmul %get3A_2408, %get3A_2577, %dot_general3A_2578 {dimension_numbers = #tpu.dot_dimension_numbers<[1], [0], [0], [1], [0, 0, 1, 1], [], []>, transpose_lhs_hint = false} : vector<128x64xf32>, vector<64x700xf32>, vector<128x700xf32> -> vector<128x700xf32>
    %add3A_2580 = arith.addf %add3A_2247, %dot_general3A_2579 : vector<128x700xf32>
    %add3A_2581 = vector.broadcast %get3A_2411 : vector<128x1xf32> to vector<128x700xf32>
    %add3A_2582 = arith.addf %add3A_2580, %add3A_2581 : vector<128x700xf32>
    %max3A_2583 = arith.constant 0.000000e+00 : f32
    %max3A_2584 = vector.broadcast %max3A_2583 : f32 to vector<128x700xf32>
    %max3A_2585 = arith.maximumf %add3A_2582, %max3A_2584 : vector<128x700xf32>
    %get3A_2586 = arith.constant 0 : index
    %get3A_2587 = arith.constant 0 : index
    %get3A_2588 = arith.constant 3 : index
    %get3A_2589 = arith.constant 700 : index
    %get3A_2590 = vector.load %arg1[%get3A_2586, %get3A_2587, %get3A_2588, %get3A_2589] : memref<1x64x4x2800xf32, #tpu.memory_space<vmem>>, vector<1x64x1x700xf32>
    %get3A_2591 = vector.shape_cast %get3A_2590 : vector<1x64x1x700xf32> to vector<64x700xf32>
    %dot_general3A_2592 = arith.constant dense<0.000000e+00> : vector<128x700xf32>
    %dot_general3A_2593 = tpu.matmul %get3A_2408, %get3A_2591, %dot_general3A_2592 {dimension_numbers = #tpu.dot_dimension_numbers<[1], [0], [0], [1], [0, 0, 1, 1], [], []>, transpose_lhs_hint = false} : vector<128x64xf32>, vector<64x700xf32>, vector<128x700xf32> -> vector<128x700xf32>
    %add3A_2594 = arith.addf %add3A_2297, %dot_general3A_2593 : vector<128x700xf32>
    %add3A_2595 = vector.broadcast %get3A_2411 : vector<128x1xf32> to vector<128x700xf32>
    %add3A_2596 = arith.addf %add3A_2594, %add3A_2595 : vector<128x700xf32>
    %max3A_2597 = arith.constant 0.000000e+00 : f32
    %max3A_2598 = vector.broadcast %max3A_2597 : f32 to vector<128x700xf32>
    %max3A_2599 = arith.maximumf %add3A_2596, %max3A_2598 : vector<128x700xf32>
    %max3A_2600 = arith.maximumf %max3A_2557, %max3A_2571 : vector<128x700xf32>
    %max3A_2601 = arith.maximumf %max3A_2585, %max3A_2599 : vector<128x700xf32>
    %max3A_2602 = arith.maximumf %max3A_2600, %max3A_2601 : vector<128x700xf32>
    %swap3A_2603 = arith.constant 0 : index
    %swap3A_2604 = arith.constant 0 : index
    %swap3A_2605 = arith.constant 1 : index
    %swap3A_2606 = arith.constant 0 : index
    %swap3A_2607 = vector.load %arg8[%swap3A_2603, %swap3A_2604, %swap3A_2605, %swap3A_2606] : memref<1x128x2x1400xf32, #tpu.memory_space<vmem>>, vector<1x128x1x700xf32>
    %swap3A_2608 = vector.shape_cast %swap3A_2607 : vector<1x128x1x700xf32> to vector<128x700xf32>
    %swap3A_2609 = vector.shape_cast %max3A_2602 : vector<128x700xf32> to vector<1x128x1x700xf32>
    tpu.vector_store %arg8[%swap3A_2603, %swap3A_2604, %swap3A_2605, %swap3A_2606], %swap3A_2609 {strides = array<i32>} : memref<1x128x2x1400xf32, #tpu.memory_space<vmem>>, vector<1x128x1x700xf32>,
    %get3A_2610 = arith.constant 0 : index
    %get3A_2611 = arith.constant 0 : index
    %get3A_2612 = arith.constant 2 : index
    %get3A_2613 = arith.constant 1400 : index
    %get3A_2614 = vector.load %arg1[%get3A_2610, %get3A_2611, %get3A_2612, %get3A_2613] : memref<1x64x4x2800xf32, #tpu.memory_space<vmem>>, vector<1x64x1x700xf32>
    %get3A_2615 = vector.shape_cast %get3A_2614 : vector<1x64x1x700xf32> to vector<64x700xf32>
    %dot_general3A_2616 = arith.constant dense<0.000000e+00> : vector<128x700xf32>
    %dot_general3A_2617 = tpu.matmul %get3A_2408, %get3A_2615, %dot_general3A_2616 {dimension_numbers = #tpu.dot_dimension_numbers<[1], [0], [0], [1], [0, 0, 1, 1], [], []>, transpose_lhs_hint = false} : vector<128x64xf32>, vector<64x700xf32>, vector<128x700xf32> -> vector<128x700xf32>
    %add3A_2618 = arith.addf %add3A_2103, %dot_general3A_2617 : vector<128x700xf32>
    %add3A_2619 = vector.broadcast %get3A_2411 : vector<128x1xf32> to vector<128x700xf32>
    %add3A_2620 = arith.addf %add3A_2618, %add3A_2619 : vector<128x700xf32>
    %max3A_2621 = arith.constant 0.000000e+00 : f32
    %max3A_2622 = vector.broadcast %max3A_2621 : f32 to vector<128x700xf32>
    %max3A_2623 = arith.maximumf %add3A_2620, %max3A_2622 : vector<128x700xf32>
    %get3A_2624 = arith.constant 0 : index
    %get3A_2625 = arith.constant 0 : index
    %get3A_2626 = arith.constant 2 : index
    %get3A_2627 = arith.constant 2100 : index
    %get3A_2628 = vector.load %arg1[%get3A_2624, %get3A_2625, %get3A_2626, %get3A_2627] : memref<1x64x4x2800xf32, #tpu.memory_space<vmem>>, vector<1x64x1x700xf32>
    %get3A_2629 = vector.shape_cast %get3A_2628 : vector<1x64x1x700xf32> to vector<64x700xf32>
    %dot_general3A_2630 = arith.constant dense<0.000000e+00> : vector<128x700xf32>
    %dot_general3A_2631 = tpu.matmul %get3A_2408, %get3A_2629, %dot_general3A_2630 {dimension_numbers = #tpu.dot_dimension_numbers<[1], [0], [0], [1], [0, 0, 1, 1], [], []>, transpose_lhs_hint = false} : vector<128x64xf32>, vector<64x700xf32>, vector<128x700xf32> -> vector<128x700xf32>
    %add3A_2632 = arith.addf %add3A_2189, %dot_general3A_2631 : vector<128x700xf32>
    %add3A_2633 = vector.broadcast %get3A_2411 : vector<128x1xf32> to vector<128x700xf32>
    %add3A_2634 = arith.addf %add3A_2632, %add3A_2633 : vector<128x700xf32>
    %max3A_2635 = arith.constant 0.000000e+00 : f32
    %max3A_2636 = vector.broadcast %max3A_2635 : f32 to vector<128x700xf32>
    %max3A_2637 = arith.maximumf %add3A_2634, %max3A_2636 : vector<128x700xf32>
    %get3A_2638 = arith.constant 0 : index
    %get3A_2639 = arith.constant 0 : index
    %get3A_2640 = arith.constant 3 : index
    %get3A_2641 = arith.constant 1400 : index
    %get3A_2642 = vector.load %arg1[%get3A_2638, %get3A_2639, %get3A_2640, %get3A_2641] : memref<1x64x4x2800xf32, #tpu.memory_space<vmem>>, vector<1x64x1x700xf32>
    %get3A_2643 = vector.shape_cast %get3A_2642 : vector<1x64x1x700xf32> to vector<64x700xf32>
    %dot_general3A_2644 = arith.constant dense<0.000000e+00> : vector<128x700xf32>
    %dot_general3A_2645 = tpu.matmul %get3A_2408, %get3A_2643, %dot_general3A_2644 {dimension_numbers = #tpu.dot_dimension_numbers<[1], [0], [0], [1], [0, 0, 1, 1], [], []>, transpose_lhs_hint = false} : vector<128x64xf32>, vector<64x700xf32>, vector<128x700xf32> -> vector<128x700xf32>
    %add3A_2646 = arith.addf %add3A_2347, %dot_general3A_2645 : vector<128x700xf32>
    %add3A_2647 = vector.broadcast %get3A_2411 : vector<128x1xf32> to vector<128x700xf32>
    %add3A_2648 = arith.addf %add3A_2646, %add3A_2647 : vector<128x700xf32>
    %max3A_2649 = arith.constant 0.000000e+00 : f32
    %max3A_2650 = vector.broadcast %max3A_2649 : f32 to vector<128x700xf32>
    %max3A_2651 = arith.maximumf %add3A_2648, %max3A_2650 : vector<128x700xf32>
    %get3A_2652 = arith.constant 0 : index
    %get3A_2653 = arith.constant 0 : index
    %get3A_2654 = arith.constant 3 : index
    %get3A_2655 = arith.constant 2100 : index
    %get3A_2656 = vector.load %arg1[%get3A_2652, %get3A_2653, %get3A_2654, %get3A_2655] : memref<1x64x4x2800xf32, #tpu.memory_space<vmem>>, vector<1x64x1x700xf32>
    %get3A_2657 = vector.shape_cast %get3A_2656 : vector<1x64x1x700xf32> to vector<64x700xf32>
    %dot_general3A_2658 = arith.constant dense<0.000000e+00> : vector<128x700xf32>
    %dot_general3A_2659 = tpu.matmul %get3A_2408, %get3A_2657, %dot_general3A_2658 {dimension_numbers = #tpu.dot_dimension_numbers<[1], [0], [0], [1], [0, 0, 1, 1], [], []>, transpose_lhs_hint = false} : vector<128x64xf32>, vector<64x700xf32>, vector<128x700xf32> -> vector<128x700xf32>
    %add3A_2660 = arith.addf %add3A_2405, %dot_general3A_2659 : vector<128x700xf32>
    %add3A_2661 = vector.broadcast %get3A_2411 : vector<128x1xf32> to vector<128x700xf32>
    %add3A_2662 = arith.addf %add3A_2660, %add3A_2661 : vector<128x700xf32>
    %max3A_2663 = arith.constant 0.000000e+00 : f32
    %max3A_2664 = vector.broadcast %max3A_2663 : f32 to vector<128x700xf32>
    %max3A_2665 = arith.maximumf %add3A_2662, %max3A_2664 : vector<128x700xf32>
    %max3A_2666 = arith.maximumf %max3A_2623, %max3A_2637 : vector<128x700xf32>
    %max3A_2667 = arith.maximumf %max3A_2651, %max3A_2665 : vector<128x700xf32>
    %max3A_2668 = arith.maximumf %max3A_2666, %max3A_2667 : vector<128x700xf32>
    %swap3A_2669 = arith.constant 0 : index
    %swap3A_2670 = arith.constant 0 : index
    %swap3A_2671 = arith.constant 1 : index
    %swap3A_2672 = arith.constant 700 : index
    %swap3A_2673 = vector.load %arg8[%swap3A_2669, %swap3A_2670, %swap3A_2671, %swap3A_2672] : memref<1x128x2x1400xf32, #tpu.memory_space<vmem>>, vector<1x128x1x700xf32>
    %swap3A_2674 = vector.shape_cast %swap3A_2673 : vector<1x128x1x700xf32> to vector<128x700xf32>
    %swap3A_2675 = vector.shape_cast %max3A_2668 : vector<128x700xf32> to vector<1x128x1x700xf32>
    tpu.vector_store %arg8[%swap3A_2669, %swap3A_2670, %swap3A_2671, %swap3A_2672], %swap3A_2675 {strides = array<i32>} : memref<1x128x2x1400xf32, #tpu.memory_space<vmem>>, vector<1x128x1x700xf32>,
    return
  }
  func.func @transform_0(%arg0: i32) -> (i32, i32, i32, i32) {
    %c0_i32 = arith.constant 0 : i32
    %c0_i32_0 = arith.constant 0 : i32
    %c0_i32_1 = arith.constant 0 : i32
    %c0_i32_2 = arith.constant 0 : i32
    return %arg0, %c0_i32, %c0_i32_0, %c0_i32_1 : i32, i32, i32, i32
  }
  func.func @transform_1(%arg0: i32) -> (i32, i32, i32) {
    %c0_i32 = arith.constant 0 : i32
    %c0_i32_0 = arith.constant 0 : i32
    %c0_i32_1 = arith.constant 0 : i32
    %c0_i32_2 = arith.constant 0 : i32
    return %c0_i32, %c0_i32_0, %c0_i32_1 : i32, i32, i32
  }
  func.func @transform_2(%arg0: i32) -> (i32, i32) {
    %c0_i32 = arith.constant 0 : i32
    %c0_i32_0 = arith.constant 0 : i32
    %c0_i32_1 = arith.constant 0 : i32
    return %c0_i32, %c0_i32_0 : i32, i32
  }
  func.func @transform_3(%arg0: i32) -> (i32, i32, i32) {
    %c0_i32 = arith.constant 0 : i32
    %c0_i32_0 = arith.constant 0 : i32
    %c0_i32_1 = arith.constant 0 : i32
    %c0_i32_2 = arith.constant 0 : i32
    return %c0_i32, %c0_i32_0, %c0_i32_1 : i32, i32, i32
  }
  func.func @transform_4(%arg0: i32) -> (i32, i32) {
    %c0_i32 = arith.constant 0 : i32
    %c0_i32_0 = arith.constant 0 : i32
    %c0_i32_1 = arith.constant 0 : i32
    return %c0_i32, %c0_i32_0 : i32, i32
  }
  func.func @transform_5(%arg0: i32) -> (i32, i32) {
    %c0_i32 = arith.constant 0 : i32
    %c0_i32_0 = arith.constant 0 : i32
    %c0_i32_1 = arith.constant 0 : i32
    return %c0_i32, %c0_i32_0 : i32, i32
  }
  func.func @transform_6(%arg0: i32) -> (i32, i32) {
    %c0_i32 = arith.constant 0 : i32
    %c0_i32_0 = arith.constant 0 : i32
    %c0_i32_1 = arith.constant 0 : i32
    return %c0_i32, %c0_i32_0 : i32, i32
  }
  func.func @transform_7(%arg0: i32) -> (i32, i32, i32, i32) {
    %c0_i32 = arith.constant 0 : i32
    %c0_i32_0 = arith.constant 0 : i32
    %c0_i32_1 = arith.constant 0 : i32
    %c0_i32_2 = arith.constant 0 : i32
    return %arg0, %c0_i32, %c0_i32_0, %c0_i32_1 : i32, i32, i32, i32
  }
}

module attributes {stable_mosaic.version = 14 : i64} {
  func.func @_res_pool_body(%arg0: i32, %arg1: memref<1x128x2x700xf32, #tpu.memory_space<vmem>>, %arg2: memref<1x128x2x700xf32, #tpu.memory_space<vmem>>, %arg3: memref<3x256x384xf32, #tpu.memory_space<vmem>>, %arg4: memref<256x1xf32, #tpu.memory_space<vmem>>, %arg5: memref<3x256x768xf32, #tpu.memory_space<vmem>>, %arg6: memref<256x1xf32, #tpu.memory_space<vmem>>, %arg7: memref<256x128xf32, #tpu.memory_space<vmem>>, %arg8: memref<256x1xf32, #tpu.memory_space<vmem>>, %arg9: memref<1x256x1x700xf32, #tpu.memory_space<vmem>>, %arg10: memref<256x2x700xf32, #tpu.memory_space<vmem>>, %arg11: memref<256x2x700xf32, #tpu.memory_space<vmem>>) attributes {dimension_semantics = [#tpu.dimension_semantics<arbitrary>], iteration_bounds = array<i64: 2>, scalar_prefetch = 0 : i64, scratch_operands = 2 : i64, tpu.core_type = #tpu.core_type<tc>, window_params = [{transform_indices = @transform_0, window_bounds = array<i64: 1, 128, 2, 700>}, {transform_indices = @transform_1, window_bounds = array<i64: 1, 128, 2, 700>}, {pipeline_mode = #tpu.pipeline_mode<synchronous>, transform_indices = @transform_2, window_bounds = array<i64: 3, 256, 384>}, {pipeline_mode = #tpu.pipeline_mode<synchronous>, transform_indices = @transform_3, window_bounds = array<i64: 256, 1>}, {pipeline_mode = #tpu.pipeline_mode<synchronous>, transform_indices = @transform_4, window_bounds = array<i64: 3, 256, 768>}, {pipeline_mode = #tpu.pipeline_mode<synchronous>, transform_indices = @transform_5, window_bounds = array<i64: 256, 1>}, {pipeline_mode = #tpu.pipeline_mode<synchronous>, transform_indices = @transform_6, window_bounds = array<i64: 256, 128>}, {pipeline_mode = #tpu.pipeline_mode<synchronous>, transform_indices = @transform_7, window_bounds = array<i64: 256, 1>}, {transform_indices = @transform_8, window_bounds = array<i64: 1, 256, 1, 700>}]} {
    %get3A = arith.constant 0 : index
    %get3A_0 = arith.constant 0 : index
    %get3A_1 = vector.load %arg4[%get3A, %get3A_0] : memref<256x1xf32, #tpu.memory_space<vmem>>, vector<256x1xf32>
    %broadcast_in_dim3A = vector.shape_cast %get3A_1 : vector<256x1xf32> to vector<256x1xf32>
    %broadcast_in_dim3A_2 = vector.broadcast %broadcast_in_dim3A : vector<256x1xf32> to vector<256x700xf32>
    %get3A_3 = arith.constant 0 : index
    %get3A_4 = arith.constant 0 : index
    %get3A_5 = arith.constant 0 : index
    %get3A_6 = arith.constant 0 : index
    %get3A_7 = vector.load %arg1[%get3A_3, %get3A_4, %get3A_5, %get3A_6] : memref<1x128x2x700xf32, #tpu.memory_space<vmem>>, vector<1x128x1x700xf32>
    %get3A_8 = vector.shape_cast %get3A_7 : vector<1x128x1x700xf32> to vector<128x700xf32>
    %get3A_9 = arith.constant 0 : index
    %get3A_10 = arith.constant 0 : index
    %get3A_11 = arith.constant 0 : index
    %get3A_12 = arith.constant 0 : index
    %get3A_13 = vector.load %arg2[%get3A_9, %get3A_10, %get3A_11, %get3A_12] : memref<1x128x2x700xf32, #tpu.memory_space<vmem>>, vector<1x128x1x700xf32>
    %get3A_14 = vector.shape_cast %get3A_13 : vector<1x128x1x700xf32> to vector<128x700xf32>
    %broadcast_in_dim3A_15 = arith.constant 0.000000e+00 : f32
    %broadcast_in_dim3A_16 = vector.broadcast %broadcast_in_dim3A_15 : f32 to vector<128x1xf32>
    %slice3A = vector.extract_strided_slice %get3A_14 {offsets = [0, 0], sizes = [128, 699], strides = [1, 1]} : vector<128x700xf32> to vector<128x699xf32>
    %concatenate3A = tpu.concatenate %broadcast_in_dim3A_16, %slice3A in 1 : vector<128x1xf32>, vector<128x699xf32> -> vector<128x700xf32>
    %concatenate3A_17 = tpu.concatenate %concatenate3A, %get3A_8, %get3A_14 in 0 : vector<128x700xf32>, vector<128x700xf32>, vector<128x700xf32> -> vector<384x700xf32>
    %slice3A_18 = vector.extract_strided_slice %get3A_8 {offsets = [0, 1], sizes = [128, 699], strides = [1, 1]} : vector<128x700xf32> to vector<128x699xf32>
    %broadcast_in_dim3A_19 = arith.constant 0.000000e+00 : f32
    %broadcast_in_dim3A_20 = vector.broadcast %broadcast_in_dim3A_19 : f32 to vector<128x1xf32>
    %concatenate3A_21 = tpu.concatenate %slice3A_18, %broadcast_in_dim3A_20 in 1 : vector<128x699xf32>, vector<128x1xf32> -> vector<128x700xf32>
    %concatenate3A_22 = tpu.concatenate %get3A_8, %get3A_14, %concatenate3A_21 in 0 : vector<128x700xf32>, vector<128x700xf32>, vector<128x700xf32> -> vector<384x700xf32>
    %get3A_23 = arith.constant 1 : index
    %get3A_24 = arith.constant 0 : index
    %get3A_25 = arith.constant 0 : index
    %get3A_26 = vector.load %arg3[%get3A_23, %get3A_24, %get3A_25] : memref<3x256x384xf32, #tpu.memory_space<vmem>>, vector<1x256x384xf32>
    %get3A_27 = vector.shape_cast %get3A_26 : vector<1x256x384xf32> to vector<256x384xf32>
    %dot_general3A = arith.constant dense<0.000000e+00> : vector<256x700xf32>
    %dot_general3A_28 = tpu.matmul %get3A_27, %concatenate3A_17, %dot_general3A {dimension_numbers = #tpu.dot_dimension_numbers<[1], [0], [0], [1], [0, 0, 1, 1], [], []>, transpose_lhs_hint = false} : vector<256x384xf32>, vector<384x700xf32>, vector<256x700xf32> -> vector<256x700xf32>
    %add3A = arith.addf %broadcast_in_dim3A_2, %dot_general3A_28 : vector<256x700xf32>
    %dot_general3A_29 = arith.constant dense<0.000000e+00> : vector<256x700xf32>
    %dot_general3A_30 = tpu.matmul %get3A_27, %concatenate3A_22, %dot_general3A_29 {dimension_numbers = #tpu.dot_dimension_numbers<[1], [0], [0], [1], [0, 0, 1, 1], [], []>, transpose_lhs_hint = false} : vector<256x384xf32>, vector<384x700xf32>, vector<256x700xf32> -> vector<256x700xf32>
    %add3A_31 = arith.addf %broadcast_in_dim3A_2, %dot_general3A_30 : vector<256x700xf32>
    %get3A_32 = arith.constant 0 : index
    %get3A_33 = arith.constant 0 : index
    %get3A_34 = arith.constant 1 : index
    %get3A_35 = arith.constant 0 : index
    %get3A_36 = vector.load %arg1[%get3A_32, %get3A_33, %get3A_34, %get3A_35] : memref<1x128x2x700xf32, #tpu.memory_space<vmem>>, vector<1x128x1x700xf32>
    %get3A_37 = vector.shape_cast %get3A_36 : vector<1x128x1x700xf32> to vector<128x700xf32>
    %get3A_38 = arith.constant 0 : index
    %get3A_39 = arith.constant 0 : index
    %get3A_40 = arith.constant 1 : index
    %get3A_41 = arith.constant 0 : index
    %get3A_42 = vector.load %arg2[%get3A_38, %get3A_39, %get3A_40, %get3A_41] : memref<1x128x2x700xf32, #tpu.memory_space<vmem>>, vector<1x128x1x700xf32>
    %get3A_43 = vector.shape_cast %get3A_42 : vector<1x128x1x700xf32> to vector<128x700xf32>
    %broadcast_in_dim3A_44 = arith.constant 0.000000e+00 : f32
    %broadcast_in_dim3A_45 = vector.broadcast %broadcast_in_dim3A_44 : f32 to vector<128x1xf32>
    %slice3A_46 = vector.extract_strided_slice %get3A_43 {offsets = [0, 0], sizes = [128, 699], strides = [1, 1]} : vector<128x700xf32> to vector<128x699xf32>
    %concatenate3A_47 = tpu.concatenate %broadcast_in_dim3A_45, %slice3A_46 in 1 : vector<128x1xf32>, vector<128x699xf32> -> vector<128x700xf32>
    %concatenate3A_48 = tpu.concatenate %concatenate3A_47, %get3A_37, %get3A_43 in 0 : vector<128x700xf32>, vector<128x700xf32>, vector<128x700xf32> -> vector<384x700xf32>
    %slice3A_49 = vector.extract_strided_slice %get3A_37 {offsets = [0, 1], sizes = [128, 699], strides = [1, 1]} : vector<128x700xf32> to vector<128x699xf32>
    %broadcast_in_dim3A_50 = arith.constant 0.000000e+00 : f32
    %broadcast_in_dim3A_51 = vector.broadcast %broadcast_in_dim3A_50 : f32 to vector<128x1xf32>
    %concatenate3A_52 = tpu.concatenate %slice3A_49, %broadcast_in_dim3A_51 in 1 : vector<128x699xf32>, vector<128x1xf32> -> vector<128x700xf32>
    %concatenate3A_53 = tpu.concatenate %get3A_37, %get3A_43, %concatenate3A_52 in 0 : vector<128x700xf32>, vector<128x700xf32>, vector<128x700xf32> -> vector<384x700xf32>
    %get3A_54 = arith.constant 2 : index
    %get3A_55 = arith.constant 0 : index
    %get3A_56 = arith.constant 0 : index
    %get3A_57 = vector.load %arg3[%get3A_54, %get3A_55, %get3A_56] : memref<3x256x384xf32, #tpu.memory_space<vmem>>, vector<1x256x384xf32>
    %get3A_58 = vector.shape_cast %get3A_57 : vector<1x256x384xf32> to vector<256x384xf32>
    %dot_general3A_59 = arith.constant dense<0.000000e+00> : vector<256x700xf32>
    %dot_general3A_60 = tpu.matmul %get3A_58, %concatenate3A_48, %dot_general3A_59 {dimension_numbers = #tpu.dot_dimension_numbers<[1], [0], [0], [1], [0, 0, 1, 1], [], []>, transpose_lhs_hint = false} : vector<256x384xf32>, vector<384x700xf32>, vector<256x700xf32> -> vector<256x700xf32>
    %add3A_61 = arith.addf %add3A, %dot_general3A_60 : vector<256x700xf32>
    %dot_general3A_62 = arith.constant dense<0.000000e+00> : vector<256x700xf32>
    %dot_general3A_63 = tpu.matmul %get3A_58, %concatenate3A_53, %dot_general3A_62 {dimension_numbers = #tpu.dot_dimension_numbers<[1], [0], [0], [1], [0, 0, 1, 1], [], []>, transpose_lhs_hint = false} : vector<256x384xf32>, vector<384x700xf32>, vector<256x700xf32> -> vector<256x700xf32>
    %add3A_64 = arith.addf %add3A_31, %dot_general3A_63 : vector<256x700xf32>
    %broadcast_in_dim3A_65 = vector.shape_cast %get3A_1 : vector<256x1xf32> to vector<256x1xf32>
    %broadcast_in_dim3A_66 = vector.broadcast %broadcast_in_dim3A_65 : vector<256x1xf32> to vector<256x700xf32>
    %get3A_67 = arith.constant 0 : index
    %get3A_68 = arith.constant 0 : index
    %get3A_69 = arith.constant 0 : index
    %get3A_70 = arith.constant 0 : index
    %get3A_71 = vector.load %arg1[%get3A_67, %get3A_68, %get3A_69, %get3A_70] : memref<1x128x2x700xf32, #tpu.memory_space<vmem>>, vector<1x128x1x700xf32>
    %get3A_72 = vector.shape_cast %get3A_71 : vector<1x128x1x700xf32> to vector<128x700xf32>
    %get3A_73 = arith.constant 0 : index
    %get3A_74 = arith.constant 0 : index
    %get3A_75 = arith.constant 0 : index
    %get3A_76 = arith.constant 0 : index
    %get3A_77 = vector.load %arg2[%get3A_73, %get3A_74, %get3A_75, %get3A_76] : memref<1x128x2x700xf32, #tpu.memory_space<vmem>>, vector<1x128x1x700xf32>
    %get3A_78 = vector.shape_cast %get3A_77 : vector<1x128x1x700xf32> to vector<128x700xf32>
    %broadcast_in_dim3A_79 = arith.constant 0.000000e+00 : f32
    %broadcast_in_dim3A_80 = vector.broadcast %broadcast_in_dim3A_79 : f32 to vector<128x1xf32>
    %slice3A_81 = vector.extract_strided_slice %get3A_78 {offsets = [0, 0], sizes = [128, 699], strides = [1, 1]} : vector<128x700xf32> to vector<128x699xf32>
    %concatenate3A_82 = tpu.concatenate %broadcast_in_dim3A_80, %slice3A_81 in 1 : vector<128x1xf32>, vector<128x699xf32> -> vector<128x700xf32>
    %concatenate3A_83 = tpu.concatenate %concatenate3A_82, %get3A_72, %get3A_78 in 0 : vector<128x700xf32>, vector<128x700xf32>, vector<128x700xf32> -> vector<384x700xf32>
    %slice3A_84 = vector.extract_strided_slice %get3A_72 {offsets = [0, 1], sizes = [128, 699], strides = [1, 1]} : vector<128x700xf32> to vector<128x699xf32>
    %broadcast_in_dim3A_85 = arith.constant 0.000000e+00 : f32
    %broadcast_in_dim3A_86 = vector.broadcast %broadcast_in_dim3A_85 : f32 to vector<128x1xf32>
    %concatenate3A_87 = tpu.concatenate %slice3A_84, %broadcast_in_dim3A_86 in 1 : vector<128x699xf32>, vector<128x1xf32> -> vector<128x700xf32>
    %concatenate3A_88 = tpu.concatenate %get3A_72, %get3A_78, %concatenate3A_87 in 0 : vector<128x700xf32>, vector<128x700xf32>, vector<128x700xf32> -> vector<384x700xf32>
    %get3A_89 = arith.constant 0 : index
    %get3A_90 = arith.constant 0 : index
    %get3A_91 = arith.constant 0 : index
    %get3A_92 = vector.load %arg3[%get3A_89, %get3A_90, %get3A_91] : memref<3x256x384xf32, #tpu.memory_space<vmem>>, vector<1x256x384xf32>
    %get3A_93 = vector.shape_cast %get3A_92 : vector<1x256x384xf32> to vector<256x384xf32>
    %dot_general3A_94 = arith.constant dense<0.000000e+00> : vector<256x700xf32>
    %dot_general3A_95 = tpu.matmul %get3A_93, %concatenate3A_83, %dot_general3A_94 {dimension_numbers = #tpu.dot_dimension_numbers<[1], [0], [0], [1], [0, 0, 1, 1], [], []>, transpose_lhs_hint = false} : vector<256x384xf32>, vector<384x700xf32>, vector<256x700xf32> -> vector<256x700xf32>
    %add3A_96 = arith.addf %broadcast_in_dim3A_66, %dot_general3A_95 : vector<256x700xf32>
    %dot_general3A_97 = arith.constant dense<0.000000e+00> : vector<256x700xf32>
    %dot_general3A_98 = tpu.matmul %get3A_93, %concatenate3A_88, %dot_general3A_97 {dimension_numbers = #tpu.dot_dimension_numbers<[1], [0], [0], [1], [0, 0, 1, 1], [], []>, transpose_lhs_hint = false} : vector<256x384xf32>, vector<384x700xf32>, vector<256x700xf32> -> vector<256x700xf32>
    %add3A_99 = arith.addf %broadcast_in_dim3A_66, %dot_general3A_98 : vector<256x700xf32>
    %get3A_100 = arith.constant 0 : index
    %get3A_101 = arith.constant 0 : index
    %get3A_102 = arith.constant 1 : index
    %get3A_103 = arith.constant 0 : index
    %get3A_104 = vector.load %arg1[%get3A_100, %get3A_101, %get3A_102, %get3A_103] : memref<1x128x2x700xf32, #tpu.memory_space<vmem>>, vector<1x128x1x700xf32>
    %get3A_105 = vector.shape_cast %get3A_104 : vector<1x128x1x700xf32> to vector<128x700xf32>
    %get3A_106 = arith.constant 0 : index
    %get3A_107 = arith.constant 0 : index
    %get3A_108 = arith.constant 1 : index
    %get3A_109 = arith.constant 0 : index
    %get3A_110 = vector.load %arg2[%get3A_106, %get3A_107, %get3A_108, %get3A_109] : memref<1x128x2x700xf32, #tpu.memory_space<vmem>>, vector<1x128x1x700xf32>
    %get3A_111 = vector.shape_cast %get3A_110 : vector<1x128x1x700xf32> to vector<128x700xf32>
    %broadcast_in_dim3A_112 = arith.constant 0.000000e+00 : f32
    %broadcast_in_dim3A_113 = vector.broadcast %broadcast_in_dim3A_112 : f32 to vector<128x1xf32>
    %slice3A_114 = vector.extract_strided_slice %get3A_111 {offsets = [0, 0], sizes = [128, 699], strides = [1, 1]} : vector<128x700xf32> to vector<128x699xf32>
    %concatenate3A_115 = tpu.concatenate %broadcast_in_dim3A_113, %slice3A_114 in 1 : vector<128x1xf32>, vector<128x699xf32> -> vector<128x700xf32>
    %concatenate3A_116 = tpu.concatenate %concatenate3A_115, %get3A_105, %get3A_111 in 0 : vector<128x700xf32>, vector<128x700xf32>, vector<128x700xf32> -> vector<384x700xf32>
    %slice3A_117 = vector.extract_strided_slice %get3A_105 {offsets = [0, 1], sizes = [128, 699], strides = [1, 1]} : vector<128x700xf32> to vector<128x699xf32>
    %broadcast_in_dim3A_118 = arith.constant 0.000000e+00 : f32
    %broadcast_in_dim3A_119 = vector.broadcast %broadcast_in_dim3A_118 : f32 to vector<128x1xf32>
    %concatenate3A_120 = tpu.concatenate %slice3A_117, %broadcast_in_dim3A_119 in 1 : vector<128x699xf32>, vector<128x1xf32> -> vector<128x700xf32>
    %concatenate3A_121 = tpu.concatenate %get3A_105, %get3A_111, %concatenate3A_120 in 0 : vector<128x700xf32>, vector<128x700xf32>, vector<128x700xf32> -> vector<384x700xf32>
    %get3A_122 = arith.constant 1 : index
    %get3A_123 = arith.constant 0 : index
    %get3A_124 = arith.constant 0 : index
    %get3A_125 = vector.load %arg3[%get3A_122, %get3A_123, %get3A_124] : memref<3x256x384xf32, #tpu.memory_space<vmem>>, vector<1x256x384xf32>
    %get3A_126 = vector.shape_cast %get3A_125 : vector<1x256x384xf32> to vector<256x384xf32>
    %dot_general3A_127 = arith.constant dense<0.000000e+00> : vector<256x700xf32>
    %dot_general3A_128 = tpu.matmul %get3A_126, %concatenate3A_116, %dot_general3A_127 {dimension_numbers = #tpu.dot_dimension_numbers<[1], [0], [0], [1], [0, 0, 1, 1], [], []>, transpose_lhs_hint = false} : vector<256x384xf32>, vector<384x700xf32>, vector<256x700xf32> -> vector<256x700xf32>
    %add3A_129 = arith.addf %add3A_96, %dot_general3A_128 : vector<256x700xf32>
    %dot_general3A_130 = arith.constant dense<0.000000e+00> : vector<256x700xf32>
    %dot_general3A_131 = tpu.matmul %get3A_126, %concatenate3A_121, %dot_general3A_130 {dimension_numbers = #tpu.dot_dimension_numbers<[1], [0], [0], [1], [0, 0, 1, 1], [], []>, transpose_lhs_hint = false} : vector<256x384xf32>, vector<384x700xf32>, vector<256x700xf32> -> vector<256x700xf32>
    %add3A_132 = arith.addf %add3A_99, %dot_general3A_131 : vector<256x700xf32>
    %max3A = arith.constant 0.000000e+00 : f32
    %max3A_133 = vector.broadcast %max3A : f32 to vector<256x700xf32>
    %max3A_134 = arith.maximumf %add3A_61, %max3A_133 : vector<256x700xf32>
    %swap3A = arith.constant 0 : index
    %swap3A_135 = arith.constant 0 : index
    %swap3A_136 = arith.constant 0 : index
    %swap3A_137 = vector.load %arg10[%swap3A, %swap3A_135, %swap3A_136] : memref<256x2x700xf32, #tpu.memory_space<vmem>>, vector<256x1x700xf32>
    %swap3A_138 = vector.shape_cast %swap3A_137 : vector<256x1x700xf32> to vector<256x700xf32>
    %swap3A_139 = vector.shape_cast %max3A_134 : vector<256x700xf32> to vector<256x1x700xf32>
    tpu.vector_store %arg10[%swap3A, %swap3A_135, %swap3A_136], %swap3A_139 {strides = array<i32>} : memref<256x2x700xf32, #tpu.memory_space<vmem>>, vector<256x1x700xf32>,
    %max3A_140 = arith.constant 0.000000e+00 : f32
    %max3A_141 = vector.broadcast %max3A_140 : f32 to vector<256x700xf32>
    %max3A_142 = arith.maximumf %add3A_64, %max3A_141 : vector<256x700xf32>
    %swap3A_143 = arith.constant 0 : index
    %swap3A_144 = arith.constant 0 : index
    %swap3A_145 = arith.constant 0 : index
    %swap3A_146 = vector.load %arg11[%swap3A_143, %swap3A_144, %swap3A_145] : memref<256x2x700xf32, #tpu.memory_space<vmem>>, vector<256x1x700xf32>
    %swap3A_147 = vector.shape_cast %swap3A_146 : vector<256x1x700xf32> to vector<256x700xf32>
    %swap3A_148 = vector.shape_cast %max3A_142 : vector<256x700xf32> to vector<256x1x700xf32>
    tpu.vector_store %arg11[%swap3A_143, %swap3A_144, %swap3A_145], %swap3A_148 {strides = array<i32>} : memref<256x2x700xf32, #tpu.memory_space<vmem>>, vector<256x1x700xf32>,
    %max3A_149 = arith.constant 0.000000e+00 : f32
    %max3A_150 = vector.broadcast %max3A_149 : f32 to vector<256x700xf32>
    %max3A_151 = arith.maximumf %add3A_129, %max3A_150 : vector<256x700xf32>
    %swap3A_152 = arith.constant 0 : index
    %swap3A_153 = arith.constant 1 : index
    %swap3A_154 = arith.constant 0 : index
    %swap3A_155 = vector.load %arg10[%swap3A_152, %swap3A_153, %swap3A_154] : memref<256x2x700xf32, #tpu.memory_space<vmem>>, vector<256x1x700xf32>
    %swap3A_156 = vector.shape_cast %swap3A_155 : vector<256x1x700xf32> to vector<256x700xf32>
    %swap3A_157 = vector.shape_cast %max3A_151 : vector<256x700xf32> to vector<256x1x700xf32>
    tpu.vector_store %arg10[%swap3A_152, %swap3A_153, %swap3A_154], %swap3A_157 {strides = array<i32>} : memref<256x2x700xf32, #tpu.memory_space<vmem>>, vector<256x1x700xf32>,
    %max3A_158 = arith.constant 0.000000e+00 : f32
    %max3A_159 = vector.broadcast %max3A_158 : f32 to vector<256x700xf32>
    %max3A_160 = arith.maximumf %add3A_132, %max3A_159 : vector<256x700xf32>
    %swap3A_161 = arith.constant 0 : index
    %swap3A_162 = arith.constant 1 : index
    %swap3A_163 = arith.constant 0 : index
    %swap3A_164 = vector.load %arg11[%swap3A_161, %swap3A_162, %swap3A_163] : memref<256x2x700xf32, #tpu.memory_space<vmem>>, vector<256x1x700xf32>
    %swap3A_165 = vector.shape_cast %swap3A_164 : vector<256x1x700xf32> to vector<256x700xf32>
    %swap3A_166 = vector.shape_cast %max3A_160 : vector<256x700xf32> to vector<256x1x700xf32>
    tpu.vector_store %arg11[%swap3A_161, %swap3A_162, %swap3A_163], %swap3A_166 {strides = array<i32>} : memref<256x2x700xf32, #tpu.memory_space<vmem>>, vector<256x1x700xf32>,
    %get3A_167 = arith.constant 0 : index
    %get3A_168 = arith.constant 0 : index
    %get3A_169 = vector.load %arg6[%get3A_167, %get3A_168] : memref<256x1xf32, #tpu.memory_space<vmem>>, vector<256x1xf32>
    %broadcast_in_dim3A_170 = vector.shape_cast %get3A_169 : vector<256x1xf32> to vector<256x1xf32>
    %broadcast_in_dim3A_171 = vector.broadcast %broadcast_in_dim3A_170 : vector<256x1xf32> to vector<256x700xf32>
    %get3A_172 = arith.constant 0 : index
    %get3A_173 = arith.constant 0 : index
    %get3A_174 = arith.constant 0 : index
    %get3A_175 = vector.load %arg10[%get3A_172, %get3A_173, %get3A_174] : memref<256x2x700xf32, #tpu.memory_space<vmem>>, vector<256x1x700xf32>
    %get3A_176 = vector.shape_cast %get3A_175 : vector<256x1x700xf32> to vector<256x700xf32>
    %get3A_177 = arith.constant 0 : index
    %get3A_178 = arith.constant 0 : index
    %get3A_179 = arith.constant 0 : index
    %get3A_180 = vector.load %arg11[%get3A_177, %get3A_178, %get3A_179] : memref<256x2x700xf32, #tpu.memory_space<vmem>>, vector<256x1x700xf32>
    %get3A_181 = vector.shape_cast %get3A_180 : vector<256x1x700xf32> to vector<256x700xf32>
    %broadcast_in_dim3A_182 = arith.constant 0.000000e+00 : f32
    %broadcast_in_dim3A_183 = vector.broadcast %broadcast_in_dim3A_182 : f32 to vector<256x1xf32>
    %slice3A_184 = vector.extract_strided_slice %get3A_181 {offsets = [0, 0], sizes = [256, 699], strides = [1, 1]} : vector<256x700xf32> to vector<256x699xf32>
    %concatenate3A_185 = tpu.concatenate %broadcast_in_dim3A_183, %slice3A_184 in 1 : vector<256x1xf32>, vector<256x699xf32> -> vector<256x700xf32>
    %concatenate3A_186 = tpu.concatenate %concatenate3A_185, %get3A_176, %get3A_181 in 0 : vector<256x700xf32>, vector<256x700xf32>, vector<256x700xf32> -> vector<768x700xf32>
    %slice3A_187 = vector.extract_strided_slice %get3A_176 {offsets = [0, 1], sizes = [256, 699], strides = [1, 1]} : vector<256x700xf32> to vector<256x699xf32>
    %broadcast_in_dim3A_188 = arith.constant 0.000000e+00 : f32
    %broadcast_in_dim3A_189 = vector.broadcast %broadcast_in_dim3A_188 : f32 to vector<256x1xf32>
    %concatenate3A_190 = tpu.concatenate %slice3A_187, %broadcast_in_dim3A_189 in 1 : vector<256x699xf32>, vector<256x1xf32> -> vector<256x700xf32>
    %concatenate3A_191 = tpu.concatenate %get3A_176, %get3A_181, %concatenate3A_190 in 0 : vector<256x700xf32>, vector<256x700xf32>, vector<256x700xf32> -> vector<768x700xf32>
    %get3A_192 = arith.constant 1 : index
    %get3A_193 = arith.constant 0 : index
    %get3A_194 = arith.constant 0 : index
    %get3A_195 = vector.load %arg5[%get3A_192, %get3A_193, %get3A_194] : memref<3x256x768xf32, #tpu.memory_space<vmem>>, vector<1x256x768xf32>
    %get3A_196 = vector.shape_cast %get3A_195 : vector<1x256x768xf32> to vector<256x768xf32>
    %dot_general3A_197 = arith.constant dense<0.000000e+00> : vector<256x700xf32>
    %dot_general3A_198 = tpu.matmul %get3A_196, %concatenate3A_186, %dot_general3A_197 {dimension_numbers = #tpu.dot_dimension_numbers<[1], [0], [0], [1], [0, 0, 1, 1], [], []>, transpose_lhs_hint = false} : vector<256x768xf32>, vector<768x700xf32>, vector<256x700xf32> -> vector<256x700xf32>
    %add3A_199 = arith.addf %broadcast_in_dim3A_171, %dot_general3A_198 : vector<256x700xf32>
    %dot_general3A_200 = arith.constant dense<0.000000e+00> : vector<256x700xf32>
    %dot_general3A_201 = tpu.matmul %get3A_196, %concatenate3A_191, %dot_general3A_200 {dimension_numbers = #tpu.dot_dimension_numbers<[1], [0], [0], [1], [0, 0, 1, 1], [], []>, transpose_lhs_hint = false} : vector<256x768xf32>, vector<768x700xf32>, vector<256x700xf32> -> vector<256x700xf32>
    %add3A_202 = arith.addf %broadcast_in_dim3A_171, %dot_general3A_201 : vector<256x700xf32>
    %get3A_203 = arith.constant 0 : index
    %get3A_204 = arith.constant 1 : index
    %get3A_205 = arith.constant 0 : index
    %get3A_206 = vector.load %arg10[%get3A_203, %get3A_204, %get3A_205] : memref<256x2x700xf32, #tpu.memory_space<vmem>>, vector<256x1x700xf32>
    %get3A_207 = vector.shape_cast %get3A_206 : vector<256x1x700xf32> to vector<256x700xf32>
    %get3A_208 = arith.constant 0 : index
    %get3A_209 = arith.constant 1 : index
    %get3A_210 = arith.constant 0 : index
    %get3A_211 = vector.load %arg11[%get3A_208, %get3A_209, %get3A_210] : memref<256x2x700xf32, #tpu.memory_space<vmem>>, vector<256x1x700xf32>
    %get3A_212 = vector.shape_cast %get3A_211 : vector<256x1x700xf32> to vector<256x700xf32>
    %broadcast_in_dim3A_213 = arith.constant 0.000000e+00 : f32
    %broadcast_in_dim3A_214 = vector.broadcast %broadcast_in_dim3A_213 : f32 to vector<256x1xf32>
    %slice3A_215 = vector.extract_strided_slice %get3A_212 {offsets = [0, 0], sizes = [256, 699], strides = [1, 1]} : vector<256x700xf32> to vector<256x699xf32>
    %concatenate3A_216 = tpu.concatenate %broadcast_in_dim3A_214, %slice3A_215 in 1 : vector<256x1xf32>, vector<256x699xf32> -> vector<256x700xf32>
    %concatenate3A_217 = tpu.concatenate %concatenate3A_216, %get3A_207, %get3A_212 in 0 : vector<256x700xf32>, vector<256x700xf32>, vector<256x700xf32> -> vector<768x700xf32>
    %slice3A_218 = vector.extract_strided_slice %get3A_207 {offsets = [0, 1], sizes = [256, 699], strides = [1, 1]} : vector<256x700xf32> to vector<256x699xf32>
    %broadcast_in_dim3A_219 = arith.constant 0.000000e+00 : f32
    %broadcast_in_dim3A_220 = vector.broadcast %broadcast_in_dim3A_219 : f32 to vector<256x1xf32>
    %concatenate3A_221 = tpu.concatenate %slice3A_218, %broadcast_in_dim3A_220 in 1 : vector<256x699xf32>, vector<256x1xf32> -> vector<256x700xf32>
    %concatenate3A_222 = tpu.concatenate %get3A_207, %get3A_212, %concatenate3A_221 in 0 : vector<256x700xf32>, vector<256x700xf32>, vector<256x700xf32> -> vector<768x700xf32>
    %get3A_223 = arith.constant 2 : index
    %get3A_224 = arith.constant 0 : index
    %get3A_225 = arith.constant 0 : index
    %get3A_226 = vector.load %arg5[%get3A_223, %get3A_224, %get3A_225] : memref<3x256x768xf32, #tpu.memory_space<vmem>>, vector<1x256x768xf32>
    %get3A_227 = vector.shape_cast %get3A_226 : vector<1x256x768xf32> to vector<256x768xf32>
    %dot_general3A_228 = arith.constant dense<0.000000e+00> : vector<256x700xf32>
    %dot_general3A_229 = tpu.matmul %get3A_227, %concatenate3A_217, %dot_general3A_228 {dimension_numbers = #tpu.dot_dimension_numbers<[1], [0], [0], [1], [0, 0, 1, 1], [], []>, transpose_lhs_hint = false} : vector<256x768xf32>, vector<768x700xf32>, vector<256x700xf32> -> vector<256x700xf32>
    %add3A_230 = arith.addf %add3A_199, %dot_general3A_229 : vector<256x700xf32>
    %dot_general3A_231 = arith.constant dense<0.000000e+00> : vector<256x700xf32>
    %dot_general3A_232 = tpu.matmul %get3A_227, %concatenate3A_222, %dot_general3A_231 {dimension_numbers = #tpu.dot_dimension_numbers<[1], [0], [0], [1], [0, 0, 1, 1], [], []>, transpose_lhs_hint = false} : vector<256x768xf32>, vector<768x700xf32>, vector<256x700xf32> -> vector<256x700xf32>
    %add3A_233 = arith.addf %add3A_202, %dot_general3A_232 : vector<256x700xf32>
    %broadcast_in_dim3A_234 = vector.shape_cast %get3A_169 : vector<256x1xf32> to vector<256x1xf32>
    %broadcast_in_dim3A_235 = vector.broadcast %broadcast_in_dim3A_234 : vector<256x1xf32> to vector<256x700xf32>
    %get3A_236 = arith.constant 0 : index
    %get3A_237 = arith.constant 0 : index
    %get3A_238 = arith.constant 0 : index
    %get3A_239 = vector.load %arg10[%get3A_236, %get3A_237, %get3A_238] : memref<256x2x700xf32, #tpu.memory_space<vmem>>, vector<256x1x700xf32>
    %get3A_240 = vector.shape_cast %get3A_239 : vector<256x1x700xf32> to vector<256x700xf32>
    %get3A_241 = arith.constant 0 : index
    %get3A_242 = arith.constant 0 : index
    %get3A_243 = arith.constant 0 : index
    %get3A_244 = vector.load %arg11[%get3A_241, %get3A_242, %get3A_243] : memref<256x2x700xf32, #tpu.memory_space<vmem>>, vector<256x1x700xf32>
    %get3A_245 = vector.shape_cast %get3A_244 : vector<256x1x700xf32> to vector<256x700xf32>
    %broadcast_in_dim3A_246 = arith.constant 0.000000e+00 : f32
    %broadcast_in_dim3A_247 = vector.broadcast %broadcast_in_dim3A_246 : f32 to vector<256x1xf32>
    %slice3A_248 = vector.extract_strided_slice %get3A_245 {offsets = [0, 0], sizes = [256, 699], strides = [1, 1]} : vector<256x700xf32> to vector<256x699xf32>
    %concatenate3A_249 = tpu.concatenate %broadcast_in_dim3A_247, %slice3A_248 in 1 : vector<256x1xf32>, vector<256x699xf32> -> vector<256x700xf32>
    %concatenate3A_250 = tpu.concatenate %concatenate3A_249, %get3A_240, %get3A_245 in 0 : vector<256x700xf32>, vector<256x700xf32>, vector<256x700xf32> -> vector<768x700xf32>
    %slice3A_251 = vector.extract_strided_slice %get3A_240 {offsets = [0, 1], sizes = [256, 699], strides = [1, 1]} : vector<256x700xf32> to vector<256x699xf32>
    %broadcast_in_dim3A_252 = arith.constant 0.000000e+00 : f32
    %broadcast_in_dim3A_253 = vector.broadcast %broadcast_in_dim3A_252 : f32 to vector<256x1xf32>
    %concatenate3A_254 = tpu.concatenate %slice3A_251, %broadcast_in_dim3A_253 in 1 : vector<256x699xf32>, vector<256x1xf32> -> vector<256x700xf32>
    %concatenate3A_255 = tpu.concatenate %get3A_240, %get3A_245, %concatenate3A_254 in 0 : vector<256x700xf32>, vector<256x700xf32>, vector<256x700xf32> -> vector<768x700xf32>
    %get3A_256 = arith.constant 0 : index
    %get3A_257 = arith.constant 0 : index
    %get3A_258 = arith.constant 0 : index
    %get3A_259 = vector.load %arg5[%get3A_256, %get3A_257, %get3A_258] : memref<3x256x768xf32, #tpu.memory_space<vmem>>, vector<1x256x768xf32>
    %get3A_260 = vector.shape_cast %get3A_259 : vector<1x256x768xf32> to vector<256x768xf32>
    %dot_general3A_261 = arith.constant dense<0.000000e+00> : vector<256x700xf32>
    %dot_general3A_262 = tpu.matmul %get3A_260, %concatenate3A_250, %dot_general3A_261 {dimension_numbers = #tpu.dot_dimension_numbers<[1], [0], [0], [1], [0, 0, 1, 1], [], []>, transpose_lhs_hint = false} : vector<256x768xf32>, vector<768x700xf32>, vector<256x700xf32> -> vector<256x700xf32>
    %add3A_263 = arith.addf %broadcast_in_dim3A_235, %dot_general3A_262 : vector<256x700xf32>
    %dot_general3A_264 = arith.constant dense<0.000000e+00> : vector<256x700xf32>
    %dot_general3A_265 = tpu.matmul %get3A_260, %concatenate3A_255, %dot_general3A_264 {dimension_numbers = #tpu.dot_dimension_numbers<[1], [0], [0], [1], [0, 0, 1, 1], [], []>, transpose_lhs_hint = false} : vector<256x768xf32>, vector<768x700xf32>, vector<256x700xf32> -> vector<256x700xf32>
    %add3A_266 = arith.addf %broadcast_in_dim3A_235, %dot_general3A_265 : vector<256x700xf32>
    %get3A_267 = arith.constant 0 : index
    %get3A_268 = arith.constant 1 : index
    %get3A_269 = arith.constant 0 : index
    %get3A_270 = vector.load %arg10[%get3A_267, %get3A_268, %get3A_269] : memref<256x2x700xf32, #tpu.memory_space<vmem>>, vector<256x1x700xf32>
    %get3A_271 = vector.shape_cast %get3A_270 : vector<256x1x700xf32> to vector<256x700xf32>
    %get3A_272 = arith.constant 0 : index
    %get3A_273 = arith.constant 1 : index
    %get3A_274 = arith.constant 0 : index
    %get3A_275 = vector.load %arg11[%get3A_272, %get3A_273, %get3A_274] : memref<256x2x700xf32, #tpu.memory_space<vmem>>, vector<256x1x700xf32>
    %get3A_276 = vector.shape_cast %get3A_275 : vector<256x1x700xf32> to vector<256x700xf32>
    %broadcast_in_dim3A_277 = arith.constant 0.000000e+00 : f32
    %broadcast_in_dim3A_278 = vector.broadcast %broadcast_in_dim3A_277 : f32 to vector<256x1xf32>
    %slice3A_279 = vector.extract_strided_slice %get3A_276 {offsets = [0, 0], sizes = [256, 699], strides = [1, 1]} : vector<256x700xf32> to vector<256x699xf32>
    %concatenate3A_280 = tpu.concatenate %broadcast_in_dim3A_278, %slice3A_279 in 1 : vector<256x1xf32>, vector<256x699xf32> -> vector<256x700xf32>
    %concatenate3A_281 = tpu.concatenate %concatenate3A_280, %get3A_271, %get3A_276 in 0 : vector<256x700xf32>, vector<256x700xf32>, vector<256x700xf32> -> vector<768x700xf32>
    %slice3A_282 = vector.extract_strided_slice %get3A_271 {offsets = [0, 1], sizes = [256, 699], strides = [1, 1]} : vector<256x700xf32> to vector<256x699xf32>
    %broadcast_in_dim3A_283 = arith.constant 0.000000e+00 : f32
    %broadcast_in_dim3A_284 = vector.broadcast %broadcast_in_dim3A_283 : f32 to vector<256x1xf32>
    %concatenate3A_285 = tpu.concatenate %slice3A_282, %broadcast_in_dim3A_284 in 1 : vector<256x699xf32>, vector<256x1xf32> -> vector<256x700xf32>
    %concatenate3A_286 = tpu.concatenate %get3A_271, %get3A_276, %concatenate3A_285 in 0 : vector<256x700xf32>, vector<256x700xf32>, vector<256x700xf32> -> vector<768x700xf32>
    %get3A_287 = arith.constant 1 : index
    %get3A_288 = arith.constant 0 : index
    %get3A_289 = arith.constant 0 : index
    %get3A_290 = vector.load %arg5[%get3A_287, %get3A_288, %get3A_289] : memref<3x256x768xf32, #tpu.memory_space<vmem>>, vector<1x256x768xf32>
    %get3A_291 = vector.shape_cast %get3A_290 : vector<1x256x768xf32> to vector<256x768xf32>
    %dot_general3A_292 = arith.constant dense<0.000000e+00> : vector<256x700xf32>
    %dot_general3A_293 = tpu.matmul %get3A_291, %concatenate3A_281, %dot_general3A_292 {dimension_numbers = #tpu.dot_dimension_numbers<[1], [0], [0], [1], [0, 0, 1, 1], [], []>, transpose_lhs_hint = false} : vector<256x768xf32>, vector<768x700xf32>, vector<256x700xf32> -> vector<256x700xf32>
    %add3A_294 = arith.addf %add3A_263, %dot_general3A_293 : vector<256x700xf32>
    %dot_general3A_295 = arith.constant dense<0.000000e+00> : vector<256x700xf32>
    %dot_general3A_296 = tpu.matmul %get3A_291, %concatenate3A_286, %dot_general3A_295 {dimension_numbers = #tpu.dot_dimension_numbers<[1], [0], [0], [1], [0, 0, 1, 1], [], []>, transpose_lhs_hint = false} : vector<256x768xf32>, vector<768x700xf32>, vector<256x700xf32> -> vector<256x700xf32>
    %add3A_297 = arith.addf %add3A_266, %dot_general3A_296 : vector<256x700xf32>
    %get3A_298 = arith.constant 0 : index
    %get3A_299 = arith.constant 0 : index
    %get3A_300 = vector.load %arg7[%get3A_298, %get3A_299] : memref<256x128xf32, #tpu.memory_space<vmem>>, vector<256x128xf32>
    %get3A_301 = arith.constant 0 : index
    %get3A_302 = arith.constant 0 : index
    %get3A_303 = vector.load %arg8[%get3A_301, %get3A_302] : memref<256x1xf32, #tpu.memory_space<vmem>>, vector<256x1xf32>
    %get3A_304 = arith.constant 0 : index
    %get3A_305 = arith.constant 0 : index
    %get3A_306 = arith.constant 0 : index
    %get3A_307 = arith.constant 0 : index
    %get3A_308 = vector.load %arg1[%get3A_304, %get3A_305, %get3A_306, %get3A_307] : memref<1x128x2x700xf32, #tpu.memory_space<vmem>>, vector<1x128x1x700xf32>
    %get3A_309 = vector.shape_cast %get3A_308 : vector<1x128x1x700xf32> to vector<128x700xf32>
    %dot_general3A_310 = arith.constant dense<0.000000e+00> : vector<256x700xf32>
    %dot_general3A_311 = tpu.matmul %get3A_300, %get3A_309, %dot_general3A_310 {dimension_numbers = #tpu.dot_dimension_numbers<[1], [0], [0], [1], [0, 0, 1, 1], [], []>, transpose_lhs_hint = false} : vector<256x128xf32>, vector<128x700xf32>, vector<256x700xf32> -> vector<256x700xf32>
    %add3A_312 = arith.addf %add3A_230, %dot_general3A_311 : vector<256x700xf32>
    %add3A_313 = vector.broadcast %get3A_303 : vector<256x1xf32> to vector<256x700xf32>
    %add3A_314 = arith.addf %add3A_312, %add3A_313 : vector<256x700xf32>
    %max3A_315 = arith.constant 0.000000e+00 : f32
    %max3A_316 = vector.broadcast %max3A_315 : f32 to vector<256x700xf32>
    %max3A_317 = arith.maximumf %add3A_314, %max3A_316 : vector<256x700xf32>
    %get3A_318 = arith.constant 0 : index
    %get3A_319 = arith.constant 0 : index
    %get3A_320 = arith.constant 0 : index
    %get3A_321 = arith.constant 0 : index
    %get3A_322 = vector.load %arg2[%get3A_318, %get3A_319, %get3A_320, %get3A_321] : memref<1x128x2x700xf32, #tpu.memory_space<vmem>>, vector<1x128x1x700xf32>
    %get3A_323 = vector.shape_cast %get3A_322 : vector<1x128x1x700xf32> to vector<128x700xf32>
    %dot_general3A_324 = arith.constant dense<0.000000e+00> : vector<256x700xf32>
    %dot_general3A_325 = tpu.matmul %get3A_300, %get3A_323, %dot_general3A_324 {dimension_numbers = #tpu.dot_dimension_numbers<[1], [0], [0], [1], [0, 0, 1, 1], [], []>, transpose_lhs_hint = false} : vector<256x128xf32>, vector<128x700xf32>, vector<256x700xf32> -> vector<256x700xf32>
    %add3A_326 = arith.addf %add3A_233, %dot_general3A_325 : vector<256x700xf32>
    %add3A_327 = vector.broadcast %get3A_303 : vector<256x1xf32> to vector<256x700xf32>
    %add3A_328 = arith.addf %add3A_326, %add3A_327 : vector<256x700xf32>
    %max3A_329 = arith.constant 0.000000e+00 : f32
    %max3A_330 = vector.broadcast %max3A_329 : f32 to vector<256x700xf32>
    %max3A_331 = arith.maximumf %add3A_328, %max3A_330 : vector<256x700xf32>
    %max3A_332 = arith.maximumf %max3A_317, %max3A_331 : vector<256x700xf32>
    %get3A_333 = arith.constant 0 : index
    %get3A_334 = arith.constant 0 : index
    %get3A_335 = arith.constant 1 : index
    %get3A_336 = arith.constant 0 : index
    %get3A_337 = vector.load %arg1[%get3A_333, %get3A_334, %get3A_335, %get3A_336] : memref<1x128x2x700xf32, #tpu.memory_space<vmem>>, vector<1x128x1x700xf32>
    %get3A_338 = vector.shape_cast %get3A_337 : vector<1x128x1x700xf32> to vector<128x700xf32>
    %dot_general3A_339 = arith.constant dense<0.000000e+00> : vector<256x700xf32>
    %dot_general3A_340 = tpu.matmul %get3A_300, %get3A_338, %dot_general3A_339 {dimension_numbers = #tpu.dot_dimension_numbers<[1], [0], [0], [1], [0, 0, 1, 1], [], []>, transpose_lhs_hint = false} : vector<256x128xf32>, vector<128x700xf32>, vector<256x700xf32> -> vector<256x700xf32>
    %add3A_341 = arith.addf %add3A_294, %dot_general3A_340 : vector<256x700xf32>
    %add3A_342 = vector.broadcast %get3A_303 : vector<256x1xf32> to vector<256x700xf32>
    %add3A_343 = arith.addf %add3A_341, %add3A_342 : vector<256x700xf32>
    %max3A_344 = arith.constant 0.000000e+00 : f32
    %max3A_345 = vector.broadcast %max3A_344 : f32 to vector<256x700xf32>
    %max3A_346 = arith.maximumf %add3A_343, %max3A_345 : vector<256x700xf32>
    %get3A_347 = arith.constant 0 : index
    %get3A_348 = arith.constant 0 : index
    %get3A_349 = arith.constant 1 : index
    %get3A_350 = arith.constant 0 : index
    %get3A_351 = vector.load %arg2[%get3A_347, %get3A_348, %get3A_349, %get3A_350] : memref<1x128x2x700xf32, #tpu.memory_space<vmem>>, vector<1x128x1x700xf32>
    %get3A_352 = vector.shape_cast %get3A_351 : vector<1x128x1x700xf32> to vector<128x700xf32>
    %dot_general3A_353 = arith.constant dense<0.000000e+00> : vector<256x700xf32>
    %dot_general3A_354 = tpu.matmul %get3A_300, %get3A_352, %dot_general3A_353 {dimension_numbers = #tpu.dot_dimension_numbers<[1], [0], [0], [1], [0, 0, 1, 1], [], []>, transpose_lhs_hint = false} : vector<256x128xf32>, vector<128x700xf32>, vector<256x700xf32> -> vector<256x700xf32>
    %add3A_355 = arith.addf %add3A_297, %dot_general3A_354 : vector<256x700xf32>
    %add3A_356 = vector.broadcast %get3A_303 : vector<256x1xf32> to vector<256x700xf32>
    %add3A_357 = arith.addf %add3A_355, %add3A_356 : vector<256x700xf32>
    %max3A_358 = arith.constant 0.000000e+00 : f32
    %max3A_359 = vector.broadcast %max3A_358 : f32 to vector<256x700xf32>
    %max3A_360 = arith.maximumf %add3A_357, %max3A_359 : vector<256x700xf32>
    %max3A_361 = arith.maximumf %max3A_346, %max3A_360 : vector<256x700xf32>
    %max3A_362 = arith.maximumf %max3A_332, %max3A_361 : vector<256x700xf32>
    %swap3A_363 = arith.constant 0 : index
    %swap3A_364 = arith.constant 0 : index
    %swap3A_365 = arith.constant 0 : index
    %swap3A_366 = arith.constant 0 : index
    %swap3A_367 = vector.load %arg9[%swap3A_363, %swap3A_364, %swap3A_365, %swap3A_366] : memref<1x256x1x700xf32, #tpu.memory_space<vmem>>, vector<1x256x1x700xf32>
    %swap3A_368 = vector.shape_cast %swap3A_367 : vector<1x256x1x700xf32> to vector<256x700xf32>
    %swap3A_369 = vector.shape_cast %max3A_362 : vector<256x700xf32> to vector<1x256x1x700xf32>
    tpu.vector_store %arg9[%swap3A_363, %swap3A_364, %swap3A_365, %swap3A_366], %swap3A_369 {strides = array<i32>} : memref<1x256x1x700xf32, #tpu.memory_space<vmem>>, vector<1x256x1x700xf32>,
    return
  }
  func.func @transform_0(%arg0: i32) -> (i32, i32, i32, i32) {
    %c0_i32 = arith.constant 0 : i32
    %c0_i32_0 = arith.constant 0 : i32
    %c0_i32_1 = arith.constant 0 : i32
    %c0_i32_2 = arith.constant 0 : i32
    return %arg0, %c0_i32, %c0_i32_0, %c0_i32_1 : i32, i32, i32, i32
  }
  func.func @transform_1(%arg0: i32) -> (i32, i32, i32, i32) {
    %c0_i32 = arith.constant 0 : i32
    %c0_i32_0 = arith.constant 0 : i32
    %c0_i32_1 = arith.constant 0 : i32
    %c0_i32_2 = arith.constant 0 : i32
    return %arg0, %c0_i32, %c0_i32_0, %c0_i32_1 : i32, i32, i32, i32
  }
  func.func @transform_2(%arg0: i32) -> (i32, i32, i32) {
    %c0_i32 = arith.constant 0 : i32
    %c0_i32_0 = arith.constant 0 : i32
    %c0_i32_1 = arith.constant 0 : i32
    %c0_i32_2 = arith.constant 0 : i32
    return %c0_i32, %c0_i32_0, %c0_i32_1 : i32, i32, i32
  }
  func.func @transform_3(%arg0: i32) -> (i32, i32) {
    %c0_i32 = arith.constant 0 : i32
    %c0_i32_0 = arith.constant 0 : i32
    %c0_i32_1 = arith.constant 0 : i32
    return %c0_i32, %c0_i32_0 : i32, i32
  }
  func.func @transform_4(%arg0: i32) -> (i32, i32, i32) {
    %c0_i32 = arith.constant 0 : i32
    %c0_i32_0 = arith.constant 0 : i32
    %c0_i32_1 = arith.constant 0 : i32
    %c0_i32_2 = arith.constant 0 : i32
    return %c0_i32, %c0_i32_0, %c0_i32_1 : i32, i32, i32
  }
  func.func @transform_5(%arg0: i32) -> (i32, i32) {
    %c0_i32 = arith.constant 0 : i32
    %c0_i32_0 = arith.constant 0 : i32
    %c0_i32_1 = arith.constant 0 : i32
    return %c0_i32, %c0_i32_0 : i32, i32
  }
  func.func @transform_6(%arg0: i32) -> (i32, i32) {
    %c0_i32 = arith.constant 0 : i32
    %c0_i32_0 = arith.constant 0 : i32
    %c0_i32_1 = arith.constant 0 : i32
    return %c0_i32, %c0_i32_0 : i32, i32
  }
  func.func @transform_7(%arg0: i32) -> (i32, i32) {
    %c0_i32 = arith.constant 0 : i32
    %c0_i32_0 = arith.constant 0 : i32
    %c0_i32_1 = arith.constant 0 : i32
    return %c0_i32, %c0_i32_0 : i32, i32
  }
  func.func @transform_8(%arg0: i32) -> (i32, i32, i32, i32) {
    %c0_i32 = arith.constant 0 : i32
    %c0_i32_0 = arith.constant 0 : i32
    %c0_i32_1 = arith.constant 0 : i32
    %c0_i32_2 = arith.constant 0 : i32
    return %arg0, %c0_i32, %c0_i32_0, %c0_i32_1 : i32, i32, i32, i32
  }
}

</mosaic_0001>

<sc_bundles>
// kernel: kernel.6.cloned.1.call-start
scs
__scs_entry_jumppad:
0x0: {  	(pc) =	sbr.rel $0x88, $3  }
0x1: {  	(tag) =	ssettag $0x0;
	lr =	simm.s32 $0x1  }
0x2: {  	[smem:$0x3F7C] =	sst lr;
	_ =	strace $0xD0000000  }
0x3: {  	_ = 	snop  }
0x4: {  	_ = 	snop  }
0x5: {  	_ = 	snop  }
0x6: {  	_ = 	snop  }
0x7: {  	_ = 	snop  }
__scs_overlays_trampoline_lowered:
0x8: {  	[smem:$0x3F8B] =	sst s0  }
0x9: {  	[smem:$0x3F8C] =	sst s1  }
0xa: {  	[smem:$0x3F8D] =	sst s2  }
0xb: {  	[smem:$0x3F8E] =	sst s3  }
0xc: {  	[smem:$0x3F8F] =	sst s4  }
0xd: {  	[smem:$0x3F90] =	sst s5  }
0xe: {  	[smem:$0x3F91] =	sst s6  }
0xf: {  	[smem:$0x3F92] =	sst s7  }
0x10: {  	[smem:$0x3F93] =	sst s8  }
0x11: {  	[smem:$0x3F94] =	sst s9;
	s0 =	simm.s32 @!p0 $0x0  }
0x12: {  	s1 =	sld [smem:$0x3F7A];
	s0 =	simm.s32 @p0 $0x1  }
0x13: {  	[smem:$0x3F95] =	sst s0;
	s0 =	simm.s32 @!p1 $0x0  }
0x14: {  	s2 =	sld [smem:$0x3F79];
	s0 =	simm.s32 @p1 $0x1  }
0x15: {  	[smem:$0x3F96] =	sst s0;
	s0 =	simm.s32 @!p2 $0x0  }
0x16: {  	s3 =	sld [smem:$0x3FDB];
	s0 =	simm.s32 @p2 $0x1  }
0x17: {  	s4 =	simm.s32 $0x1BF5;
	[smem:$0x3F98] =	sst s0  }
0x18: {  	s0 =	sld [smem:$0x3F7B];
	_ =	swait.ge [sflag:s4], $0x0  }
0x19: {  	s7 =	sld [smem:$0x3F7C]  }
0x1a: {  	s8 =	sadd.s32 $0xFFFFE003, lr  }
0x1b: {  	s9 =	sadd.s32 $0xFFFFFEF7, lr;
	s5 =	simm.s32 $0xFFFFFFFF;
	p2 =	slt.u32 s8, $0xFFFFF086  }
0x1c: {  	p1 =	slt.u32 s9, $0xF7A;
	s5 =	simm.s32 @!p2 $0x0  }
0x1d: {  	s5 =	simm.s32 @p1 $0x1;
	p0 =	seq.s32 s7, s2  }
0x1e: {  	s7 =	smul.u32 @!p0 $0xF7A, s2;
	p2 =	seq.s32 @!p0 s5, $0x0  }
0x1f: {  	s9 =	smul.u32 $0xF7A, s1;
	s8 =	simm.s32 @!p0 $0x1BF5;
	p2 =	por !p2, p0  }
0x20: {  	[sflag:s8] =	ssyncset.s32 @!p0 $0xFFFFF086;
	s6 =	sadd.s32 @!p0 s3, s7;
	s7 =	simm.s32 @!p0 $0x108  }
0x21: {  	s3 =	sadd.s32 s3, s9;
	s6 =	sadd.s32 @!p0 $0x88, s6;
	s7 =	simm.s32 @p2 $0x1082  }
0x22: {  	[simem:s7], [sflag:s8] =	dma.local @!p0 [hbm:s6], $0xF7A  }
0x23: {  	s9 =	sor.u32 $0xD0000000, s2;
	s6 =	simm.s32 $0x108;
	_ =	swait.ge @!p0 [sflag:s8], $0x0  }
0x24: {  	s3 =	sadd.s32 $0x88, s3;
	s6 =	simm.s32 @!p1 $0x1082;
	[sflag:s4] =	ssyncset.s32 $0xFFFFF086  }
0x25: {  	[simem:s6], [sflag:s4] =	dma.local [hbm:s3], $0xF7A  }
0x26: {  	[smem:$0x3F7C] =	sst s1;
	(tag) =	ssettag s2;
	_ =	strace s9  }
0x27: {  	s1 =	sld [smem:$0x3F8C]  }
0x28: {  	s2 =	sld [smem:$0x3F8D]  }
0x29: {  	s4 =	sld [smem:$0x3F8F]  }
0x2a: {  	p0 =	seq.s32 s5, $0x0;
	s5 =	sld [smem:$0x3F90]  }
0x2b: {  	s6 =	sld [smem:$0x3F91]  }
0x2c: {  	s7 =	sld [smem:$0x3F92]  }
0x2d: {  	s3 =	simm.s32 $0x108;
	s8 =	sld [smem:$0x3F93]  }
0x2e: {  	s3 =	simm.s32 @!p0 $0x1082;
	s9 =	sld [smem:$0x3F94]  }
0x2f: {  	lr =	sadd.s32 s0, s3;
	s0 =	sld [smem:$0x3F8B]  }
0x30: {  	s3 =	sld [smem:$0x3F8E]  }
0x31: {  	[smem:$0x3F97] =	sst s10  }
0x32: {  	s10 =	sld [smem:$0x3F95];
	_ =	sdelay $0x3  }
0x33: {  	p0 =	seq.s32 s10, $0x1;
	s10 =	sld [smem:$0x3F97];
	_ =	sdelay $0x3  }
0x34: {  	[smem:$0x3F97] =	sst s10  }
0x35: {  	s10 =	sld [smem:$0x3F96];
	_ =	sdelay $0x3  }
0x36: {  	p1 =	seq.s32 s10, $0x1;
	s10 =	sld [smem:$0x3F97];
	_ =	sdelay $0x3  }
0x37: {  	[smem:$0x3F97] =	sst s10  }
0x38: {  	s10 =	sld [smem:$0x3F98]  }
0x39: {  	_ = 	snop;
	(pc) =	sbr.ind lr, $3  }
0x3a: {  	_ = 	snop  }
0x3b: {  	_ = 	snop  }
0x3c: {  	p2 =	seq.s32 s10, $0x1;
	s10 =	sld [smem:$0x3F97]  }
0x3d: {  	_ =	shalt  }
0x3e: {  	_ =	shalt  }
0x3f: {  	_ =	shalt  }
0x40: {  	_ =	shalt  }
0x41: {  	_ =	shalt  }
0x42: {  	_ =	shalt  }
0x43: {  	_ =	shalt  }
0x44: {  	_ =	shalt  }
0x45: {  	_ =	shalt  }
0x46: {  	_ =	shalt  }
0x47: {  	_ =	shalt  }
0x48: {  	_ =	shalt  }
0x49: {  	_ =	shalt  }
0x4a: {  	_ =	shalt  }
0x4b: {  	_ =	shalt  }
0x4c: {  	_ =	shalt  }
0x4d: {  	_ =	shalt  }
0x4e: {  	_ =	shalt  }
0x4f: {  	_ =	shalt  }
0x50: {  	_ =	shalt  }
0x51: {  	_ =	shalt  }
0x52: {  	_ =	shalt  }
0x53: {  	_ =	shalt  }
0x54: {  	_ =	shalt  }
0x55: {  	_ =	shalt  }
0x56: {  	_ =	shalt  }
0x57: {  	_ =	shalt  }
0x58: {  	_ =	shalt  }
0x59: {  	_ =	shalt  }
0x5a: {  	_ =	shalt  }
0x5b: {  	_ =	shalt  }
0x5c: {  	_ =	shalt  }
0x5d: {  	_ =	shalt  }
0x5e: {  	_ =	shalt  }
0x5f: {  	_ =	shalt  }
0x60: {  	_ =	shalt  }
0x61: {  	_ =	shalt  }
0x62: {  	_ =	shalt  }
0x63: {  	_ =	shalt  }
0x64: {  	_ =	shalt  }
0x65: {  	_ =	shalt  }
0x66: {  	_ =	shalt  }
0x67: {  	_ =	shalt  }
0x68: {  	_ =	shalt  }
0x69: {  	_ =	shalt  }
0x6a: {  	_ =	shalt  }
0x6b: {  	_ =	shalt  }
0x6c: {  	_ =	shalt  }
0x6d: {  	_ =	shalt  }
0x6e: {  	_ =	shalt  }
0x6f: {  	_ =	shalt  }
0x70: {  	_ =	shalt  }
0x71: {  	_ =	shalt  }
0x72: {  	_ =	shalt  }
0x73: {  	_ =	shalt  }
0x74: {  	_ =	shalt  }
0x75: {  	_ =	shalt  }
0x76: {  	_ =	shalt  }
0x77: {  	_ =	shalt  }
0x78: {  	_ =	shalt  }
0x79: {  	_ =	shalt  }
0x7a: {  	_ =	shalt  }
0x7b: {  	_ =	shalt  }
0x7c: {  	_ =	shalt  }
0x7d: {  	_ =	shalt  }
0x7e: {  	_ =	shalt  }
0x7f: {  	_ =	shalt  }
0x80: {  	_ =	shalt  }
0x81: {  	_ =	shalt  }
0x82: {  	_ =	shalt  }
0x83: {  	_ =	shalt  }
0x84: {  	_ =	shalt  }
0x85: {  	_ =	shalt  }
0x86: {  	_ =	shalt  }
0x87: {  	_ =	shalt  }
.Lfunc_end0:
.L_simem_size_0:
called_computation_lowered:
.L_overlay_start_0:
0x88: {  	s2 =	sld [smem:$0x3FD9]  }
0x89: {  	s3 =	sld [smem:$0x3FFE];
	_ =	sdelay $0x1  }
0x8a: {  	s1 =	srdreg.scid  }
0x8b: {  	s0 =	sand.u32 $0x1, s1  }
0x8c: {  	s17 =	sshll.u32 s0, $0xA;
	s2 =	sadd.s32 s3, s2  }
0x8d: {  	s2 =	sadd.s32 s2, s17  }
0x8e: {  	[smem:$0x3FA3] =	sst s2  }
0x8f: {  	_ = 	snop  }
0x90: {  	s2 =	sld [smem:$0x3FD0];
	(tm) =	ssettm $0x1  }
0x91: {  	s18 =	sld [smem:$0x3FFB];
	_ =	sdelay $0x3  }
0x92: {  	_ =	strace s18  }
0x93: {  	s3 =	sld [smem:$0x3FFC];
	_ =	sdelay $0x3  }
0x94: {  	_ =	strace s3  }
0x95: {  	s3 =	sld [smem:$0x3FFD];
	_ =	sdelay $0x3  }
0x96: {  	_ =	strace s3  }
0x97: {  	_ =	strace $0x8FFFFFFF  }
0x98: {  	s19 =	sld [smem:$0x3FDB];
	_ =	sdelay $0x1  }
0x99: {  	s4 =	simm.s32 $_scs_section_size  }
0x9a: {  	s5 =	simm.s32 $_size__tile_overlayer_lowered;
	s6 =	simm.s32 $_tile_overlayer_lowered  }
0x9b: {  	s22 =	simm.s32 $0x1BFF;
	s21 =	sshll.u32 s6, $0x1;
	s3 =	sadd.s32 s4, s19  }
0x9c: {  	s7 =	simm.s32 $0x0;
	s20 =	sshll.u32 s5, $0x1;
	s5 =	sadd.s32 s21, s3  }
0x9d: {  	[timem:s7], [sflag:s22] =	dma.local [hbm:s5], s20  }
0x9e: {  	_ =	swait.ge [sflag:s22], s20  }
0x9f: {  	s4 =	ssub.s32 $0x0, s20;
	[sflag:s22] =	ssyncset.done $0x0  }
0xa0: {  	[sflag:s22] =	ssyncadd.s32 s4;
	_ =	sdelay $0x1  }
0xa1: {  	s23 =	simm.s32 $0x1B8B  }
0xa2: {  	_ =	swait.ge [sflag:s23], $0x1  }
0xa3: {  	[sflag:s23] =	ssyncset.done $0x0  }
0xa4: {  	s25 =	simm.s32 $0x1B8E;
	s24 =	sld [smem:$0x3FFE];
	[sflag:s23] =	ssyncadd.s32 $0xFFFFFFFF  }
0xa5: {  	s26 =	simm.s32 $execute0_lowered;
	[smem:$0x3FD2] =	sst s25  }
0xa6: {  	s5 =	sshll.u32 s26, $0x1;
	_ =	strace $0x80000046;
	[dreg:$0x1] =	wrdreg $0xFFFFFFFF  }
0xa7: {  	s28 =	simm.s32 $_size_execute0_lowered;
	s3 =	sadd.s32 s3, s5;
	[dreg:$0x0] =	wrdreg $0x0  }
0xa8: {  	s5 =	sshll.u32 s28, $0x1;
	[dreg:$0x2] =	wrdreg s3  }
0xa9: {  	[dreg:$0x3] =	wrdreg s5  }
0xaa: {  	[dreg:$0x4] =	wrdreg $0xC0  }
0xab: {  	_ =	task [dreg:s7], $0x5FFFF  }
0xac: {  	[dreg:$0x1] =	wrdreg $0xFFFFFFFF  }
0xad: {  	[dreg:$0x0] =	wrdreg $0x60  }
0xae: {  	[dreg:$0x2] =	wrdreg s24  }
0xaf: {  	[dreg:$0x3] =	wrdreg s2  }
0xb0: {  	[dreg:$0x4] =	wrdreg $0x19B800  }
0xb1: {  	[dreg:$0x5] =	wrdreg $0x9  }
0xb2: {  	_ =	task.clear_ibuf [dreg:s7], $0x6FFFF;
	_ =	strace $0x90000046  }
0xb3: {  	s29 =	simm.s32 $0x9;
	_ =	strace $0x80000048  }
0xb4: {  	_ =	swait.ge [sflag:s29], $0x1  }
0xb5: {  	[sflag:s29] =	ssyncadd.s32 $0xFFFFFFFF  }
0xb6: {  	_ =	strace $0x90000048  }
0xb7: {  	_ =	sfence  }
0xb8: {  	s30 =	sld [smem:$0x0];
	_ =	sdelay $0x2  }
0xb9: {  	s31 =	sshll.u32 s1, $0xD;
	s1 =	sshrl.u32 s1, $0x2  }
0xba: {  	s3 =	sand.u32 $0x4000, s31;
	s1 =	sadd.s32 s1, s30  }
0xbb: {  	s0 =	sor.u32 s3, s0;
	s1 =	sshll.u32 s1, $0x11  }
0xbc: {  	s0 =	sor.u32 s1, s0  }
0xbd: {  	s0 =	sadd.s32 $0x8F2B, s0  }
0xbe: {  	[sflag:s0] =	ssyncadd.remote.s32 $0x1  }
0xbf: {  	_ =	sfence.sel $0xFFFF  }
0xc0: {  	[dreg:$0x0] =	wrdreg $0xFFFFFFFF;
	(pc) =	sbr.abs _section_cstart, $3  }
0xc1: {  	[dreg:$0x1] =	wrdreg $0xFFFFFFFF  }
0xc2: {  	_ =	task.clear_ibuf [dreg:s7], $0x2FFFF;
	_ =	strace $0x9FFFFFFF  }
0xc3: {  	(tm) =	ssettm $0x7FFFFFFF  }
tec
execute0_lowered:
.L_overlay_start_1:
0x0: {  	(tag) =	ssettag $0x1  }
0x1: {  	s3 =	rddreg [dreg:$0x0]  }
0x2: {  	s0 =	srdreg.scid;
	s5 =	rddreg [dreg:$0x1]  }
0x3: {  	s10 =	stileid.u32;
	s1 =	rddreg [dreg:$0x2]  }
0x4: {  	s11 =	simm.s32 $0x100;
	s12 =	simm.s32 $0x1;
	s13 =	simm.s32 $0xC000  }
0x5: {  	s14 =	simm.s32 $0x16F80;
	s15 =	simm.s32 $0x17A80;
	s16 =	simm.s32 $0x18570  }
0x6: {  	s17 =	simm.s32 $0x19060;
	s18 =	simm.s32 $0x0;
	s4 =	sand.u32 $0x1, s0  }
0x7: {  	s30 =	sshrl.u32 s10, $0x1;
	s0 =	rddreg [dreg:$0x3];
	s2 =	sshll.u32 s4, $0x3  }
0x8: {  	s7 =	sand.u32 $0x1, s10;
	s8 =	smul.u32 $0x2BC0, s10;
	s6 =	sor.u32 s30, s2  }
0x9: {  	p0 =	sne.s32 s10, $0x0;
	s10 =	simm.s32 $0x80;
	s6 =	smul.u32 $0x6, s6  }
0xa: {  	s31 =	sshll.u32 s4, $0x4;
	s4 =	ssub.s32 $0x2, s4;
	s2 =	simm.s32 $0x0  }
0xb: {  	s9 =	sshrl.u32 s4, $0x1;
	s8 =	sshrl.u32 s8, $0x2;
	s6 =	sor.u32 s7, s6  }
0xc: {  	[smem:$0x7FF] =	sst s2;
	s9 =	ssub.s32 s4, s9;
	s6 =	smul.u32 $0x15E, s6  }
0xd: {  	_ =	strace $0x80000047;
	s9 =	smax.u32 s9, $0x1;
	s7 =	sadd.s32 s31, s3  }
0xe: {  	s3 =	sadd.s32 $0xA800, s3;
	s4 =	sadd.s32 s5, s6;
	s5 =	sadd.s32 $0x7800, s7  }
0xf: {  	v0 =	vimm.s32 $0xFFFFFFFF;
	v1 =	vlaneseq.u32;
	s6 =	sadd.s32 s8, s1;
	s7 =	sadd.s32 $0x2BC, s4;
	s8 =	sadd.s32 $0x578, s4  }
.LBB2_1:
.Ltmp0:
0x10: {  	(pc) =	sbr.rel @p0 .LBB2_5-.Ltmp0, $4  }
0x11: {  	[tilespmem:s2], [sflag:$0x1] =	stream.strided.gather [hbm4b:s5+s10], $0xC000, s11, s10, $0x38;
	[tilespmem:$0x1A670] =	vst v63  }
0x12: {  	_ =	swait.ge [sflag:s12], $0xC000  }
0x13: {  	[sflag:s12] =	ssyncset.done $0x0  }
0x14: {  	[sflag:s12] =	ssyncadd.s32 $0xFFFF4000  }
0x15: {  	s19 =	simm.s32 $0x0  }
0x16: {  	v2 =	vor.u32 s19, v1  }
0x17: {  	v3 =	vmul.u32 $0x3, v2;
	_ =	sdelay $0x1  }
0x18: {  	[tilespmem:s13], [sflag:$0x1] =	stream.linear.gather [hbm4b:s3+s19], $0xAF00, $0x38;
	v4 =	vadd.s32 $0x1, v3;
	[tilespmem:$0x1A670] =	vst v63  }
0x19: {  	_ =	swait.ge [sflag:s12], $0xAF00;
	v5 =	vadd.s32 $0x2, v3  }
0x1a: {  	[sflag:s12] =	ssyncset.done $0x0  }
0x1b: {  	[sflag:s12] =	ssyncadd.s32 $0xFFFF5100  }
0x1c: {  	[tilespmem:$0x16F10] =	vst v0  }
0x1d: {  	v4 =	vld.idx.msk [tilespmem:v4+s2+$0x0], $0xffff  }
0x1e: {  	v5 =	vld.idx.msk [tilespmem:v5+s2+$0x0], $0xffff;
	_ =	sdelay $0x2  }
0x1f: {  	v3 =	vld.idx.msk [tilespmem:v3+s2+$0x0], $0xffff  }
0x20: {  	v4 =	vadd.f32 $4.000000000e+01, v4  }
0x21: {  	v5 =	vadd.f32 $3.000000000e+00, v5  }
0x22: {  	v4 =	vtrunc.f32 v4  }
0x23: {  	v5 =	vadd.f32 v5, v5;
	v4 =	vcvt.f32.s32 v4  }
0x24: {  	v3 =	vtrunc.f32 v3  }
0x25: {  	v3 =	vcvt.f32.s32 v3;
	v5 =	vtrunc.f32 v5;
	vm0 =	vgt.s32 v4, $0x0  }
0x26: {  	v5 =	vcvt.f32.s32 v5;
	v4 =	vnsel vm0, $0x0, v4  }
0x27: {  	vm0 =	vgt.s32 v3, $0x0;
	v4 =	vmin.u32 v4, $0x4F  }
0x28: {  	v3 =	vnsel vm0, $0x0, v3;
	vm0 =	vgt.s32 v5, $0x0;
	v4 =	vmul.u32 $0x46, v4  }
0x29: {  	v3 =	vmin.u32 v3, $0x45;
	v5 =	vnsel vm0, $0x0, v5  }
0x2a: {  	v5 =	vmin.u32 v5, $0x7;
	v3 =	vadd.s32 v3, v4  }
0x2b: {  	v4 =	vmul.u32 $0x15E0, v5;
	v5 =	vand.u32 $0x7, v3  }
0x2c: {  	v3 =	vshrl.u32 v3, $0x3;
	v5 =	vmul.u32 $0x2BC, v5  }
0x2d: {  	v3 =	vadd.s32 v4, v3  }
0x2e: {  	v3 =	vadd.s32 v5, v3  }
0x2f: {  	v3 =	vshll.u32 v3, $0xE  }
0x30: {  	v2 =	vadd.s32 v2, v3  }
0x31: {  	(xrf1) =	vsort.ascd.msk.u32 $0xffff, v2, v2;
	_ =	sdelay $0xd  }
0x32: {  	v7, _, _ =	vpop (xrf1)  }
0x33: {  	v3 =	vshra.s32 v7, $0xE  }
0x34: {  	[tilespmem:$0x16F00] =	vst v3  }
0x35: {  	v5 =	vld [tilespmem:$0x16F01];
	_ =	sdelay $0x2  }
0x36: {  	s31 =	simm.s32 $0x10  }
0x37: {  	v2 =	vor.u32 s31, v1  }
0x38: {  	v4 =	vmul.u32 $0x3, v2;
	vm0 =	vne.s32 v3, v5;
	_ =	sdelay $0x1  }
0x39: {  	v6 =	vadd.s32 $0x1, v4  }
0x3a: {  	v5 =	vadd.s32 $0x2, v4;
	_ =	sdelay $0x1  }
0x3b: {  	s19 =	simm.s32 $0x20;
	v7 =	vand.u32 $0x3FFF, v7  }
.LBB2_3:
0x3c: {  	p1 =	sne.s32 s19, $0x3FF0;
	[tilespmem:v3+s13+$0x0] =	vst.idx.msk vm0, v7;
	s20 =	smov.u32 s19;
	s19 =	sadd.s32 $0x10, s19  }
0x3d: {  	v3 =	vld.idx.msk [tilespmem:v6+s2+$0x0], $0xffff  }
0x3e: {  	v5 =	vld.idx.msk [tilespmem:v5+s2+$0x0], $0xffff;
	_ =	sdelay $0x2  }
0x3f: {  	v4 =	vld.idx.msk [tilespmem:v4+s2+$0x0], $0xffff;
	_ =	sdelay $0x1  }
0x40: {  	v3 =	vadd.f32 $4.000000000e+01, v3  }
0x41: {  	v5 =	vadd.f32 $3.000000000e+00, v5  }
0x42: {  	v3 =	vtrunc.f32 v3  }
0x43: {  	v3 =	vcvt.f32.s32 v3;
	v5 =	vadd.f32 v5, v5  }
0x44: {  	v4 =	vtrunc.f32 v4  }
0x45: {  	v4 =	vcvt.f32.s32 v4;
	vm0 =	vgt.s32 v3, $0x0;
	v5 =	vtrunc.f32 v5  }
0x46: {  	v3 =	vnsel vm0, $0x0, v3;
	v5 =	vcvt.f32.s32 v5  }
0x47: {  	vm0 =	vgt.s32 v4, $0x0;
	v3 =	vmin.u32 v3, $0x4F  }
0x48: {  	v4 =	vnsel vm0, $0x0, v4;
	vm0 =	vgt.s32 v5, $0x0;
	v3 =	vmul.u32 $0x46, v3  }
0x49: {  	v4 =	vmin.u32 v4, $0x45;
	v5 =	vnsel vm0, $0x0, v5  }
0x4a: {  	v5 =	vmin.u32 v5, $0x7;
	v3 =	vadd.s32 v4, v3  }
0x4b: {  	v4 =	vmul.u32 $0x15E0, v5;
	v5 =	vand.u32 $0x7, v3  }
0x4c: {  	v3 =	vshrl.u32 v3, $0x3;
	v5 =	vmul.u32 $0x2BC, v5  }
0x4d: {  	v3 =	vadd.s32 v4, v3  }
0x4e: {  	v3 =	vadd.s32 v5, v3  }
0x4f: {  	v3 =	vshll.u32 v3, $0xE  }
0x50: {  	v2 =	vadd.s32 v2, v3  }
0x51: {  	(xrf1) =	vsort.ascd.msk.u32 $0xffff, v2, v2;
	_ =	sdelay $0xd  }
0x52: {  	v7, _, _ =	vpop (xrf1)  }
0x53: {  	v3 =	vshra.s32 v7, $0xE  }
0x54: {  	[tilespmem:$0x16F00] =	vst v3  }
0x55: {  	v5 =	vld [tilespmem:$0x16F01];
	_ =	sdelay $0x3  }
0x56: {  	v2 =	vor.u32 s20, v1  }
0x57: {  	v4 =	vmul.u32 $0x3, v2;
	vm0 =	vne.s32 v3, v5  }
.Ltmp1:
0x58: {  	(pc) =	sbr.rel @p1 .LBB2_3-.Ltmp1, $2  }
0x59: {  	v6 =	vadd.s32 $0x1, v4;
	v5 =	vadd.s32 $0x2, v4;
	_ =	sdelay $0x2  }
0x5a: {  	v7 =	vand.u32 $0x3FFF, v7  }
0x5b: {  	_ =	sdelay $0x4  }
0x5c: {  	[tilespmem:v3+s13+$0x0] =	vst.idx.msk vm0, v7  }
0x5d: {  	v3 =	vld.idx.msk [tilespmem:v6+s2+$0x0], $0xffff  }
0x5e: {  	v5 =	vld.idx.msk [tilespmem:v5+s2+$0x0], $0xffff;
	_ =	sdelay $0x2  }
0x5f: {  	v4 =	vld.idx.msk [tilespmem:v4+s2+$0x0], $0xffff  }
0x60: {  	v3 =	vadd.f32 $4.000000000e+01, v3  }
0x61: {  	v5 =	vadd.f32 $3.000000000e+00, v5  }
0x62: {  	v3 =	vtrunc.f32 v3  }
0x63: {  	v5 =	vadd.f32 v5, v5;
	v3 =	vcvt.f32.s32 v3  }
0x64: {  	v4 =	vtrunc.f32 v4  }
0x65: {  	v4 =	vcvt.f32.s32 v4;
	v5 =	vtrunc.f32 v5;
	vm12 =	vgt.s32 v3, $0x0  }
0x66: {  	v5 =	vcvt.f32.s32 v5;
	v3 =	vnsel vm12, $0x0, v3  }
0x67: {  	vm13 =	vgt.s32 v4, $0x0;
	v3 =	vmin.u32 v3, $0x4F  }
0x68: {  	v4 =	vnsel vm13, $0x0, v4;
	vm14 =	vgt.s32 v5, $0x0;
	v3 =	vmul.u32 $0x46, v3  }
0x69: {  	v4 =	vmin.u32 v4, $0x45;
	v5 =	vnsel vm14, $0x0, v5  }
0x6a: {  	v5 =	vmin.u32 v5, $0x7;
	v3 =	vadd.s32 v4, v3  }
0x6b: {  	v61 =	vmul.u32 $0x15E0, v5;
	v62 =	vand.u32 $0x7, v3  }
0x6c: {  	v3 =	vshrl.u32 v3, $0x3;
	v5 =	vmul.u32 $0x2BC, v62  }
0x6d: {  	v3 =	vadd.s32 v61, v3  }
0x6e: {  	v3 =	vadd.s32 v5, v3  }
0x6f: {  	v3 =	vshll.u32 v3, $0xE  }
0x70: {  	v2 =	vadd.s32 v2, v3  }
0x71: {  	(xrf1) =	vsort.ascd.msk.u32 $0xffff, v2, v2;
	_ =	sdelay $0xd  }
0x72: {  	v2, _, _ =	vpop (xrf1)  }
0x73: {  	v3 =	vshra.s32 v2, $0xE  }
0x74: {  	[tilespmem:$0x16F00] =	vst v3  }
0x75: {  	v63 =	vld [tilespmem:$0x16F01];
	_ =	sdelay $0x4  }
0x76: {  	vm15 =	vne.s32 v3, v63;
	_ =	sdelay $0x4  }
0x77: {  	v2 =	vand.u32 $0x3FFF, v2  }
0x78: {  	[tilespmem:v3+s13+$0x0] =	vst.idx.msk vm15, v2  }
0x79: {  	[spmem:s1] =	stream.linear.scatter [tilespmem:s13], [sflag:$0x1], $0xAF00, $0x38;
	[tilespmem:$0x1A670] =	vst v63  }
0x7a: {  	_ =	swait.ge [sflag:s12], $0xAF00  }
0x7b: {  	[sflag:s12] =	ssyncset.done $0x0  }
0x7c: {  	[sflag:s12] =	ssyncadd.s32 $0xFFFF5100  }
.LBB2_5:
0x7d: {  	[bflag:$0x0] =	sbarrier.arrive $0xFFFF  }
0x7e: {  	[tilespmem:s14], [sflag:$0x1] =	stream.linear.gather [spmem:s6], $0xAF0, $0x38;
	[tilespmem:$0x1A670] =	vst v63  }
0x7f: {  	_ =	swait.ge [sflag:s12], $0xAF0  }
0x80: {  	[sflag:s12] =	ssyncset.done $0x0  }
0x81: {  	s19 =	simm.s32 $0x0;
	[sflag:s12] =	ssyncadd.s32 $0xFFFFF510  }
0x82: {  	v3 =	vld [tilespmem:s19+$0x16F80];
	_ =	sdelay $0x4  }
0x83: {  	vm0 =	vgt.s32 v3, $0x0  }
0x84: {  	v2 =	vnsel vm0, $0x0, v3  }
0x85: {  	v2 =	vmul.u32 $0x3, v2;
	_ =	sdelay $0x5  }
0x86: {  	v4 =	vld.idx.msk [tilespmem:v2+s2+$0x0], $0xffff;
	_ =	sdelay $0x1  }
0x87: {  	v5 =	vadd.s32 $0x1, v2;
	_ =	sdelay $0x1  }
0x88: {  	vm0 =	vgt.s32 v3, $0xFFFFFFFF  }
0x89: {  	v3 =	vnsel vm0, $0x0, v4  }
0x8a: {  	[tilespmem:s19+$0x17A80] =	vst v3  }
0x8b: {  	v3 =	vld.idx.msk [tilespmem:v5+s2+$0x0], $0xffff  }
0x8c: {  	s20 =	simm.s32 $0x10;
	s21 =	simm.s32 $0x80  }
.LBB2_6:
0x8d: {  	p1 =	sne.s32 s21, $0x2B80;
	v4 =	vld [tilespmem:s20+$0x16F80];
	v2 =	vadd.s32 $0x2, v2;
	_ =	sdelay $0x2  }
0x8e: {  	v3 =	vnsel vm0, $0x0, v3  }
0x8f: {  	[tilespmem:s19+$0x18570] =	vst v3  }
0x90: {  	vm1 =	vgt.s32 v4, $0x0;
	v3 =	vld.idx.msk [tilespmem:v2+s2+$0x0], $0xffff  }
0x91: {  	v2 =	vnsel vm1, $0x0, v4  }
0x92: {  	v2 =	vmul.u32 $0x3, v2;
	_ =	sdelay $0x3  }
0x93: {  	v3 =	vnsel vm0, $0x0, v3  }
0x94: {  	[tilespmem:s19+$0x19060] =	vst v3;
	s19 =	smov.u32 s20  }
0x95: {  	v3 =	vld.idx.msk [tilespmem:v2+s2+$0x0], $0xffff;
	_ =	sdelay $0x2  }
0x96: {  	v5 =	vadd.s32 $0x1, v2;
	_ =	sdelay $0x1  }
0x97: {  	vm0 =	vgt.s32 v4, $0xFFFFFFFF  }
.Ltmp2:
0x98: {  	v3 =	vnsel vm0, $0x0, v3;
	(pc) =	sbr.rel @p1 .LBB2_6-.Ltmp2, $3  }
0x99: {  	[tilespmem:s19+$0x17A80] =	vst v3  }
0x9a: {  	v3 =	vld.idx.msk [tilespmem:v5+s2+$0x0], $0xffff;
	_ =	sdelay $0x1  }
0x9b: {  	s20 =	sshra.s32 s21, $0x2;
	s21 =	sadd.s32 $0x40, s21  }
0x9c: {  	v4 =	vld [tilespmem:s20+$0x16F80]  }
0x9d: {  	v2 =	vadd.s32 $0x2, v2;
	_ =	sdelay $0x2  }
0x9e: {  	v3 =	vnsel vm0, $0x0, v3  }
0x9f: {  	[tilespmem:s19+$0x18570] =	vst v3;
	vm1 =	vgt.s32 v4, $0x0  }
0xa0: {  	v2 =	vld.idx.msk [tilespmem:v2+s2+$0x0], $0xffff;
	v3 =	vnsel vm1, $0x0, v4  }
0xa1: {  	v3 =	vmul.u32 $0x3, v3;
	_ =	sdelay $0x3  }
0xa2: {  	v2 =	vnsel vm0, $0x0, v2  }
0xa3: {  	[tilespmem:s19+$0x19060] =	vst v2  }
0xa4: {  	v2 =	vld.idx.msk [tilespmem:v3+s2+$0x0], $0xffff;
	_ =	sdelay $0x1  }
0xa5: {  	v5 =	vadd.s32 $0x1, v3;
	_ =	sdelay $0x1  }
0xa6: {  	vm15 =	vgt.s32 v4, $0xFFFFFFFF  }
0xa7: {  	v2 =	vnsel vm15, $0x0, v2  }
0xa8: {  	[tilespmem:s20+$0x17A80] =	vst v2  }
0xa9: {  	v2 =	vld.idx.msk [tilespmem:v5+s2+$0x0], $0xffff;
	_ =	sdelay $0x1  }
0xaa: {  	v3 =	vadd.s32 $0x2, v3;
	_ =	sdelay $0x2  }
0xab: {  	v2 =	vnsel vm15, $0x0, v2  }
0xac: {  	[tilespmem:s20+$0x18570] =	vst v2  }
0xad: {  	v2 =	vld.idx.msk [tilespmem:v3+s2+$0x0], $0xffff;
	_ =	sdelay $0x4  }
0xae: {  	v2 =	vnsel vm15, $0x0, v2  }
0xaf: {  	[tilespmem:s20+$0x19060] =	vst v2  }
0xb0: {  	[hbm4b:s4+s2] =	stream.linear.scatter [tilespmem:s15], [sflag:$0x1], $0xAF0, $0x38;
	[tilespmem:$0x1A670] =	vst v63  }
0xb1: {  	_ =	swait.ge [sflag:s12], $0xAF0  }
0xb2: {  	[sflag:s12] =	ssyncset.done $0x0  }
0xb3: {  	[sflag:s12] =	ssyncadd.s32 $0xFFFFF510  }
0xb4: {  	[hbm4b:s7+s2] =	stream.linear.scatter [tilespmem:s16], [sflag:$0x1], $0xAF0, $0x38;
	[tilespmem:$0x1A670] =	vst v63  }
0xb5: {  	s18 =	sadd.s32 $0x1, s18;
	_ =	swait.ge [sflag:s12], $0xAF0  }
0xb6: {  	p1 =	sne.s32 s18, s9;
	[sflag:s12] =	ssyncset.done $0x0  }
.Ltmp3:
0xb7: {  	[sflag:s12] =	ssyncadd.s32 $0xFFFFF510;
	(pc) =	sbr.rel @p1 .LBB2_1-.Ltmp3, $4  }
0xb8: {  	[hbm4b:s8+s2] =	stream.linear.scatter [tilespmem:s17], [sflag:$0x1], $0xAF0, $0x38;
	[tilespmem:$0x1A670] =	vst v63  }
0xb9: {  	_ =	swait.ge [sflag:s12], $0xAF0  }
0xba: {  	[sflag:s12] =	ssyncset.done $0x0  }
0xbb: {  	[sflag:s12] =	ssyncadd.s32 $0xFFFFF510  }
0xbc: {  	_ =	sfence.sel $0x180000  }
0xbd: {  	[bflag:$0x0] =	sbarrier.arrive $0xFFFF  }
0xbe: {  	_ =	strace $0x90000047  }
0xbf: {  	s0 =	sadd.s32 @!p0 $0x100000, s0;
	[bflag:$0x2] =	sbarrier.arrive $0xFFFF  }
0xc0: {  	[sflag:s0] =	ssyncadd.tile.s32 @!p0 $0x1;
	_ =	shalt  }
.Lfunc_end2:
_tile_overlayer_lowered:
.L_overlay_start_2:
0xc1: {  	(tag) =	ssettag $0x2  }
0xc2: {  	s0 =	rddreg [dreg:$0x0];
	s2 =	stileid.u32  }
0xc3: {  	s1 =	rddreg [dreg:$0x1];
	p0 =	sne.s32 s2, $0x0  }
0xc4: {  	s3 =	rddreg [dreg:$0x2];
	[bflag:$0x3] =	sbarrier.arrive $0xFFFF;
	s2 =	simm.s32 @!p0 $0x1C01  }
0xc5: {  	[timem:s3], [sflag:s2] =	dma.local @!p0 [hbm:s0], s1  }
0xc6: {  	s0 =	simm.s32 @!p0 $0x1  }
0xc7: {  	_ =	swait.ge @!p0 [sflag:s0], s1  }
0xc8: {  	s1 =	ssub.s32 @!p0 $0x0, s1;
	[sflag:s0] =	ssyncset.done @!p0 $0x0  }
0xc9: {  	[sflag:s0] =	ssyncadd.s32 @!p0 s1  }
0xca: {  	[bflag:$0x3] =	sbarrier.arrive $0xFFFF  }
0xcb: {  	_ =	shalt  }

</sc_bundles>
